<compile_context>
chip_gen: v7x
topology: tpu7x:2x2x1
jax: 0.10.2.dev20260603
libtpu: 0.0.44.dev20260713+nightly
codegen_flags: <defaults>
</compile_context>

<pallas_src>
import functools

import jax
import jax.numpy as jnp
from jax import lax
from jax.experimental import pallas as pl
from jax.experimental.pallas import tpu as pltpu
from jax.experimental.pallas import tpu_sc as plsc

_SELU_ALPHA = 1.6732632423543772
_SELU_SCALE = 1.0507009873554805
_RING = 4
_STRIPES = 5


def _selu(x):
    return _SELU_SCALE * jnp.where(x > 0, x, _SELU_ALPHA * (jnp.exp(x) - 1.0))


def _precompute_body(hs_ref, hv_ref, wa_ref, wb_ref, wd_ref, we_ref, b1_ref,
                     a_ref, p_ref):
    hs = hs_ref[...]
    hv = hv_ref[...]

    def mm(w1, w2):
        return (jnp.dot(hs, w1[...], preferred_element_type=jnp.float32)
                + jnp.dot(hv, w2[...], preferred_element_type=jnp.float32))

    a_ref[...] = mm(wa_ref, wb_ref) + b1_ref[...]
    p_ref[...] = mm(wd_ref, we_ref)


def _precompute(hs, hv, waT, wbT, wdT, weT, b1, block=1000):
    n, c = hs.shape
    grid = n // block
    row_spec = pl.BlockSpec((block, c), lambda i: (i, 0))
    w_spec = pl.BlockSpec((c, c), lambda i: (0, 0))
    b_spec = pl.BlockSpec((1, c), lambda i: (0, 0))
    return pl.pallas_call(
        _precompute_body,
        grid=(grid,),
        in_specs=[row_spec, row_spec] + [w_spec] * 4 + [b_spec],
        out_specs=[row_spec, row_spec],
        out_shape=[jax.ShapeDtypeStruct((n, c), jnp.float32),
                   jax.ShapeDtypeStruct((n, c), jnp.float32)],
    )(hs, hv, waT, wbT, wdT, weT, b1)


_CPW_FAST = 12
_CPW_SLOW = 4


def _sc_gather(p_rows, idx2d, nchunk):
    lane = idx2d.shape[1]
    w = p_rows.shape[1]
    info = plsc.get_sparse_core_info()
    ns = info.num_subcores
    mesh = plsc.VectorSubcoreMesh(core_axis_name="c", subcore_axis_name="s")
    ring = _RING
    n_fast = ns * _CPW_FAST

    @functools.partial(
        pl.kernel,
        mesh=mesh,
        compiler_params=pltpu.CompilerParams(use_tc_tiling_on_sc=False),
        out_type=jax.ShapeDtypeStruct((nchunk, lane, w), jnp.float32),
        scratch_types=(
            [pltpu.VMEM((_CPW_FAST, lane), jnp.int32)]
            + [pltpu.VMEM((lane, w), jnp.float32) for _ in range(ring)]
            + [pltpu.SemaphoreType.DMA for _ in range(2 * ring)]
        ),
    )
    def gather_kernel(p_hbm, idx_hbm, out_hbm, idx_v, *bufs_sems):
        bufs = bufs_sems[:ring]
        gsems = bufs_sems[ring:2 * ring]
        osems = bufs_sems[2 * ring:]
        cid = lax.axis_index("c")
        sid = lax.axis_index("s")
        fast = cid == 0
        base = jnp.where(fast, sid * _CPW_FAST, n_fast + sid * _CPW_SLOW)
        cpw = jnp.where(fast, _CPW_FAST, _CPW_SLOW)

        @pl.when(cpw > 0)
        def _():
            pltpu.sync_copy(idx_hbm.at[pl.ds(base, _CPW_FAST)], idx_v)
            for b in range(ring):
                pltpu.async_copy(p_hbm.at[idx_v.at[b]], bufs[b], gsems[b])

        def group(j, _):
            i0 = j * ring
            for b in range(ring):
                i = i0 + b
                pltpu.make_async_copy(p_hbm.at[idx_v.at[i]], bufs[b],
                                      gsems[b]).wait()
                pltpu.async_copy(bufs[b], out_hbm.at[base + i], osems[b])
                pltpu.make_async_copy(bufs[b], out_hbm.at[base + i],
                                      osems[b]).wait()

                @pl.when(i + ring < cpw)
                def _():
                    pltpu.async_copy(p_hbm.at[idx_v.at[i + ring]], bufs[b],
                                     gsems[b])

            return 0

        lax.fori_loop(0, cpw // ring, group, 0)

    return gather_kernel(p_rows, idx2d)


def _mlp_body(hv_ref, a_ref, he_ref, g_ref, m_ref, wc_ref, w2_ref, w3_ref,
              b2_ref, b3_ref, out_ref, *, k_nbrs, scale):
    a = a_ref[...]
    wc = wc_ref[...]
    w2 = w2_ref[...]
    w3 = w3_ref[...]
    b2 = b2_ref[...]
    acc = jnp.zeros(out_ref.shape, jnp.float32)
    for k in range(k_nbrs):
        he_k = he_ref[:, k, :]
        g_k = g_ref[:, k, :]
        m_k = m_ref[:, k:k + 1]
        t = a + m_k * (
            jnp.dot(he_k, wc, preferred_element_type=jnp.float32) + g_k)
        h1 = _selu(t)
        h2 = _selu(jnp.dot(h1, w2, preferred_element_type=jnp.float32) + b2)
        acc = acc + jnp.dot(h2, w3, preferred_element_type=jnp.float32)
    dh = (acc + k_nbrs * b3_ref[...]) * (1.0 / scale)
    r = hv_ref[...] + dh
    mu = jnp.mean(r, axis=-1, keepdims=True)
    var = jnp.mean(jnp.square(r - mu), axis=-1, keepdims=True)
    out_ref[...] = (r - mu) * lax.rsqrt(var + 1e-5)


def _mlp(hv, a, he3, g3, mask2, wcT, w2T, w3T, b2, b3, block=400):
    n, c = hv.shape
    k_nbrs = he3.shape[1]
    grid = n // block
    row_spec = pl.BlockSpec((block, c), lambda i: (i, 0))
    he_spec = pl.BlockSpec((block, k_nbrs, c), lambda i: (i, 0, 0))
    mask_spec = pl.BlockSpec((block, k_nbrs), lambda i: (i, 0))
    w_spec = pl.BlockSpec((c, c), lambda i: (0, 0))
    b_spec = pl.BlockSpec((1, c), lambda i: (0, 0))
    return pl.pallas_call(
        functools.partial(_mlp_body, k_nbrs=k_nbrs, scale=30.0),
        grid=(grid,),
        in_specs=[row_spec, row_spec, he_spec, he_spec, mask_spec,
                  w_spec, w_spec, w_spec, b_spec, b_spec],
        out_specs=row_spec,
        out_shape=jax.ShapeDtypeStruct((n, c), jnp.float32),
    )(hv, a, he3, g3, mask2, wcT, w2T, w3T, b2, b3)


def kernel(h_S, h_V, h_E, E_idx, mask_attend, W1, b1, W2, b2, W3, b3):
    b, n, k_nbrs, c = h_E.shape
    hs = h_S.reshape(n, c)
    hv = h_V.reshape(n, c)
    he3 = h_E.reshape(n, k_nbrs, c)
    mask2 = mask_attend.reshape(n, k_nbrs).astype(jnp.float32)

    w1T = W1.T
    waT, wbT, wcT, wdT, weT = [w1T[i * c:(i + 1) * c] for i in range(5)]
    b1r = b1.reshape(1, c)
    b2r = b2.reshape(1, c)
    b3r = b3.reshape(1, c)

    a_rows, p_rows = _precompute(hs, hv, waT, wbT, wdT, weT, b1r)

    lane = 128
    info = plsc.get_sparse_core_info()
    ns_sub = info.num_subcores
    chunks_stripe = ns_sub * (_CPW_FAST + _CPW_SLOW)
    ns = n // _STRIPES
    es = ns * k_nbrs
    eps = chunks_stripe * lane
    assert eps >= es
    pad_rows = _CPW_FAST - _CPW_SLOW
    idx_flat = E_idx.reshape(n * k_nbrs).astype(jnp.int32)

    outs = []
    for s in range(_STRIPES):
        sl = slice(s * ns, (s + 1) * ns)
        idx_s = jnp.pad(idx_flat[s * es:(s + 1) * es],
                        (0, eps - es + pad_rows * lane))
        idx2d = idx_s.reshape(chunks_stripe + pad_rows, lane)
        g = _sc_gather(p_rows, idx2d, chunks_stripe)
        g3 = g.reshape(eps // k_nbrs, k_nbrs, c)
        outs.append(_mlp(hv[sl], a_rows[sl], he3[sl], g3, mask2[sl],
                         wcT, w2T=W2.T, w3T=W3.T, b2=b2r, b3=b3r))
    out = jnp.concatenate(outs, axis=0)
    return out.reshape(b, n, c)

# --- scband reference (transcript-rebuilt; emitter-appended) ---
"""Pipeline reference for scband-fusion-layer-17935783428600 (READ-ONLY COPY).

The authoritative reference and input builder live on the scoring server;
editing this copy changes nothing except your own understanding.
"""

import jax, jax.numpy as jnp
import numpy as np


def gather_nodes(nodes, neighbor_idx):
    # nodes: [B, N, C], neighbor_idx: [B, N, K] -> [B, N, K, C]
    B, N, K = neighbor_idx.shape
    C = nodes.shape[-1]
    flat = neighbor_idx.reshape(B, N * K)[:, :, None]
    gathered = jnp.take_along_axis(nodes, flat, axis=1)
    return gathered.reshape(B, N, K, C)


def layer_norm(x, eps=1e-5):
    mean = jnp.mean(x, axis=-1, keepdims=True)
    var = jnp.var(x, axis=-1, keepdims=True)
    return (x - mean) / jnp.sqrt(var + eps)


def setup_inputs(seed: int = 0) -> dict:
    key = jax.random.key(seed)
    ks = jax.random.split(key, 10)
    B, N, K, C = 1, 10000, 16, 128
    num_hidden = C
    num_in = 4 * C  # h_EV last dim = num_hidden + num_in = 5*C = 640
    h_S = jax.random.normal(ks[0], (B, N, C), dtype=jnp.float32)
    h_V = jax.random.normal(ks[1], (B, N, C), dtype=jnp.float32)
    h_E = jax.random.normal(ks[2], (B, N, K, C), dtype=jnp.float32)
    E_idx = jax.random.randint(ks[3], (B, N, K), 0, N, dtype=jnp.int64 if jax.config.jax_enable_x64 else jnp.int32)
    mask_attend = jnp.ones((B, N, K), dtype=jnp.float32)
    W1 = jax.random.normal(ks[4], (num_hidden, num_hidden + num_in), dtype=jnp.float32) * 0.05
    b1 = jnp.zeros((num_hidden,), dtype=jnp.float32)
    W2 = jax.random.normal(ks[5], (num_hidden, num_hidden), dtype=jnp.float32) * 0.05
    b2 = jnp.zeros((num_hidden,), dtype=jnp.float32)
    W3 = jax.random.normal(ks[6], (num_hidden, num_hidden), dtype=jnp.float32) * 0.05
    b3 = jnp.zeros((num_hidden,), dtype=jnp.float32)
    return {"h_S": h_S, "h_V": h_V, "h_E": h_E, "E_idx": E_idx,
            "mask_attend": mask_attend, "W1": W1, "b1": b1, "W2": W2,
            "b2": b2, "W3": W3, "b3": b3}


def reference(h_S, h_V, h_E, E_idx, mask_attend, W1, b1, W2, b2, W3, b3):
    scale = 30.0
    residual = h_V
    # h_ES = cat_neighbors_nodes(h_S, h_E, E_idx)
    h_ES = jnp.concatenate([h_E, gather_nodes(h_S, E_idx)], axis=-1)
    # h_EXV_out = cat_neighbors_nodes(h_V, h_ES, E_idx)
    h_EXV_out = jnp.concatenate([h_ES, gather_nodes(h_V, E_idx)], axis=-1)
    h_EXV_out = mask_attend[..., None] * h_EXV_out
    K = h_E.shape[-2]
    h_V_expand = jnp.broadcast_to(h_V[:, :, None, :], h_V.shape[:2] + (K, h_V.shape[-1]))
    h_S_expand = jnp.broadcast_to(h_S[:, :, None, :], h_S.shape[:2] + (K, h_S.shape[-1]))
    h_EV = jnp.concatenate([h_S_expand, h_V_expand, h_EXV_out], axis=-1)
    h = jax.nn.selu(h_EV @ W1.T + b1)
    h = jax.nn.selu(h @ W2.T + b2)
    h_message = h @ W3.T + b3
    dh = jnp.sum(h_message, axis=-2) / scale
    h_V_new = residual + dh  # dropout p=0.0 -> identity
    h_V_new = layer_norm(h_V_new)
    return h_V_new

if __name__ == "__main__":
    import jax
    _d = setup_inputs()
    print(jax.jit(kernel)(*tuple(_d.values())))

</pallas_src>

<mosaic_0001>
#map = affine_map<(d0, d1) -> (0, 0)>
#map1 = affine_map<(d0, d1) -> (0, 0, 0)>
module attributes {stable_mosaic.version = 14 : i64} {
  func.func @gather_kernel(%arg0: i32, %arg1: i32, %arg2: memref<10000x128xf32, #tpu.memory_space<hbm>>, %arg3: memref<264x128xi32, #tpu.memory_space<hbm>>, %arg4: memref<256x128x128xf32, #tpu.memory_space<hbm>>, %arg5: memref<12x128xi32, #tpu.memory_space<vmem>>, %arg6: memref<128x128xf32, #tpu.memory_space<vmem>>, %arg7: memref<128x128xf32, #tpu.memory_space<vmem>>, %arg8: memref<128x128xf32, #tpu.memory_space<vmem>>, %arg9: memref<128x128xf32, #tpu.memory_space<vmem>>, %arg10: memref<!tpu.dma_semaphore, #tpu.memory_space<semaphore_mem>>, %arg11: memref<!tpu.dma_semaphore, #tpu.memory_space<semaphore_mem>>, %arg12: memref<!tpu.dma_semaphore, #tpu.memory_space<semaphore_mem>>, %arg13: memref<!tpu.dma_semaphore, #tpu.memory_space<semaphore_mem>>, %arg14: memref<!tpu.dma_semaphore, #tpu.memory_space<semaphore_mem>>, %arg15: memref<!tpu.dma_semaphore, #tpu.memory_space<semaphore_mem>>, %arg16: memref<!tpu.dma_semaphore, #tpu.memory_space<semaphore_mem>>, %arg17: memref<!tpu.dma_semaphore, #tpu.memory_space<semaphore_mem>>) attributes {dimension_semantics = [#tpu.dimension_semantics<core_parallel>, #tpu.dimension_semantics<subcore_parallel>], iteration_bounds = array<i64: 2, 16>, scalar_prefetch = 0 : i64, scratch_operands = 13 : i64, tpu.core_type = #tpu.core_type<sc_vector_subcore>, window_params = [{transform_indices = #map}, {transform_indices = #map}, {transform_indices = #map1}]} {
    %eq3A = arith.constant 0 : i32
    %eq3A_0 = arith.cmpi eq, %arg0, %eq3A : i32
    %mul3A = arith.constant 12 : i32
    %mul3A_1 = arith.muli %arg1, %mul3A : i32
    %mul3A_2 = arith.constant 4 : i32
    %mul3A_3 = arith.muli %arg1, %mul3A_2 : i32
    %add3A = arith.constant 192 : i32
    %add3A_4 = arith.addi %add3A, %mul3A_3 : i32
    %select_n3A = arith.select %eq3A_0, %mul3A_1, %add3A_4 : i32
    %jit3A = arith.constant 12 : i32
    %jit3A_5 = arith.constant 4 : i32
    %select_n3A_6 = arith.select %eq3A_0, %jit3A, %jit3A_5 : i32
    %gt3A = arith.constant 0 : i32
    %gt3A_7 = arith.cmpi sgt, %select_n3A_6, %gt3A : i32
    %convert_element_type3A = arith.extui %gt3A_7 : i1 to i32
    %cond3A = arith.constant 0 : i32
    %cond3A_8 = arith.cmpi ne, %convert_element_type3A, %cond3A : i32
    scf.if %cond3A_8 {
      "tpu.region"() ({
        %run_scoped3A = tpu.sem_alloc : memref<!tpu.dma_semaphore, #tpu.memory_space<semaphore_mem>>
        %dma_start3A_65 = arith.constant 0 : i32
        %dma_start3A_66 = tpu.memref_slice %arg3[%select_n3A, %dma_start3A_65] : memref<264x128xi32, #tpu.memory_space<hbm>> -> memref<12x128xi32, #tpu.memory_space<hbm>>
        %dma_start3A_67 = arith.constant 0 : i32
        %dma_start3A_68 = tpu.memref_slice %arg3[%select_n3A, %dma_start3A_67] : memref<264x128xi32, #tpu.memory_space<hbm>> -> memref<12x128xi32, #tpu.memory_space<hbm>>
        tpu.enqueue_dma source(%dma_start3A_68 : memref<12x128xi32, #tpu.memory_space<hbm>>) target(%arg5 : memref<12x128xi32, #tpu.memory_space<vmem>>) target_semaphore(%run_scoped3A : memref<!tpu.dma_semaphore, #tpu.memory_space<semaphore_mem>>)
        %dma_wait3A = arith.constant 0 : i32
        %dma_wait3A_69 = tpu.memref_slice %arg3[%select_n3A, %dma_wait3A] : memref<264x128xi32, #tpu.memory_space<hbm>> -> memref<12x128xi32, #tpu.memory_space<hbm>>
        %dma_wait3A_70 = arith.constant 0 : i32
        %dma_wait3A_71 = tpu.memref_slice %arg3[%select_n3A, %dma_wait3A_70] : memref<264x128xi32, #tpu.memory_space<hbm>> -> memref<12x128xi32, #tpu.memory_space<hbm>>
        tpu.wait_dma2 semaphore(%run_scoped3A : memref<!tpu.dma_semaphore, #tpu.memory_space<semaphore_mem>>) src(%dma_wait3A_71 : memref<12x128xi32, #tpu.memory_space<hbm>>) dst(%arg5 : memref<12x128xi32, #tpu.memory_space<vmem>>)
        tpu.yield
      }) : () -> ()
      %dma_start3A = arith.constant 0 : i32
      %dma_start3A_38 = arith.constant 0 : i32
      %dma_start3A_39 = tpu.memref_slice %arg5[%dma_start3A, %dma_start3A_38] : memref<12x128xi32, #tpu.memory_space<vmem>> -> memref<1x128xi32, #tpu.memory_space<vmem>>
      %dma_start3A_40 = tpu.memref_squeeze %dma_start3A_39 : memref<1x128xi32, #tpu.memory_space<vmem>> -> memref<128xi32, #tpu.memory_space<vmem>>
      %dma_start3A_41 = arith.constant 0 : i32
      %dma_start3A_42 = arith.constant 0 : i32
      %dma_start3A_43 = tpu.memref_slice %arg2[%dma_start3A_41, %dma_start3A_42] : memref<10000x128xf32, #tpu.memory_space<hbm>> -> memref<10000x128xf32, #tpu.memory_space<hbm>>
      tpu.enqueue_indirect_dma source(%dma_start3A_43 : memref<10000x128xf32, #tpu.memory_space<hbm>>) target(%arg6 : memref<128x128xf32, #tpu.memory_space<vmem>>) offsets(%dma_start3A_40 : memref<128xi32, #tpu.memory_space<vmem>>) semaphore(%arg10 : memref<!tpu.dma_semaphore, #tpu.memory_space<semaphore_mem>>)
      %dma_start3A_44 = arith.constant 1 : i32
      %dma_start3A_45 = arith.constant 0 : i32
      %dma_start3A_46 = tpu.memref_slice %arg5[%dma_start3A_44, %dma_start3A_45] : memref<12x128xi32, #tpu.memory_space<vmem>> -> memref<1x128xi32, #tpu.memory_space<vmem>>
      %dma_start3A_47 = tpu.memref_squeeze %dma_start3A_46 : memref<1x128xi32, #tpu.memory_space<vmem>> -> memref<128xi32, #tpu.memory_space<vmem>>
      %dma_start3A_48 = arith.constant 0 : i32
      %dma_start3A_49 = arith.constant 0 : i32
      %dma_start3A_50 = tpu.memref_slice %arg2[%dma_start3A_48, %dma_start3A_49] : memref<10000x128xf32, #tpu.memory_space<hbm>> -> memref<10000x128xf32, #tpu.memory_space<hbm>>
      tpu.enqueue_indirect_dma source(%dma_start3A_50 : memref<10000x128xf32, #tpu.memory_space<hbm>>) target(%arg7 : memref<128x128xf32, #tpu.memory_space<vmem>>) offsets(%dma_start3A_47 : memref<128xi32, #tpu.memory_space<vmem>>) semaphore(%arg11 : memref<!tpu.dma_semaphore, #tpu.memory_space<semaphore_mem>>)
      %dma_start3A_51 = arith.constant 2 : i32
      %dma_start3A_52 = arith.constant 0 : i32
      %dma_start3A_53 = tpu.memref_slice %arg5[%dma_start3A_51, %dma_start3A_52] : memref<12x128xi32, #tpu.memory_space<vmem>> -> memref<1x128xi32, #tpu.memory_space<vmem>>
      %dma_start3A_54 = tpu.memref_squeeze %dma_start3A_53 : memref<1x128xi32, #tpu.memory_space<vmem>> -> memref<128xi32, #tpu.memory_space<vmem>>
      %dma_start3A_55 = arith.constant 0 : i32
      %dma_start3A_56 = arith.constant 0 : i32
      %dma_start3A_57 = tpu.memref_slice %arg2[%dma_start3A_55, %dma_start3A_56] : memref<10000x128xf32, #tpu.memory_space<hbm>> -> memref<10000x128xf32, #tpu.memory_space<hbm>>
      tpu.enqueue_indirect_dma source(%dma_start3A_57 : memref<10000x128xf32, #tpu.memory_space<hbm>>) target(%arg8 : memref<128x128xf32, #tpu.memory_space<vmem>>) offsets(%dma_start3A_54 : memref<128xi32, #tpu.memory_space<vmem>>) semaphore(%arg12 : memref<!tpu.dma_semaphore, #tpu.memory_space<semaphore_mem>>)
      %dma_start3A_58 = arith.constant 3 : i32
      %dma_start3A_59 = arith.constant 0 : i32
      %dma_start3A_60 = tpu.memref_slice %arg5[%dma_start3A_58, %dma_start3A_59] : memref<12x128xi32, #tpu.memory_space<vmem>> -> memref<1x128xi32, #tpu.memory_space<vmem>>
      %dma_start3A_61 = tpu.memref_squeeze %dma_start3A_60 : memref<1x128xi32, #tpu.memory_space<vmem>> -> memref<128xi32, #tpu.memory_space<vmem>>
      %dma_start3A_62 = arith.constant 0 : i32
      %dma_start3A_63 = arith.constant 0 : i32
      %dma_start3A_64 = tpu.memref_slice %arg2[%dma_start3A_62, %dma_start3A_63] : memref<10000x128xf32, #tpu.memory_space<hbm>> -> memref<10000x128xf32, #tpu.memory_space<hbm>>
      tpu.enqueue_indirect_dma source(%dma_start3A_64 : memref<10000x128xf32, #tpu.memory_space<hbm>>) target(%arg9 : memref<128x128xf32, #tpu.memory_space<vmem>>) offsets(%dma_start3A_61 : memref<128xi32, #tpu.memory_space<vmem>>) semaphore(%arg13 : memref<!tpu.dma_semaphore, #tpu.memory_space<semaphore_mem>>)
    } else {
    }
    %jit3A_9 = arith.constant 4 : i32
    %div3A = arith.divsi %select_n3A_6, %jit3A_9 : i32
    %sign3A = arith.constant 0 : i32
    %sign3A_10 = arith.cmpi sgt, %select_n3A_6, %sign3A : i32
    %sign3A_11 = arith.extui %sign3A_10 : i1 to i32
    %sign3A_12 = arith.constant 0 : i32
    %sign3A_13 = arith.cmpi slt, %select_n3A_6, %sign3A_12 : i32
    %sign3A_14 = arith.extui %sign3A_13 : i1 to i32
    %sign3A_15 = arith.subi %sign3A_11, %sign3A_14 : i32
    %sign3A_16 = arith.constant 0 : i32
    %sign3A_17 = arith.cmpi sgt, %jit3A_9, %sign3A_16 : i32
    %sign3A_18 = arith.extui %sign3A_17 : i1 to i32
    %sign3A_19 = arith.constant 0 : i32
    %sign3A_20 = arith.cmpi slt, %jit3A_9, %sign3A_19 : i32
    %sign3A_21 = arith.extui %sign3A_20 : i1 to i32
    %sign3A_22 = arith.subi %sign3A_18, %sign3A_21 : i32
    %ne3A = arith.cmpi ne, %sign3A_15, %sign3A_22 : i32
    %rem3A = arith.remsi %select_n3A_6, %jit3A_9 : i32
    %ne3A_23 = arith.constant 0 : i32
    %ne3A_24 = arith.cmpi ne, %rem3A, %ne3A_23 : i32
    %and3A = arith.andi %ne3A, %ne3A_24 : i1
    %sub3A = arith.constant 1 : i32
    %sub3A_25 = arith.subi %div3A, %sub3A : i32
    %select_n3A_26 = arith.select %and3A, %sub3A_25, %div3A : i32
    %while3A = arith.constant 0 : i32
    %while3A_27 = arith.constant 0 : i32
    %while3A_28 = arith.subi %select_n3A_26, %while3A : i32
    %while3A_29 = arith.addi %while3A, %while3A_28 : i32
    %while3A_30 = arith.constant 1 : i32
    %while3A_31 = arith.divsi %while3A_28, %while3A_30 : i32
    %while3A_32 = arith.muli %while3A_31, %while3A_30 : i32
    %while3A_33 = arith.addi %while3A, %while3A_32 : i32
    %while3A_34 = arith.constant 1 : i32
    %while3A_35 = scf.for %while3A_38 = %while3A to %while3A_33 step %while3A_34 iter_args(%while3A_39 = %while3A_27) -> (i32)  : i32 {
      %mul3A_40 = arith.constant 4 : i32
      %mul3A_41 = arith.muli %while3A_38, %mul3A_40 : i32
      %add3A_42 = arith.constant 0 : i32
      %add3A_43 = arith.addi %mul3A_41, %add3A_42 : i32
      %dma_wait3A = arith.constant 0 : i32
      %dma_wait3A_44 = tpu.memref_slice %arg5[%add3A_43, %dma_wait3A] : memref<12x128xi32, #tpu.memory_space<vmem>> -> memref<1x128xi32, #tpu.memory_space<vmem>>
      %dma_wait3A_45 = tpu.memref_squeeze %dma_wait3A_44 : memref<1x128xi32, #tpu.memory_space<vmem>> -> memref<128xi32, #tpu.memory_space<vmem>>
      %dma_wait3A_46 = arith.constant 0 : i32
      %dma_wait3A_47 = arith.constant 0 : i32
      %dma_wait3A_48 = tpu.memref_slice %arg2[%dma_wait3A_46, %dma_wait3A_47] : memref<10000x128xf32, #tpu.memory_space<hbm>> -> memref<10000x128xf32, #tpu.memory_space<hbm>>
      tpu.wait_indirect_dma semaphore(%arg10 : memref<!tpu.dma_semaphore, #tpu.memory_space<semaphore_mem>>) src(%dma_wait3A_48 : memref<10000x128xf32, #tpu.memory_space<hbm>>) dst(%arg6 : memref<128x128xf32, #tpu.memory_space<vmem>>)
      %add3A_49 = arith.addi %select_n3A, %add3A_43 : i32
      %dma_start3A = arith.constant 0 : i32
      %dma_start3A_50 = arith.constant 0 : i32
      %dma_start3A_51 = tpu.memref_slice %arg4[%add3A_49, %dma_start3A, %dma_start3A_50] : memref<256x128x128xf32, #tpu.memory_space<hbm>> -> memref<1x128x128xf32, #tpu.memory_space<hbm>>
      %dma_start3A_52 = tpu.memref_squeeze %dma_start3A_51 : memref<1x128x128xf32, #tpu.memory_space<hbm>> -> memref<128x128xf32, #tpu.memory_space<hbm>>
      %dma_start3A_53 = arith.constant 0 : i32
      %dma_start3A_54 = arith.constant 0 : i32
      %dma_start3A_55 = tpu.memref_slice %arg4[%add3A_49, %dma_start3A_53, %dma_start3A_54] : memref<256x128x128xf32, #tpu.memory_space<hbm>> -> memref<1x128x128xf32, #tpu.memory_space<hbm>>
      %dma_start3A_56 = tpu.memref_squeeze %dma_start3A_55 : memref<1x128x128xf32, #tpu.memory_space<hbm>> -> memref<128x128xf32, #tpu.memory_space<hbm>>
      tpu.enqueue_dma source(%arg6 : memref<128x128xf32, #tpu.memory_space<vmem>>) target(%dma_start3A_56 : memref<128x128xf32, #tpu.memory_space<hbm>>) target_semaphore(%arg14 : memref<!tpu.dma_semaphore, #tpu.memory_space<semaphore_mem>>)
      %add3A_57 = arith.addi %select_n3A, %add3A_43 : i32
      %dma_wait3A_58 = arith.constant 0 : i32
      %dma_wait3A_59 = arith.constant 0 : i32
      %dma_wait3A_60 = tpu.memref_slice %arg4[%add3A_57, %dma_wait3A_58, %dma_wait3A_59] : memref<256x128x128xf32, #tpu.memory_space<hbm>> -> memref<1x128x128xf32, #tpu.memory_space<hbm>>
      %dma_wait3A_61 = tpu.memref_squeeze %dma_wait3A_60 : memref<1x128x128xf32, #tpu.memory_space<hbm>> -> memref<128x128xf32, #tpu.memory_space<hbm>>
      %dma_wait3A_62 = arith.constant 0 : i32
      %dma_wait3A_63 = arith.constant 0 : i32
      %dma_wait3A_64 = tpu.memref_slice %arg4[%add3A_57, %dma_wait3A_62, %dma_wait3A_63] : memref<256x128x128xf32, #tpu.memory_space<hbm>> -> memref<1x128x128xf32, #tpu.memory_space<hbm>>
      %dma_wait3A_65 = tpu.memref_squeeze %dma_wait3A_64 : memref<1x128x128xf32, #tpu.memory_space<hbm>> -> memref<128x128xf32, #tpu.memory_space<hbm>>
      tpu.wait_dma2 semaphore(%arg14 : memref<!tpu.dma_semaphore, #tpu.memory_space<semaphore_mem>>) src(%arg6 : memref<128x128xf32, #tpu.memory_space<vmem>>) dst(%dma_wait3A_65 : memref<128x128xf32, #tpu.memory_space<hbm>>)
      %add3A_66 = arith.constant 4 : i32
      %add3A_67 = arith.addi %add3A_43, %add3A_66 : i32
      %lt3A = arith.cmpi slt, %add3A_67, %select_n3A_6 : i32
      %convert_element_type3A_68 = arith.extui %lt3A : i1 to i32
      %cond3A_69 = arith.constant 0 : i32
      %cond3A_70 = arith.cmpi ne, %convert_element_type3A_68, %cond3A_69 : i32
      scf.if %cond3A_70 {
        %add3A_168 = arith.constant 4 : i32
        %add3A_169 = arith.addi %add3A_43, %add3A_168 : i32
        %dma_start3A_170 = arith.constant 0 : i32
        %dma_start3A_171 = tpu.memref_slice %arg5[%add3A_169, %dma_start3A_170] : memref<12x128xi32, #tpu.memory_space<vmem>> -> memref<1x128xi32, #tpu.memory_space<vmem>>
        %dma_start3A_172 = tpu.memref_squeeze %dma_start3A_171 : memref<1x128xi32, #tpu.memory_space<vmem>> -> memref<128xi32, #tpu.memory_space<vmem>>
        %dma_start3A_173 = arith.constant 0 : i32
        %dma_start3A_174 = arith.constant 0 : i32
        %dma_start3A_175 = tpu.memref_slice %arg2[%dma_start3A_173, %dma_start3A_174] : memref<10000x128xf32, #tpu.memory_space<hbm>> -> memref<10000x128xf32, #tpu.memory_space<hbm>>
        tpu.enqueue_indirect_dma source(%dma_start3A_175 : memref<10000x128xf32, #tpu.memory_space<hbm>>) target(%arg6 : memref<128x128xf32, #tpu.memory_space<vmem>>) offsets(%dma_start3A_172 : memref<128xi32, #tpu.memory_space<vmem>>) semaphore(%arg10 : memref<!tpu.dma_semaphore, #tpu.memory_space<semaphore_mem>>)
      } else {
      }
      %add3A_71 = arith.constant 1 : i32
      %add3A_72 = arith.addi %mul3A_41, %add3A_71 : i32
      %dma_wait3A_73 = arith.constant 0 : i32
      %dma_wait3A_74 = tpu.memref_slice %arg5[%add3A_72, %dma_wait3A_73] : memref<12x128xi32, #tpu.memory_space<vmem>> -> memref<1x128xi32, #tpu.memory_space<vmem>>
      %dma_wait3A_75 = tpu.memref_squeeze %dma_wait3A_74 : memref<1x128xi32, #tpu.memory_space<vmem>> -> memref<128xi32, #tpu.memory_space<vmem>>
      %dma_wait3A_76 = arith.constant 0 : i32
      %dma_wait3A_77 = arith.constant 0 : i32
      %dma_wait3A_78 = tpu.memref_slice %arg2[%dma_wait3A_76, %dma_wait3A_77] : memref<10000x128xf32, #tpu.memory_space<hbm>> -> memref<10000x128xf32, #tpu.memory_space<hbm>>
      tpu.wait_indirect_dma semaphore(%arg11 : memref<!tpu.dma_semaphore, #tpu.memory_space<semaphore_mem>>) src(%dma_wait3A_78 : memref<10000x128xf32, #tpu.memory_space<hbm>>) dst(%arg7 : memref<128x128xf32, #tpu.memory_space<vmem>>)
      %add3A_79 = arith.addi %select_n3A, %add3A_72 : i32
      %dma_start3A_80 = arith.constant 0 : i32
      %dma_start3A_81 = arith.constant 0 : i32
      %dma_start3A_82 = tpu.memref_slice %arg4[%add3A_79, %dma_start3A_80, %dma_start3A_81] : memref<256x128x128xf32, #tpu.memory_space<hbm>> -> memref<1x128x128xf32, #tpu.memory_space<hbm>>
      %dma_start3A_83 = tpu.memref_squeeze %dma_start3A_82 : memref<1x128x128xf32, #tpu.memory_space<hbm>> -> memref<128x128xf32, #tpu.memory_space<hbm>>
      %dma_start3A_84 = arith.constant 0 : i32
      %dma_start3A_85 = arith.constant 0 : i32
      %dma_start3A_86 = tpu.memref_slice %arg4[%add3A_79, %dma_start3A_84, %dma_start3A_85] : memref<256x128x128xf32, #tpu.memory_space<hbm>> -> memref<1x128x128xf32, #tpu.memory_space<hbm>>
      %dma_start3A_87 = tpu.memref_squeeze %dma_start3A_86 : memref<1x128x128xf32, #tpu.memory_space<hbm>> -> memref<128x128xf32, #tpu.memory_space<hbm>>
      tpu.enqueue_dma source(%arg7 : memref<128x128xf32, #tpu.memory_space<vmem>>) target(%dma_start3A_87 : memref<128x128xf32, #tpu.memory_space<hbm>>) target_semaphore(%arg15 : memref<!tpu.dma_semaphore, #tpu.memory_space<semaphore_mem>>)
      %add3A_88 = arith.addi %select_n3A, %add3A_72 : i32
      %dma_wait3A_89 = arith.constant 0 : i32
      %dma_wait3A_90 = arith.constant 0 : i32
      %dma_wait3A_91 = tpu.memref_slice %arg4[%add3A_88, %dma_wait3A_89, %dma_wait3A_90] : memref<256x128x128xf32, #tpu.memory_space<hbm>> -> memref<1x128x128xf32, #tpu.memory_space<hbm>>
      %dma_wait3A_92 = tpu.memref_squeeze %dma_wait3A_91 : memref<1x128x128xf32, #tpu.memory_space<hbm>> -> memref<128x128xf32, #tpu.memory_space<hbm>>
      %dma_wait3A_93 = arith.constant 0 : i32
      %dma_wait3A_94 = arith.constant 0 : i32
      %dma_wait3A_95 = tpu.memref_slice %arg4[%add3A_88, %dma_wait3A_93, %dma_wait3A_94] : memref<256x128x128xf32, #tpu.memory_space<hbm>> -> memref<1x128x128xf32, #tpu.memory_space<hbm>>
      %dma_wait3A_96 = tpu.memref_squeeze %dma_wait3A_95 : memref<1x128x128xf32, #tpu.memory_space<hbm>> -> memref<128x128xf32, #tpu.memory_space<hbm>>
      tpu.wait_dma2 semaphore(%arg15 : memref<!tpu.dma_semaphore, #tpu.memory_space<semaphore_mem>>) src(%arg7 : memref<128x128xf32, #tpu.memory_space<vmem>>) dst(%dma_wait3A_96 : memref<128x128xf32, #tpu.memory_space<hbm>>)
      %add3A_97 = arith.constant 4 : i32
      %add3A_98 = arith.addi %add3A_72, %add3A_97 : i32
      %lt3A_99 = arith.cmpi slt, %add3A_98, %select_n3A_6 : i32
      %convert_element_type3A_100 = arith.extui %lt3A_99 : i1 to i32
      %cond3A_101 = arith.constant 0 : i32
      %cond3A_102 = arith.cmpi ne, %convert_element_type3A_100, %cond3A_101 : i32
      scf.if %cond3A_102 {
        %add3A_168 = arith.constant 4 : i32
        %add3A_169 = arith.addi %add3A_72, %add3A_168 : i32
        %dma_start3A_170 = arith.constant 0 : i32
        %dma_start3A_171 = tpu.memref_slice %arg5[%add3A_169, %dma_start3A_170] : memref<12x128xi32, #tpu.memory_space<vmem>> -> memref<1x128xi32, #tpu.memory_space<vmem>>
        %dma_start3A_172 = tpu.memref_squeeze %dma_start3A_171 : memref<1x128xi32, #tpu.memory_space<vmem>> -> memref<128xi32, #tpu.memory_space<vmem>>
        %dma_start3A_173 = arith.constant 0 : i32
        %dma_start3A_174 = arith.constant 0 : i32
        %dma_start3A_175 = tpu.memref_slice %arg2[%dma_start3A_173, %dma_start3A_174] : memref<10000x128xf32, #tpu.memory_space<hbm>> -> memref<10000x128xf32, #tpu.memory_space<hbm>>
        tpu.enqueue_indirect_dma source(%dma_start3A_175 : memref<10000x128xf32, #tpu.memory_space<hbm>>) target(%arg7 : memref<128x128xf32, #tpu.memory_space<vmem>>) offsets(%dma_start3A_172 : memref<128xi32, #tpu.memory_space<vmem>>) semaphore(%arg11 : memref<!tpu.dma_semaphore, #tpu.memory_space<semaphore_mem>>)
      } else {
      }
      %add3A_103 = arith.constant 2 : i32
      %add3A_104 = arith.addi %mul3A_41, %add3A_103 : i32
      %dma_wait3A_105 = arith.constant 0 : i32
      %dma_wait3A_106 = tpu.memref_slice %arg5[%add3A_104, %dma_wait3A_105] : memref<12x128xi32, #tpu.memory_space<vmem>> -> memref<1x128xi32, #tpu.memory_space<vmem>>
      %dma_wait3A_107 = tpu.memref_squeeze %dma_wait3A_106 : memref<1x128xi32, #tpu.memory_space<vmem>> -> memref<128xi32, #tpu.memory_space<vmem>>
      %dma_wait3A_108 = arith.constant 0 : i32
      %dma_wait3A_109 = arith.constant 0 : i32
      %dma_wait3A_110 = tpu.memref_slice %arg2[%dma_wait3A_108, %dma_wait3A_109] : memref<10000x128xf32, #tpu.memory_space<hbm>> -> memref<10000x128xf32, #tpu.memory_space<hbm>>
      tpu.wait_indirect_dma semaphore(%arg12 : memref<!tpu.dma_semaphore, #tpu.memory_space<semaphore_mem>>) src(%dma_wait3A_110 : memref<10000x128xf32, #tpu.memory_space<hbm>>) dst(%arg8 : memref<128x128xf32, #tpu.memory_space<vmem>>)
      %add3A_111 = arith.addi %select_n3A, %add3A_104 : i32
      %dma_start3A_112 = arith.constant 0 : i32
      %dma_start3A_113 = arith.constant 0 : i32
      %dma_start3A_114 = tpu.memref_slice %arg4[%add3A_111, %dma_start3A_112, %dma_start3A_113] : memref<256x128x128xf32, #tpu.memory_space<hbm>> -> memref<1x128x128xf32, #tpu.memory_space<hbm>>
      %dma_start3A_115 = tpu.memref_squeeze %dma_start3A_114 : memref<1x128x128xf32, #tpu.memory_space<hbm>> -> memref<128x128xf32, #tpu.memory_space<hbm>>
      %dma_start3A_116 = arith.constant 0 : i32
      %dma_start3A_117 = arith.constant 0 : i32
      %dma_start3A_118 = tpu.memref_slice %arg4[%add3A_111, %dma_start3A_116, %dma_start3A_117] : memref<256x128x128xf32, #tpu.memory_space<hbm>> -> memref<1x128x128xf32, #tpu.memory_space<hbm>>
      %dma_start3A_119 = tpu.memref_squeeze %dma_start3A_118 : memref<1x128x128xf32, #tpu.memory_space<hbm>> -> memref<128x128xf32, #tpu.memory_space<hbm>>
      tpu.enqueue_dma source(%arg8 : memref<128x128xf32, #tpu.memory_space<vmem>>) target(%dma_start3A_119 : memref<128x128xf32, #tpu.memory_space<hbm>>) target_semaphore(%arg16 : memref<!tpu.dma_semaphore, #tpu.memory_space<semaphore_mem>>)
      %add3A_120 = arith.addi %select_n3A, %add3A_104 : i32
      %dma_wait3A_121 = arith.constant 0 : i32
      %dma_wait3A_122 = arith.constant 0 : i32
      %dma_wait3A_123 = tpu.memref_slice %arg4[%add3A_120, %dma_wait3A_121, %dma_wait3A_122] : memref<256x128x128xf32, #tpu.memory_space<hbm>> -> memref<1x128x128xf32, #tpu.memory_space<hbm>>
      %dma_wait3A_124 = tpu.memref_squeeze %dma_wait3A_123 : memref<1x128x128xf32, #tpu.memory_space<hbm>> -> memref<128x128xf32, #tpu.memory_space<hbm>>
      %dma_wait3A_125 = arith.constant 0 : i32
      %dma_wait3A_126 = arith.constant 0 : i32
      %dma_wait3A_127 = tpu.memref_slice %arg4[%add3A_120, %dma_wait3A_125, %dma_wait3A_126] : memref<256x128x128xf32, #tpu.memory_space<hbm>> -> memref<1x128x128xf32, #tpu.memory_space<hbm>>
      %dma_wait3A_128 = tpu.memref_squeeze %dma_wait3A_127 : memref<1x128x128xf32, #tpu.memory_space<hbm>> -> memref<128x128xf32, #tpu.memory_space<hbm>>
      tpu.wait_dma2 semaphore(%arg16 : memref<!tpu.dma_semaphore, #tpu.memory_space<semaphore_mem>>) src(%arg8 : memref<128x128xf32, #tpu.memory_space<vmem>>) dst(%dma_wait3A_128 : memref<128x128xf32, #tpu.memory_space<hbm>>)
      %add3A_129 = arith.constant 4 : i32
      %add3A_130 = arith.addi %add3A_104, %add3A_129 : i32
      %lt3A_131 = arith.cmpi slt, %add3A_130, %select_n3A_6 : i32
      %convert_element_type3A_132 = arith.extui %lt3A_131 : i1 to i32
      %cond3A_133 = arith.constant 0 : i32
      %cond3A_134 = arith.cmpi ne, %convert_element_type3A_132, %cond3A_133 : i32
      scf.if %cond3A_134 {
        %add3A_168 = arith.constant 4 : i32
        %add3A_169 = arith.addi %add3A_104, %add3A_168 : i32
        %dma_start3A_170 = arith.constant 0 : i32
        %dma_start3A_171 = tpu.memref_slice %arg5[%add3A_169, %dma_start3A_170] : memref<12x128xi32, #tpu.memory_space<vmem>> -> memref<1x128xi32, #tpu.memory_space<vmem>>
        %dma_start3A_172 = tpu.memref_squeeze %dma_start3A_171 : memref<1x128xi32, #tpu.memory_space<vmem>> -> memref<128xi32, #tpu.memory_space<vmem>>
        %dma_start3A_173 = arith.constant 0 : i32
        %dma_start3A_174 = arith.constant 0 : i32
        %dma_start3A_175 = tpu.memref_slice %arg2[%dma_start3A_173, %dma_start3A_174] : memref<10000x128xf32, #tpu.memory_space<hbm>> -> memref<10000x128xf32, #tpu.memory_space<hbm>>
        tpu.enqueue_indirect_dma source(%dma_start3A_175 : memref<10000x128xf32, #tpu.memory_space<hbm>>) target(%arg8 : memref<128x128xf32, #tpu.memory_space<vmem>>) offsets(%dma_start3A_172 : memref<128xi32, #tpu.memory_space<vmem>>) semaphore(%arg12 : memref<!tpu.dma_semaphore, #tpu.memory_space<semaphore_mem>>)
      } else {
      }
      %add3A_135 = arith.constant 3 : i32
      %add3A_136 = arith.addi %mul3A_41, %add3A_135 : i32
      %dma_wait3A_137 = arith.constant 0 : i32
      %dma_wait3A_138 = tpu.memref_slice %arg5[%add3A_136, %dma_wait3A_137] : memref<12x128xi32, #tpu.memory_space<vmem>> -> memref<1x128xi32, #tpu.memory_space<vmem>>
      %dma_wait3A_139 = tpu.memref_squeeze %dma_wait3A_138 : memref<1x128xi32, #tpu.memory_space<vmem>> -> memref<128xi32, #tpu.memory_space<vmem>>
      %dma_wait3A_140 = arith.constant 0 : i32
      %dma_wait3A_141 = arith.constant 0 : i32
      %dma_wait3A_142 = tpu.memref_slice %arg2[%dma_wait3A_140, %dma_wait3A_141] : memref<10000x128xf32, #tpu.memory_space<hbm>> -> memref<10000x128xf32, #tpu.memory_space<hbm>>
      tpu.wait_indirect_dma semaphore(%arg13 : memref<!tpu.dma_semaphore, #tpu.memory_space<semaphore_mem>>) src(%dma_wait3A_142 : memref<10000x128xf32, #tpu.memory_space<hbm>>) dst(%arg9 : memref<128x128xf32, #tpu.memory_space<vmem>>)
      %add3A_143 = arith.addi %select_n3A, %add3A_136 : i32
      %dma_start3A_144 = arith.constant 0 : i32
      %dma_start3A_145 = arith.constant 0 : i32
      %dma_start3A_146 = tpu.memref_slice %arg4[%add3A_143, %dma_start3A_144, %dma_start3A_145] : memref<256x128x128xf32, #tpu.memory_space<hbm>> -> memref<1x128x128xf32, #tpu.memory_space<hbm>>
      %dma_start3A_147 = tpu.memref_squeeze %dma_start3A_146 : memref<1x128x128xf32, #tpu.memory_space<hbm>> -> memref<128x128xf32, #tpu.memory_space<hbm>>
      %dma_start3A_148 = arith.constant 0 : i32
      %dma_start3A_149 = arith.constant 0 : i32
      %dma_start3A_150 = tpu.memref_slice %arg4[%add3A_143, %dma_start3A_148, %dma_start3A_149] : memref<256x128x128xf32, #tpu.memory_space<hbm>> -> memref<1x128x128xf32, #tpu.memory_space<hbm>>
      %dma_start3A_151 = tpu.memref_squeeze %dma_start3A_150 : memref<1x128x128xf32, #tpu.memory_space<hbm>> -> memref<128x128xf32, #tpu.memory_space<hbm>>
      tpu.enqueue_dma source(%arg9 : memref<128x128xf32, #tpu.memory_space<vmem>>) target(%dma_start3A_151 : memref<128x128xf32, #tpu.memory_space<hbm>>) target_semaphore(%arg17 : memref<!tpu.dma_semaphore, #tpu.memory_space<semaphore_mem>>)
      %add3A_152 = arith.addi %select_n3A, %add3A_136 : i32
      %dma_wait3A_153 = arith.constant 0 : i32
      %dma_wait3A_154 = arith.constant 0 : i32
      %dma_wait3A_155 = tpu.memref_slice %arg4[%add3A_152, %dma_wait3A_153, %dma_wait3A_154] : memref<256x128x128xf32, #tpu.memory_space<hbm>> -> memref<1x128x128xf32, #tpu.memory_space<hbm>>
      %dma_wait3A_156 = tpu.memref_squeeze %dma_wait3A_155 : memref<1x128x128xf32, #tpu.memory_space<hbm>> -> memref<128x128xf32, #tpu.memory_space<hbm>>
      %dma_wait3A_157 = arith.constant 0 : i32
      %dma_wait3A_158 = arith.constant 0 : i32
      %dma_wait3A_159 = tpu.memref_slice %arg4[%add3A_152, %dma_wait3A_157, %dma_wait3A_158] : memref<256x128x128xf32, #tpu.memory_space<hbm>> -> memref<1x128x128xf32, #tpu.memory_space<hbm>>
      %dma_wait3A_160 = tpu.memref_squeeze %dma_wait3A_159 : memref<1x128x128xf32, #tpu.memory_space<hbm>> -> memref<128x128xf32, #tpu.memory_space<hbm>>
      tpu.wait_dma2 semaphore(%arg17 : memref<!tpu.dma_semaphore, #tpu.memory_space<semaphore_mem>>) src(%arg9 : memref<128x128xf32, #tpu.memory_space<vmem>>) dst(%dma_wait3A_160 : memref<128x128xf32, #tpu.memory_space<hbm>>)
      %add3A_161 = arith.constant 4 : i32
      %add3A_162 = arith.addi %add3A_136, %add3A_161 : i32
      %lt3A_163 = arith.cmpi slt, %add3A_162, %select_n3A_6 : i32
      %convert_element_type3A_164 = arith.extui %lt3A_163 : i1 to i32
      %cond3A_165 = arith.constant 0 : i32
      %cond3A_166 = arith.cmpi ne, %convert_element_type3A_164, %cond3A_165 : i32
      scf.if %cond3A_166 {
        %add3A_168 = arith.constant 4 : i32
        %add3A_169 = arith.addi %add3A_136, %add3A_168 : i32
        %dma_start3A_170 = arith.constant 0 : i32
        %dma_start3A_171 = tpu.memref_slice %arg5[%add3A_169, %dma_start3A_170] : memref<12x128xi32, #tpu.memory_space<vmem>> -> memref<1x128xi32, #tpu.memory_space<vmem>>
        %dma_start3A_172 = tpu.memref_squeeze %dma_start3A_171 : memref<1x128xi32, #tpu.memory_space<vmem>> -> memref<128xi32, #tpu.memory_space<vmem>>
        %dma_start3A_173 = arith.constant 0 : i32
        %dma_start3A_174 = arith.constant 0 : i32
        %dma_start3A_175 = tpu.memref_slice %arg2[%dma_start3A_173, %dma_start3A_174] : memref<10000x128xf32, #tpu.memory_space<hbm>> -> memref<10000x128xf32, #tpu.memory_space<hbm>>
        tpu.enqueue_indirect_dma source(%dma_start3A_175 : memref<10000x128xf32, #tpu.memory_space<hbm>>) target(%arg9 : memref<128x128xf32, #tpu.memory_space<vmem>>) offsets(%dma_start3A_172 : memref<128xi32, #tpu.memory_space<vmem>>) semaphore(%arg13 : memref<!tpu.dma_semaphore, #tpu.memory_space<semaphore_mem>>)
      } else {
      }
      %while3A_167 = arith.constant 0 : i32
      scf.yield %while3A_167 : i32
    }
    %while3A_36 = arith.constant 1 : i32
    %while3A_37 = scf.for %while3A_38 = %while3A_33 to %while3A_29 step %while3A_36 iter_args(%while3A_39 = %while3A_35) -> (i32)  : i32 {
      %mul3A_40 = arith.constant 4 : i32
      %mul3A_41 = arith.muli %while3A_38, %mul3A_40 : i32
      %add3A_42 = arith.constant 0 : i32
      %add3A_43 = arith.addi %mul3A_41, %add3A_42 : i32
      %dma_wait3A = arith.constant 0 : i32
      %dma_wait3A_44 = tpu.memref_slice %arg5[%add3A_43, %dma_wait3A] : memref<12x128xi32, #tpu.memory_space<vmem>> -> memref<1x128xi32, #tpu.memory_space<vmem>>
      %dma_wait3A_45 = tpu.memref_squeeze %dma_wait3A_44 : memref<1x128xi32, #tpu.memory_space<vmem>> -> memref<128xi32, #tpu.memory_space<vmem>>
      %dma_wait3A_46 = arith.constant 0 : i32
      %dma_wait3A_47 = arith.constant 0 : i32
      %dma_wait3A_48 = tpu.memref_slice %arg2[%dma_wait3A_46, %dma_wait3A_47] : memref<10000x128xf32, #tpu.memory_space<hbm>> -> memref<10000x128xf32, #tpu.memory_space<hbm>>
      tpu.wait_indirect_dma semaphore(%arg10 : memref<!tpu.dma_semaphore, #tpu.memory_space<semaphore_mem>>) src(%dma_wait3A_48 : memref<10000x128xf32, #tpu.memory_space<hbm>>) dst(%arg6 : memref<128x128xf32, #tpu.memory_space<vmem>>)
      %add3A_49 = arith.addi %select_n3A, %add3A_43 : i32
      %dma_start3A = arith.constant 0 : i32
      %dma_start3A_50 = arith.constant 0 : i32
      %dma_start3A_51 = tpu.memref_slice %arg4[%add3A_49, %dma_start3A, %dma_start3A_50] : memref<256x128x128xf32, #tpu.memory_space<hbm>> -> memref<1x128x128xf32, #tpu.memory_space<hbm>>
      %dma_start3A_52 = tpu.memref_squeeze %dma_start3A_51 : memref<1x128x128xf32, #tpu.memory_space<hbm>> -> memref<128x128xf32, #tpu.memory_space<hbm>>
      %dma_start3A_53 = arith.constant 0 : i32
      %dma_start3A_54 = arith.constant 0 : i32
      %dma_start3A_55 = tpu.memref_slice %arg4[%add3A_49, %dma_start3A_53, %dma_start3A_54] : memref<256x128x128xf32, #tpu.memory_space<hbm>> -> memref<1x128x128xf32, #tpu.memory_space<hbm>>
      %dma_start3A_56 = tpu.memref_squeeze %dma_start3A_55 : memref<1x128x128xf32, #tpu.memory_space<hbm>> -> memref<128x128xf32, #tpu.memory_space<hbm>>
      tpu.enqueue_dma source(%arg6 : memref<128x128xf32, #tpu.memory_space<vmem>>) target(%dma_start3A_56 : memref<128x128xf32, #tpu.memory_space<hbm>>) target_semaphore(%arg14 : memref<!tpu.dma_semaphore, #tpu.memory_space<semaphore_mem>>)
      %add3A_57 = arith.addi %select_n3A, %add3A_43 : i32
      %dma_wait3A_58 = arith.constant 0 : i32
      %dma_wait3A_59 = arith.constant 0 : i32
      %dma_wait3A_60 = tpu.memref_slice %arg4[%add3A_57, %dma_wait3A_58, %dma_wait3A_59] : memref<256x128x128xf32, #tpu.memory_space<hbm>> -> memref<1x128x128xf32, #tpu.memory_space<hbm>>
      %dma_wait3A_61 = tpu.memref_squeeze %dma_wait3A_60 : memref<1x128x128xf32, #tpu.memory_space<hbm>> -> memref<128x128xf32, #tpu.memory_space<hbm>>
      %dma_wait3A_62 = arith.constant 0 : i32
      %dma_wait3A_63 = arith.constant 0 : i32
      %dma_wait3A_64 = tpu.memref_slice %arg4[%add3A_57, %dma_wait3A_62, %dma_wait3A_63] : memref<256x128x128xf32, #tpu.memory_space<hbm>> -> memref<1x128x128xf32, #tpu.memory_space<hbm>>
      %dma_wait3A_65 = tpu.memref_squeeze %dma_wait3A_64 : memref<1x128x128xf32, #tpu.memory_space<hbm>> -> memref<128x128xf32, #tpu.memory_space<hbm>>
      tpu.wait_dma2 semaphore(%arg14 : memref<!tpu.dma_semaphore, #tpu.memory_space<semaphore_mem>>) src(%arg6 : memref<128x128xf32, #tpu.memory_space<vmem>>) dst(%dma_wait3A_65 : memref<128x128xf32, #tpu.memory_space<hbm>>)
      %add3A_66 = arith.constant 4 : i32
      %add3A_67 = arith.addi %add3A_43, %add3A_66 : i32
      %lt3A = arith.cmpi slt, %add3A_67, %select_n3A_6 : i32
      %convert_element_type3A_68 = arith.extui %lt3A : i1 to i32
      %cond3A_69 = arith.constant 0 : i32
      %cond3A_70 = arith.cmpi ne, %convert_element_type3A_68, %cond3A_69 : i32
      scf.if %cond3A_70 {
        %add3A_168 = arith.constant 4 : i32
        %add3A_169 = arith.addi %add3A_43, %add3A_168 : i32
        %dma_start3A_170 = arith.constant 0 : i32
        %dma_start3A_171 = tpu.memref_slice %arg5[%add3A_169, %dma_start3A_170] : memref<12x128xi32, #tpu.memory_space<vmem>> -> memref<1x128xi32, #tpu.memory_space<vmem>>
        %dma_start3A_172 = tpu.memref_squeeze %dma_start3A_171 : memref<1x128xi32, #tpu.memory_space<vmem>> -> memref<128xi32, #tpu.memory_space<vmem>>
        %dma_start3A_173 = arith.constant 0 : i32
        %dma_start3A_174 = arith.constant 0 : i32
        %dma_start3A_175 = tpu.memref_slice %arg2[%dma_start3A_173, %dma_start3A_174] : memref<10000x128xf32, #tpu.memory_space<hbm>> -> memref<10000x128xf32, #tpu.memory_space<hbm>>
        tpu.enqueue_indirect_dma source(%dma_start3A_175 : memref<10000x128xf32, #tpu.memory_space<hbm>>) target(%arg6 : memref<128x128xf32, #tpu.memory_space<vmem>>) offsets(%dma_start3A_172 : memref<128xi32, #tpu.memory_space<vmem>>) semaphore(%arg10 : memref<!tpu.dma_semaphore, #tpu.memory_space<semaphore_mem>>)
      } else {
      }
      %add3A_71 = arith.constant 1 : i32
      %add3A_72 = arith.addi %mul3A_41, %add3A_71 : i32
      %dma_wait3A_73 = arith.constant 0 : i32
      %dma_wait3A_74 = tpu.memref_slice %arg5[%add3A_72, %dma_wait3A_73] : memref<12x128xi32, #tpu.memory_space<vmem>> -> memref<1x128xi32, #tpu.memory_space<vmem>>
      %dma_wait3A_75 = tpu.memref_squeeze %dma_wait3A_74 : memref<1x128xi32, #tpu.memory_space<vmem>> -> memref<128xi32, #tpu.memory_space<vmem>>
      %dma_wait3A_76 = arith.constant 0 : i32
      %dma_wait3A_77 = arith.constant 0 : i32
      %dma_wait3A_78 = tpu.memref_slice %arg2[%dma_wait3A_76, %dma_wait3A_77] : memref<10000x128xf32, #tpu.memory_space<hbm>> -> memref<10000x128xf32, #tpu.memory_space<hbm>>
      tpu.wait_indirect_dma semaphore(%arg11 : memref<!tpu.dma_semaphore, #tpu.memory_space<semaphore_mem>>) src(%dma_wait3A_78 : memref<10000x128xf32, #tpu.memory_space<hbm>>) dst(%arg7 : memref<128x128xf32, #tpu.memory_space<vmem>>)
      %add3A_79 = arith.addi %select_n3A, %add3A_72 : i32
      %dma_start3A_80 = arith.constant 0 : i32
      %dma_start3A_81 = arith.constant 0 : i32
      %dma_start3A_82 = tpu.memref_slice %arg4[%add3A_79, %dma_start3A_80, %dma_start3A_81] : memref<256x128x128xf32, #tpu.memory_space<hbm>> -> memref<1x128x128xf32, #tpu.memory_space<hbm>>
      %dma_start3A_83 = tpu.memref_squeeze %dma_start3A_82 : memref<1x128x128xf32, #tpu.memory_space<hbm>> -> memref<128x128xf32, #tpu.memory_space<hbm>>
      %dma_start3A_84 = arith.constant 0 : i32
      %dma_start3A_85 = arith.constant 0 : i32
      %dma_start3A_86 = tpu.memref_slice %arg4[%add3A_79, %dma_start3A_84, %dma_start3A_85] : memref<256x128x128xf32, #tpu.memory_space<hbm>> -> memref<1x128x128xf32, #tpu.memory_space<hbm>>
      %dma_start3A_87 = tpu.memref_squeeze %dma_start3A_86 : memref<1x128x128xf32, #tpu.memory_space<hbm>> -> memref<128x128xf32, #tpu.memory_space<hbm>>
      tpu.enqueue_dma source(%arg7 : memref<128x128xf32, #tpu.memory_space<vmem>>) target(%dma_start3A_87 : memref<128x128xf32, #tpu.memory_space<hbm>>) target_semaphore(%arg15 : memref<!tpu.dma_semaphore, #tpu.memory_space<semaphore_mem>>)
      %add3A_88 = arith.addi %select_n3A, %add3A_72 : i32
      %dma_wait3A_89 = arith.constant 0 : i32
      %dma_wait3A_90 = arith.constant 0 : i32
      %dma_wait3A_91 = tpu.memref_slice %arg4[%add3A_88, %dma_wait3A_89, %dma_wait3A_90] : memref<256x128x128xf32, #tpu.memory_space<hbm>> -> memref<1x128x128xf32, #tpu.memory_space<hbm>>
      %dma_wait3A_92 = tpu.memref_squeeze %dma_wait3A_91 : memref<1x128x128xf32, #tpu.memory_space<hbm>> -> memref<128x128xf32, #tpu.memory_space<hbm>>
      %dma_wait3A_93 = arith.constant 0 : i32
      %dma_wait3A_94 = arith.constant 0 : i32
      %dma_wait3A_95 = tpu.memref_slice %arg4[%add3A_88, %dma_wait3A_93, %dma_wait3A_94] : memref<256x128x128xf32, #tpu.memory_space<hbm>> -> memref<1x128x128xf32, #tpu.memory_space<hbm>>
      %dma_wait3A_96 = tpu.memref_squeeze %dma_wait3A_95 : memref<1x128x128xf32, #tpu.memory_space<hbm>> -> memref<128x128xf32, #tpu.memory_space<hbm>>
      tpu.wait_dma2 semaphore(%arg15 : memref<!tpu.dma_semaphore, #tpu.memory_space<semaphore_mem>>) src(%arg7 : memref<128x128xf32, #tpu.memory_space<vmem>>) dst(%dma_wait3A_96 : memref<128x128xf32, #tpu.memory_space<hbm>>)
      %add3A_97 = arith.constant 4 : i32
      %add3A_98 = arith.addi %add3A_72, %add3A_97 : i32
      %lt3A_99 = arith.cmpi slt, %add3A_98, %select_n3A_6 : i32
      %convert_element_type3A_100 = arith.extui %lt3A_99 : i1 to i32
      %cond3A_101 = arith.constant 0 : i32
      %cond3A_102 = arith.cmpi ne, %convert_element_type3A_100, %cond3A_101 : i32
      scf.if %cond3A_102 {
        %add3A_168 = arith.constant 4 : i32
        %add3A_169 = arith.addi %add3A_72, %add3A_168 : i32
        %dma_start3A_170 = arith.constant 0 : i32
        %dma_start3A_171 = tpu.memref_slice %arg5[%add3A_169, %dma_start3A_170] : memref<12x128xi32, #tpu.memory_space<vmem>> -> memref<1x128xi32, #tpu.memory_space<vmem>>
        %dma_start3A_172 = tpu.memref_squeeze %dma_start3A_171 : memref<1x128xi32, #tpu.memory_space<vmem>> -> memref<128xi32, #tpu.memory_space<vmem>>
        %dma_start3A_173 = arith.constant 0 : i32
        %dma_start3A_174 = arith.constant 0 : i32
        %dma_start3A_175 = tpu.memref_slice %arg2[%dma_start3A_173, %dma_start3A_174] : memref<10000x128xf32, #tpu.memory_space<hbm>> -> memref<10000x128xf32, #tpu.memory_space<hbm>>
        tpu.enqueue_indirect_dma source(%dma_start3A_175 : memref<10000x128xf32, #tpu.memory_space<hbm>>) target(%arg7 : memref<128x128xf32, #tpu.memory_space<vmem>>) offsets(%dma_start3A_172 : memref<128xi32, #tpu.memory_space<vmem>>) semaphore(%arg11 : memref<!tpu.dma_semaphore, #tpu.memory_space<semaphore_mem>>)
      } else {
      }
      %add3A_103 = arith.constant 2 : i32
      %add3A_104 = arith.addi %mul3A_41, %add3A_103 : i32
      %dma_wait3A_105 = arith.constant 0 : i32
      %dma_wait3A_106 = tpu.memref_slice %arg5[%add3A_104, %dma_wait3A_105] : memref<12x128xi32, #tpu.memory_space<vmem>> -> memref<1x128xi32, #tpu.memory_space<vmem>>
      %dma_wait3A_107 = tpu.memref_squeeze %dma_wait3A_106 : memref<1x128xi32, #tpu.memory_space<vmem>> -> memref<128xi32, #tpu.memory_space<vmem>>
      %dma_wait3A_108 = arith.constant 0 : i32
      %dma_wait3A_109 = arith.constant 0 : i32
      %dma_wait3A_110 = tpu.memref_slice %arg2[%dma_wait3A_108, %dma_wait3A_109] : memref<10000x128xf32, #tpu.memory_space<hbm>> -> memref<10000x128xf32, #tpu.memory_space<hbm>>
      tpu.wait_indirect_dma semaphore(%arg12 : memref<!tpu.dma_semaphore, #tpu.memory_space<semaphore_mem>>) src(%dma_wait3A_110 : memref<10000x128xf32, #tpu.memory_space<hbm>>) dst(%arg8 : memref<128x128xf32, #tpu.memory_space<vmem>>)
      %add3A_111 = arith.addi %select_n3A, %add3A_104 : i32
      %dma_start3A_112 = arith.constant 0 : i32
      %dma_start3A_113 = arith.constant 0 : i32
      %dma_start3A_114 = tpu.memref_slice %arg4[%add3A_111, %dma_start3A_112, %dma_start3A_113] : memref<256x128x128xf32, #tpu.memory_space<hbm>> -> memref<1x128x128xf32, #tpu.memory_space<hbm>>
      %dma_start3A_115 = tpu.memref_squeeze %dma_start3A_114 : memref<1x128x128xf32, #tpu.memory_space<hbm>> -> memref<128x128xf32, #tpu.memory_space<hbm>>
      %dma_start3A_116 = arith.constant 0 : i32
      %dma_start3A_117 = arith.constant 0 : i32
      %dma_start3A_118 = tpu.memref_slice %arg4[%add3A_111, %dma_start3A_116, %dma_start3A_117] : memref<256x128x128xf32, #tpu.memory_space<hbm>> -> memref<1x128x128xf32, #tpu.memory_space<hbm>>
      %dma_start3A_119 = tpu.memref_squeeze %dma_start3A_118 : memref<1x128x128xf32, #tpu.memory_space<hbm>> -> memref<128x128xf32, #tpu.memory_space<hbm>>
      tpu.enqueue_dma source(%arg8 : memref<128x128xf32, #tpu.memory_space<vmem>>) target(%dma_start3A_119 : memref<128x128xf32, #tpu.memory_space<hbm>>) target_semaphore(%arg16 : memref<!tpu.dma_semaphore, #tpu.memory_space<semaphore_mem>>)
      %add3A_120 = arith.addi %select_n3A, %add3A_104 : i32
      %dma_wait3A_121 = arith.constant 0 : i32
      %dma_wait3A_122 = arith.constant 0 : i32
      %dma_wait3A_123 = tpu.memref_slice %arg4[%add3A_120, %dma_wait3A_121, %dma_wait3A_122] : memref<256x128x128xf32, #tpu.memory_space<hbm>> -> memref<1x128x128xf32, #tpu.memory_space<hbm>>
      %dma_wait3A_124 = tpu.memref_squeeze %dma_wait3A_123 : memref<1x128x128xf32, #tpu.memory_space<hbm>> -> memref<128x128xf32, #tpu.memory_space<hbm>>
      %dma_wait3A_125 = arith.constant 0 : i32
      %dma_wait3A_126 = arith.constant 0 : i32
      %dma_wait3A_127 = tpu.memref_slice %arg4[%add3A_120, %dma_wait3A_125, %dma_wait3A_126] : memref<256x128x128xf32, #tpu.memory_space<hbm>> -> memref<1x128x128xf32, #tpu.memory_space<hbm>>
      %dma_wait3A_128 = tpu.memref_squeeze %dma_wait3A_127 : memref<1x128x128xf32, #tpu.memory_space<hbm>> -> memref<128x128xf32, #tpu.memory_space<hbm>>
      tpu.wait_dma2 semaphore(%arg16 : memref<!tpu.dma_semaphore, #tpu.memory_space<semaphore_mem>>) src(%arg8 : memref<128x128xf32, #tpu.memory_space<vmem>>) dst(%dma_wait3A_128 : memref<128x128xf32, #tpu.memory_space<hbm>>)
      %add3A_129 = arith.constant 4 : i32
      %add3A_130 = arith.addi %add3A_104, %add3A_129 : i32
      %lt3A_131 = arith.cmpi slt, %add3A_130, %select_n3A_6 : i32
      %convert_element_type3A_132 = arith.extui %lt3A_131 : i1 to i32
      %cond3A_133 = arith.constant 0 : i32
      %cond3A_134 = arith.cmpi ne, %convert_element_type3A_132, %cond3A_133 : i32
      scf.if %cond3A_134 {
        %add3A_168 = arith.constant 4 : i32
        %add3A_169 = arith.addi %add3A_104, %add3A_168 : i32
        %dma_start3A_170 = arith.constant 0 : i32
        %dma_start3A_171 = tpu.memref_slice %arg5[%add3A_169, %dma_start3A_170] : memref<12x128xi32, #tpu.memory_space<vmem>> -> memref<1x128xi32, #tpu.memory_space<vmem>>
        %dma_start3A_172 = tpu.memref_squeeze %dma_start3A_171 : memref<1x128xi32, #tpu.memory_space<vmem>> -> memref<128xi32, #tpu.memory_space<vmem>>
        %dma_start3A_173 = arith.constant 0 : i32
        %dma_start3A_174 = arith.constant 0 : i32
        %dma_start3A_175 = tpu.memref_slice %arg2[%dma_start3A_173, %dma_start3A_174] : memref<10000x128xf32, #tpu.memory_space<hbm>> -> memref<10000x128xf32, #tpu.memory_space<hbm>>
        tpu.enqueue_indirect_dma source(%dma_start3A_175 : memref<10000x128xf32, #tpu.memory_space<hbm>>) target(%arg8 : memref<128x128xf32, #tpu.memory_space<vmem>>) offsets(%dma_start3A_172 : memref<128xi32, #tpu.memory_space<vmem>>) semaphore(%arg12 : memref<!tpu.dma_semaphore, #tpu.memory_space<semaphore_mem>>)
      } else {
      }
      %add3A_135 = arith.constant 3 : i32
      %add3A_136 = arith.addi %mul3A_41, %add3A_135 : i32
      %dma_wait3A_137 = arith.constant 0 : i32
      %dma_wait3A_138 = tpu.memref_slice %arg5[%add3A_136, %dma_wait3A_137] : memref<12x128xi32, #tpu.memory_space<vmem>> -> memref<1x128xi32, #tpu.memory_space<vmem>>
      %dma_wait3A_139 = tpu.memref_squeeze %dma_wait3A_138 : memref<1x128xi32, #tpu.memory_space<vmem>> -> memref<128xi32, #tpu.memory_space<vmem>>
      %dma_wait3A_140 = arith.constant 0 : i32
      %dma_wait3A_141 = arith.constant 0 : i32
      %dma_wait3A_142 = tpu.memref_slice %arg2[%dma_wait3A_140, %dma_wait3A_141] : memref<10000x128xf32, #tpu.memory_space<hbm>> -> memref<10000x128xf32, #tpu.memory_space<hbm>>
      tpu.wait_indirect_dma semaphore(%arg13 : memref<!tpu.dma_semaphore, #tpu.memory_space<semaphore_mem>>) src(%dma_wait3A_142 : memref<10000x128xf32, #tpu.memory_space<hbm>>) dst(%arg9 : memref<128x128xf32, #tpu.memory_space<vmem>>)
      %add3A_143 = arith.addi %select_n3A, %add3A_136 : i32
      %dma_start3A_144 = arith.constant 0 : i32
      %dma_start3A_145 = arith.constant 0 : i32
      %dma_start3A_146 = tpu.memref_slice %arg4[%add3A_143, %dma_start3A_144, %dma_start3A_145] : memref<256x128x128xf32, #tpu.memory_space<hbm>> -> memref<1x128x128xf32, #tpu.memory_space<hbm>>
      %dma_start3A_147 = tpu.memref_squeeze %dma_start3A_146 : memref<1x128x128xf32, #tpu.memory_space<hbm>> -> memref<128x128xf32, #tpu.memory_space<hbm>>
      %dma_start3A_148 = arith.constant 0 : i32
      %dma_start3A_149 = arith.constant 0 : i32
      %dma_start3A_150 = tpu.memref_slice %arg4[%add3A_143, %dma_start3A_148, %dma_start3A_149] : memref<256x128x128xf32, #tpu.memory_space<hbm>> -> memref<1x128x128xf32, #tpu.memory_space<hbm>>
      %dma_start3A_151 = tpu.memref_squeeze %dma_start3A_150 : memref<1x128x128xf32, #tpu.memory_space<hbm>> -> memref<128x128xf32, #tpu.memory_space<hbm>>
      tpu.enqueue_dma source(%arg9 : memref<128x128xf32, #tpu.memory_space<vmem>>) target(%dma_start3A_151 : memref<128x128xf32, #tpu.memory_space<hbm>>) target_semaphore(%arg17 : memref<!tpu.dma_semaphore, #tpu.memory_space<semaphore_mem>>)
      %add3A_152 = arith.addi %select_n3A, %add3A_136 : i32
      %dma_wait3A_153 = arith.constant 0 : i32
      %dma_wait3A_154 = arith.constant 0 : i32
      %dma_wait3A_155 = tpu.memref_slice %arg4[%add3A_152, %dma_wait3A_153, %dma_wait3A_154] : memref<256x128x128xf32, #tpu.memory_space<hbm>> -> memref<1x128x128xf32, #tpu.memory_space<hbm>>
      %dma_wait3A_156 = tpu.memref_squeeze %dma_wait3A_155 : memref<1x128x128xf32, #tpu.memory_space<hbm>> -> memref<128x128xf32, #tpu.memory_space<hbm>>
      %dma_wait3A_157 = arith.constant 0 : i32
      %dma_wait3A_158 = arith.constant 0 : i32
      %dma_wait3A_159 = tpu.memref_slice %arg4[%add3A_152, %dma_wait3A_157, %dma_wait3A_158] : memref<256x128x128xf32, #tpu.memory_space<hbm>> -> memref<1x128x128xf32, #tpu.memory_space<hbm>>
      %dma_wait3A_160 = tpu.memref_squeeze %dma_wait3A_159 : memref<1x128x128xf32, #tpu.memory_space<hbm>> -> memref<128x128xf32, #tpu.memory_space<hbm>>
      tpu.wait_dma2 semaphore(%arg17 : memref<!tpu.dma_semaphore, #tpu.memory_space<semaphore_mem>>) src(%arg9 : memref<128x128xf32, #tpu.memory_space<vmem>>) dst(%dma_wait3A_160 : memref<128x128xf32, #tpu.memory_space<hbm>>)
      %add3A_161 = arith.constant 4 : i32
      %add3A_162 = arith.addi %add3A_136, %add3A_161 : i32
      %lt3A_163 = arith.cmpi slt, %add3A_162, %select_n3A_6 : i32
      %convert_element_type3A_164 = arith.extui %lt3A_163 : i1 to i32
      %cond3A_165 = arith.constant 0 : i32
      %cond3A_166 = arith.cmpi ne, %convert_element_type3A_164, %cond3A_165 : i32
      scf.if %cond3A_166 {
        %add3A_168 = arith.constant 4 : i32
        %add3A_169 = arith.addi %add3A_136, %add3A_168 : i32
        %dma_start3A_170 = arith.constant 0 : i32
        %dma_start3A_171 = tpu.memref_slice %arg5[%add3A_169, %dma_start3A_170] : memref<12x128xi32, #tpu.memory_space<vmem>> -> memref<1x128xi32, #tpu.memory_space<vmem>>
        %dma_start3A_172 = tpu.memref_squeeze %dma_start3A_171 : memref<1x128xi32, #tpu.memory_space<vmem>> -> memref<128xi32, #tpu.memory_space<vmem>>
        %dma_start3A_173 = arith.constant 0 : i32
        %dma_start3A_174 = arith.constant 0 : i32
        %dma_start3A_175 = tpu.memref_slice %arg2[%dma_start3A_173, %dma_start3A_174] : memref<10000x128xf32, #tpu.memory_space<hbm>> -> memref<10000x128xf32, #tpu.memory_space<hbm>>
        tpu.enqueue_indirect_dma source(%dma_start3A_175 : memref<10000x128xf32, #tpu.memory_space<hbm>>) target(%arg9 : memref<128x128xf32, #tpu.memory_space<vmem>>) offsets(%dma_start3A_172 : memref<128xi32, #tpu.memory_space<vmem>>) semaphore(%arg13 : memref<!tpu.dma_semaphore, #tpu.memory_space<semaphore_mem>>)
      } else {
      }
      %while3A_167 = arith.constant 0 : i32
      scf.yield %while3A_167 : i32
    }
    return
  }
}

#map = affine_map<(d0, d1) -> (0, 0)>
#map1 = affine_map<(d0, d1) -> (0, 0, 0)>
module attributes {stable_mosaic.version = 14 : i64} {
  func.func @gather_kernel(%arg0: i32, %arg1: i32, %arg2: memref<10000x128xf32, #tpu.memory_space<hbm>>, %arg3: memref<264x128xi32, #tpu.memory_space<hbm>>, %arg4: memref<256x128x128xf32, #tpu.memory_space<hbm>>, %arg5: memref<12x128xi32, #tpu.memory_space<vmem>>, %arg6: memref<128x128xf32, #tpu.memory_space<vmem>>, %arg7: memref<128x128xf32, #tpu.memory_space<vmem>>, %arg8: memref<128x128xf32, #tpu.memory_space<vmem>>, %arg9: memref<128x128xf32, #tpu.memory_space<vmem>>, %arg10: memref<!tpu.dma_semaphore, #tpu.memory_space<semaphore_mem>>, %arg11: memref<!tpu.dma_semaphore, #tpu.memory_space<semaphore_mem>>, %arg12: memref<!tpu.dma_semaphore, #tpu.memory_space<semaphore_mem>>, %arg13: memref<!tpu.dma_semaphore, #tpu.memory_space<semaphore_mem>>, %arg14: memref<!tpu.dma_semaphore, #tpu.memory_space<semaphore_mem>>, %arg15: memref<!tpu.dma_semaphore, #tpu.memory_space<semaphore_mem>>, %arg16: memref<!tpu.dma_semaphore, #tpu.memory_space<semaphore_mem>>, %arg17: memref<!tpu.dma_semaphore, #tpu.memory_space<semaphore_mem>>) attributes {dimension_semantics = [#tpu.dimension_semantics<core_parallel>, #tpu.dimension_semantics<subcore_parallel>], iteration_bounds = array<i64: 2, 16>, scalar_prefetch = 0 : i64, scratch_operands = 13 : i64, tpu.core_type = #tpu.core_type<sc_vector_subcore>, window_params = [{transform_indices = #map}, {transform_indices = #map}, {transform_indices = #map1}]} {
    %eq3A = arith.constant 0 : i32
    %eq3A_0 = arith.cmpi eq, %arg0, %eq3A : i32
    %mul3A = arith.constant 12 : i32
    %mul3A_1 = arith.muli %arg1, %mul3A : i32
    %mul3A_2 = arith.constant 4 : i32
    %mul3A_3 = arith.muli %arg1, %mul3A_2 : i32
    %add3A = arith.constant 192 : i32
    %add3A_4 = arith.addi %add3A, %mul3A_3 : i32
    %select_n3A = arith.select %eq3A_0, %mul3A_1, %add3A_4 : i32
    %jit3A = arith.constant 12 : i32
    %jit3A_5 = arith.constant 4 : i32
    %select_n3A_6 = arith.select %eq3A_0, %jit3A, %jit3A_5 : i32
    %gt3A = arith.constant 0 : i32
    %gt3A_7 = arith.cmpi sgt, %select_n3A_6, %gt3A : i32
    %convert_element_type3A = arith.extui %gt3A_7 : i1 to i32
    %cond3A = arith.constant 0 : i32
    %cond3A_8 = arith.cmpi ne, %convert_element_type3A, %cond3A : i32
    scf.if %cond3A_8 {
      "tpu.region"() ({
        %run_scoped3A = tpu.sem_alloc : memref<!tpu.dma_semaphore, #tpu.memory_space<semaphore_mem>>
        %dma_start3A_65 = arith.constant 0 : i32
        %dma_start3A_66 = tpu.memref_slice %arg3[%select_n3A, %dma_start3A_65] : memref<264x128xi32, #tpu.memory_space<hbm>> -> memref<12x128xi32, #tpu.memory_space<hbm>>
        %dma_start3A_67 = arith.constant 0 : i32
        %dma_start3A_68 = tpu.memref_slice %arg3[%select_n3A, %dma_start3A_67] : memref<264x128xi32, #tpu.memory_space<hbm>> -> memref<12x128xi32, #tpu.memory_space<hbm>>
        tpu.enqueue_dma source(%dma_start3A_68 : memref<12x128xi32, #tpu.memory_space<hbm>>) target(%arg5 : memref<12x128xi32, #tpu.memory_space<vmem>>) target_semaphore(%run_scoped3A : memref<!tpu.dma_semaphore, #tpu.memory_space<semaphore_mem>>)
        %dma_wait3A = arith.constant 0 : i32
        %dma_wait3A_69 = tpu.memref_slice %arg3[%select_n3A, %dma_wait3A] : memref<264x128xi32, #tpu.memory_space<hbm>> -> memref<12x128xi32, #tpu.memory_space<hbm>>
        %dma_wait3A_70 = arith.constant 0 : i32
        %dma_wait3A_71 = tpu.memref_slice %arg3[%select_n3A, %dma_wait3A_70] : memref<264x128xi32, #tpu.memory_space<hbm>> -> memref<12x128xi32, #tpu.memory_space<hbm>>
        tpu.wait_dma2 semaphore(%run_scoped3A : memref<!tpu.dma_semaphore, #tpu.memory_space<semaphore_mem>>) src(%dma_wait3A_71 : memref<12x128xi32, #tpu.memory_space<hbm>>) dst(%arg5 : memref<12x128xi32, #tpu.memory_space<vmem>>)
        tpu.yield
      }) : () -> ()
      %dma_start3A = arith.constant 0 : i32
      %dma_start3A_38 = arith.constant 0 : i32
      %dma_start3A_39 = tpu.memref_slice %arg5[%dma_start3A, %dma_start3A_38] : memref<12x128xi32, #tpu.memory_space<vmem>> -> memref<1x128xi32, #tpu.memory_space<vmem>>
      %dma_start3A_40 = tpu.memref_squeeze %dma_start3A_39 : memref<1x128xi32, #tpu.memory_space<vmem>> -> memref<128xi32, #tpu.memory_space<vmem>>
      %dma_start3A_41 = arith.constant 0 : i32
      %dma_start3A_42 = arith.constant 0 : i32
      %dma_start3A_43 = tpu.memref_slice %arg2[%dma_start3A_41, %dma_start3A_42] : memref<10000x128xf32, #tpu.memory_space<hbm>> -> memref<10000x128xf32, #tpu.memory_space<hbm>>
      tpu.enqueue_indirect_dma source(%dma_start3A_43 : memref<10000x128xf32, #tpu.memory_space<hbm>>) target(%arg6 : memref<128x128xf32, #tpu.memory_space<vmem>>) offsets(%dma_start3A_40 : memref<128xi32, #tpu.memory_space<vmem>>) semaphore(%arg10 : memref<!tpu.dma_semaphore, #tpu.memory_space<semaphore_mem>>)
      %dma_start3A_44 = arith.constant 1 : i32
      %dma_start3A_45 = arith.constant 0 : i32
      %dma_start3A_46 = tpu.memref_slice %arg5[%dma_start3A_44, %dma_start3A_45] : memref<12x128xi32, #tpu.memory_space<vmem>> -> memref<1x128xi32, #tpu.memory_space<vmem>>
      %dma_start3A_47 = tpu.memref_squeeze %dma_start3A_46 : memref<1x128xi32, #tpu.memory_space<vmem>> -> memref<128xi32, #tpu.memory_space<vmem>>
      %dma_start3A_48 = arith.constant 0 : i32
      %dma_start3A_49 = arith.constant 0 : i32
      %dma_start3A_50 = tpu.memref_slice %arg2[%dma_start3A_48, %dma_start3A_49] : memref<10000x128xf32, #tpu.memory_space<hbm>> -> memref<10000x128xf32, #tpu.memory_space<hbm>>
      tpu.enqueue_indirect_dma source(%dma_start3A_50 : memref<10000x128xf32, #tpu.memory_space<hbm>>) target(%arg7 : memref<128x128xf32, #tpu.memory_space<vmem>>) offsets(%dma_start3A_47 : memref<128xi32, #tpu.memory_space<vmem>>) semaphore(%arg11 : memref<!tpu.dma_semaphore, #tpu.memory_space<semaphore_mem>>)
      %dma_start3A_51 = arith.constant 2 : i32
      %dma_start3A_52 = arith.constant 0 : i32
      %dma_start3A_53 = tpu.memref_slice %arg5[%dma_start3A_51, %dma_start3A_52] : memref<12x128xi32, #tpu.memory_space<vmem>> -> memref<1x128xi32, #tpu.memory_space<vmem>>
      %dma_start3A_54 = tpu.memref_squeeze %dma_start3A_53 : memref<1x128xi32, #tpu.memory_space<vmem>> -> memref<128xi32, #tpu.memory_space<vmem>>
      %dma_start3A_55 = arith.constant 0 : i32
      %dma_start3A_56 = arith.constant 0 : i32
      %dma_start3A_57 = tpu.memref_slice %arg2[%dma_start3A_55, %dma_start3A_56] : memref<10000x128xf32, #tpu.memory_space<hbm>> -> memref<10000x128xf32, #tpu.memory_space<hbm>>
      tpu.enqueue_indirect_dma source(%dma_start3A_57 : memref<10000x128xf32, #tpu.memory_space<hbm>>) target(%arg8 : memref<128x128xf32, #tpu.memory_space<vmem>>) offsets(%dma_start3A_54 : memref<128xi32, #tpu.memory_space<vmem>>) semaphore(%arg12 : memref<!tpu.dma_semaphore, #tpu.memory_space<semaphore_mem>>)
      %dma_start3A_58 = arith.constant 3 : i32
      %dma_start3A_59 = arith.constant 0 : i32
      %dma_start3A_60 = tpu.memref_slice %arg5[%dma_start3A_58, %dma_start3A_59] : memref<12x128xi32, #tpu.memory_space<vmem>> -> memref<1x128xi32, #tpu.memory_space<vmem>>
      %dma_start3A_61 = tpu.memref_squeeze %dma_start3A_60 : memref<1x128xi32, #tpu.memory_space<vmem>> -> memref<128xi32, #tpu.memory_space<vmem>>
      %dma_start3A_62 = arith.constant 0 : i32
      %dma_start3A_63 = arith.constant 0 : i32
      %dma_start3A_64 = tpu.memref_slice %arg2[%dma_start3A_62, %dma_start3A_63] : memref<10000x128xf32, #tpu.memory_space<hbm>> -> memref<10000x128xf32, #tpu.memory_space<hbm>>
      tpu.enqueue_indirect_dma source(%dma_start3A_64 : memref<10000x128xf32, #tpu.memory_space<hbm>>) target(%arg9 : memref<128x128xf32, #tpu.memory_space<vmem>>) offsets(%dma_start3A_61 : memref<128xi32, #tpu.memory_space<vmem>>) semaphore(%arg13 : memref<!tpu.dma_semaphore, #tpu.memory_space<semaphore_mem>>)
    } else {
    }
    %jit3A_9 = arith.constant 4 : i32
    %div3A = arith.divsi %select_n3A_6, %jit3A_9 : i32
    %sign3A = arith.constant 0 : i32
    %sign3A_10 = arith.cmpi sgt, %select_n3A_6, %sign3A : i32
    %sign3A_11 = arith.extui %sign3A_10 : i1 to i32
    %sign3A_12 = arith.constant 0 : i32
    %sign3A_13 = arith.cmpi slt, %select_n3A_6, %sign3A_12 : i32
    %sign3A_14 = arith.extui %sign3A_13 : i1 to i32
    %sign3A_15 = arith.subi %sign3A_11, %sign3A_14 : i32
    %sign3A_16 = arith.constant 0 : i32
    %sign3A_17 = arith.cmpi sgt, %jit3A_9, %sign3A_16 : i32
    %sign3A_18 = arith.extui %sign3A_17 : i1 to i32
    %sign3A_19 = arith.constant 0 : i32
    %sign3A_20 = arith.cmpi slt, %jit3A_9, %sign3A_19 : i32
    %sign3A_21 = arith.extui %sign3A_20 : i1 to i32
    %sign3A_22 = arith.subi %sign3A_18, %sign3A_21 : i32
    %ne3A = arith.cmpi ne, %sign3A_15, %sign3A_22 : i32
    %rem3A = arith.remsi %select_n3A_6, %jit3A_9 : i32
    %ne3A_23 = arith.constant 0 : i32
    %ne3A_24 = arith.cmpi ne, %rem3A, %ne3A_23 : i32
    %and3A = arith.andi %ne3A, %ne3A_24 : i1
    %sub3A = arith.constant 1 : i32
    %sub3A_25 = arith.subi %div3A, %sub3A : i32
    %select_n3A_26 = arith.select %and3A, %sub3A_25, %div3A : i32
    %while3A = arith.constant 0 : i32
    %while3A_27 = arith.constant 0 : i32
    %while3A_28 = arith.subi %select_n3A_26, %while3A : i32
    %while3A_29 = arith.addi %while3A, %while3A_28 : i32
    %while3A_30 = arith.constant 1 : i32
    %while3A_31 = arith.divsi %while3A_28, %while3A_30 : i32
    %while3A_32 = arith.muli %while3A_31, %while3A_30 : i32
    %while3A_33 = arith.addi %while3A, %while3A_32 : i32
    %while3A_34 = arith.constant 1 : i32
    %while3A_35 = scf.for %while3A_38 = %while3A to %while3A_33 step %while3A_34 iter_args(%while3A_39 = %while3A_27) -> (i32)  : i32 {
      %mul3A_40 = arith.constant 4 : i32
      %mul3A_41 = arith.muli %while3A_38, %mul3A_40 : i32
      %add3A_42 = arith.constant 0 : i32
      %add3A_43 = arith.addi %mul3A_41, %add3A_42 : i32
      %dma_wait3A = arith.constant 0 : i32
      %dma_wait3A_44 = tpu.memref_slice %arg5[%add3A_43, %dma_wait3A] : memref<12x128xi32, #tpu.memory_space<vmem>> -> memref<1x128xi32, #tpu.memory_space<vmem>>
      %dma_wait3A_45 = tpu.memref_squeeze %dma_wait3A_44 : memref<1x128xi32, #tpu.memory_space<vmem>> -> memref<128xi32, #tpu.memory_space<vmem>>
      %dma_wait3A_46 = arith.constant 0 : i32
      %dma_wait3A_47 = arith.constant 0 : i32
      %dma_wait3A_48 = tpu.memref_slice %arg2[%dma_wait3A_46, %dma_wait3A_47] : memref<10000x128xf32, #tpu.memory_space<hbm>> -> memref<10000x128xf32, #tpu.memory_space<hbm>>
      tpu.wait_indirect_dma semaphore(%arg10 : memref<!tpu.dma_semaphore, #tpu.memory_space<semaphore_mem>>) src(%dma_wait3A_48 : memref<10000x128xf32, #tpu.memory_space<hbm>>) dst(%arg6 : memref<128x128xf32, #tpu.memory_space<vmem>>)
      %add3A_49 = arith.addi %select_n3A, %add3A_43 : i32
      %dma_start3A = arith.constant 0 : i32
      %dma_start3A_50 = arith.constant 0 : i32
      %dma_start3A_51 = tpu.memref_slice %arg4[%add3A_49, %dma_start3A, %dma_start3A_50] : memref<256x128x128xf32, #tpu.memory_space<hbm>> -> memref<1x128x128xf32, #tpu.memory_space<hbm>>
      %dma_start3A_52 = tpu.memref_squeeze %dma_start3A_51 : memref<1x128x128xf32, #tpu.memory_space<hbm>> -> memref<128x128xf32, #tpu.memory_space<hbm>>
      %dma_start3A_53 = arith.constant 0 : i32
      %dma_start3A_54 = arith.constant 0 : i32
      %dma_start3A_55 = tpu.memref_slice %arg4[%add3A_49, %dma_start3A_53, %dma_start3A_54] : memref<256x128x128xf32, #tpu.memory_space<hbm>> -> memref<1x128x128xf32, #tpu.memory_space<hbm>>
      %dma_start3A_56 = tpu.memref_squeeze %dma_start3A_55 : memref<1x128x128xf32, #tpu.memory_space<hbm>> -> memref<128x128xf32, #tpu.memory_space<hbm>>
      tpu.enqueue_dma source(%arg6 : memref<128x128xf32, #tpu.memory_space<vmem>>) target(%dma_start3A_56 : memref<128x128xf32, #tpu.memory_space<hbm>>) target_semaphore(%arg14 : memref<!tpu.dma_semaphore, #tpu.memory_space<semaphore_mem>>)
      %add3A_57 = arith.addi %select_n3A, %add3A_43 : i32
      %dma_wait3A_58 = arith.constant 0 : i32
      %dma_wait3A_59 = arith.constant 0 : i32
      %dma_wait3A_60 = tpu.memref_slice %arg4[%add3A_57, %dma_wait3A_58, %dma_wait3A_59] : memref<256x128x128xf32, #tpu.memory_space<hbm>> -> memref<1x128x128xf32, #tpu.memory_space<hbm>>
      %dma_wait3A_61 = tpu.memref_squeeze %dma_wait3A_60 : memref<1x128x128xf32, #tpu.memory_space<hbm>> -> memref<128x128xf32, #tpu.memory_space<hbm>>
      %dma_wait3A_62 = arith.constant 0 : i32
      %dma_wait3A_63 = arith.constant 0 : i32
      %dma_wait3A_64 = tpu.memref_slice %arg4[%add3A_57, %dma_wait3A_62, %dma_wait3A_63] : memref<256x128x128xf32, #tpu.memory_space<hbm>> -> memref<1x128x128xf32, #tpu.memory_space<hbm>>
      %dma_wait3A_65 = tpu.memref_squeeze %dma_wait3A_64 : memref<1x128x128xf32, #tpu.memory_space<hbm>> -> memref<128x128xf32, #tpu.memory_space<hbm>>
      tpu.wait_dma2 semaphore(%arg14 : memref<!tpu.dma_semaphore, #tpu.memory_space<semaphore_mem>>) src(%arg6 : memref<128x128xf32, #tpu.memory_space<vmem>>) dst(%dma_wait3A_65 : memref<128x128xf32, #tpu.memory_space<hbm>>)
      %add3A_66 = arith.constant 4 : i32
      %add3A_67 = arith.addi %add3A_43, %add3A_66 : i32
      %lt3A = arith.cmpi slt, %add3A_67, %select_n3A_6 : i32
      %convert_element_type3A_68 = arith.extui %lt3A : i1 to i32
      %cond3A_69 = arith.constant 0 : i32
      %cond3A_70 = arith.cmpi ne, %convert_element_type3A_68, %cond3A_69 : i32
      scf.if %cond3A_70 {
        %add3A_168 = arith.constant 4 : i32
        %add3A_169 = arith.addi %add3A_43, %add3A_168 : i32
        %dma_start3A_170 = arith.constant 0 : i32
        %dma_start3A_171 = tpu.memref_slice %arg5[%add3A_169, %dma_start3A_170] : memref<12x128xi32, #tpu.memory_space<vmem>> -> memref<1x128xi32, #tpu.memory_space<vmem>>
        %dma_start3A_172 = tpu.memref_squeeze %dma_start3A_171 : memref<1x128xi32, #tpu.memory_space<vmem>> -> memref<128xi32, #tpu.memory_space<vmem>>
        %dma_start3A_173 = arith.constant 0 : i32
        %dma_start3A_174 = arith.constant 0 : i32
        %dma_start3A_175 = tpu.memref_slice %arg2[%dma_start3A_173, %dma_start3A_174] : memref<10000x128xf32, #tpu.memory_space<hbm>> -> memref<10000x128xf32, #tpu.memory_space<hbm>>
        tpu.enqueue_indirect_dma source(%dma_start3A_175 : memref<10000x128xf32, #tpu.memory_space<hbm>>) target(%arg6 : memref<128x128xf32, #tpu.memory_space<vmem>>) offsets(%dma_start3A_172 : memref<128xi32, #tpu.memory_space<vmem>>) semaphore(%arg10 : memref<!tpu.dma_semaphore, #tpu.memory_space<semaphore_mem>>)
      } else {
      }
      %add3A_71 = arith.constant 1 : i32
      %add3A_72 = arith.addi %mul3A_41, %add3A_71 : i32
      %dma_wait3A_73 = arith.constant 0 : i32
      %dma_wait3A_74 = tpu.memref_slice %arg5[%add3A_72, %dma_wait3A_73] : memref<12x128xi32, #tpu.memory_space<vmem>> -> memref<1x128xi32, #tpu.memory_space<vmem>>
      %dma_wait3A_75 = tpu.memref_squeeze %dma_wait3A_74 : memref<1x128xi32, #tpu.memory_space<vmem>> -> memref<128xi32, #tpu.memory_space<vmem>>
      %dma_wait3A_76 = arith.constant 0 : i32
      %dma_wait3A_77 = arith.constant 0 : i32
      %dma_wait3A_78 = tpu.memref_slice %arg2[%dma_wait3A_76, %dma_wait3A_77] : memref<10000x128xf32, #tpu.memory_space<hbm>> -> memref<10000x128xf32, #tpu.memory_space<hbm>>
      tpu.wait_indirect_dma semaphore(%arg11 : memref<!tpu.dma_semaphore, #tpu.memory_space<semaphore_mem>>) src(%dma_wait3A_78 : memref<10000x128xf32, #tpu.memory_space<hbm>>) dst(%arg7 : memref<128x128xf32, #tpu.memory_space<vmem>>)
      %add3A_79 = arith.addi %select_n3A, %add3A_72 : i32
      %dma_start3A_80 = arith.constant 0 : i32
      %dma_start3A_81 = arith.constant 0 : i32
      %dma_start3A_82 = tpu.memref_slice %arg4[%add3A_79, %dma_start3A_80, %dma_start3A_81] : memref<256x128x128xf32, #tpu.memory_space<hbm>> -> memref<1x128x128xf32, #tpu.memory_space<hbm>>
      %dma_start3A_83 = tpu.memref_squeeze %dma_start3A_82 : memref<1x128x128xf32, #tpu.memory_space<hbm>> -> memref<128x128xf32, #tpu.memory_space<hbm>>
      %dma_start3A_84 = arith.constant 0 : i32
      %dma_start3A_85 = arith.constant 0 : i32
      %dma_start3A_86 = tpu.memref_slice %arg4[%add3A_79, %dma_start3A_84, %dma_start3A_85] : memref<256x128x128xf32, #tpu.memory_space<hbm>> -> memref<1x128x128xf32, #tpu.memory_space<hbm>>
      %dma_start3A_87 = tpu.memref_squeeze %dma_start3A_86 : memref<1x128x128xf32, #tpu.memory_space<hbm>> -> memref<128x128xf32, #tpu.memory_space<hbm>>
      tpu.enqueue_dma source(%arg7 : memref<128x128xf32, #tpu.memory_space<vmem>>) target(%dma_start3A_87 : memref<128x128xf32, #tpu.memory_space<hbm>>) target_semaphore(%arg15 : memref<!tpu.dma_semaphore, #tpu.memory_space<semaphore_mem>>)
      %add3A_88 = arith.addi %select_n3A, %add3A_72 : i32
      %dma_wait3A_89 = arith.constant 0 : i32
      %dma_wait3A_90 = arith.constant 0 : i32
      %dma_wait3A_91 = tpu.memref_slice %arg4[%add3A_88, %dma_wait3A_89, %dma_wait3A_90] : memref<256x128x128xf32, #tpu.memory_space<hbm>> -> memref<1x128x128xf32, #tpu.memory_space<hbm>>
      %dma_wait3A_92 = tpu.memref_squeeze %dma_wait3A_91 : memref<1x128x128xf32, #tpu.memory_space<hbm>> -> memref<128x128xf32, #tpu.memory_space<hbm>>
      %dma_wait3A_93 = arith.constant 0 : i32
      %dma_wait3A_94 = arith.constant 0 : i32
      %dma_wait3A_95 = tpu.memref_slice %arg4[%add3A_88, %dma_wait3A_93, %dma_wait3A_94] : memref<256x128x128xf32, #tpu.memory_space<hbm>> -> memref<1x128x128xf32, #tpu.memory_space<hbm>>
      %dma_wait3A_96 = tpu.memref_squeeze %dma_wait3A_95 : memref<1x128x128xf32, #tpu.memory_space<hbm>> -> memref<128x128xf32, #tpu.memory_space<hbm>>
      tpu.wait_dma2 semaphore(%arg15 : memref<!tpu.dma_semaphore, #tpu.memory_space<semaphore_mem>>) src(%arg7 : memref<128x128xf32, #tpu.memory_space<vmem>>) dst(%dma_wait3A_96 : memref<128x128xf32, #tpu.memory_space<hbm>>)
      %add3A_97 = arith.constant 4 : i32
      %add3A_98 = arith.addi %add3A_72, %add3A_97 : i32
      %lt3A_99 = arith.cmpi slt, %add3A_98, %select_n3A_6 : i32
      %convert_element_type3A_100 = arith.extui %lt3A_99 : i1 to i32
      %cond3A_101 = arith.constant 0 : i32
      %cond3A_102 = arith.cmpi ne, %convert_element_type3A_100, %cond3A_101 : i32
      scf.if %cond3A_102 {
        %add3A_168 = arith.constant 4 : i32
        %add3A_169 = arith.addi %add3A_72, %add3A_168 : i32
        %dma_start3A_170 = arith.constant 0 : i32
        %dma_start3A_171 = tpu.memref_slice %arg5[%add3A_169, %dma_start3A_170] : memref<12x128xi32, #tpu.memory_space<vmem>> -> memref<1x128xi32, #tpu.memory_space<vmem>>
        %dma_start3A_172 = tpu.memref_squeeze %dma_start3A_171 : memref<1x128xi32, #tpu.memory_space<vmem>> -> memref<128xi32, #tpu.memory_space<vmem>>
        %dma_start3A_173 = arith.constant 0 : i32
        %dma_start3A_174 = arith.constant 0 : i32
        %dma_start3A_175 = tpu.memref_slice %arg2[%dma_start3A_173, %dma_start3A_174] : memref<10000x128xf32, #tpu.memory_space<hbm>> -> memref<10000x128xf32, #tpu.memory_space<hbm>>
        tpu.enqueue_indirect_dma source(%dma_start3A_175 : memref<10000x128xf32, #tpu.memory_space<hbm>>) target(%arg7 : memref<128x128xf32, #tpu.memory_space<vmem>>) offsets(%dma_start3A_172 : memref<128xi32, #tpu.memory_space<vmem>>) semaphore(%arg11 : memref<!tpu.dma_semaphore, #tpu.memory_space<semaphore_mem>>)
      } else {
      }
      %add3A_103 = arith.constant 2 : i32
      %add3A_104 = arith.addi %mul3A_41, %add3A_103 : i32
      %dma_wait3A_105 = arith.constant 0 : i32
      %dma_wait3A_106 = tpu.memref_slice %arg5[%add3A_104, %dma_wait3A_105] : memref<12x128xi32, #tpu.memory_space<vmem>> -> memref<1x128xi32, #tpu.memory_space<vmem>>
      %dma_wait3A_107 = tpu.memref_squeeze %dma_wait3A_106 : memref<1x128xi32, #tpu.memory_space<vmem>> -> memref<128xi32, #tpu.memory_space<vmem>>
      %dma_wait3A_108 = arith.constant 0 : i32
      %dma_wait3A_109 = arith.constant 0 : i32
      %dma_wait3A_110 = tpu.memref_slice %arg2[%dma_wait3A_108, %dma_wait3A_109] : memref<10000x128xf32, #tpu.memory_space<hbm>> -> memref<10000x128xf32, #tpu.memory_space<hbm>>
      tpu.wait_indirect_dma semaphore(%arg12 : memref<!tpu.dma_semaphore, #tpu.memory_space<semaphore_mem>>) src(%dma_wait3A_110 : memref<10000x128xf32, #tpu.memory_space<hbm>>) dst(%arg8 : memref<128x128xf32, #tpu.memory_space<vmem>>)
      %add3A_111 = arith.addi %select_n3A, %add3A_104 : i32
      %dma_start3A_112 = arith.constant 0 : i32
      %dma_start3A_113 = arith.constant 0 : i32
      %dma_start3A_114 = tpu.memref_slice %arg4[%add3A_111, %dma_start3A_112, %dma_start3A_113] : memref<256x128x128xf32, #tpu.memory_space<hbm>> -> memref<1x128x128xf32, #tpu.memory_space<hbm>>
      %dma_start3A_115 = tpu.memref_squeeze %dma_start3A_114 : memref<1x128x128xf32, #tpu.memory_space<hbm>> -> memref<128x128xf32, #tpu.memory_space<hbm>>
      %dma_start3A_116 = arith.constant 0 : i32
      %dma_start3A_117 = arith.constant 0 : i32
      %dma_start3A_118 = tpu.memref_slice %arg4[%add3A_111, %dma_start3A_116, %dma_start3A_117] : memref<256x128x128xf32, #tpu.memory_space<hbm>> -> memref<1x128x128xf32, #tpu.memory_space<hbm>>
      %dma_start3A_119 = tpu.memref_squeeze %dma_start3A_118 : memref<1x128x128xf32, #tpu.memory_space<hbm>> -> memref<128x128xf32, #tpu.memory_space<hbm>>
      tpu.enqueue_dma source(%arg8 : memref<128x128xf32, #tpu.memory_space<vmem>>) target(%dma_start3A_119 : memref<128x128xf32, #tpu.memory_space<hbm>>) target_semaphore(%arg16 : memref<!tpu.dma_semaphore, #tpu.memory_space<semaphore_mem>>)
      %add3A_120 = arith.addi %select_n3A, %add3A_104 : i32
      %dma_wait3A_121 = arith.constant 0 : i32
      %dma_wait3A_122 = arith.constant 0 : i32
      %dma_wait3A_123 = tpu.memref_slice %arg4[%add3A_120, %dma_wait3A_121, %dma_wait3A_122] : memref<256x128x128xf32, #tpu.memory_space<hbm>> -> memref<1x128x128xf32, #tpu.memory_space<hbm>>
      %dma_wait3A_124 = tpu.memref_squeeze %dma_wait3A_123 : memref<1x128x128xf32, #tpu.memory_space<hbm>> -> memref<128x128xf32, #tpu.memory_space<hbm>>
      %dma_wait3A_125 = arith.constant 0 : i32
      %dma_wait3A_126 = arith.constant 0 : i32
      %dma_wait3A_127 = tpu.memref_slice %arg4[%add3A_120, %dma_wait3A_125, %dma_wait3A_126] : memref<256x128x128xf32, #tpu.memory_space<hbm>> -> memref<1x128x128xf32, #tpu.memory_space<hbm>>
      %dma_wait3A_128 = tpu.memref_squeeze %dma_wait3A_127 : memref<1x128x128xf32, #tpu.memory_space<hbm>> -> memref<128x128xf32, #tpu.memory_space<hbm>>
      tpu.wait_dma2 semaphore(%arg16 : memref<!tpu.dma_semaphore, #tpu.memory_space<semaphore_mem>>) src(%arg8 : memref<128x128xf32, #tpu.memory_space<vmem>>) dst(%dma_wait3A_128 : memref<128x128xf32, #tpu.memory_space<hbm>>)
      %add3A_129 = arith.constant 4 : i32
      %add3A_130 = arith.addi %add3A_104, %add3A_129 : i32
      %lt3A_131 = arith.cmpi slt, %add3A_130, %select_n3A_6 : i32
      %convert_element_type3A_132 = arith.extui %lt3A_131 : i1 to i32
      %cond3A_133 = arith.constant 0 : i32
      %cond3A_134 = arith.cmpi ne, %convert_element_type3A_132, %cond3A_133 : i32
      scf.if %cond3A_134 {
        %add3A_168 = arith.constant 4 : i32
        %add3A_169 = arith.addi %add3A_104, %add3A_168 : i32
        %dma_start3A_170 = arith.constant 0 : i32
        %dma_start3A_171 = tpu.memref_slice %arg5[%add3A_169, %dma_start3A_170] : memref<12x128xi32, #tpu.memory_space<vmem>> -> memref<1x128xi32, #tpu.memory_space<vmem>>
        %dma_start3A_172 = tpu.memref_squeeze %dma_start3A_171 : memref<1x128xi32, #tpu.memory_space<vmem>> -> memref<128xi32, #tpu.memory_space<vmem>>
        %dma_start3A_173 = arith.constant 0 : i32
        %dma_start3A_174 = arith.constant 0 : i32
        %dma_start3A_175 = tpu.memref_slice %arg2[%dma_start3A_173, %dma_start3A_174] : memref<10000x128xf32, #tpu.memory_space<hbm>> -> memref<10000x128xf32, #tpu.memory_space<hbm>>
        tpu.enqueue_indirect_dma source(%dma_start3A_175 : memref<10000x128xf32, #tpu.memory_space<hbm>>) target(%arg8 : memref<128x128xf32, #tpu.memory_space<vmem>>) offsets(%dma_start3A_172 : memref<128xi32, #tpu.memory_space<vmem>>) semaphore(%arg12 : memref<!tpu.dma_semaphore, #tpu.memory_space<semaphore_mem>>)
      } else {
      }
      %add3A_135 = arith.constant 3 : i32
      %add3A_136 = arith.addi %mul3A_41, %add3A_135 : i32
      %dma_wait3A_137 = arith.constant 0 : i32
      %dma_wait3A_138 = tpu.memref_slice %arg5[%add3A_136, %dma_wait3A_137] : memref<12x128xi32, #tpu.memory_space<vmem>> -> memref<1x128xi32, #tpu.memory_space<vmem>>
      %dma_wait3A_139 = tpu.memref_squeeze %dma_wait3A_138 : memref<1x128xi32, #tpu.memory_space<vmem>> -> memref<128xi32, #tpu.memory_space<vmem>>
      %dma_wait3A_140 = arith.constant 0 : i32
      %dma_wait3A_141 = arith.constant 0 : i32
      %dma_wait3A_142 = tpu.memref_slice %arg2[%dma_wait3A_140, %dma_wait3A_141] : memref<10000x128xf32, #tpu.memory_space<hbm>> -> memref<10000x128xf32, #tpu.memory_space<hbm>>
      tpu.wait_indirect_dma semaphore(%arg13 : memref<!tpu.dma_semaphore, #tpu.memory_space<semaphore_mem>>) src(%dma_wait3A_142 : memref<10000x128xf32, #tpu.memory_space<hbm>>) dst(%arg9 : memref<128x128xf32, #tpu.memory_space<vmem>>)
      %add3A_143 = arith.addi %select_n3A, %add3A_136 : i32
      %dma_start3A_144 = arith.constant 0 : i32
      %dma_start3A_145 = arith.constant 0 : i32
      %dma_start3A_146 = tpu.memref_slice %arg4[%add3A_143, %dma_start3A_144, %dma_start3A_145] : memref<256x128x128xf32, #tpu.memory_space<hbm>> -> memref<1x128x128xf32, #tpu.memory_space<hbm>>
      %dma_start3A_147 = tpu.memref_squeeze %dma_start3A_146 : memref<1x128x128xf32, #tpu.memory_space<hbm>> -> memref<128x128xf32, #tpu.memory_space<hbm>>
      %dma_start3A_148 = arith.constant 0 : i32
      %dma_start3A_149 = arith.constant 0 : i32
      %dma_start3A_150 = tpu.memref_slice %arg4[%add3A_143, %dma_start3A_148, %dma_start3A_149] : memref<256x128x128xf32, #tpu.memory_space<hbm>> -> memref<1x128x128xf32, #tpu.memory_space<hbm>>
      %dma_start3A_151 = tpu.memref_squeeze %dma_start3A_150 : memref<1x128x128xf32, #tpu.memory_space<hbm>> -> memref<128x128xf32, #tpu.memory_space<hbm>>
      tpu.enqueue_dma source(%arg9 : memref<128x128xf32, #tpu.memory_space<vmem>>) target(%dma_start3A_151 : memref<128x128xf32, #tpu.memory_space<hbm>>) target_semaphore(%arg17 : memref<!tpu.dma_semaphore, #tpu.memory_space<semaphore_mem>>)
      %add3A_152 = arith.addi %select_n3A, %add3A_136 : i32
      %dma_wait3A_153 = arith.constant 0 : i32
      %dma_wait3A_154 = arith.constant 0 : i32
      %dma_wait3A_155 = tpu.memref_slice %arg4[%add3A_152, %dma_wait3A_153, %dma_wait3A_154] : memref<256x128x128xf32, #tpu.memory_space<hbm>> -> memref<1x128x128xf32, #tpu.memory_space<hbm>>
      %dma_wait3A_156 = tpu.memref_squeeze %dma_wait3A_155 : memref<1x128x128xf32, #tpu.memory_space<hbm>> -> memref<128x128xf32, #tpu.memory_space<hbm>>
      %dma_wait3A_157 = arith.constant 0 : i32
      %dma_wait3A_158 = arith.constant 0 : i32
      %dma_wait3A_159 = tpu.memref_slice %arg4[%add3A_152, %dma_wait3A_157, %dma_wait3A_158] : memref<256x128x128xf32, #tpu.memory_space<hbm>> -> memref<1x128x128xf32, #tpu.memory_space<hbm>>
      %dma_wait3A_160 = tpu.memref_squeeze %dma_wait3A_159 : memref<1x128x128xf32, #tpu.memory_space<hbm>> -> memref<128x128xf32, #tpu.memory_space<hbm>>
      tpu.wait_dma2 semaphore(%arg17 : memref<!tpu.dma_semaphore, #tpu.memory_space<semaphore_mem>>) src(%arg9 : memref<128x128xf32, #tpu.memory_space<vmem>>) dst(%dma_wait3A_160 : memref<128x128xf32, #tpu.memory_space<hbm>>)
      %add3A_161 = arith.constant 4 : i32
      %add3A_162 = arith.addi %add3A_136, %add3A_161 : i32
      %lt3A_163 = arith.cmpi slt, %add3A_162, %select_n3A_6 : i32
      %convert_element_type3A_164 = arith.extui %lt3A_163 : i1 to i32
      %cond3A_165 = arith.constant 0 : i32
      %cond3A_166 = arith.cmpi ne, %convert_element_type3A_164, %cond3A_165 : i32
      scf.if %cond3A_166 {
        %add3A_168 = arith.constant 4 : i32
        %add3A_169 = arith.addi %add3A_136, %add3A_168 : i32
        %dma_start3A_170 = arith.constant 0 : i32
        %dma_start3A_171 = tpu.memref_slice %arg5[%add3A_169, %dma_start3A_170] : memref<12x128xi32, #tpu.memory_space<vmem>> -> memref<1x128xi32, #tpu.memory_space<vmem>>
        %dma_start3A_172 = tpu.memref_squeeze %dma_start3A_171 : memref<1x128xi32, #tpu.memory_space<vmem>> -> memref<128xi32, #tpu.memory_space<vmem>>
        %dma_start3A_173 = arith.constant 0 : i32
        %dma_start3A_174 = arith.constant 0 : i32
        %dma_start3A_175 = tpu.memref_slice %arg2[%dma_start3A_173, %dma_start3A_174] : memref<10000x128xf32, #tpu.memory_space<hbm>> -> memref<10000x128xf32, #tpu.memory_space<hbm>>
        tpu.enqueue_indirect_dma source(%dma_start3A_175 : memref<10000x128xf32, #tpu.memory_space<hbm>>) target(%arg9 : memref<128x128xf32, #tpu.memory_space<vmem>>) offsets(%dma_start3A_172 : memref<128xi32, #tpu.memory_space<vmem>>) semaphore(%arg13 : memref<!tpu.dma_semaphore, #tpu.memory_space<semaphore_mem>>)
      } else {
      }
      %while3A_167 = arith.constant 0 : i32
      scf.yield %while3A_167 : i32
    }
    %while3A_36 = arith.constant 1 : i32
    %while3A_37 = scf.for %while3A_38 = %while3A_33 to %while3A_29 step %while3A_36 iter_args(%while3A_39 = %while3A_35) -> (i32)  : i32 {
      %mul3A_40 = arith.constant 4 : i32
      %mul3A_41 = arith.muli %while3A_38, %mul3A_40 : i32
      %add3A_42 = arith.constant 0 : i32
      %add3A_43 = arith.addi %mul3A_41, %add3A_42 : i32
      %dma_wait3A = arith.constant 0 : i32
      %dma_wait3A_44 = tpu.memref_slice %arg5[%add3A_43, %dma_wait3A] : memref<12x128xi32, #tpu.memory_space<vmem>> -> memref<1x128xi32, #tpu.memory_space<vmem>>
      %dma_wait3A_45 = tpu.memref_squeeze %dma_wait3A_44 : memref<1x128xi32, #tpu.memory_space<vmem>> -> memref<128xi32, #tpu.memory_space<vmem>>
      %dma_wait3A_46 = arith.constant 0 : i32
      %dma_wait3A_47 = arith.constant 0 : i32
      %dma_wait3A_48 = tpu.memref_slice %arg2[%dma_wait3A_46, %dma_wait3A_47] : memref<10000x128xf32, #tpu.memory_space<hbm>> -> memref<10000x128xf32, #tpu.memory_space<hbm>>
      tpu.wait_indirect_dma semaphore(%arg10 : memref<!tpu.dma_semaphore, #tpu.memory_space<semaphore_mem>>) src(%dma_wait3A_48 : memref<10000x128xf32, #tpu.memory_space<hbm>>) dst(%arg6 : memref<128x128xf32, #tpu.memory_space<vmem>>)
      %add3A_49 = arith.addi %select_n3A, %add3A_43 : i32
      %dma_start3A = arith.constant 0 : i32
      %dma_start3A_50 = arith.constant 0 : i32
      %dma_start3A_51 = tpu.memref_slice %arg4[%add3A_49, %dma_start3A, %dma_start3A_50] : memref<256x128x128xf32, #tpu.memory_space<hbm>> -> memref<1x128x128xf32, #tpu.memory_space<hbm>>
      %dma_start3A_52 = tpu.memref_squeeze %dma_start3A_51 : memref<1x128x128xf32, #tpu.memory_space<hbm>> -> memref<128x128xf32, #tpu.memory_space<hbm>>
      %dma_start3A_53 = arith.constant 0 : i32
      %dma_start3A_54 = arith.constant 0 : i32
      %dma_start3A_55 = tpu.memref_slice %arg4[%add3A_49, %dma_start3A_53, %dma_start3A_54] : memref<256x128x128xf32, #tpu.memory_space<hbm>> -> memref<1x128x128xf32, #tpu.memory_space<hbm>>
      %dma_start3A_56 = tpu.memref_squeeze %dma_start3A_55 : memref<1x128x128xf32, #tpu.memory_space<hbm>> -> memref<128x128xf32, #tpu.memory_space<hbm>>
      tpu.enqueue_dma source(%arg6 : memref<128x128xf32, #tpu.memory_space<vmem>>) target(%dma_start3A_56 : memref<128x128xf32, #tpu.memory_space<hbm>>) target_semaphore(%arg14 : memref<!tpu.dma_semaphore, #tpu.memory_space<semaphore_mem>>)
      %add3A_57 = arith.addi %select_n3A, %add3A_43 : i32
      %dma_wait3A_58 = arith.constant 0 : i32
      %dma_wait3A_59 = arith.constant 0 : i32
      %dma_wait3A_60 = tpu.memref_slice %arg4[%add3A_57, %dma_wait3A_58, %dma_wait3A_59] : memref<256x128x128xf32, #tpu.memory_space<hbm>> -> memref<1x128x128xf32, #tpu.memory_space<hbm>>
      %dma_wait3A_61 = tpu.memref_squeeze %dma_wait3A_60 : memref<1x128x128xf32, #tpu.memory_space<hbm>> -> memref<128x128xf32, #tpu.memory_space<hbm>>
      %dma_wait3A_62 = arith.constant 0 : i32
      %dma_wait3A_63 = arith.constant 0 : i32
      %dma_wait3A_64 = tpu.memref_slice %arg4[%add3A_57, %dma_wait3A_62, %dma_wait3A_63] : memref<256x128x128xf32, #tpu.memory_space<hbm>> -> memref<1x128x128xf32, #tpu.memory_space<hbm>>
      %dma_wait3A_65 = tpu.memref_squeeze %dma_wait3A_64 : memref<1x128x128xf32, #tpu.memory_space<hbm>> -> memref<128x128xf32, #tpu.memory_space<hbm>>
      tpu.wait_dma2 semaphore(%arg14 : memref<!tpu.dma_semaphore, #tpu.memory_space<semaphore_mem>>) src(%arg6 : memref<128x128xf32, #tpu.memory_space<vmem>>) dst(%dma_wait3A_65 : memref<128x128xf32, #tpu.memory_space<hbm>>)
      %add3A_66 = arith.constant 4 : i32
      %add3A_67 = arith.addi %add3A_43, %add3A_66 : i32
      %lt3A = arith.cmpi slt, %add3A_67, %select_n3A_6 : i32
      %convert_element_type3A_68 = arith.extui %lt3A : i1 to i32
      %cond3A_69 = arith.constant 0 : i32
      %cond3A_70 = arith.cmpi ne, %convert_element_type3A_68, %cond3A_69 : i32
      scf.if %cond3A_70 {
        %add3A_168 = arith.constant 4 : i32
        %add3A_169 = arith.addi %add3A_43, %add3A_168 : i32
        %dma_start3A_170 = arith.constant 0 : i32
        %dma_start3A_171 = tpu.memref_slice %arg5[%add3A_169, %dma_start3A_170] : memref<12x128xi32, #tpu.memory_space<vmem>> -> memref<1x128xi32, #tpu.memory_space<vmem>>
        %dma_start3A_172 = tpu.memref_squeeze %dma_start3A_171 : memref<1x128xi32, #tpu.memory_space<vmem>> -> memref<128xi32, #tpu.memory_space<vmem>>
        %dma_start3A_173 = arith.constant 0 : i32
        %dma_start3A_174 = arith.constant 0 : i32
        %dma_start3A_175 = tpu.memref_slice %arg2[%dma_start3A_173, %dma_start3A_174] : memref<10000x128xf32, #tpu.memory_space<hbm>> -> memref<10000x128xf32, #tpu.memory_space<hbm>>
        tpu.enqueue_indirect_dma source(%dma_start3A_175 : memref<10000x128xf32, #tpu.memory_space<hbm>>) target(%arg6 : memref<128x128xf32, #tpu.memory_space<vmem>>) offsets(%dma_start3A_172 : memref<128xi32, #tpu.memory_space<vmem>>) semaphore(%arg10 : memref<!tpu.dma_semaphore, #tpu.memory_space<semaphore_mem>>)
      } else {
      }
      %add3A_71 = arith.constant 1 : i32
      %add3A_72 = arith.addi %mul3A_41, %add3A_71 : i32
      %dma_wait3A_73 = arith.constant 0 : i32
      %dma_wait3A_74 = tpu.memref_slice %arg5[%add3A_72, %dma_wait3A_73] : memref<12x128xi32, #tpu.memory_space<vmem>> -> memref<1x128xi32, #tpu.memory_space<vmem>>
      %dma_wait3A_75 = tpu.memref_squeeze %dma_wait3A_74 : memref<1x128xi32, #tpu.memory_space<vmem>> -> memref<128xi32, #tpu.memory_space<vmem>>
      %dma_wait3A_76 = arith.constant 0 : i32
      %dma_wait3A_77 = arith.constant 0 : i32
      %dma_wait3A_78 = tpu.memref_slice %arg2[%dma_wait3A_76, %dma_wait3A_77] : memref<10000x128xf32, #tpu.memory_space<hbm>> -> memref<10000x128xf32, #tpu.memory_space<hbm>>
      tpu.wait_indirect_dma semaphore(%arg11 : memref<!tpu.dma_semaphore, #tpu.memory_space<semaphore_mem>>) src(%dma_wait3A_78 : memref<10000x128xf32, #tpu.memory_space<hbm>>) dst(%arg7 : memref<128x128xf32, #tpu.memory_space<vmem>>)
      %add3A_79 = arith.addi %select_n3A, %add3A_72 : i32
      %dma_start3A_80 = arith.constant 0 : i32
      %dma_start3A_81 = arith.constant 0 : i32
      %dma_start3A_82 = tpu.memref_slice %arg4[%add3A_79, %dma_start3A_80, %dma_start3A_81] : memref<256x128x128xf32, #tpu.memory_space<hbm>> -> memref<1x128x128xf32, #tpu.memory_space<hbm>>
      %dma_start3A_83 = tpu.memref_squeeze %dma_start3A_82 : memref<1x128x128xf32, #tpu.memory_space<hbm>> -> memref<128x128xf32, #tpu.memory_space<hbm>>
      %dma_start3A_84 = arith.constant 0 : i32
      %dma_start3A_85 = arith.constant 0 : i32
      %dma_start3A_86 = tpu.memref_slice %arg4[%add3A_79, %dma_start3A_84, %dma_start3A_85] : memref<256x128x128xf32, #tpu.memory_space<hbm>> -> memref<1x128x128xf32, #tpu.memory_space<hbm>>
      %dma_start3A_87 = tpu.memref_squeeze %dma_start3A_86 : memref<1x128x128xf32, #tpu.memory_space<hbm>> -> memref<128x128xf32, #tpu.memory_space<hbm>>
      tpu.enqueue_dma source(%arg7 : memref<128x128xf32, #tpu.memory_space<vmem>>) target(%dma_start3A_87 : memref<128x128xf32, #tpu.memory_space<hbm>>) target_semaphore(%arg15 : memref<!tpu.dma_semaphore, #tpu.memory_space<semaphore_mem>>)
      %add3A_88 = arith.addi %select_n3A, %add3A_72 : i32
      %dma_wait3A_89 = arith.constant 0 : i32
      %dma_wait3A_90 = arith.constant 0 : i32
      %dma_wait3A_91 = tpu.memref_slice %arg4[%add3A_88, %dma_wait3A_89, %dma_wait3A_90] : memref<256x128x128xf32, #tpu.memory_space<hbm>> -> memref<1x128x128xf32, #tpu.memory_space<hbm>>
      %dma_wait3A_92 = tpu.memref_squeeze %dma_wait3A_91 : memref<1x128x128xf32, #tpu.memory_space<hbm>> -> memref<128x128xf32, #tpu.memory_space<hbm>>
      %dma_wait3A_93 = arith.constant 0 : i32
      %dma_wait3A_94 = arith.constant 0 : i32
      %dma_wait3A_95 = tpu.memref_slice %arg4[%add3A_88, %dma_wait3A_93, %dma_wait3A_94] : memref<256x128x128xf32, #tpu.memory_space<hbm>> -> memref<1x128x128xf32, #tpu.memory_space<hbm>>
      %dma_wait3A_96 = tpu.memref_squeeze %dma_wait3A_95 : memref<1x128x128xf32, #tpu.memory_space<hbm>> -> memref<128x128xf32, #tpu.memory_space<hbm>>
      tpu.wait_dma2 semaphore(%arg15 : memref<!tpu.dma_semaphore, #tpu.memory_space<semaphore_mem>>) src(%arg7 : memref<128x128xf32, #tpu.memory_space<vmem>>) dst(%dma_wait3A_96 : memref<128x128xf32, #tpu.memory_space<hbm>>)
      %add3A_97 = arith.constant 4 : i32
      %add3A_98 = arith.addi %add3A_72, %add3A_97 : i32
      %lt3A_99 = arith.cmpi slt, %add3A_98, %select_n3A_6 : i32
      %convert_element_type3A_100 = arith.extui %lt3A_99 : i1 to i32
      %cond3A_101 = arith.constant 0 : i32
      %cond3A_102 = arith.cmpi ne, %convert_element_type3A_100, %cond3A_101 : i32
      scf.if %cond3A_102 {
        %add3A_168 = arith.constant 4 : i32
        %add3A_169 = arith.addi %add3A_72, %add3A_168 : i32
        %dma_start3A_170 = arith.constant 0 : i32
        %dma_start3A_171 = tpu.memref_slice %arg5[%add3A_169, %dma_start3A_170] : memref<12x128xi32, #tpu.memory_space<vmem>> -> memref<1x128xi32, #tpu.memory_space<vmem>>
        %dma_start3A_172 = tpu.memref_squeeze %dma_start3A_171 : memref<1x128xi32, #tpu.memory_space<vmem>> -> memref<128xi32, #tpu.memory_space<vmem>>
        %dma_start3A_173 = arith.constant 0 : i32
        %dma_start3A_174 = arith.constant 0 : i32
        %dma_start3A_175 = tpu.memref_slice %arg2[%dma_start3A_173, %dma_start3A_174] : memref<10000x128xf32, #tpu.memory_space<hbm>> -> memref<10000x128xf32, #tpu.memory_space<hbm>>
        tpu.enqueue_indirect_dma source(%dma_start3A_175 : memref<10000x128xf32, #tpu.memory_space<hbm>>) target(%arg7 : memref<128x128xf32, #tpu.memory_space<vmem>>) offsets(%dma_start3A_172 : memref<128xi32, #tpu.memory_space<vmem>>) semaphore(%arg11 : memref<!tpu.dma_semaphore, #tpu.memory_space<semaphore_mem>>)
      } else {
      }
      %add3A_103 = arith.constant 2 : i32
      %add3A_104 = arith.addi %mul3A_41, %add3A_103 : i32
      %dma_wait3A_105 = arith.constant 0 : i32
      %dma_wait3A_106 = tpu.memref_slice %arg5[%add3A_104, %dma_wait3A_105] : memref<12x128xi32, #tpu.memory_space<vmem>> -> memref<1x128xi32, #tpu.memory_space<vmem>>
      %dma_wait3A_107 = tpu.memref_squeeze %dma_wait3A_106 : memref<1x128xi32, #tpu.memory_space<vmem>> -> memref<128xi32, #tpu.memory_space<vmem>>
      %dma_wait3A_108 = arith.constant 0 : i32
      %dma_wait3A_109 = arith.constant 0 : i32
      %dma_wait3A_110 = tpu.memref_slice %arg2[%dma_wait3A_108, %dma_wait3A_109] : memref<10000x128xf32, #tpu.memory_space<hbm>> -> memref<10000x128xf32, #tpu.memory_space<hbm>>
      tpu.wait_indirect_dma semaphore(%arg12 : memref<!tpu.dma_semaphore, #tpu.memory_space<semaphore_mem>>) src(%dma_wait3A_110 : memref<10000x128xf32, #tpu.memory_space<hbm>>) dst(%arg8 : memref<128x128xf32, #tpu.memory_space<vmem>>)
      %add3A_111 = arith.addi %select_n3A, %add3A_104 : i32
      %dma_start3A_112 = arith.constant 0 : i32
      %dma_start3A_113 = arith.constant 0 : i32
      %dma_start3A_114 = tpu.memref_slice %arg4[%add3A_111, %dma_start3A_112, %dma_start3A_113] : memref<256x128x128xf32, #tpu.memory_space<hbm>> -> memref<1x128x128xf32, #tpu.memory_space<hbm>>
      %dma_start3A_115 = tpu.memref_squeeze %dma_start3A_114 : memref<1x128x128xf32, #tpu.memory_space<hbm>> -> memref<128x128xf32, #tpu.memory_space<hbm>>
      %dma_start3A_116 = arith.constant 0 : i32
      %dma_start3A_117 = arith.constant 0 : i32
      %dma_start3A_118 = tpu.memref_slice %arg4[%add3A_111, %dma_start3A_116, %dma_start3A_117] : memref<256x128x128xf32, #tpu.memory_space<hbm>> -> memref<1x128x128xf32, #tpu.memory_space<hbm>>
      %dma_start3A_119 = tpu.memref_squeeze %dma_start3A_118 : memref<1x128x128xf32, #tpu.memory_space<hbm>> -> memref<128x128xf32, #tpu.memory_space<hbm>>
      tpu.enqueue_dma source(%arg8 : memref<128x128xf32, #tpu.memory_space<vmem>>) target(%dma_start3A_119 : memref<128x128xf32, #tpu.memory_space<hbm>>) target_semaphore(%arg16 : memref<!tpu.dma_semaphore, #tpu.memory_space<semaphore_mem>>)
      %add3A_120 = arith.addi %select_n3A, %add3A_104 : i32
      %dma_wait3A_121 = arith.constant 0 : i32
      %dma_wait3A_122 = arith.constant 0 : i32
      %dma_wait3A_123 = tpu.memref_slice %arg4[%add3A_120, %dma_wait3A_121, %dma_wait3A_122] : memref<256x128x128xf32, #tpu.memory_space<hbm>> -> memref<1x128x128xf32, #tpu.memory_space<hbm>>
      %dma_wait3A_124 = tpu.memref_squeeze %dma_wait3A_123 : memref<1x128x128xf32, #tpu.memory_space<hbm>> -> memref<128x128xf32, #tpu.memory_space<hbm>>
      %dma_wait3A_125 = arith.constant 0 : i32
      %dma_wait3A_126 = arith.constant 0 : i32
      %dma_wait3A_127 = tpu.memref_slice %arg4[%add3A_120, %dma_wait3A_125, %dma_wait3A_126] : memref<256x128x128xf32, #tpu.memory_space<hbm>> -> memref<1x128x128xf32, #tpu.memory_space<hbm>>
      %dma_wait3A_128 = tpu.memref_squeeze %dma_wait3A_127 : memref<1x128x128xf32, #tpu.memory_space<hbm>> -> memref<128x128xf32, #tpu.memory_space<hbm>>
      tpu.wait_dma2 semaphore(%arg16 : memref<!tpu.dma_semaphore, #tpu.memory_space<semaphore_mem>>) src(%arg8 : memref<128x128xf32, #tpu.memory_space<vmem>>) dst(%dma_wait3A_128 : memref<128x128xf32, #tpu.memory_space<hbm>>)
      %add3A_129 = arith.constant 4 : i32
      %add3A_130 = arith.addi %add3A_104, %add3A_129 : i32
      %lt3A_131 = arith.cmpi slt, %add3A_130, %select_n3A_6 : i32
      %convert_element_type3A_132 = arith.extui %lt3A_131 : i1 to i32
      %cond3A_133 = arith.constant 0 : i32
      %cond3A_134 = arith.cmpi ne, %convert_element_type3A_132, %cond3A_133 : i32
      scf.if %cond3A_134 {
        %add3A_168 = arith.constant 4 : i32
        %add3A_169 = arith.addi %add3A_104, %add3A_168 : i32
        %dma_start3A_170 = arith.constant 0 : i32
        %dma_start3A_171 = tpu.memref_slice %arg5[%add3A_169, %dma_start3A_170] : memref<12x128xi32, #tpu.memory_space<vmem>> -> memref<1x128xi32, #tpu.memory_space<vmem>>
        %dma_start3A_172 = tpu.memref_squeeze %dma_start3A_171 : memref<1x128xi32, #tpu.memory_space<vmem>> -> memref<128xi32, #tpu.memory_space<vmem>>
        %dma_start3A_173 = arith.constant 0 : i32
        %dma_start3A_174 = arith.constant 0 : i32
        %dma_start3A_175 = tpu.memref_slice %arg2[%dma_start3A_173, %dma_start3A_174] : memref<10000x128xf32, #tpu.memory_space<hbm>> -> memref<10000x128xf32, #tpu.memory_space<hbm>>
        tpu.enqueue_indirect_dma source(%dma_start3A_175 : memref<10000x128xf32, #tpu.memory_space<hbm>>) target(%arg8 : memref<128x128xf32, #tpu.memory_space<vmem>>) offsets(%dma_start3A_172 : memref<128xi32, #tpu.memory_space<vmem>>) semaphore(%arg12 : memref<!tpu.dma_semaphore, #tpu.memory_space<semaphore_mem>>)
      } else {
      }
      %add3A_135 = arith.constant 3 : i32
      %add3A_136 = arith.addi %mul3A_41, %add3A_135 : i32
      %dma_wait3A_137 = arith.constant 0 : i32
      %dma_wait3A_138 = tpu.memref_slice %arg5[%add3A_136, %dma_wait3A_137] : memref<12x128xi32, #tpu.memory_space<vmem>> -> memref<1x128xi32, #tpu.memory_space<vmem>>
      %dma_wait3A_139 = tpu.memref_squeeze %dma_wait3A_138 : memref<1x128xi32, #tpu.memory_space<vmem>> -> memref<128xi32, #tpu.memory_space<vmem>>
      %dma_wait3A_140 = arith.constant 0 : i32
      %dma_wait3A_141 = arith.constant 0 : i32
      %dma_wait3A_142 = tpu.memref_slice %arg2[%dma_wait3A_140, %dma_wait3A_141] : memref<10000x128xf32, #tpu.memory_space<hbm>> -> memref<10000x128xf32, #tpu.memory_space<hbm>>
      tpu.wait_indirect_dma semaphore(%arg13 : memref<!tpu.dma_semaphore, #tpu.memory_space<semaphore_mem>>) src(%dma_wait3A_142 : memref<10000x128xf32, #tpu.memory_space<hbm>>) dst(%arg9 : memref<128x128xf32, #tpu.memory_space<vmem>>)
      %add3A_143 = arith.addi %select_n3A, %add3A_136 : i32
      %dma_start3A_144 = arith.constant 0 : i32
      %dma_start3A_145 = arith.constant 0 : i32
      %dma_start3A_146 = tpu.memref_slice %arg4[%add3A_143, %dma_start3A_144, %dma_start3A_145] : memref<256x128x128xf32, #tpu.memory_space<hbm>> -> memref<1x128x128xf32, #tpu.memory_space<hbm>>
      %dma_start3A_147 = tpu.memref_squeeze %dma_start3A_146 : memref<1x128x128xf32, #tpu.memory_space<hbm>> -> memref<128x128xf32, #tpu.memory_space<hbm>>
      %dma_start3A_148 = arith.constant 0 : i32
      %dma_start3A_149 = arith.constant 0 : i32
      %dma_start3A_150 = tpu.memref_slice %arg4[%add3A_143, %dma_start3A_148, %dma_start3A_149] : memref<256x128x128xf32, #tpu.memory_space<hbm>> -> memref<1x128x128xf32, #tpu.memory_space<hbm>>
      %dma_start3A_151 = tpu.memref_squeeze %dma_start3A_150 : memref<1x128x128xf32, #tpu.memory_space<hbm>> -> memref<128x128xf32, #tpu.memory_space<hbm>>
      tpu.enqueue_dma source(%arg9 : memref<128x128xf32, #tpu.memory_space<vmem>>) target(%dma_start3A_151 : memref<128x128xf32, #tpu.memory_space<hbm>>) target_semaphore(%arg17 : memref<!tpu.dma_semaphore, #tpu.memory_space<semaphore_mem>>)
      %add3A_152 = arith.addi %select_n3A, %add3A_136 : i32
      %dma_wait3A_153 = arith.constant 0 : i32
      %dma_wait3A_154 = arith.constant 0 : i32
      %dma_wait3A_155 = tpu.memref_slice %arg4[%add3A_152, %dma_wait3A_153, %dma_wait3A_154] : memref<256x128x128xf32, #tpu.memory_space<hbm>> -> memref<1x128x128xf32, #tpu.memory_space<hbm>>
      %dma_wait3A_156 = tpu.memref_squeeze %dma_wait3A_155 : memref<1x128x128xf32, #tpu.memory_space<hbm>> -> memref<128x128xf32, #tpu.memory_space<hbm>>
      %dma_wait3A_157 = arith.constant 0 : i32
      %dma_wait3A_158 = arith.constant 0 : i32
      %dma_wait3A_159 = tpu.memref_slice %arg4[%add3A_152, %dma_wait3A_157, %dma_wait3A_158] : memref<256x128x128xf32, #tpu.memory_space<hbm>> -> memref<1x128x128xf32, #tpu.memory_space<hbm>>
      %dma_wait3A_160 = tpu.memref_squeeze %dma_wait3A_159 : memref<1x128x128xf32, #tpu.memory_space<hbm>> -> memref<128x128xf32, #tpu.memory_space<hbm>>
      tpu.wait_dma2 semaphore(%arg17 : memref<!tpu.dma_semaphore, #tpu.memory_space<semaphore_mem>>) src(%arg9 : memref<128x128xf32, #tpu.memory_space<vmem>>) dst(%dma_wait3A_160 : memref<128x128xf32, #tpu.memory_space<hbm>>)
      %add3A_161 = arith.constant 4 : i32
      %add3A_162 = arith.addi %add3A_136, %add3A_161 : i32
      %lt3A_163 = arith.cmpi slt, %add3A_162, %select_n3A_6 : i32
      %convert_element_type3A_164 = arith.extui %lt3A_163 : i1 to i32
      %cond3A_165 = arith.constant 0 : i32
      %cond3A_166 = arith.cmpi ne, %convert_element_type3A_164, %cond3A_165 : i32
      scf.if %cond3A_166 {
        %add3A_168 = arith.constant 4 : i32
        %add3A_169 = arith.addi %add3A_136, %add3A_168 : i32
        %dma_start3A_170 = arith.constant 0 : i32
        %dma_start3A_171 = tpu.memref_slice %arg5[%add3A_169, %dma_start3A_170] : memref<12x128xi32, #tpu.memory_space<vmem>> -> memref<1x128xi32, #tpu.memory_space<vmem>>
        %dma_start3A_172 = tpu.memref_squeeze %dma_start3A_171 : memref<1x128xi32, #tpu.memory_space<vmem>> -> memref<128xi32, #tpu.memory_space<vmem>>
        %dma_start3A_173 = arith.constant 0 : i32
        %dma_start3A_174 = arith.constant 0 : i32
        %dma_start3A_175 = tpu.memref_slice %arg2[%dma_start3A_173, %dma_start3A_174] : memref<10000x128xf32, #tpu.memory_space<hbm>> -> memref<10000x128xf32, #tpu.memory_space<hbm>>
        tpu.enqueue_indirect_dma source(%dma_start3A_175 : memref<10000x128xf32, #tpu.memory_space<hbm>>) target(%arg9 : memref<128x128xf32, #tpu.memory_space<vmem>>) offsets(%dma_start3A_172 : memref<128xi32, #tpu.memory_space<vmem>>) semaphore(%arg13 : memref<!tpu.dma_semaphore, #tpu.memory_space<semaphore_mem>>)
      } else {
      }
      %while3A_167 = arith.constant 0 : i32
      scf.yield %while3A_167 : i32
    }
    return
  }
}

#map = affine_map<(d0, d1) -> (0, 0)>
#map1 = affine_map<(d0, d1) -> (0, 0, 0)>
module attributes {stable_mosaic.version = 14 : i64} {
  func.func @gather_kernel(%arg0: i32, %arg1: i32, %arg2: memref<10000x128xf32, #tpu.memory_space<hbm>>, %arg3: memref<264x128xi32, #tpu.memory_space<hbm>>, %arg4: memref<256x128x128xf32, #tpu.memory_space<hbm>>, %arg5: memref<12x128xi32, #tpu.memory_space<vmem>>, %arg6: memref<128x128xf32, #tpu.memory_space<vmem>>, %arg7: memref<128x128xf32, #tpu.memory_space<vmem>>, %arg8: memref<128x128xf32, #tpu.memory_space<vmem>>, %arg9: memref<128x128xf32, #tpu.memory_space<vmem>>, %arg10: memref<!tpu.dma_semaphore, #tpu.memory_space<semaphore_mem>>, %arg11: memref<!tpu.dma_semaphore, #tpu.memory_space<semaphore_mem>>, %arg12: memref<!tpu.dma_semaphore, #tpu.memory_space<semaphore_mem>>, %arg13: memref<!tpu.dma_semaphore, #tpu.memory_space<semaphore_mem>>, %arg14: memref<!tpu.dma_semaphore, #tpu.memory_space<semaphore_mem>>, %arg15: memref<!tpu.dma_semaphore, #tpu.memory_space<semaphore_mem>>, %arg16: memref<!tpu.dma_semaphore, #tpu.memory_space<semaphore_mem>>, %arg17: memref<!tpu.dma_semaphore, #tpu.memory_space<semaphore_mem>>) attributes {dimension_semantics = [#tpu.dimension_semantics<core_parallel>, #tpu.dimension_semantics<subcore_parallel>], iteration_bounds = array<i64: 2, 16>, scalar_prefetch = 0 : i64, scratch_operands = 13 : i64, tpu.core_type = #tpu.core_type<sc_vector_subcore>, window_params = [{transform_indices = #map}, {transform_indices = #map}, {transform_indices = #map1}]} {
    %eq3A = arith.constant 0 : i32
    %eq3A_0 = arith.cmpi eq, %arg0, %eq3A : i32
    %mul3A = arith.constant 12 : i32
    %mul3A_1 = arith.muli %arg1, %mul3A : i32
    %mul3A_2 = arith.constant 4 : i32
    %mul3A_3 = arith.muli %arg1, %mul3A_2 : i32
    %add3A = arith.constant 192 : i32
    %add3A_4 = arith.addi %add3A, %mul3A_3 : i32
    %select_n3A = arith.select %eq3A_0, %mul3A_1, %add3A_4 : i32
    %jit3A = arith.constant 12 : i32
    %jit3A_5 = arith.constant 4 : i32
    %select_n3A_6 = arith.select %eq3A_0, %jit3A, %jit3A_5 : i32
    %gt3A = arith.constant 0 : i32
    %gt3A_7 = arith.cmpi sgt, %select_n3A_6, %gt3A : i32
    %convert_element_type3A = arith.extui %gt3A_7 : i1 to i32
    %cond3A = arith.constant 0 : i32
    %cond3A_8 = arith.cmpi ne, %convert_element_type3A, %cond3A : i32
    scf.if %cond3A_8 {
      "tpu.region"() ({
        %run_scoped3A = tpu.sem_alloc : memref<!tpu.dma_semaphore, #tpu.memory_space<semaphore_mem>>
        %dma_start3A_65 = arith.constant 0 : i32
        %dma_start3A_66 = tpu.memref_slice %arg3[%select_n3A, %dma_start3A_65] : memref<264x128xi32, #tpu.memory_space<hbm>> -> memref<12x128xi32, #tpu.memory_space<hbm>>
        %dma_start3A_67 = arith.constant 0 : i32
        %dma_start3A_68 = tpu.memref_slice %arg3[%select_n3A, %dma_start3A_67] : memref<264x128xi32, #tpu.memory_space<hbm>> -> memref<12x128xi32, #tpu.memory_space<hbm>>
        tpu.enqueue_dma source(%dma_start3A_68 : memref<12x128xi32, #tpu.memory_space<hbm>>) target(%arg5 : memref<12x128xi32, #tpu.memory_space<vmem>>) target_semaphore(%run_scoped3A : memref<!tpu.dma_semaphore, #tpu.memory_space<semaphore_mem>>)
        %dma_wait3A = arith.constant 0 : i32
        %dma_wait3A_69 = tpu.memref_slice %arg3[%select_n3A, %dma_wait3A] : memref<264x128xi32, #tpu.memory_space<hbm>> -> memref<12x128xi32, #tpu.memory_space<hbm>>
        %dma_wait3A_70 = arith.constant 0 : i32
        %dma_wait3A_71 = tpu.memref_slice %arg3[%select_n3A, %dma_wait3A_70] : memref<264x128xi32, #tpu.memory_space<hbm>> -> memref<12x128xi32, #tpu.memory_space<hbm>>
        tpu.wait_dma2 semaphore(%run_scoped3A : memref<!tpu.dma_semaphore, #tpu.memory_space<semaphore_mem>>) src(%dma_wait3A_71 : memref<12x128xi32, #tpu.memory_space<hbm>>) dst(%arg5 : memref<12x128xi32, #tpu.memory_space<vmem>>)
        tpu.yield
      }) : () -> ()
      %dma_start3A = arith.constant 0 : i32
      %dma_start3A_38 = arith.constant 0 : i32
      %dma_start3A_39 = tpu.memref_slice %arg5[%dma_start3A, %dma_start3A_38] : memref<12x128xi32, #tpu.memory_space<vmem>> -> memref<1x128xi32, #tpu.memory_space<vmem>>
      %dma_start3A_40 = tpu.memref_squeeze %dma_start3A_39 : memref<1x128xi32, #tpu.memory_space<vmem>> -> memref<128xi32, #tpu.memory_space<vmem>>
      %dma_start3A_41 = arith.constant 0 : i32
      %dma_start3A_42 = arith.constant 0 : i32
      %dma_start3A_43 = tpu.memref_slice %arg2[%dma_start3A_41, %dma_start3A_42] : memref<10000x128xf32, #tpu.memory_space<hbm>> -> memref<10000x128xf32, #tpu.memory_space<hbm>>
      tpu.enqueue_indirect_dma source(%dma_start3A_43 : memref<10000x128xf32, #tpu.memory_space<hbm>>) target(%arg6 : memref<128x128xf32, #tpu.memory_space<vmem>>) offsets(%dma_start3A_40 : memref<128xi32, #tpu.memory_space<vmem>>) semaphore(%arg10 : memref<!tpu.dma_semaphore, #tpu.memory_space<semaphore_mem>>)
      %dma_start3A_44 = arith.constant 1 : i32
      %dma_start3A_45 = arith.constant 0 : i32
      %dma_start3A_46 = tpu.memref_slice %arg5[%dma_start3A_44, %dma_start3A_45] : memref<12x128xi32, #tpu.memory_space<vmem>> -> memref<1x128xi32, #tpu.memory_space<vmem>>
      %dma_start3A_47 = tpu.memref_squeeze %dma_start3A_46 : memref<1x128xi32, #tpu.memory_space<vmem>> -> memref<128xi32, #tpu.memory_space<vmem>>
      %dma_start3A_48 = arith.constant 0 : i32
      %dma_start3A_49 = arith.constant 0 : i32
      %dma_start3A_50 = tpu.memref_slice %arg2[%dma_start3A_48, %dma_start3A_49] : memref<10000x128xf32, #tpu.memory_space<hbm>> -> memref<10000x128xf32, #tpu.memory_space<hbm>>
      tpu.enqueue_indirect_dma source(%dma_start3A_50 : memref<10000x128xf32, #tpu.memory_space<hbm>>) target(%arg7 : memref<128x128xf32, #tpu.memory_space<vmem>>) offsets(%dma_start3A_47 : memref<128xi32, #tpu.memory_space<vmem>>) semaphore(%arg11 : memref<!tpu.dma_semaphore, #tpu.memory_space<semaphore_mem>>)
      %dma_start3A_51 = arith.constant 2 : i32
      %dma_start3A_52 = arith.constant 0 : i32
      %dma_start3A_53 = tpu.memref_slice %arg5[%dma_start3A_51, %dma_start3A_52] : memref<12x128xi32, #tpu.memory_space<vmem>> -> memref<1x128xi32, #tpu.memory_space<vmem>>
      %dma_start3A_54 = tpu.memref_squeeze %dma_start3A_53 : memref<1x128xi32, #tpu.memory_space<vmem>> -> memref<128xi32, #tpu.memory_space<vmem>>
      %dma_start3A_55 = arith.constant 0 : i32
      %dma_start3A_56 = arith.constant 0 : i32
      %dma_start3A_57 = tpu.memref_slice %arg2[%dma_start3A_55, %dma_start3A_56] : memref<10000x128xf32, #tpu.memory_space<hbm>> -> memref<10000x128xf32, #tpu.memory_space<hbm>>
      tpu.enqueue_indirect_dma source(%dma_start3A_57 : memref<10000x128xf32, #tpu.memory_space<hbm>>) target(%arg8 : memref<128x128xf32, #tpu.memory_space<vmem>>) offsets(%dma_start3A_54 : memref<128xi32, #tpu.memory_space<vmem>>) semaphore(%arg12 : memref<!tpu.dma_semaphore, #tpu.memory_space<semaphore_mem>>)
      %dma_start3A_58 = arith.constant 3 : i32
      %dma_start3A_59 = arith.constant 0 : i32
      %dma_start3A_60 = tpu.memref_slice %arg5[%dma_start3A_58, %dma_start3A_59] : memref<12x128xi32, #tpu.memory_space<vmem>> -> memref<1x128xi32, #tpu.memory_space<vmem>>
      %dma_start3A_61 = tpu.memref_squeeze %dma_start3A_60 : memref<1x128xi32, #tpu.memory_space<vmem>> -> memref<128xi32, #tpu.memory_space<vmem>>
      %dma_start3A_62 = arith.constant 0 : i32
      %dma_start3A_63 = arith.constant 0 : i32
      %dma_start3A_64 = tpu.memref_slice %arg2[%dma_start3A_62, %dma_start3A_63] : memref<10000x128xf32, #tpu.memory_space<hbm>> -> memref<10000x128xf32, #tpu.memory_space<hbm>>
      tpu.enqueue_indirect_dma source(%dma_start3A_64 : memref<10000x128xf32, #tpu.memory_space<hbm>>) target(%arg9 : memref<128x128xf32, #tpu.memory_space<vmem>>) offsets(%dma_start3A_61 : memref<128xi32, #tpu.memory_space<vmem>>) semaphore(%arg13 : memref<!tpu.dma_semaphore, #tpu.memory_space<semaphore_mem>>)
    } else {
    }
    %jit3A_9 = arith.constant 4 : i32
    %div3A = arith.divsi %select_n3A_6, %jit3A_9 : i32
    %sign3A = arith.constant 0 : i32
    %sign3A_10 = arith.cmpi sgt, %select_n3A_6, %sign3A : i32
    %sign3A_11 = arith.extui %sign3A_10 : i1 to i32
    %sign3A_12 = arith.constant 0 : i32
    %sign3A_13 = arith.cmpi slt, %select_n3A_6, %sign3A_12 : i32
    %sign3A_14 = arith.extui %sign3A_13 : i1 to i32
    %sign3A_15 = arith.subi %sign3A_11, %sign3A_14 : i32
    %sign3A_16 = arith.constant 0 : i32
    %sign3A_17 = arith.cmpi sgt, %jit3A_9, %sign3A_16 : i32
    %sign3A_18 = arith.extui %sign3A_17 : i1 to i32
    %sign3A_19 = arith.constant 0 : i32
    %sign3A_20 = arith.cmpi slt, %jit3A_9, %sign3A_19 : i32
    %sign3A_21 = arith.extui %sign3A_20 : i1 to i32
    %sign3A_22 = arith.subi %sign3A_18, %sign3A_21 : i32
    %ne3A = arith.cmpi ne, %sign3A_15, %sign3A_22 : i32
    %rem3A = arith.remsi %select_n3A_6, %jit3A_9 : i32
    %ne3A_23 = arith.constant 0 : i32
    %ne3A_24 = arith.cmpi ne, %rem3A, %ne3A_23 : i32
    %and3A = arith.andi %ne3A, %ne3A_24 : i1
    %sub3A = arith.constant 1 : i32
    %sub3A_25 = arith.subi %div3A, %sub3A : i32
    %select_n3A_26 = arith.select %and3A, %sub3A_25, %div3A : i32
    %while3A = arith.constant 0 : i32
    %while3A_27 = arith.constant 0 : i32
    %while3A_28 = arith.subi %select_n3A_26, %while3A : i32
    %while3A_29 = arith.addi %while3A, %while3A_28 : i32
    %while3A_30 = arith.constant 1 : i32
    %while3A_31 = arith.divsi %while3A_28, %while3A_30 : i32
    %while3A_32 = arith.muli %while3A_31, %while3A_30 : i32
    %while3A_33 = arith.addi %while3A, %while3A_32 : i32
    %while3A_34 = arith.constant 1 : i32
    %while3A_35 = scf.for %while3A_38 = %while3A to %while3A_33 step %while3A_34 iter_args(%while3A_39 = %while3A_27) -> (i32)  : i32 {
      %mul3A_40 = arith.constant 4 : i32
      %mul3A_41 = arith.muli %while3A_38, %mul3A_40 : i32
      %add3A_42 = arith.constant 0 : i32
      %add3A_43 = arith.addi %mul3A_41, %add3A_42 : i32
      %dma_wait3A = arith.constant 0 : i32
      %dma_wait3A_44 = tpu.memref_slice %arg5[%add3A_43, %dma_wait3A] : memref<12x128xi32, #tpu.memory_space<vmem>> -> memref<1x128xi32, #tpu.memory_space<vmem>>
      %dma_wait3A_45 = tpu.memref_squeeze %dma_wait3A_44 : memref<1x128xi32, #tpu.memory_space<vmem>> -> memref<128xi32, #tpu.memory_space<vmem>>
      %dma_wait3A_46 = arith.constant 0 : i32
      %dma_wait3A_47 = arith.constant 0 : i32
      %dma_wait3A_48 = tpu.memref_slice %arg2[%dma_wait3A_46, %dma_wait3A_47] : memref<10000x128xf32, #tpu.memory_space<hbm>> -> memref<10000x128xf32, #tpu.memory_space<hbm>>
      tpu.wait_indirect_dma semaphore(%arg10 : memref<!tpu.dma_semaphore, #tpu.memory_space<semaphore_mem>>) src(%dma_wait3A_48 : memref<10000x128xf32, #tpu.memory_space<hbm>>) dst(%arg6 : memref<128x128xf32, #tpu.memory_space<vmem>>)
      %add3A_49 = arith.addi %select_n3A, %add3A_43 : i32
      %dma_start3A = arith.constant 0 : i32
      %dma_start3A_50 = arith.constant 0 : i32
      %dma_start3A_51 = tpu.memref_slice %arg4[%add3A_49, %dma_start3A, %dma_start3A_50] : memref<256x128x128xf32, #tpu.memory_space<hbm>> -> memref<1x128x128xf32, #tpu.memory_space<hbm>>
      %dma_start3A_52 = tpu.memref_squeeze %dma_start3A_51 : memref<1x128x128xf32, #tpu.memory_space<hbm>> -> memref<128x128xf32, #tpu.memory_space<hbm>>
      %dma_start3A_53 = arith.constant 0 : i32
      %dma_start3A_54 = arith.constant 0 : i32
      %dma_start3A_55 = tpu.memref_slice %arg4[%add3A_49, %dma_start3A_53, %dma_start3A_54] : memref<256x128x128xf32, #tpu.memory_space<hbm>> -> memref<1x128x128xf32, #tpu.memory_space<hbm>>
      %dma_start3A_56 = tpu.memref_squeeze %dma_start3A_55 : memref<1x128x128xf32, #tpu.memory_space<hbm>> -> memref<128x128xf32, #tpu.memory_space<hbm>>
      tpu.enqueue_dma source(%arg6 : memref<128x128xf32, #tpu.memory_space<vmem>>) target(%dma_start3A_56 : memref<128x128xf32, #tpu.memory_space<hbm>>) target_semaphore(%arg14 : memref<!tpu.dma_semaphore, #tpu.memory_space<semaphore_mem>>)
      %add3A_57 = arith.addi %select_n3A, %add3A_43 : i32
      %dma_wait3A_58 = arith.constant 0 : i32
      %dma_wait3A_59 = arith.constant 0 : i32
      %dma_wait3A_60 = tpu.memref_slice %arg4[%add3A_57, %dma_wait3A_58, %dma_wait3A_59] : memref<256x128x128xf32, #tpu.memory_space<hbm>> -> memref<1x128x128xf32, #tpu.memory_space<hbm>>
      %dma_wait3A_61 = tpu.memref_squeeze %dma_wait3A_60 : memref<1x128x128xf32, #tpu.memory_space<hbm>> -> memref<128x128xf32, #tpu.memory_space<hbm>>
      %dma_wait3A_62 = arith.constant 0 : i32
      %dma_wait3A_63 = arith.constant 0 : i32
      %dma_wait3A_64 = tpu.memref_slice %arg4[%add3A_57, %dma_wait3A_62, %dma_wait3A_63] : memref<256x128x128xf32, #tpu.memory_space<hbm>> -> memref<1x128x128xf32, #tpu.memory_space<hbm>>
      %dma_wait3A_65 = tpu.memref_squeeze %dma_wait3A_64 : memref<1x128x128xf32, #tpu.memory_space<hbm>> -> memref<128x128xf32, #tpu.memory_space<hbm>>
      tpu.wait_dma2 semaphore(%arg14 : memref<!tpu.dma_semaphore, #tpu.memory_space<semaphore_mem>>) src(%arg6 : memref<128x128xf32, #tpu.memory_space<vmem>>) dst(%dma_wait3A_65 : memref<128x128xf32, #tpu.memory_space<hbm>>)
      %add3A_66 = arith.constant 4 : i32
      %add3A_67 = arith.addi %add3A_43, %add3A_66 : i32
      %lt3A = arith.cmpi slt, %add3A_67, %select_n3A_6 : i32
      %convert_element_type3A_68 = arith.extui %lt3A : i1 to i32
      %cond3A_69 = arith.constant 0 : i32
      %cond3A_70 = arith.cmpi ne, %convert_element_type3A_68, %cond3A_69 : i32
      scf.if %cond3A_70 {
        %add3A_168 = arith.constant 4 : i32
        %add3A_169 = arith.addi %add3A_43, %add3A_168 : i32
        %dma_start3A_170 = arith.constant 0 : i32
        %dma_start3A_171 = tpu.memref_slice %arg5[%add3A_169, %dma_start3A_170] : memref<12x128xi32, #tpu.memory_space<vmem>> -> memref<1x128xi32, #tpu.memory_space<vmem>>
        %dma_start3A_172 = tpu.memref_squeeze %dma_start3A_171 : memref<1x128xi32, #tpu.memory_space<vmem>> -> memref<128xi32, #tpu.memory_space<vmem>>
        %dma_start3A_173 = arith.constant 0 : i32
        %dma_start3A_174 = arith.constant 0 : i32
        %dma_start3A_175 = tpu.memref_slice %arg2[%dma_start3A_173, %dma_start3A_174] : memref<10000x128xf32, #tpu.memory_space<hbm>> -> memref<10000x128xf32, #tpu.memory_space<hbm>>
        tpu.enqueue_indirect_dma source(%dma_start3A_175 : memref<10000x128xf32, #tpu.memory_space<hbm>>) target(%arg6 : memref<128x128xf32, #tpu.memory_space<vmem>>) offsets(%dma_start3A_172 : memref<128xi32, #tpu.memory_space<vmem>>) semaphore(%arg10 : memref<!tpu.dma_semaphore, #tpu.memory_space<semaphore_mem>>)
      } else {
      }
      %add3A_71 = arith.constant 1 : i32
      %add3A_72 = arith.addi %mul3A_41, %add3A_71 : i32
      %dma_wait3A_73 = arith.constant 0 : i32
      %dma_wait3A_74 = tpu.memref_slice %arg5[%add3A_72, %dma_wait3A_73] : memref<12x128xi32, #tpu.memory_space<vmem>> -> memref<1x128xi32, #tpu.memory_space<vmem>>
      %dma_wait3A_75 = tpu.memref_squeeze %dma_wait3A_74 : memref<1x128xi32, #tpu.memory_space<vmem>> -> memref<128xi32, #tpu.memory_space<vmem>>
      %dma_wait3A_76 = arith.constant 0 : i32
      %dma_wait3A_77 = arith.constant 0 : i32
      %dma_wait3A_78 = tpu.memref_slice %arg2[%dma_wait3A_76, %dma_wait3A_77] : memref<10000x128xf32, #tpu.memory_space<hbm>> -> memref<10000x128xf32, #tpu.memory_space<hbm>>
      tpu.wait_indirect_dma semaphore(%arg11 : memref<!tpu.dma_semaphore, #tpu.memory_space<semaphore_mem>>) src(%dma_wait3A_78 : memref<10000x128xf32, #tpu.memory_space<hbm>>) dst(%arg7 : memref<128x128xf32, #tpu.memory_space<vmem>>)
      %add3A_79 = arith.addi %select_n3A, %add3A_72 : i32
      %dma_start3A_80 = arith.constant 0 : i32
      %dma_start3A_81 = arith.constant 0 : i32
      %dma_start3A_82 = tpu.memref_slice %arg4[%add3A_79, %dma_start3A_80, %dma_start3A_81] : memref<256x128x128xf32, #tpu.memory_space<hbm>> -> memref<1x128x128xf32, #tpu.memory_space<hbm>>
      %dma_start3A_83 = tpu.memref_squeeze %dma_start3A_82 : memref<1x128x128xf32, #tpu.memory_space<hbm>> -> memref<128x128xf32, #tpu.memory_space<hbm>>
      %dma_start3A_84 = arith.constant 0 : i32
      %dma_start3A_85 = arith.constant 0 : i32
      %dma_start3A_86 = tpu.memref_slice %arg4[%add3A_79, %dma_start3A_84, %dma_start3A_85] : memref<256x128x128xf32, #tpu.memory_space<hbm>> -> memref<1x128x128xf32, #tpu.memory_space<hbm>>
      %dma_start3A_87 = tpu.memref_squeeze %dma_start3A_86 : memref<1x128x128xf32, #tpu.memory_space<hbm>> -> memref<128x128xf32, #tpu.memory_space<hbm>>
      tpu.enqueue_dma source(%arg7 : memref<128x128xf32, #tpu.memory_space<vmem>>) target(%dma_start3A_87 : memref<128x128xf32, #tpu.memory_space<hbm>>) target_semaphore(%arg15 : memref<!tpu.dma_semaphore, #tpu.memory_space<semaphore_mem>>)
      %add3A_88 = arith.addi %select_n3A, %add3A_72 : i32
      %dma_wait3A_89 = arith.constant 0 : i32
      %dma_wait3A_90 = arith.constant 0 : i32
      %dma_wait3A_91 = tpu.memref_slice %arg4[%add3A_88, %dma_wait3A_89, %dma_wait3A_90] : memref<256x128x128xf32, #tpu.memory_space<hbm>> -> memref<1x128x128xf32, #tpu.memory_space<hbm>>
      %dma_wait3A_92 = tpu.memref_squeeze %dma_wait3A_91 : memref<1x128x128xf32, #tpu.memory_space<hbm>> -> memref<128x128xf32, #tpu.memory_space<hbm>>
      %dma_wait3A_93 = arith.constant 0 : i32
      %dma_wait3A_94 = arith.constant 0 : i32
      %dma_wait3A_95 = tpu.memref_slice %arg4[%add3A_88, %dma_wait3A_93, %dma_wait3A_94] : memref<256x128x128xf32, #tpu.memory_space<hbm>> -> memref<1x128x128xf32, #tpu.memory_space<hbm>>
      %dma_wait3A_96 = tpu.memref_squeeze %dma_wait3A_95 : memref<1x128x128xf32, #tpu.memory_space<hbm>> -> memref<128x128xf32, #tpu.memory_space<hbm>>
      tpu.wait_dma2 semaphore(%arg15 : memref<!tpu.dma_semaphore, #tpu.memory_space<semaphore_mem>>) src(%arg7 : memref<128x128xf32, #tpu.memory_space<vmem>>) dst(%dma_wait3A_96 : memref<128x128xf32, #tpu.memory_space<hbm>>)
      %add3A_97 = arith.constant 4 : i32
      %add3A_98 = arith.addi %add3A_72, %add3A_97 : i32
      %lt3A_99 = arith.cmpi slt, %add3A_98, %select_n3A_6 : i32
      %convert_element_type3A_100 = arith.extui %lt3A_99 : i1 to i32
      %cond3A_101 = arith.constant 0 : i32
      %cond3A_102 = arith.cmpi ne, %convert_element_type3A_100, %cond3A_101 : i32
      scf.if %cond3A_102 {
        %add3A_168 = arith.constant 4 : i32
        %add3A_169 = arith.addi %add3A_72, %add3A_168 : i32
        %dma_start3A_170 = arith.constant 0 : i32
        %dma_start3A_171 = tpu.memref_slice %arg5[%add3A_169, %dma_start3A_170] : memref<12x128xi32, #tpu.memory_space<vmem>> -> memref<1x128xi32, #tpu.memory_space<vmem>>
        %dma_start3A_172 = tpu.memref_squeeze %dma_start3A_171 : memref<1x128xi32, #tpu.memory_space<vmem>> -> memref<128xi32, #tpu.memory_space<vmem>>
        %dma_start3A_173 = arith.constant 0 : i32
        %dma_start3A_174 = arith.constant 0 : i32
        %dma_start3A_175 = tpu.memref_slice %arg2[%dma_start3A_173, %dma_start3A_174] : memref<10000x128xf32, #tpu.memory_space<hbm>> -> memref<10000x128xf32, #tpu.memory_space<hbm>>
        tpu.enqueue_indirect_dma source(%dma_start3A_175 : memref<10000x128xf32, #tpu.memory_space<hbm>>) target(%arg7 : memref<128x128xf32, #tpu.memory_space<vmem>>) offsets(%dma_start3A_172 : memref<128xi32, #tpu.memory_space<vmem>>) semaphore(%arg11 : memref<!tpu.dma_semaphore, #tpu.memory_space<semaphore_mem>>)
      } else {
      }
      %add3A_103 = arith.constant 2 : i32
      %add3A_104 = arith.addi %mul3A_41, %add3A_103 : i32
      %dma_wait3A_105 = arith.constant 0 : i32
      %dma_wait3A_106 = tpu.memref_slice %arg5[%add3A_104, %dma_wait3A_105] : memref<12x128xi32, #tpu.memory_space<vmem>> -> memref<1x128xi32, #tpu.memory_space<vmem>>
      %dma_wait3A_107 = tpu.memref_squeeze %dma_wait3A_106 : memref<1x128xi32, #tpu.memory_space<vmem>> -> memref<128xi32, #tpu.memory_space<vmem>>
      %dma_wait3A_108 = arith.constant 0 : i32
      %dma_wait3A_109 = arith.constant 0 : i32
      %dma_wait3A_110 = tpu.memref_slice %arg2[%dma_wait3A_108, %dma_wait3A_109] : memref<10000x128xf32, #tpu.memory_space<hbm>> -> memref<10000x128xf32, #tpu.memory_space<hbm>>
      tpu.wait_indirect_dma semaphore(%arg12 : memref<!tpu.dma_semaphore, #tpu.memory_space<semaphore_mem>>) src(%dma_wait3A_110 : memref<10000x128xf32, #tpu.memory_space<hbm>>) dst(%arg8 : memref<128x128xf32, #tpu.memory_space<vmem>>)
      %add3A_111 = arith.addi %select_n3A, %add3A_104 : i32
      %dma_start3A_112 = arith.constant 0 : i32
      %dma_start3A_113 = arith.constant 0 : i32
      %dma_start3A_114 = tpu.memref_slice %arg4[%add3A_111, %dma_start3A_112, %dma_start3A_113] : memref<256x128x128xf32, #tpu.memory_space<hbm>> -> memref<1x128x128xf32, #tpu.memory_space<hbm>>
      %dma_start3A_115 = tpu.memref_squeeze %dma_start3A_114 : memref<1x128x128xf32, #tpu.memory_space<hbm>> -> memref<128x128xf32, #tpu.memory_space<hbm>>
      %dma_start3A_116 = arith.constant 0 : i32
      %dma_start3A_117 = arith.constant 0 : i32
      %dma_start3A_118 = tpu.memref_slice %arg4[%add3A_111, %dma_start3A_116, %dma_start3A_117] : memref<256x128x128xf32, #tpu.memory_space<hbm>> -> memref<1x128x128xf32, #tpu.memory_space<hbm>>
      %dma_start3A_119 = tpu.memref_squeeze %dma_start3A_118 : memref<1x128x128xf32, #tpu.memory_space<hbm>> -> memref<128x128xf32, #tpu.memory_space<hbm>>
      tpu.enqueue_dma source(%arg8 : memref<128x128xf32, #tpu.memory_space<vmem>>) target(%dma_start3A_119 : memref<128x128xf32, #tpu.memory_space<hbm>>) target_semaphore(%arg16 : memref<!tpu.dma_semaphore, #tpu.memory_space<semaphore_mem>>)
      %add3A_120 = arith.addi %select_n3A, %add3A_104 : i32
      %dma_wait3A_121 = arith.constant 0 : i32
      %dma_wait3A_122 = arith.constant 0 : i32
      %dma_wait3A_123 = tpu.memref_slice %arg4[%add3A_120, %dma_wait3A_121, %dma_wait3A_122] : memref<256x128x128xf32, #tpu.memory_space<hbm>> -> memref<1x128x128xf32, #tpu.memory_space<hbm>>
      %dma_wait3A_124 = tpu.memref_squeeze %dma_wait3A_123 : memref<1x128x128xf32, #tpu.memory_space<hbm>> -> memref<128x128xf32, #tpu.memory_space<hbm>>
      %dma_wait3A_125 = arith.constant 0 : i32
      %dma_wait3A_126 = arith.constant 0 : i32
      %dma_wait3A_127 = tpu.memref_slice %arg4[%add3A_120, %dma_wait3A_125, %dma_wait3A_126] : memref<256x128x128xf32, #tpu.memory_space<hbm>> -> memref<1x128x128xf32, #tpu.memory_space<hbm>>
      %dma_wait3A_128 = tpu.memref_squeeze %dma_wait3A_127 : memref<1x128x128xf32, #tpu.memory_space<hbm>> -> memref<128x128xf32, #tpu.memory_space<hbm>>
      tpu.wait_dma2 semaphore(%arg16 : memref<!tpu.dma_semaphore, #tpu.memory_space<semaphore_mem>>) src(%arg8 : memref<128x128xf32, #tpu.memory_space<vmem>>) dst(%dma_wait3A_128 : memref<128x128xf32, #tpu.memory_space<hbm>>)
      %add3A_129 = arith.constant 4 : i32
      %add3A_130 = arith.addi %add3A_104, %add3A_129 : i32
      %lt3A_131 = arith.cmpi slt, %add3A_130, %select_n3A_6 : i32
      %convert_element_type3A_132 = arith.extui %lt3A_131 : i1 to i32
      %cond3A_133 = arith.constant 0 : i32
      %cond3A_134 = arith.cmpi ne, %convert_element_type3A_132, %cond3A_133 : i32
      scf.if %cond3A_134 {
        %add3A_168 = arith.constant 4 : i32
        %add3A_169 = arith.addi %add3A_104, %add3A_168 : i32
        %dma_start3A_170 = arith.constant 0 : i32
        %dma_start3A_171 = tpu.memref_slice %arg5[%add3A_169, %dma_start3A_170] : memref<12x128xi32, #tpu.memory_space<vmem>> -> memref<1x128xi32, #tpu.memory_space<vmem>>
        %dma_start3A_172 = tpu.memref_squeeze %dma_start3A_171 : memref<1x128xi32, #tpu.memory_space<vmem>> -> memref<128xi32, #tpu.memory_space<vmem>>
        %dma_start3A_173 = arith.constant 0 : i32
        %dma_start3A_174 = arith.constant 0 : i32
        %dma_start3A_175 = tpu.memref_slice %arg2[%dma_start3A_173, %dma_start3A_174] : memref<10000x128xf32, #tpu.memory_space<hbm>> -> memref<10000x128xf32, #tpu.memory_space<hbm>>
        tpu.enqueue_indirect_dma source(%dma_start3A_175 : memref<10000x128xf32, #tpu.memory_space<hbm>>) target(%arg8 : memref<128x128xf32, #tpu.memory_space<vmem>>) offsets(%dma_start3A_172 : memref<128xi32, #tpu.memory_space<vmem>>) semaphore(%arg12 : memref<!tpu.dma_semaphore, #tpu.memory_space<semaphore_mem>>)
      } else {
      }
      %add3A_135 = arith.constant 3 : i32
      %add3A_136 = arith.addi %mul3A_41, %add3A_135 : i32
      %dma_wait3A_137 = arith.constant 0 : i32
      %dma_wait3A_138 = tpu.memref_slice %arg5[%add3A_136, %dma_wait3A_137] : memref<12x128xi32, #tpu.memory_space<vmem>> -> memref<1x128xi32, #tpu.memory_space<vmem>>
      %dma_wait3A_139 = tpu.memref_squeeze %dma_wait3A_138 : memref<1x128xi32, #tpu.memory_space<vmem>> -> memref<128xi32, #tpu.memory_space<vmem>>
      %dma_wait3A_140 = arith.constant 0 : i32
      %dma_wait3A_141 = arith.constant 0 : i32
      %dma_wait3A_142 = tpu.memref_slice %arg2[%dma_wait3A_140, %dma_wait3A_141] : memref<10000x128xf32, #tpu.memory_space<hbm>> -> memref<10000x128xf32, #tpu.memory_space<hbm>>
      tpu.wait_indirect_dma semaphore(%arg13 : memref<!tpu.dma_semaphore, #tpu.memory_space<semaphore_mem>>) src(%dma_wait3A_142 : memref<10000x128xf32, #tpu.memory_space<hbm>>) dst(%arg9 : memref<128x128xf32, #tpu.memory_space<vmem>>)
      %add3A_143 = arith.addi %select_n3A, %add3A_136 : i32
      %dma_start3A_144 = arith.constant 0 : i32
      %dma_start3A_145 = arith.constant 0 : i32
      %dma_start3A_146 = tpu.memref_slice %arg4[%add3A_143, %dma_start3A_144, %dma_start3A_145] : memref<256x128x128xf32, #tpu.memory_space<hbm>> -> memref<1x128x128xf32, #tpu.memory_space<hbm>>
      %dma_start3A_147 = tpu.memref_squeeze %dma_start3A_146 : memref<1x128x128xf32, #tpu.memory_space<hbm>> -> memref<128x128xf32, #tpu.memory_space<hbm>>
      %dma_start3A_148 = arith.constant 0 : i32
      %dma_start3A_149 = arith.constant 0 : i32
      %dma_start3A_150 = tpu.memref_slice %arg4[%add3A_143, %dma_start3A_148, %dma_start3A_149] : memref<256x128x128xf32, #tpu.memory_space<hbm>> -> memref<1x128x128xf32, #tpu.memory_space<hbm>>
      %dma_start3A_151 = tpu.memref_squeeze %dma_start3A_150 : memref<1x128x128xf32, #tpu.memory_space<hbm>> -> memref<128x128xf32, #tpu.memory_space<hbm>>
      tpu.enqueue_dma source(%arg9 : memref<128x128xf32, #tpu.memory_space<vmem>>) target(%dma_start3A_151 : memref<128x128xf32, #tpu.memory_space<hbm>>) target_semaphore(%arg17 : memref<!tpu.dma_semaphore, #tpu.memory_space<semaphore_mem>>)
      %add3A_152 = arith.addi %select_n3A, %add3A_136 : i32
      %dma_wait3A_153 = arith.constant 0 : i32
      %dma_wait3A_154 = arith.constant 0 : i32
      %dma_wait3A_155 = tpu.memref_slice %arg4[%add3A_152, %dma_wait3A_153, %dma_wait3A_154] : memref<256x128x128xf32, #tpu.memory_space<hbm>> -> memref<1x128x128xf32, #tpu.memory_space<hbm>>
      %dma_wait3A_156 = tpu.memref_squeeze %dma_wait3A_155 : memref<1x128x128xf32, #tpu.memory_space<hbm>> -> memref<128x128xf32, #tpu.memory_space<hbm>>
      %dma_wait3A_157 = arith.constant 0 : i32
      %dma_wait3A_158 = arith.constant 0 : i32
      %dma_wait3A_159 = tpu.memref_slice %arg4[%add3A_152, %dma_wait3A_157, %dma_wait3A_158] : memref<256x128x128xf32, #tpu.memory_space<hbm>> -> memref<1x128x128xf32, #tpu.memory_space<hbm>>
      %dma_wait3A_160 = tpu.memref_squeeze %dma_wait3A_159 : memref<1x128x128xf32, #tpu.memory_space<hbm>> -> memref<128x128xf32, #tpu.memory_space<hbm>>
      tpu.wait_dma2 semaphore(%arg17 : memref<!tpu.dma_semaphore, #tpu.memory_space<semaphore_mem>>) src(%arg9 : memref<128x128xf32, #tpu.memory_space<vmem>>) dst(%dma_wait3A_160 : memref<128x128xf32, #tpu.memory_space<hbm>>)
      %add3A_161 = arith.constant 4 : i32
      %add3A_162 = arith.addi %add3A_136, %add3A_161 : i32
      %lt3A_163 = arith.cmpi slt, %add3A_162, %select_n3A_6 : i32
      %convert_element_type3A_164 = arith.extui %lt3A_163 : i1 to i32
      %cond3A_165 = arith.constant 0 : i32
      %cond3A_166 = arith.cmpi ne, %convert_element_type3A_164, %cond3A_165 : i32
      scf.if %cond3A_166 {
        %add3A_168 = arith.constant 4 : i32
        %add3A_169 = arith.addi %add3A_136, %add3A_168 : i32
        %dma_start3A_170 = arith.constant 0 : i32
        %dma_start3A_171 = tpu.memref_slice %arg5[%add3A_169, %dma_start3A_170] : memref<12x128xi32, #tpu.memory_space<vmem>> -> memref<1x128xi32, #tpu.memory_space<vmem>>
        %dma_start3A_172 = tpu.memref_squeeze %dma_start3A_171 : memref<1x128xi32, #tpu.memory_space<vmem>> -> memref<128xi32, #tpu.memory_space<vmem>>
        %dma_start3A_173 = arith.constant 0 : i32
        %dma_start3A_174 = arith.constant 0 : i32
        %dma_start3A_175 = tpu.memref_slice %arg2[%dma_start3A_173, %dma_start3A_174] : memref<10000x128xf32, #tpu.memory_space<hbm>> -> memref<10000x128xf32, #tpu.memory_space<hbm>>
        tpu.enqueue_indirect_dma source(%dma_start3A_175 : memref<10000x128xf32, #tpu.memory_space<hbm>>) target(%arg9 : memref<128x128xf32, #tpu.memory_space<vmem>>) offsets(%dma_start3A_172 : memref<128xi32, #tpu.memory_space<vmem>>) semaphore(%arg13 : memref<!tpu.dma_semaphore, #tpu.memory_space<semaphore_mem>>)
      } else {
      }
      %while3A_167 = arith.constant 0 : i32
      scf.yield %while3A_167 : i32
    }
    %while3A_36 = arith.constant 1 : i32
    %while3A_37 = scf.for %while3A_38 = %while3A_33 to %while3A_29 step %while3A_36 iter_args(%while3A_39 = %while3A_35) -> (i32)  : i32 {
      %mul3A_40 = arith.constant 4 : i32
      %mul3A_41 = arith.muli %while3A_38, %mul3A_40 : i32
      %add3A_42 = arith.constant 0 : i32
      %add3A_43 = arith.addi %mul3A_41, %add3A_42 : i32
      %dma_wait3A = arith.constant 0 : i32
      %dma_wait3A_44 = tpu.memref_slice %arg5[%add3A_43, %dma_wait3A] : memref<12x128xi32, #tpu.memory_space<vmem>> -> memref<1x128xi32, #tpu.memory_space<vmem>>
      %dma_wait3A_45 = tpu.memref_squeeze %dma_wait3A_44 : memref<1x128xi32, #tpu.memory_space<vmem>> -> memref<128xi32, #tpu.memory_space<vmem>>
      %dma_wait3A_46 = arith.constant 0 : i32
      %dma_wait3A_47 = arith.constant 0 : i32
      %dma_wait3A_48 = tpu.memref_slice %arg2[%dma_wait3A_46, %dma_wait3A_47] : memref<10000x128xf32, #tpu.memory_space<hbm>> -> memref<10000x128xf32, #tpu.memory_space<hbm>>
      tpu.wait_indirect_dma semaphore(%arg10 : memref<!tpu.dma_semaphore, #tpu.memory_space<semaphore_mem>>) src(%dma_wait3A_48 : memref<10000x128xf32, #tpu.memory_space<hbm>>) dst(%arg6 : memref<128x128xf32, #tpu.memory_space<vmem>>)
      %add3A_49 = arith.addi %select_n3A, %add3A_43 : i32
      %dma_start3A = arith.constant 0 : i32
      %dma_start3A_50 = arith.constant 0 : i32
      %dma_start3A_51 = tpu.memref_slice %arg4[%add3A_49, %dma_start3A, %dma_start3A_50] : memref<256x128x128xf32, #tpu.memory_space<hbm>> -> memref<1x128x128xf32, #tpu.memory_space<hbm>>
      %dma_start3A_52 = tpu.memref_squeeze %dma_start3A_51 : memref<1x128x128xf32, #tpu.memory_space<hbm>> -> memref<128x128xf32, #tpu.memory_space<hbm>>
      %dma_start3A_53 = arith.constant 0 : i32
      %dma_start3A_54 = arith.constant 0 : i32
      %dma_start3A_55 = tpu.memref_slice %arg4[%add3A_49, %dma_start3A_53, %dma_start3A_54] : memref<256x128x128xf32, #tpu.memory_space<hbm>> -> memref<1x128x128xf32, #tpu.memory_space<hbm>>
      %dma_start3A_56 = tpu.memref_squeeze %dma_start3A_55 : memref<1x128x128xf32, #tpu.memory_space<hbm>> -> memref<128x128xf32, #tpu.memory_space<hbm>>
      tpu.enqueue_dma source(%arg6 : memref<128x128xf32, #tpu.memory_space<vmem>>) target(%dma_start3A_56 : memref<128x128xf32, #tpu.memory_space<hbm>>) target_semaphore(%arg14 : memref<!tpu.dma_semaphore, #tpu.memory_space<semaphore_mem>>)
      %add3A_57 = arith.addi %select_n3A, %add3A_43 : i32
      %dma_wait3A_58 = arith.constant 0 : i32
      %dma_wait3A_59 = arith.constant 0 : i32
      %dma_wait3A_60 = tpu.memref_slice %arg4[%add3A_57, %dma_wait3A_58, %dma_wait3A_59] : memref<256x128x128xf32, #tpu.memory_space<hbm>> -> memref<1x128x128xf32, #tpu.memory_space<hbm>>
      %dma_wait3A_61 = tpu.memref_squeeze %dma_wait3A_60 : memref<1x128x128xf32, #tpu.memory_space<hbm>> -> memref<128x128xf32, #tpu.memory_space<hbm>>
      %dma_wait3A_62 = arith.constant 0 : i32
      %dma_wait3A_63 = arith.constant 0 : i32
      %dma_wait3A_64 = tpu.memref_slice %arg4[%add3A_57, %dma_wait3A_62, %dma_wait3A_63] : memref<256x128x128xf32, #tpu.memory_space<hbm>> -> memref<1x128x128xf32, #tpu.memory_space<hbm>>
      %dma_wait3A_65 = tpu.memref_squeeze %dma_wait3A_64 : memref<1x128x128xf32, #tpu.memory_space<hbm>> -> memref<128x128xf32, #tpu.memory_space<hbm>>
      tpu.wait_dma2 semaphore(%arg14 : memref<!tpu.dma_semaphore, #tpu.memory_space<semaphore_mem>>) src(%arg6 : memref<128x128xf32, #tpu.memory_space<vmem>>) dst(%dma_wait3A_65 : memref<128x128xf32, #tpu.memory_space<hbm>>)
      %add3A_66 = arith.constant 4 : i32
      %add3A_67 = arith.addi %add3A_43, %add3A_66 : i32
      %lt3A = arith.cmpi slt, %add3A_67, %select_n3A_6 : i32
      %convert_element_type3A_68 = arith.extui %lt3A : i1 to i32
      %cond3A_69 = arith.constant 0 : i32
      %cond3A_70 = arith.cmpi ne, %convert_element_type3A_68, %cond3A_69 : i32
      scf.if %cond3A_70 {
        %add3A_168 = arith.constant 4 : i32
        %add3A_169 = arith.addi %add3A_43, %add3A_168 : i32
        %dma_start3A_170 = arith.constant 0 : i32
        %dma_start3A_171 = tpu.memref_slice %arg5[%add3A_169, %dma_start3A_170] : memref<12x128xi32, #tpu.memory_space<vmem>> -> memref<1x128xi32, #tpu.memory_space<vmem>>
        %dma_start3A_172 = tpu.memref_squeeze %dma_start3A_171 : memref<1x128xi32, #tpu.memory_space<vmem>> -> memref<128xi32, #tpu.memory_space<vmem>>
        %dma_start3A_173 = arith.constant 0 : i32
        %dma_start3A_174 = arith.constant 0 : i32
        %dma_start3A_175 = tpu.memref_slice %arg2[%dma_start3A_173, %dma_start3A_174] : memref<10000x128xf32, #tpu.memory_space<hbm>> -> memref<10000x128xf32, #tpu.memory_space<hbm>>
        tpu.enqueue_indirect_dma source(%dma_start3A_175 : memref<10000x128xf32, #tpu.memory_space<hbm>>) target(%arg6 : memref<128x128xf32, #tpu.memory_space<vmem>>) offsets(%dma_start3A_172 : memref<128xi32, #tpu.memory_space<vmem>>) semaphore(%arg10 : memref<!tpu.dma_semaphore, #tpu.memory_space<semaphore_mem>>)
      } else {
      }
      %add3A_71 = arith.constant 1 : i32
      %add3A_72 = arith.addi %mul3A_41, %add3A_71 : i32
      %dma_wait3A_73 = arith.constant 0 : i32
      %dma_wait3A_74 = tpu.memref_slice %arg5[%add3A_72, %dma_wait3A_73] : memref<12x128xi32, #tpu.memory_space<vmem>> -> memref<1x128xi32, #tpu.memory_space<vmem>>
      %dma_wait3A_75 = tpu.memref_squeeze %dma_wait3A_74 : memref<1x128xi32, #tpu.memory_space<vmem>> -> memref<128xi32, #tpu.memory_space<vmem>>
      %dma_wait3A_76 = arith.constant 0 : i32
      %dma_wait3A_77 = arith.constant 0 : i32
      %dma_wait3A_78 = tpu.memref_slice %arg2[%dma_wait3A_76, %dma_wait3A_77] : memref<10000x128xf32, #tpu.memory_space<hbm>> -> memref<10000x128xf32, #tpu.memory_space<hbm>>
      tpu.wait_indirect_dma semaphore(%arg11 : memref<!tpu.dma_semaphore, #tpu.memory_space<semaphore_mem>>) src(%dma_wait3A_78 : memref<10000x128xf32, #tpu.memory_space<hbm>>) dst(%arg7 : memref<128x128xf32, #tpu.memory_space<vmem>>)
      %add3A_79 = arith.addi %select_n3A, %add3A_72 : i32
      %dma_start3A_80 = arith.constant 0 : i32
      %dma_start3A_81 = arith.constant 0 : i32
      %dma_start3A_82 = tpu.memref_slice %arg4[%add3A_79, %dma_start3A_80, %dma_start3A_81] : memref<256x128x128xf32, #tpu.memory_space<hbm>> -> memref<1x128x128xf32, #tpu.memory_space<hbm>>
      %dma_start3A_83 = tpu.memref_squeeze %dma_start3A_82 : memref<1x128x128xf32, #tpu.memory_space<hbm>> -> memref<128x128xf32, #tpu.memory_space<hbm>>
      %dma_start3A_84 = arith.constant 0 : i32
      %dma_start3A_85 = arith.constant 0 : i32
      %dma_start3A_86 = tpu.memref_slice %arg4[%add3A_79, %dma_start3A_84, %dma_start3A_85] : memref<256x128x128xf32, #tpu.memory_space<hbm>> -> memref<1x128x128xf32, #tpu.memory_space<hbm>>
      %dma_start3A_87 = tpu.memref_squeeze %dma_start3A_86 : memref<1x128x128xf32, #tpu.memory_space<hbm>> -> memref<128x128xf32, #tpu.memory_space<hbm>>
      tpu.enqueue_dma source(%arg7 : memref<128x128xf32, #tpu.memory_space<vmem>>) target(%dma_start3A_87 : memref<128x128xf32, #tpu.memory_space<hbm>>) target_semaphore(%arg15 : memref<!tpu.dma_semaphore, #tpu.memory_space<semaphore_mem>>)
      %add3A_88 = arith.addi %select_n3A, %add3A_72 : i32
      %dma_wait3A_89 = arith.constant 0 : i32
      %dma_wait3A_90 = arith.constant 0 : i32
      %dma_wait3A_91 = tpu.memref_slice %arg4[%add3A_88, %dma_wait3A_89, %dma_wait3A_90] : memref<256x128x128xf32, #tpu.memory_space<hbm>> -> memref<1x128x128xf32, #tpu.memory_space<hbm>>
      %dma_wait3A_92 = tpu.memref_squeeze %dma_wait3A_91 : memref<1x128x128xf32, #tpu.memory_space<hbm>> -> memref<128x128xf32, #tpu.memory_space<hbm>>
      %dma_wait3A_93 = arith.constant 0 : i32
      %dma_wait3A_94 = arith.constant 0 : i32
      %dma_wait3A_95 = tpu.memref_slice %arg4[%add3A_88, %dma_wait3A_93, %dma_wait3A_94] : memref<256x128x128xf32, #tpu.memory_space<hbm>> -> memref<1x128x128xf32, #tpu.memory_space<hbm>>
      %dma_wait3A_96 = tpu.memref_squeeze %dma_wait3A_95 : memref<1x128x128xf32, #tpu.memory_space<hbm>> -> memref<128x128xf32, #tpu.memory_space<hbm>>
      tpu.wait_dma2 semaphore(%arg15 : memref<!tpu.dma_semaphore, #tpu.memory_space<semaphore_mem>>) src(%arg7 : memref<128x128xf32, #tpu.memory_space<vmem>>) dst(%dma_wait3A_96 : memref<128x128xf32, #tpu.memory_space<hbm>>)
      %add3A_97 = arith.constant 4 : i32
      %add3A_98 = arith.addi %add3A_72, %add3A_97 : i32
      %lt3A_99 = arith.cmpi slt, %add3A_98, %select_n3A_6 : i32
      %convert_element_type3A_100 = arith.extui %lt3A_99 : i1 to i32
      %cond3A_101 = arith.constant 0 : i32
      %cond3A_102 = arith.cmpi ne, %convert_element_type3A_100, %cond3A_101 : i32
      scf.if %cond3A_102 {
        %add3A_168 = arith.constant 4 : i32
        %add3A_169 = arith.addi %add3A_72, %add3A_168 : i32
        %dma_start3A_170 = arith.constant 0 : i32
        %dma_start3A_171 = tpu.memref_slice %arg5[%add3A_169, %dma_start3A_170] : memref<12x128xi32, #tpu.memory_space<vmem>> -> memref<1x128xi32, #tpu.memory_space<vmem>>
        %dma_start3A_172 = tpu.memref_squeeze %dma_start3A_171 : memref<1x128xi32, #tpu.memory_space<vmem>> -> memref<128xi32, #tpu.memory_space<vmem>>
        %dma_start3A_173 = arith.constant 0 : i32
        %dma_start3A_174 = arith.constant 0 : i32
        %dma_start3A_175 = tpu.memref_slice %arg2[%dma_start3A_173, %dma_start3A_174] : memref<10000x128xf32, #tpu.memory_space<hbm>> -> memref<10000x128xf32, #tpu.memory_space<hbm>>
        tpu.enqueue_indirect_dma source(%dma_start3A_175 : memref<10000x128xf32, #tpu.memory_space<hbm>>) target(%arg7 : memref<128x128xf32, #tpu.memory_space<vmem>>) offsets(%dma_start3A_172 : memref<128xi32, #tpu.memory_space<vmem>>) semaphore(%arg11 : memref<!tpu.dma_semaphore, #tpu.memory_space<semaphore_mem>>)
      } else {
      }
      %add3A_103 = arith.constant 2 : i32
      %add3A_104 = arith.addi %mul3A_41, %add3A_103 : i32
      %dma_wait3A_105 = arith.constant 0 : i32
      %dma_wait3A_106 = tpu.memref_slice %arg5[%add3A_104, %dma_wait3A_105] : memref<12x128xi32, #tpu.memory_space<vmem>> -> memref<1x128xi32, #tpu.memory_space<vmem>>
      %dma_wait3A_107 = tpu.memref_squeeze %dma_wait3A_106 : memref<1x128xi32, #tpu.memory_space<vmem>> -> memref<128xi32, #tpu.memory_space<vmem>>
      %dma_wait3A_108 = arith.constant 0 : i32
      %dma_wait3A_109 = arith.constant 0 : i32
      %dma_wait3A_110 = tpu.memref_slice %arg2[%dma_wait3A_108, %dma_wait3A_109] : memref<10000x128xf32, #tpu.memory_space<hbm>> -> memref<10000x128xf32, #tpu.memory_space<hbm>>
      tpu.wait_indirect_dma semaphore(%arg12 : memref<!tpu.dma_semaphore, #tpu.memory_space<semaphore_mem>>) src(%dma_wait3A_110 : memref<10000x128xf32, #tpu.memory_space<hbm>>) dst(%arg8 : memref<128x128xf32, #tpu.memory_space<vmem>>)
      %add3A_111 = arith.addi %select_n3A, %add3A_104 : i32
      %dma_start3A_112 = arith.constant 0 : i32
      %dma_start3A_113 = arith.constant 0 : i32
      %dma_start3A_114 = tpu.memref_slice %arg4[%add3A_111, %dma_start3A_112, %dma_start3A_113] : memref<256x128x128xf32, #tpu.memory_space<hbm>> -> memref<1x128x128xf32, #tpu.memory_space<hbm>>
      %dma_start3A_115 = tpu.memref_squeeze %dma_start3A_114 : memref<1x128x128xf32, #tpu.memory_space<hbm>> -> memref<128x128xf32, #tpu.memory_space<hbm>>
      %dma_start3A_116 = arith.constant 0 : i32
      %dma_start3A_117 = arith.constant 0 : i32
      %dma_start3A_118 = tpu.memref_slice %arg4[%add3A_111, %dma_start3A_116, %dma_start3A_117] : memref<256x128x128xf32, #tpu.memory_space<hbm>> -> memref<1x128x128xf32, #tpu.memory_space<hbm>>
      %dma_start3A_119 = tpu.memref_squeeze %dma_start3A_118 : memref<1x128x128xf32, #tpu.memory_space<hbm>> -> memref<128x128xf32, #tpu.memory_space<hbm>>
      tpu.enqueue_dma source(%arg8 : memref<128x128xf32, #tpu.memory_space<vmem>>) target(%dma_start3A_119 : memref<128x128xf32, #tpu.memory_space<hbm>>) target_semaphore(%arg16 : memref<!tpu.dma_semaphore, #tpu.memory_space<semaphore_mem>>)
      %add3A_120 = arith.addi %select_n3A, %add3A_104 : i32
      %dma_wait3A_121 = arith.constant 0 : i32
      %dma_wait3A_122 = arith.constant 0 : i32
      %dma_wait3A_123 = tpu.memref_slice %arg4[%add3A_120, %dma_wait3A_121, %dma_wait3A_122] : memref<256x128x128xf32, #tpu.memory_space<hbm>> -> memref<1x128x128xf32, #tpu.memory_space<hbm>>
      %dma_wait3A_124 = tpu.memref_squeeze %dma_wait3A_123 : memref<1x128x128xf32, #tpu.memory_space<hbm>> -> memref<128x128xf32, #tpu.memory_space<hbm>>
      %dma_wait3A_125 = arith.constant 0 : i32
      %dma_wait3A_126 = arith.constant 0 : i32
      %dma_wait3A_127 = tpu.memref_slice %arg4[%add3A_120, %dma_wait3A_125, %dma_wait3A_126] : memref<256x128x128xf32, #tpu.memory_space<hbm>> -> memref<1x128x128xf32, #tpu.memory_space<hbm>>
      %dma_wait3A_128 = tpu.memref_squeeze %dma_wait3A_127 : memref<1x128x128xf32, #tpu.memory_space<hbm>> -> memref<128x128xf32, #tpu.memory_space<hbm>>
      tpu.wait_dma2 semaphore(%arg16 : memref<!tpu.dma_semaphore, #tpu.memory_space<semaphore_mem>>) src(%arg8 : memref<128x128xf32, #tpu.memory_space<vmem>>) dst(%dma_wait3A_128 : memref<128x128xf32, #tpu.memory_space<hbm>>)
      %add3A_129 = arith.constant 4 : i32
      %add3A_130 = arith.addi %add3A_104, %add3A_129 : i32
      %lt3A_131 = arith.cmpi slt, %add3A_130, %select_n3A_6 : i32
      %convert_element_type3A_132 = arith.extui %lt3A_131 : i1 to i32
      %cond3A_133 = arith.constant 0 : i32
      %cond3A_134 = arith.cmpi ne, %convert_element_type3A_132, %cond3A_133 : i32
      scf.if %cond3A_134 {
        %add3A_168 = arith.constant 4 : i32
        %add3A_169 = arith.addi %add3A_104, %add3A_168 : i32
        %dma_start3A_170 = arith.constant 0 : i32
        %dma_start3A_171 = tpu.memref_slice %arg5[%add3A_169, %dma_start3A_170] : memref<12x128xi32, #tpu.memory_space<vmem>> -> memref<1x128xi32, #tpu.memory_space<vmem>>
        %dma_start3A_172 = tpu.memref_squeeze %dma_start3A_171 : memref<1x128xi32, #tpu.memory_space<vmem>> -> memref<128xi32, #tpu.memory_space<vmem>>
        %dma_start3A_173 = arith.constant 0 : i32
        %dma_start3A_174 = arith.constant 0 : i32
        %dma_start3A_175 = tpu.memref_slice %arg2[%dma_start3A_173, %dma_start3A_174] : memref<10000x128xf32, #tpu.memory_space<hbm>> -> memref<10000x128xf32, #tpu.memory_space<hbm>>
        tpu.enqueue_indirect_dma source(%dma_start3A_175 : memref<10000x128xf32, #tpu.memory_space<hbm>>) target(%arg8 : memref<128x128xf32, #tpu.memory_space<vmem>>) offsets(%dma_start3A_172 : memref<128xi32, #tpu.memory_space<vmem>>) semaphore(%arg12 : memref<!tpu.dma_semaphore, #tpu.memory_space<semaphore_mem>>)
      } else {
      }
      %add3A_135 = arith.constant 3 : i32
      %add3A_136 = arith.addi %mul3A_41, %add3A_135 : i32
      %dma_wait3A_137 = arith.constant 0 : i32
      %dma_wait3A_138 = tpu.memref_slice %arg5[%add3A_136, %dma_wait3A_137] : memref<12x128xi32, #tpu.memory_space<vmem>> -> memref<1x128xi32, #tpu.memory_space<vmem>>
      %dma_wait3A_139 = tpu.memref_squeeze %dma_wait3A_138 : memref<1x128xi32, #tpu.memory_space<vmem>> -> memref<128xi32, #tpu.memory_space<vmem>>
      %dma_wait3A_140 = arith.constant 0 : i32
      %dma_wait3A_141 = arith.constant 0 : i32
      %dma_wait3A_142 = tpu.memref_slice %arg2[%dma_wait3A_140, %dma_wait3A_141] : memref<10000x128xf32, #tpu.memory_space<hbm>> -> memref<10000x128xf32, #tpu.memory_space<hbm>>
      tpu.wait_indirect_dma semaphore(%arg13 : memref<!tpu.dma_semaphore, #tpu.memory_space<semaphore_mem>>) src(%dma_wait3A_142 : memref<10000x128xf32, #tpu.memory_space<hbm>>) dst(%arg9 : memref<128x128xf32, #tpu.memory_space<vmem>>)
      %add3A_143 = arith.addi %select_n3A, %add3A_136 : i32
      %dma_start3A_144 = arith.constant 0 : i32
      %dma_start3A_145 = arith.constant 0 : i32
      %dma_start3A_146 = tpu.memref_slice %arg4[%add3A_143, %dma_start3A_144, %dma_start3A_145] : memref<256x128x128xf32, #tpu.memory_space<hbm>> -> memref<1x128x128xf32, #tpu.memory_space<hbm>>
      %dma_start3A_147 = tpu.memref_squeeze %dma_start3A_146 : memref<1x128x128xf32, #tpu.memory_space<hbm>> -> memref<128x128xf32, #tpu.memory_space<hbm>>
      %dma_start3A_148 = arith.constant 0 : i32
      %dma_start3A_149 = arith.constant 0 : i32
      %dma_start3A_150 = tpu.memref_slice %arg4[%add3A_143, %dma_start3A_148, %dma_start3A_149] : memref<256x128x128xf32, #tpu.memory_space<hbm>> -> memref<1x128x128xf32, #tpu.memory_space<hbm>>
      %dma_start3A_151 = tpu.memref_squeeze %dma_start3A_150 : memref<1x128x128xf32, #tpu.memory_space<hbm>> -> memref<128x128xf32, #tpu.memory_space<hbm>>
      tpu.enqueue_dma source(%arg9 : memref<128x128xf32, #tpu.memory_space<vmem>>) target(%dma_start3A_151 : memref<128x128xf32, #tpu.memory_space<hbm>>) target_semaphore(%arg17 : memref<!tpu.dma_semaphore, #tpu.memory_space<semaphore_mem>>)
      %add3A_152 = arith.addi %select_n3A, %add3A_136 : i32
      %dma_wait3A_153 = arith.constant 0 : i32
      %dma_wait3A_154 = arith.constant 0 : i32
      %dma_wait3A_155 = tpu.memref_slice %arg4[%add3A_152, %dma_wait3A_153, %dma_wait3A_154] : memref<256x128x128xf32, #tpu.memory_space<hbm>> -> memref<1x128x128xf32, #tpu.memory_space<hbm>>
      %dma_wait3A_156 = tpu.memref_squeeze %dma_wait3A_155 : memref<1x128x128xf32, #tpu.memory_space<hbm>> -> memref<128x128xf32, #tpu.memory_space<hbm>>
      %dma_wait3A_157 = arith.constant 0 : i32
      %dma_wait3A_158 = arith.constant 0 : i32
      %dma_wait3A_159 = tpu.memref_slice %arg4[%add3A_152, %dma_wait3A_157, %dma_wait3A_158] : memref<256x128x128xf32, #tpu.memory_space<hbm>> -> memref<1x128x128xf32, #tpu.memory_space<hbm>>
      %dma_wait3A_160 = tpu.memref_squeeze %dma_wait3A_159 : memref<1x128x128xf32, #tpu.memory_space<hbm>> -> memref<128x128xf32, #tpu.memory_space<hbm>>
      tpu.wait_dma2 semaphore(%arg17 : memref<!tpu.dma_semaphore, #tpu.memory_space<semaphore_mem>>) src(%arg9 : memref<128x128xf32, #tpu.memory_space<vmem>>) dst(%dma_wait3A_160 : memref<128x128xf32, #tpu.memory_space<hbm>>)
      %add3A_161 = arith.constant 4 : i32
      %add3A_162 = arith.addi %add3A_136, %add3A_161 : i32
      %lt3A_163 = arith.cmpi slt, %add3A_162, %select_n3A_6 : i32
      %convert_element_type3A_164 = arith.extui %lt3A_163 : i1 to i32
      %cond3A_165 = arith.constant 0 : i32
      %cond3A_166 = arith.cmpi ne, %convert_element_type3A_164, %cond3A_165 : i32
      scf.if %cond3A_166 {
        %add3A_168 = arith.constant 4 : i32
        %add3A_169 = arith.addi %add3A_136, %add3A_168 : i32
        %dma_start3A_170 = arith.constant 0 : i32
        %dma_start3A_171 = tpu.memref_slice %arg5[%add3A_169, %dma_start3A_170] : memref<12x128xi32, #tpu.memory_space<vmem>> -> memref<1x128xi32, #tpu.memory_space<vmem>>
        %dma_start3A_172 = tpu.memref_squeeze %dma_start3A_171 : memref<1x128xi32, #tpu.memory_space<vmem>> -> memref<128xi32, #tpu.memory_space<vmem>>
        %dma_start3A_173 = arith.constant 0 : i32
        %dma_start3A_174 = arith.constant 0 : i32
        %dma_start3A_175 = tpu.memref_slice %arg2[%dma_start3A_173, %dma_start3A_174] : memref<10000x128xf32, #tpu.memory_space<hbm>> -> memref<10000x128xf32, #tpu.memory_space<hbm>>
        tpu.enqueue_indirect_dma source(%dma_start3A_175 : memref<10000x128xf32, #tpu.memory_space<hbm>>) target(%arg9 : memref<128x128xf32, #tpu.memory_space<vmem>>) offsets(%dma_start3A_172 : memref<128xi32, #tpu.memory_space<vmem>>) semaphore(%arg13 : memref<!tpu.dma_semaphore, #tpu.memory_space<semaphore_mem>>)
      } else {
      }
      %while3A_167 = arith.constant 0 : i32
      scf.yield %while3A_167 : i32
    }
    return
  }
}

#map = affine_map<(d0, d1) -> (0, 0)>
#map1 = affine_map<(d0, d1) -> (0, 0, 0)>
module attributes {stable_mosaic.version = 14 : i64} {
  func.func @gather_kernel(%arg0: i32, %arg1: i32, %arg2: memref<10000x128xf32, #tpu.memory_space<hbm>>, %arg3: memref<264x128xi32, #tpu.memory_space<hbm>>, %arg4: memref<256x128x128xf32, #tpu.memory_space<hbm>>, %arg5: memref<12x128xi32, #tpu.memory_space<vmem>>, %arg6: memref<128x128xf32, #tpu.memory_space<vmem>>, %arg7: memref<128x128xf32, #tpu.memory_space<vmem>>, %arg8: memref<128x128xf32, #tpu.memory_space<vmem>>, %arg9: memref<128x128xf32, #tpu.memory_space<vmem>>, %arg10: memref<!tpu.dma_semaphore, #tpu.memory_space<semaphore_mem>>, %arg11: memref<!tpu.dma_semaphore, #tpu.memory_space<semaphore_mem>>, %arg12: memref<!tpu.dma_semaphore, #tpu.memory_space<semaphore_mem>>, %arg13: memref<!tpu.dma_semaphore, #tpu.memory_space<semaphore_mem>>, %arg14: memref<!tpu.dma_semaphore, #tpu.memory_space<semaphore_mem>>, %arg15: memref<!tpu.dma_semaphore, #tpu.memory_space<semaphore_mem>>, %arg16: memref<!tpu.dma_semaphore, #tpu.memory_space<semaphore_mem>>, %arg17: memref<!tpu.dma_semaphore, #tpu.memory_space<semaphore_mem>>) attributes {dimension_semantics = [#tpu.dimension_semantics<core_parallel>, #tpu.dimension_semantics<subcore_parallel>], iteration_bounds = array<i64: 2, 16>, scalar_prefetch = 0 : i64, scratch_operands = 13 : i64, tpu.core_type = #tpu.core_type<sc_vector_subcore>, window_params = [{transform_indices = #map}, {transform_indices = #map}, {transform_indices = #map1}]} {
    %eq3A = arith.constant 0 : i32
    %eq3A_0 = arith.cmpi eq, %arg0, %eq3A : i32
    %mul3A = arith.constant 12 : i32
    %mul3A_1 = arith.muli %arg1, %mul3A : i32
    %mul3A_2 = arith.constant 4 : i32
    %mul3A_3 = arith.muli %arg1, %mul3A_2 : i32
    %add3A = arith.constant 192 : i32
    %add3A_4 = arith.addi %add3A, %mul3A_3 : i32
    %select_n3A = arith.select %eq3A_0, %mul3A_1, %add3A_4 : i32
    %jit3A = arith.constant 12 : i32
    %jit3A_5 = arith.constant 4 : i32
    %select_n3A_6 = arith.select %eq3A_0, %jit3A, %jit3A_5 : i32
    %gt3A = arith.constant 0 : i32
    %gt3A_7 = arith.cmpi sgt, %select_n3A_6, %gt3A : i32
    %convert_element_type3A = arith.extui %gt3A_7 : i1 to i32
    %cond3A = arith.constant 0 : i32
    %cond3A_8 = arith.cmpi ne, %convert_element_type3A, %cond3A : i32
    scf.if %cond3A_8 {
      "tpu.region"() ({
        %run_scoped3A = tpu.sem_alloc : memref<!tpu.dma_semaphore, #tpu.memory_space<semaphore_mem>>
        %dma_start3A_65 = arith.constant 0 : i32
        %dma_start3A_66 = tpu.memref_slice %arg3[%select_n3A, %dma_start3A_65] : memref<264x128xi32, #tpu.memory_space<hbm>> -> memref<12x128xi32, #tpu.memory_space<hbm>>
        %dma_start3A_67 = arith.constant 0 : i32
        %dma_start3A_68 = tpu.memref_slice %arg3[%select_n3A, %dma_start3A_67] : memref<264x128xi32, #tpu.memory_space<hbm>> -> memref<12x128xi32, #tpu.memory_space<hbm>>
        tpu.enqueue_dma source(%dma_start3A_68 : memref<12x128xi32, #tpu.memory_space<hbm>>) target(%arg5 : memref<12x128xi32, #tpu.memory_space<vmem>>) target_semaphore(%run_scoped3A : memref<!tpu.dma_semaphore, #tpu.memory_space<semaphore_mem>>)
        %dma_wait3A = arith.constant 0 : i32
        %dma_wait3A_69 = tpu.memref_slice %arg3[%select_n3A, %dma_wait3A] : memref<264x128xi32, #tpu.memory_space<hbm>> -> memref<12x128xi32, #tpu.memory_space<hbm>>
        %dma_wait3A_70 = arith.constant 0 : i32
        %dma_wait3A_71 = tpu.memref_slice %arg3[%select_n3A, %dma_wait3A_70] : memref<264x128xi32, #tpu.memory_space<hbm>> -> memref<12x128xi32, #tpu.memory_space<hbm>>
        tpu.wait_dma2 semaphore(%run_scoped3A : memref<!tpu.dma_semaphore, #tpu.memory_space<semaphore_mem>>) src(%dma_wait3A_71 : memref<12x128xi32, #tpu.memory_space<hbm>>) dst(%arg5 : memref<12x128xi32, #tpu.memory_space<vmem>>)
        tpu.yield
      }) : () -> ()
      %dma_start3A = arith.constant 0 : i32
      %dma_start3A_38 = arith.constant 0 : i32
      %dma_start3A_39 = tpu.memref_slice %arg5[%dma_start3A, %dma_start3A_38] : memref<12x128xi32, #tpu.memory_space<vmem>> -> memref<1x128xi32, #tpu.memory_space<vmem>>
      %dma_start3A_40 = tpu.memref_squeeze %dma_start3A_39 : memref<1x128xi32, #tpu.memory_space<vmem>> -> memref<128xi32, #tpu.memory_space<vmem>>
      %dma_start3A_41 = arith.constant 0 : i32
      %dma_start3A_42 = arith.constant 0 : i32
      %dma_start3A_43 = tpu.memref_slice %arg2[%dma_start3A_41, %dma_start3A_42] : memref<10000x128xf32, #tpu.memory_space<hbm>> -> memref<10000x128xf32, #tpu.memory_space<hbm>>
      tpu.enqueue_indirect_dma source(%dma_start3A_43 : memref<10000x128xf32, #tpu.memory_space<hbm>>) target(%arg6 : memref<128x128xf32, #tpu.memory_space<vmem>>) offsets(%dma_start3A_40 : memref<128xi32, #tpu.memory_space<vmem>>) semaphore(%arg10 : memref<!tpu.dma_semaphore, #tpu.memory_space<semaphore_mem>>)
      %dma_start3A_44 = arith.constant 1 : i32
      %dma_start3A_45 = arith.constant 0 : i32
      %dma_start3A_46 = tpu.memref_slice %arg5[%dma_start3A_44, %dma_start3A_45] : memref<12x128xi32, #tpu.memory_space<vmem>> -> memref<1x128xi32, #tpu.memory_space<vmem>>
      %dma_start3A_47 = tpu.memref_squeeze %dma_start3A_46 : memref<1x128xi32, #tpu.memory_space<vmem>> -> memref<128xi32, #tpu.memory_space<vmem>>
      %dma_start3A_48 = arith.constant 0 : i32
      %dma_start3A_49 = arith.constant 0 : i32
      %dma_start3A_50 = tpu.memref_slice %arg2[%dma_start3A_48, %dma_start3A_49] : memref<10000x128xf32, #tpu.memory_space<hbm>> -> memref<10000x128xf32, #tpu.memory_space<hbm>>
      tpu.enqueue_indirect_dma source(%dma_start3A_50 : memref<10000x128xf32, #tpu.memory_space<hbm>>) target(%arg7 : memref<128x128xf32, #tpu.memory_space<vmem>>) offsets(%dma_start3A_47 : memref<128xi32, #tpu.memory_space<vmem>>) semaphore(%arg11 : memref<!tpu.dma_semaphore, #tpu.memory_space<semaphore_mem>>)
      %dma_start3A_51 = arith.constant 2 : i32
      %dma_start3A_52 = arith.constant 0 : i32
      %dma_start3A_53 = tpu.memref_slice %arg5[%dma_start3A_51, %dma_start3A_52] : memref<12x128xi32, #tpu.memory_space<vmem>> -> memref<1x128xi32, #tpu.memory_space<vmem>>
      %dma_start3A_54 = tpu.memref_squeeze %dma_start3A_53 : memref<1x128xi32, #tpu.memory_space<vmem>> -> memref<128xi32, #tpu.memory_space<vmem>>
      %dma_start3A_55 = arith.constant 0 : i32
      %dma_start3A_56 = arith.constant 0 : i32
      %dma_start3A_57 = tpu.memref_slice %arg2[%dma_start3A_55, %dma_start3A_56] : memref<10000x128xf32, #tpu.memory_space<hbm>> -> memref<10000x128xf32, #tpu.memory_space<hbm>>
      tpu.enqueue_indirect_dma source(%dma_start3A_57 : memref<10000x128xf32, #tpu.memory_space<hbm>>) target(%arg8 : memref<128x128xf32, #tpu.memory_space<vmem>>) offsets(%dma_start3A_54 : memref<128xi32, #tpu.memory_space<vmem>>) semaphore(%arg12 : memref<!tpu.dma_semaphore, #tpu.memory_space<semaphore_mem>>)
      %dma_start3A_58 = arith.constant 3 : i32
      %dma_start3A_59 = arith.constant 0 : i32
      %dma_start3A_60 = tpu.memref_slice %arg5[%dma_start3A_58, %dma_start3A_59] : memref<12x128xi32, #tpu.memory_space<vmem>> -> memref<1x128xi32, #tpu.memory_space<vmem>>
      %dma_start3A_61 = tpu.memref_squeeze %dma_start3A_60 : memref<1x128xi32, #tpu.memory_space<vmem>> -> memref<128xi32, #tpu.memory_space<vmem>>
      %dma_start3A_62 = arith.constant 0 : i32
      %dma_start3A_63 = arith.constant 0 : i32
      %dma_start3A_64 = tpu.memref_slice %arg2[%dma_start3A_62, %dma_start3A_63] : memref<10000x128xf32, #tpu.memory_space<hbm>> -> memref<10000x128xf32, #tpu.memory_space<hbm>>
      tpu.enqueue_indirect_dma source(%dma_start3A_64 : memref<10000x128xf32, #tpu.memory_space<hbm>>) target(%arg9 : memref<128x128xf32, #tpu.memory_space<vmem>>) offsets(%dma_start3A_61 : memref<128xi32, #tpu.memory_space<vmem>>) semaphore(%arg13 : memref<!tpu.dma_semaphore, #tpu.memory_space<semaphore_mem>>)
    } else {
    }
    %jit3A_9 = arith.constant 4 : i32
    %div3A = arith.divsi %select_n3A_6, %jit3A_9 : i32
    %sign3A = arith.constant 0 : i32
    %sign3A_10 = arith.cmpi sgt, %select_n3A_6, %sign3A : i32
    %sign3A_11 = arith.extui %sign3A_10 : i1 to i32
    %sign3A_12 = arith.constant 0 : i32
    %sign3A_13 = arith.cmpi slt, %select_n3A_6, %sign3A_12 : i32
    %sign3A_14 = arith.extui %sign3A_13 : i1 to i32
    %sign3A_15 = arith.subi %sign3A_11, %sign3A_14 : i32
    %sign3A_16 = arith.constant 0 : i32
    %sign3A_17 = arith.cmpi sgt, %jit3A_9, %sign3A_16 : i32
    %sign3A_18 = arith.extui %sign3A_17 : i1 to i32
    %sign3A_19 = arith.constant 0 : i32
    %sign3A_20 = arith.cmpi slt, %jit3A_9, %sign3A_19 : i32
    %sign3A_21 = arith.extui %sign3A_20 : i1 to i32
    %sign3A_22 = arith.subi %sign3A_18, %sign3A_21 : i32
    %ne3A = arith.cmpi ne, %sign3A_15, %sign3A_22 : i32
    %rem3A = arith.remsi %select_n3A_6, %jit3A_9 : i32
    %ne3A_23 = arith.constant 0 : i32
    %ne3A_24 = arith.cmpi ne, %rem3A, %ne3A_23 : i32
    %and3A = arith.andi %ne3A, %ne3A_24 : i1
    %sub3A = arith.constant 1 : i32
    %sub3A_25 = arith.subi %div3A, %sub3A : i32
    %select_n3A_26 = arith.select %and3A, %sub3A_25, %div3A : i32
    %while3A = arith.constant 0 : i32
    %while3A_27 = arith.constant 0 : i32
    %while3A_28 = arith.subi %select_n3A_26, %while3A : i32
    %while3A_29 = arith.addi %while3A, %while3A_28 : i32
    %while3A_30 = arith.constant 1 : i32
    %while3A_31 = arith.divsi %while3A_28, %while3A_30 : i32
    %while3A_32 = arith.muli %while3A_31, %while3A_30 : i32
    %while3A_33 = arith.addi %while3A, %while3A_32 : i32
    %while3A_34 = arith.constant 1 : i32
    %while3A_35 = scf.for %while3A_38 = %while3A to %while3A_33 step %while3A_34 iter_args(%while3A_39 = %while3A_27) -> (i32)  : i32 {
      %mul3A_40 = arith.constant 4 : i32
      %mul3A_41 = arith.muli %while3A_38, %mul3A_40 : i32
      %add3A_42 = arith.constant 0 : i32
      %add3A_43 = arith.addi %mul3A_41, %add3A_42 : i32
      %dma_wait3A = arith.constant 0 : i32
      %dma_wait3A_44 = tpu.memref_slice %arg5[%add3A_43, %dma_wait3A] : memref<12x128xi32, #tpu.memory_space<vmem>> -> memref<1x128xi32, #tpu.memory_space<vmem>>
      %dma_wait3A_45 = tpu.memref_squeeze %dma_wait3A_44 : memref<1x128xi32, #tpu.memory_space<vmem>> -> memref<128xi32, #tpu.memory_space<vmem>>
      %dma_wait3A_46 = arith.constant 0 : i32
      %dma_wait3A_47 = arith.constant 0 : i32
      %dma_wait3A_48 = tpu.memref_slice %arg2[%dma_wait3A_46, %dma_wait3A_47] : memref<10000x128xf32, #tpu.memory_space<hbm>> -> memref<10000x128xf32, #tpu.memory_space<hbm>>
      tpu.wait_indirect_dma semaphore(%arg10 : memref<!tpu.dma_semaphore, #tpu.memory_space<semaphore_mem>>) src(%dma_wait3A_48 : memref<10000x128xf32, #tpu.memory_space<hbm>>) dst(%arg6 : memref<128x128xf32, #tpu.memory_space<vmem>>)
      %add3A_49 = arith.addi %select_n3A, %add3A_43 : i32
      %dma_start3A = arith.constant 0 : i32
      %dma_start3A_50 = arith.constant 0 : i32
      %dma_start3A_51 = tpu.memref_slice %arg4[%add3A_49, %dma_start3A, %dma_start3A_50] : memref<256x128x128xf32, #tpu.memory_space<hbm>> -> memref<1x128x128xf32, #tpu.memory_space<hbm>>
      %dma_start3A_52 = tpu.memref_squeeze %dma_start3A_51 : memref<1x128x128xf32, #tpu.memory_space<hbm>> -> memref<128x128xf32, #tpu.memory_space<hbm>>
      %dma_start3A_53 = arith.constant 0 : i32
      %dma_start3A_54 = arith.constant 0 : i32
      %dma_start3A_55 = tpu.memref_slice %arg4[%add3A_49, %dma_start3A_53, %dma_start3A_54] : memref<256x128x128xf32, #tpu.memory_space<hbm>> -> memref<1x128x128xf32, #tpu.memory_space<hbm>>
      %dma_start3A_56 = tpu.memref_squeeze %dma_start3A_55 : memref<1x128x128xf32, #tpu.memory_space<hbm>> -> memref<128x128xf32, #tpu.memory_space<hbm>>
      tpu.enqueue_dma source(%arg6 : memref<128x128xf32, #tpu.memory_space<vmem>>) target(%dma_start3A_56 : memref<128x128xf32, #tpu.memory_space<hbm>>) target_semaphore(%arg14 : memref<!tpu.dma_semaphore, #tpu.memory_space<semaphore_mem>>)
      %add3A_57 = arith.addi %select_n3A, %add3A_43 : i32
      %dma_wait3A_58 = arith.constant 0 : i32
      %dma_wait3A_59 = arith.constant 0 : i32
      %dma_wait3A_60 = tpu.memref_slice %arg4[%add3A_57, %dma_wait3A_58, %dma_wait3A_59] : memref<256x128x128xf32, #tpu.memory_space<hbm>> -> memref<1x128x128xf32, #tpu.memory_space<hbm>>
      %dma_wait3A_61 = tpu.memref_squeeze %dma_wait3A_60 : memref<1x128x128xf32, #tpu.memory_space<hbm>> -> memref<128x128xf32, #tpu.memory_space<hbm>>
      %dma_wait3A_62 = arith.constant 0 : i32
      %dma_wait3A_63 = arith.constant 0 : i32
      %dma_wait3A_64 = tpu.memref_slice %arg4[%add3A_57, %dma_wait3A_62, %dma_wait3A_63] : memref<256x128x128xf32, #tpu.memory_space<hbm>> -> memref<1x128x128xf32, #tpu.memory_space<hbm>>
      %dma_wait3A_65 = tpu.memref_squeeze %dma_wait3A_64 : memref<1x128x128xf32, #tpu.memory_space<hbm>> -> memref<128x128xf32, #tpu.memory_space<hbm>>
      tpu.wait_dma2 semaphore(%arg14 : memref<!tpu.dma_semaphore, #tpu.memory_space<semaphore_mem>>) src(%arg6 : memref<128x128xf32, #tpu.memory_space<vmem>>) dst(%dma_wait3A_65 : memref<128x128xf32, #tpu.memory_space<hbm>>)
      %add3A_66 = arith.constant 4 : i32
      %add3A_67 = arith.addi %add3A_43, %add3A_66 : i32
      %lt3A = arith.cmpi slt, %add3A_67, %select_n3A_6 : i32
      %convert_element_type3A_68 = arith.extui %lt3A : i1 to i32
      %cond3A_69 = arith.constant 0 : i32
      %cond3A_70 = arith.cmpi ne, %convert_element_type3A_68, %cond3A_69 : i32
      scf.if %cond3A_70 {
        %add3A_168 = arith.constant 4 : i32
        %add3A_169 = arith.addi %add3A_43, %add3A_168 : i32
        %dma_start3A_170 = arith.constant 0 : i32
        %dma_start3A_171 = tpu.memref_slice %arg5[%add3A_169, %dma_start3A_170] : memref<12x128xi32, #tpu.memory_space<vmem>> -> memref<1x128xi32, #tpu.memory_space<vmem>>
        %dma_start3A_172 = tpu.memref_squeeze %dma_start3A_171 : memref<1x128xi32, #tpu.memory_space<vmem>> -> memref<128xi32, #tpu.memory_space<vmem>>
        %dma_start3A_173 = arith.constant 0 : i32
        %dma_start3A_174 = arith.constant 0 : i32
        %dma_start3A_175 = tpu.memref_slice %arg2[%dma_start3A_173, %dma_start3A_174] : memref<10000x128xf32, #tpu.memory_space<hbm>> -> memref<10000x128xf32, #tpu.memory_space<hbm>>
        tpu.enqueue_indirect_dma source(%dma_start3A_175 : memref<10000x128xf32, #tpu.memory_space<hbm>>) target(%arg6 : memref<128x128xf32, #tpu.memory_space<vmem>>) offsets(%dma_start3A_172 : memref<128xi32, #tpu.memory_space<vmem>>) semaphore(%arg10 : memref<!tpu.dma_semaphore, #tpu.memory_space<semaphore_mem>>)
      } else {
      }
      %add3A_71 = arith.constant 1 : i32
      %add3A_72 = arith.addi %mul3A_41, %add3A_71 : i32
      %dma_wait3A_73 = arith.constant 0 : i32
      %dma_wait3A_74 = tpu.memref_slice %arg5[%add3A_72, %dma_wait3A_73] : memref<12x128xi32, #tpu.memory_space<vmem>> -> memref<1x128xi32, #tpu.memory_space<vmem>>
      %dma_wait3A_75 = tpu.memref_squeeze %dma_wait3A_74 : memref<1x128xi32, #tpu.memory_space<vmem>> -> memref<128xi32, #tpu.memory_space<vmem>>
      %dma_wait3A_76 = arith.constant 0 : i32
      %dma_wait3A_77 = arith.constant 0 : i32
      %dma_wait3A_78 = tpu.memref_slice %arg2[%dma_wait3A_76, %dma_wait3A_77] : memref<10000x128xf32, #tpu.memory_space<hbm>> -> memref<10000x128xf32, #tpu.memory_space<hbm>>
      tpu.wait_indirect_dma semaphore(%arg11 : memref<!tpu.dma_semaphore, #tpu.memory_space<semaphore_mem>>) src(%dma_wait3A_78 : memref<10000x128xf32, #tpu.memory_space<hbm>>) dst(%arg7 : memref<128x128xf32, #tpu.memory_space<vmem>>)
      %add3A_79 = arith.addi %select_n3A, %add3A_72 : i32
      %dma_start3A_80 = arith.constant 0 : i32
      %dma_start3A_81 = arith.constant 0 : i32
      %dma_start3A_82 = tpu.memref_slice %arg4[%add3A_79, %dma_start3A_80, %dma_start3A_81] : memref<256x128x128xf32, #tpu.memory_space<hbm>> -> memref<1x128x128xf32, #tpu.memory_space<hbm>>
      %dma_start3A_83 = tpu.memref_squeeze %dma_start3A_82 : memref<1x128x128xf32, #tpu.memory_space<hbm>> -> memref<128x128xf32, #tpu.memory_space<hbm>>
      %dma_start3A_84 = arith.constant 0 : i32
      %dma_start3A_85 = arith.constant 0 : i32
      %dma_start3A_86 = tpu.memref_slice %arg4[%add3A_79, %dma_start3A_84, %dma_start3A_85] : memref<256x128x128xf32, #tpu.memory_space<hbm>> -> memref<1x128x128xf32, #tpu.memory_space<hbm>>
      %dma_start3A_87 = tpu.memref_squeeze %dma_start3A_86 : memref<1x128x128xf32, #tpu.memory_space<hbm>> -> memref<128x128xf32, #tpu.memory_space<hbm>>
      tpu.enqueue_dma source(%arg7 : memref<128x128xf32, #tpu.memory_space<vmem>>) target(%dma_start3A_87 : memref<128x128xf32, #tpu.memory_space<hbm>>) target_semaphore(%arg15 : memref<!tpu.dma_semaphore, #tpu.memory_space<semaphore_mem>>)
      %add3A_88 = arith.addi %select_n3A, %add3A_72 : i32
      %dma_wait3A_89 = arith.constant 0 : i32
      %dma_wait3A_90 = arith.constant 0 : i32
      %dma_wait3A_91 = tpu.memref_slice %arg4[%add3A_88, %dma_wait3A_89, %dma_wait3A_90] : memref<256x128x128xf32, #tpu.memory_space<hbm>> -> memref<1x128x128xf32, #tpu.memory_space<hbm>>
      %dma_wait3A_92 = tpu.memref_squeeze %dma_wait3A_91 : memref<1x128x128xf32, #tpu.memory_space<hbm>> -> memref<128x128xf32, #tpu.memory_space<hbm>>
      %dma_wait3A_93 = arith.constant 0 : i32
      %dma_wait3A_94 = arith.constant 0 : i32
      %dma_wait3A_95 = tpu.memref_slice %arg4[%add3A_88, %dma_wait3A_93, %dma_wait3A_94] : memref<256x128x128xf32, #tpu.memory_space<hbm>> -> memref<1x128x128xf32, #tpu.memory_space<hbm>>
      %dma_wait3A_96 = tpu.memref_squeeze %dma_wait3A_95 : memref<1x128x128xf32, #tpu.memory_space<hbm>> -> memref<128x128xf32, #tpu.memory_space<hbm>>
      tpu.wait_dma2 semaphore(%arg15 : memref<!tpu.dma_semaphore, #tpu.memory_space<semaphore_mem>>) src(%arg7 : memref<128x128xf32, #tpu.memory_space<vmem>>) dst(%dma_wait3A_96 : memref<128x128xf32, #tpu.memory_space<hbm>>)
      %add3A_97 = arith.constant 4 : i32
      %add3A_98 = arith.addi %add3A_72, %add3A_97 : i32
      %lt3A_99 = arith.cmpi slt, %add3A_98, %select_n3A_6 : i32
      %convert_element_type3A_100 = arith.extui %lt3A_99 : i1 to i32
      %cond3A_101 = arith.constant 0 : i32
      %cond3A_102 = arith.cmpi ne, %convert_element_type3A_100, %cond3A_101 : i32
      scf.if %cond3A_102 {
        %add3A_168 = arith.constant 4 : i32
        %add3A_169 = arith.addi %add3A_72, %add3A_168 : i32
        %dma_start3A_170 = arith.constant 0 : i32
        %dma_start3A_171 = tpu.memref_slice %arg5[%add3A_169, %dma_start3A_170] : memref<12x128xi32, #tpu.memory_space<vmem>> -> memref<1x128xi32, #tpu.memory_space<vmem>>
        %dma_start3A_172 = tpu.memref_squeeze %dma_start3A_171 : memref<1x128xi32, #tpu.memory_space<vmem>> -> memref<128xi32, #tpu.memory_space<vmem>>
        %dma_start3A_173 = arith.constant 0 : i32
        %dma_start3A_174 = arith.constant 0 : i32
        %dma_start3A_175 = tpu.memref_slice %arg2[%dma_start3A_173, %dma_start3A_174] : memref<10000x128xf32, #tpu.memory_space<hbm>> -> memref<10000x128xf32, #tpu.memory_space<hbm>>
        tpu.enqueue_indirect_dma source(%dma_start3A_175 : memref<10000x128xf32, #tpu.memory_space<hbm>>) target(%arg7 : memref<128x128xf32, #tpu.memory_space<vmem>>) offsets(%dma_start3A_172 : memref<128xi32, #tpu.memory_space<vmem>>) semaphore(%arg11 : memref<!tpu.dma_semaphore, #tpu.memory_space<semaphore_mem>>)
      } else {
      }
      %add3A_103 = arith.constant 2 : i32
      %add3A_104 = arith.addi %mul3A_41, %add3A_103 : i32
      %dma_wait3A_105 = arith.constant 0 : i32
      %dma_wait3A_106 = tpu.memref_slice %arg5[%add3A_104, %dma_wait3A_105] : memref<12x128xi32, #tpu.memory_space<vmem>> -> memref<1x128xi32, #tpu.memory_space<vmem>>
      %dma_wait3A_107 = tpu.memref_squeeze %dma_wait3A_106 : memref<1x128xi32, #tpu.memory_space<vmem>> -> memref<128xi32, #tpu.memory_space<vmem>>
      %dma_wait3A_108 = arith.constant 0 : i32
      %dma_wait3A_109 = arith.constant 0 : i32
      %dma_wait3A_110 = tpu.memref_slice %arg2[%dma_wait3A_108, %dma_wait3A_109] : memref<10000x128xf32, #tpu.memory_space<hbm>> -> memref<10000x128xf32, #tpu.memory_space<hbm>>
      tpu.wait_indirect_dma semaphore(%arg12 : memref<!tpu.dma_semaphore, #tpu.memory_space<semaphore_mem>>) src(%dma_wait3A_110 : memref<10000x128xf32, #tpu.memory_space<hbm>>) dst(%arg8 : memref<128x128xf32, #tpu.memory_space<vmem>>)
      %add3A_111 = arith.addi %select_n3A, %add3A_104 : i32
      %dma_start3A_112 = arith.constant 0 : i32
      %dma_start3A_113 = arith.constant 0 : i32
      %dma_start3A_114 = tpu.memref_slice %arg4[%add3A_111, %dma_start3A_112, %dma_start3A_113] : memref<256x128x128xf32, #tpu.memory_space<hbm>> -> memref<1x128x128xf32, #tpu.memory_space<hbm>>
      %dma_start3A_115 = tpu.memref_squeeze %dma_start3A_114 : memref<1x128x128xf32, #tpu.memory_space<hbm>> -> memref<128x128xf32, #tpu.memory_space<hbm>>
      %dma_start3A_116 = arith.constant 0 : i32
      %dma_start3A_117 = arith.constant 0 : i32
      %dma_start3A_118 = tpu.memref_slice %arg4[%add3A_111, %dma_start3A_116, %dma_start3A_117] : memref<256x128x128xf32, #tpu.memory_space<hbm>> -> memref<1x128x128xf32, #tpu.memory_space<hbm>>
      %dma_start3A_119 = tpu.memref_squeeze %dma_start3A_118 : memref<1x128x128xf32, #tpu.memory_space<hbm>> -> memref<128x128xf32, #tpu.memory_space<hbm>>
      tpu.enqueue_dma source(%arg8 : memref<128x128xf32, #tpu.memory_space<vmem>>) target(%dma_start3A_119 : memref<128x128xf32, #tpu.memory_space<hbm>>) target_semaphore(%arg16 : memref<!tpu.dma_semaphore, #tpu.memory_space<semaphore_mem>>)
      %add3A_120 = arith.addi %select_n3A, %add3A_104 : i32
      %dma_wait3A_121 = arith.constant 0 : i32
      %dma_wait3A_122 = arith.constant 0 : i32
      %dma_wait3A_123 = tpu.memref_slice %arg4[%add3A_120, %dma_wait3A_121, %dma_wait3A_122] : memref<256x128x128xf32, #tpu.memory_space<hbm>> -> memref<1x128x128xf32, #tpu.memory_space<hbm>>
      %dma_wait3A_124 = tpu.memref_squeeze %dma_wait3A_123 : memref<1x128x128xf32, #tpu.memory_space<hbm>> -> memref<128x128xf32, #tpu.memory_space<hbm>>
      %dma_wait3A_125 = arith.constant 0 : i32
      %dma_wait3A_126 = arith.constant 0 : i32
      %dma_wait3A_127 = tpu.memref_slice %arg4[%add3A_120, %dma_wait3A_125, %dma_wait3A_126] : memref<256x128x128xf32, #tpu.memory_space<hbm>> -> memref<1x128x128xf32, #tpu.memory_space<hbm>>
      %dma_wait3A_128 = tpu.memref_squeeze %dma_wait3A_127 : memref<1x128x128xf32, #tpu.memory_space<hbm>> -> memref<128x128xf32, #tpu.memory_space<hbm>>
      tpu.wait_dma2 semaphore(%arg16 : memref<!tpu.dma_semaphore, #tpu.memory_space<semaphore_mem>>) src(%arg8 : memref<128x128xf32, #tpu.memory_space<vmem>>) dst(%dma_wait3A_128 : memref<128x128xf32, #tpu.memory_space<hbm>>)
      %add3A_129 = arith.constant 4 : i32
      %add3A_130 = arith.addi %add3A_104, %add3A_129 : i32
      %lt3A_131 = arith.cmpi slt, %add3A_130, %select_n3A_6 : i32
      %convert_element_type3A_132 = arith.extui %lt3A_131 : i1 to i32
      %cond3A_133 = arith.constant 0 : i32
      %cond3A_134 = arith.cmpi ne, %convert_element_type3A_132, %cond3A_133 : i32
      scf.if %cond3A_134 {
        %add3A_168 = arith.constant 4 : i32
        %add3A_169 = arith.addi %add3A_104, %add3A_168 : i32
        %dma_start3A_170 = arith.constant 0 : i32
        %dma_start3A_171 = tpu.memref_slice %arg5[%add3A_169, %dma_start3A_170] : memref<12x128xi32, #tpu.memory_space<vmem>> -> memref<1x128xi32, #tpu.memory_space<vmem>>
        %dma_start3A_172 = tpu.memref_squeeze %dma_start3A_171 : memref<1x128xi32, #tpu.memory_space<vmem>> -> memref<128xi32, #tpu.memory_space<vmem>>
        %dma_start3A_173 = arith.constant 0 : i32
        %dma_start3A_174 = arith.constant 0 : i32
        %dma_start3A_175 = tpu.memref_slice %arg2[%dma_start3A_173, %dma_start3A_174] : memref<10000x128xf32, #tpu.memory_space<hbm>> -> memref<10000x128xf32, #tpu.memory_space<hbm>>
        tpu.enqueue_indirect_dma source(%dma_start3A_175 : memref<10000x128xf32, #tpu.memory_space<hbm>>) target(%arg8 : memref<128x128xf32, #tpu.memory_space<vmem>>) offsets(%dma_start3A_172 : memref<128xi32, #tpu.memory_space<vmem>>) semaphore(%arg12 : memref<!tpu.dma_semaphore, #tpu.memory_space<semaphore_mem>>)
      } else {
      }
      %add3A_135 = arith.constant 3 : i32
      %add3A_136 = arith.addi %mul3A_41, %add3A_135 : i32
      %dma_wait3A_137 = arith.constant 0 : i32
      %dma_wait3A_138 = tpu.memref_slice %arg5[%add3A_136, %dma_wait3A_137] : memref<12x128xi32, #tpu.memory_space<vmem>> -> memref<1x128xi32, #tpu.memory_space<vmem>>
      %dma_wait3A_139 = tpu.memref_squeeze %dma_wait3A_138 : memref<1x128xi32, #tpu.memory_space<vmem>> -> memref<128xi32, #tpu.memory_space<vmem>>
      %dma_wait3A_140 = arith.constant 0 : i32
      %dma_wait3A_141 = arith.constant 0 : i32
      %dma_wait3A_142 = tpu.memref_slice %arg2[%dma_wait3A_140, %dma_wait3A_141] : memref<10000x128xf32, #tpu.memory_space<hbm>> -> memref<10000x128xf32, #tpu.memory_space<hbm>>
      tpu.wait_indirect_dma semaphore(%arg13 : memref<!tpu.dma_semaphore, #tpu.memory_space<semaphore_mem>>) src(%dma_wait3A_142 : memref<10000x128xf32, #tpu.memory_space<hbm>>) dst(%arg9 : memref<128x128xf32, #tpu.memory_space<vmem>>)
      %add3A_143 = arith.addi %select_n3A, %add3A_136 : i32
      %dma_start3A_144 = arith.constant 0 : i32
      %dma_start3A_145 = arith.constant 0 : i32
      %dma_start3A_146 = tpu.memref_slice %arg4[%add3A_143, %dma_start3A_144, %dma_start3A_145] : memref<256x128x128xf32, #tpu.memory_space<hbm>> -> memref<1x128x128xf32, #tpu.memory_space<hbm>>
      %dma_start3A_147 = tpu.memref_squeeze %dma_start3A_146 : memref<1x128x128xf32, #tpu.memory_space<hbm>> -> memref<128x128xf32, #tpu.memory_space<hbm>>
      %dma_start3A_148 = arith.constant 0 : i32
      %dma_start3A_149 = arith.constant 0 : i32
      %dma_start3A_150 = tpu.memref_slice %arg4[%add3A_143, %dma_start3A_148, %dma_start3A_149] : memref<256x128x128xf32, #tpu.memory_space<hbm>> -> memref<1x128x128xf32, #tpu.memory_space<hbm>>
      %dma_start3A_151 = tpu.memref_squeeze %dma_start3A_150 : memref<1x128x128xf32, #tpu.memory_space<hbm>> -> memref<128x128xf32, #tpu.memory_space<hbm>>
      tpu.enqueue_dma source(%arg9 : memref<128x128xf32, #tpu.memory_space<vmem>>) target(%dma_start3A_151 : memref<128x128xf32, #tpu.memory_space<hbm>>) target_semaphore(%arg17 : memref<!tpu.dma_semaphore, #tpu.memory_space<semaphore_mem>>)
      %add3A_152 = arith.addi %select_n3A, %add3A_136 : i32
      %dma_wait3A_153 = arith.constant 0 : i32
      %dma_wait3A_154 = arith.constant 0 : i32
      %dma_wait3A_155 = tpu.memref_slice %arg4[%add3A_152, %dma_wait3A_153, %dma_wait3A_154] : memref<256x128x128xf32, #tpu.memory_space<hbm>> -> memref<1x128x128xf32, #tpu.memory_space<hbm>>
      %dma_wait3A_156 = tpu.memref_squeeze %dma_wait3A_155 : memref<1x128x128xf32, #tpu.memory_space<hbm>> -> memref<128x128xf32, #tpu.memory_space<hbm>>
      %dma_wait3A_157 = arith.constant 0 : i32
      %dma_wait3A_158 = arith.constant 0 : i32
      %dma_wait3A_159 = tpu.memref_slice %arg4[%add3A_152, %dma_wait3A_157, %dma_wait3A_158] : memref<256x128x128xf32, #tpu.memory_space<hbm>> -> memref<1x128x128xf32, #tpu.memory_space<hbm>>
      %dma_wait3A_160 = tpu.memref_squeeze %dma_wait3A_159 : memref<1x128x128xf32, #tpu.memory_space<hbm>> -> memref<128x128xf32, #tpu.memory_space<hbm>>
      tpu.wait_dma2 semaphore(%arg17 : memref<!tpu.dma_semaphore, #tpu.memory_space<semaphore_mem>>) src(%arg9 : memref<128x128xf32, #tpu.memory_space<vmem>>) dst(%dma_wait3A_160 : memref<128x128xf32, #tpu.memory_space<hbm>>)
      %add3A_161 = arith.constant 4 : i32
      %add3A_162 = arith.addi %add3A_136, %add3A_161 : i32
      %lt3A_163 = arith.cmpi slt, %add3A_162, %select_n3A_6 : i32
      %convert_element_type3A_164 = arith.extui %lt3A_163 : i1 to i32
      %cond3A_165 = arith.constant 0 : i32
      %cond3A_166 = arith.cmpi ne, %convert_element_type3A_164, %cond3A_165 : i32
      scf.if %cond3A_166 {
        %add3A_168 = arith.constant 4 : i32
        %add3A_169 = arith.addi %add3A_136, %add3A_168 : i32
        %dma_start3A_170 = arith.constant 0 : i32
        %dma_start3A_171 = tpu.memref_slice %arg5[%add3A_169, %dma_start3A_170] : memref<12x128xi32, #tpu.memory_space<vmem>> -> memref<1x128xi32, #tpu.memory_space<vmem>>
        %dma_start3A_172 = tpu.memref_squeeze %dma_start3A_171 : memref<1x128xi32, #tpu.memory_space<vmem>> -> memref<128xi32, #tpu.memory_space<vmem>>
        %dma_start3A_173 = arith.constant 0 : i32
        %dma_start3A_174 = arith.constant 0 : i32
        %dma_start3A_175 = tpu.memref_slice %arg2[%dma_start3A_173, %dma_start3A_174] : memref<10000x128xf32, #tpu.memory_space<hbm>> -> memref<10000x128xf32, #tpu.memory_space<hbm>>
        tpu.enqueue_indirect_dma source(%dma_start3A_175 : memref<10000x128xf32, #tpu.memory_space<hbm>>) target(%arg9 : memref<128x128xf32, #tpu.memory_space<vmem>>) offsets(%dma_start3A_172 : memref<128xi32, #tpu.memory_space<vmem>>) semaphore(%arg13 : memref<!tpu.dma_semaphore, #tpu.memory_space<semaphore_mem>>)
      } else {
      }
      %while3A_167 = arith.constant 0 : i32
      scf.yield %while3A_167 : i32
    }
    %while3A_36 = arith.constant 1 : i32
    %while3A_37 = scf.for %while3A_38 = %while3A_33 to %while3A_29 step %while3A_36 iter_args(%while3A_39 = %while3A_35) -> (i32)  : i32 {
      %mul3A_40 = arith.constant 4 : i32
      %mul3A_41 = arith.muli %while3A_38, %mul3A_40 : i32
      %add3A_42 = arith.constant 0 : i32
      %add3A_43 = arith.addi %mul3A_41, %add3A_42 : i32
      %dma_wait3A = arith.constant 0 : i32
      %dma_wait3A_44 = tpu.memref_slice %arg5[%add3A_43, %dma_wait3A] : memref<12x128xi32, #tpu.memory_space<vmem>> -> memref<1x128xi32, #tpu.memory_space<vmem>>
      %dma_wait3A_45 = tpu.memref_squeeze %dma_wait3A_44 : memref<1x128xi32, #tpu.memory_space<vmem>> -> memref<128xi32, #tpu.memory_space<vmem>>
      %dma_wait3A_46 = arith.constant 0 : i32
      %dma_wait3A_47 = arith.constant 0 : i32
      %dma_wait3A_48 = tpu.memref_slice %arg2[%dma_wait3A_46, %dma_wait3A_47] : memref<10000x128xf32, #tpu.memory_space<hbm>> -> memref<10000x128xf32, #tpu.memory_space<hbm>>
      tpu.wait_indirect_dma semaphore(%arg10 : memref<!tpu.dma_semaphore, #tpu.memory_space<semaphore_mem>>) src(%dma_wait3A_48 : memref<10000x128xf32, #tpu.memory_space<hbm>>) dst(%arg6 : memref<128x128xf32, #tpu.memory_space<vmem>>)
      %add3A_49 = arith.addi %select_n3A, %add3A_43 : i32
      %dma_start3A = arith.constant 0 : i32
      %dma_start3A_50 = arith.constant 0 : i32
      %dma_start3A_51 = tpu.memref_slice %arg4[%add3A_49, %dma_start3A, %dma_start3A_50] : memref<256x128x128xf32, #tpu.memory_space<hbm>> -> memref<1x128x128xf32, #tpu.memory_space<hbm>>
      %dma_start3A_52 = tpu.memref_squeeze %dma_start3A_51 : memref<1x128x128xf32, #tpu.memory_space<hbm>> -> memref<128x128xf32, #tpu.memory_space<hbm>>
      %dma_start3A_53 = arith.constant 0 : i32
      %dma_start3A_54 = arith.constant 0 : i32
      %dma_start3A_55 = tpu.memref_slice %arg4[%add3A_49, %dma_start3A_53, %dma_start3A_54] : memref<256x128x128xf32, #tpu.memory_space<hbm>> -> memref<1x128x128xf32, #tpu.memory_space<hbm>>
      %dma_start3A_56 = tpu.memref_squeeze %dma_start3A_55 : memref<1x128x128xf32, #tpu.memory_space<hbm>> -> memref<128x128xf32, #tpu.memory_space<hbm>>
      tpu.enqueue_dma source(%arg6 : memref<128x128xf32, #tpu.memory_space<vmem>>) target(%dma_start3A_56 : memref<128x128xf32, #tpu.memory_space<hbm>>) target_semaphore(%arg14 : memref<!tpu.dma_semaphore, #tpu.memory_space<semaphore_mem>>)
      %add3A_57 = arith.addi %select_n3A, %add3A_43 : i32
      %dma_wait3A_58 = arith.constant 0 : i32
      %dma_wait3A_59 = arith.constant 0 : i32
      %dma_wait3A_60 = tpu.memref_slice %arg4[%add3A_57, %dma_wait3A_58, %dma_wait3A_59] : memref<256x128x128xf32, #tpu.memory_space<hbm>> -> memref<1x128x128xf32, #tpu.memory_space<hbm>>
      %dma_wait3A_61 = tpu.memref_squeeze %dma_wait3A_60 : memref<1x128x128xf32, #tpu.memory_space<hbm>> -> memref<128x128xf32, #tpu.memory_space<hbm>>
      %dma_wait3A_62 = arith.constant 0 : i32
      %dma_wait3A_63 = arith.constant 0 : i32
      %dma_wait3A_64 = tpu.memref_slice %arg4[%add3A_57, %dma_wait3A_62, %dma_wait3A_63] : memref<256x128x128xf32, #tpu.memory_space<hbm>> -> memref<1x128x128xf32, #tpu.memory_space<hbm>>
      %dma_wait3A_65 = tpu.memref_squeeze %dma_wait3A_64 : memref<1x128x128xf32, #tpu.memory_space<hbm>> -> memref<128x128xf32, #tpu.memory_space<hbm>>
      tpu.wait_dma2 semaphore(%arg14 : memref<!tpu.dma_semaphore, #tpu.memory_space<semaphore_mem>>) src(%arg6 : memref<128x128xf32, #tpu.memory_space<vmem>>) dst(%dma_wait3A_65 : memref<128x128xf32, #tpu.memory_space<hbm>>)
      %add3A_66 = arith.constant 4 : i32
      %add3A_67 = arith.addi %add3A_43, %add3A_66 : i32
      %lt3A = arith.cmpi slt, %add3A_67, %select_n3A_6 : i32
      %convert_element_type3A_68 = arith.extui %lt3A : i1 to i32
      %cond3A_69 = arith.constant 0 : i32
      %cond3A_70 = arith.cmpi ne, %convert_element_type3A_68, %cond3A_69 : i32
      scf.if %cond3A_70 {
        %add3A_168 = arith.constant 4 : i32
        %add3A_169 = arith.addi %add3A_43, %add3A_168 : i32
        %dma_start3A_170 = arith.constant 0 : i32
        %dma_start3A_171 = tpu.memref_slice %arg5[%add3A_169, %dma_start3A_170] : memref<12x128xi32, #tpu.memory_space<vmem>> -> memref<1x128xi32, #tpu.memory_space<vmem>>
        %dma_start3A_172 = tpu.memref_squeeze %dma_start3A_171 : memref<1x128xi32, #tpu.memory_space<vmem>> -> memref<128xi32, #tpu.memory_space<vmem>>
        %dma_start3A_173 = arith.constant 0 : i32
        %dma_start3A_174 = arith.constant 0 : i32
        %dma_start3A_175 = tpu.memref_slice %arg2[%dma_start3A_173, %dma_start3A_174] : memref<10000x128xf32, #tpu.memory_space<hbm>> -> memref<10000x128xf32, #tpu.memory_space<hbm>>
        tpu.enqueue_indirect_dma source(%dma_start3A_175 : memref<10000x128xf32, #tpu.memory_space<hbm>>) target(%arg6 : memref<128x128xf32, #tpu.memory_space<vmem>>) offsets(%dma_start3A_172 : memref<128xi32, #tpu.memory_space<vmem>>) semaphore(%arg10 : memref<!tpu.dma_semaphore, #tpu.memory_space<semaphore_mem>>)
      } else {
      }
      %add3A_71 = arith.constant 1 : i32
      %add3A_72 = arith.addi %mul3A_41, %add3A_71 : i32
      %dma_wait3A_73 = arith.constant 0 : i32
      %dma_wait3A_74 = tpu.memref_slice %arg5[%add3A_72, %dma_wait3A_73] : memref<12x128xi32, #tpu.memory_space<vmem>> -> memref<1x128xi32, #tpu.memory_space<vmem>>
      %dma_wait3A_75 = tpu.memref_squeeze %dma_wait3A_74 : memref<1x128xi32, #tpu.memory_space<vmem>> -> memref<128xi32, #tpu.memory_space<vmem>>
      %dma_wait3A_76 = arith.constant 0 : i32
      %dma_wait3A_77 = arith.constant 0 : i32
      %dma_wait3A_78 = tpu.memref_slice %arg2[%dma_wait3A_76, %dma_wait3A_77] : memref<10000x128xf32, #tpu.memory_space<hbm>> -> memref<10000x128xf32, #tpu.memory_space<hbm>>
      tpu.wait_indirect_dma semaphore(%arg11 : memref<!tpu.dma_semaphore, #tpu.memory_space<semaphore_mem>>) src(%dma_wait3A_78 : memref<10000x128xf32, #tpu.memory_space<hbm>>) dst(%arg7 : memref<128x128xf32, #tpu.memory_space<vmem>>)
      %add3A_79 = arith.addi %select_n3A, %add3A_72 : i32
      %dma_start3A_80 = arith.constant 0 : i32
      %dma_start3A_81 = arith.constant 0 : i32
      %dma_start3A_82 = tpu.memref_slice %arg4[%add3A_79, %dma_start3A_80, %dma_start3A_81] : memref<256x128x128xf32, #tpu.memory_space<hbm>> -> memref<1x128x128xf32, #tpu.memory_space<hbm>>
      %dma_start3A_83 = tpu.memref_squeeze %dma_start3A_82 : memref<1x128x128xf32, #tpu.memory_space<hbm>> -> memref<128x128xf32, #tpu.memory_space<hbm>>
      %dma_start3A_84 = arith.constant 0 : i32
      %dma_start3A_85 = arith.constant 0 : i32
      %dma_start3A_86 = tpu.memref_slice %arg4[%add3A_79, %dma_start3A_84, %dma_start3A_85] : memref<256x128x128xf32, #tpu.memory_space<hbm>> -> memref<1x128x128xf32, #tpu.memory_space<hbm>>
      %dma_start3A_87 = tpu.memref_squeeze %dma_start3A_86 : memref<1x128x128xf32, #tpu.memory_space<hbm>> -> memref<128x128xf32, #tpu.memory_space<hbm>>
      tpu.enqueue_dma source(%arg7 : memref<128x128xf32, #tpu.memory_space<vmem>>) target(%dma_start3A_87 : memref<128x128xf32, #tpu.memory_space<hbm>>) target_semaphore(%arg15 : memref<!tpu.dma_semaphore, #tpu.memory_space<semaphore_mem>>)
      %add3A_88 = arith.addi %select_n3A, %add3A_72 : i32
      %dma_wait3A_89 = arith.constant 0 : i32
      %dma_wait3A_90 = arith.constant 0 : i32
      %dma_wait3A_91 = tpu.memref_slice %arg4[%add3A_88, %dma_wait3A_89, %dma_wait3A_90] : memref<256x128x128xf32, #tpu.memory_space<hbm>> -> memref<1x128x128xf32, #tpu.memory_space<hbm>>
      %dma_wait3A_92 = tpu.memref_squeeze %dma_wait3A_91 : memref<1x128x128xf32, #tpu.memory_space<hbm>> -> memref<128x128xf32, #tpu.memory_space<hbm>>
      %dma_wait3A_93 = arith.constant 0 : i32
      %dma_wait3A_94 = arith.constant 0 : i32
      %dma_wait3A_95 = tpu.memref_slice %arg4[%add3A_88, %dma_wait3A_93, %dma_wait3A_94] : memref<256x128x128xf32, #tpu.memory_space<hbm>> -> memref<1x128x128xf32, #tpu.memory_space<hbm>>
      %dma_wait3A_96 = tpu.memref_squeeze %dma_wait3A_95 : memref<1x128x128xf32, #tpu.memory_space<hbm>> -> memref<128x128xf32, #tpu.memory_space<hbm>>
      tpu.wait_dma2 semaphore(%arg15 : memref<!tpu.dma_semaphore, #tpu.memory_space<semaphore_mem>>) src(%arg7 : memref<128x128xf32, #tpu.memory_space<vmem>>) dst(%dma_wait3A_96 : memref<128x128xf32, #tpu.memory_space<hbm>>)
      %add3A_97 = arith.constant 4 : i32
      %add3A_98 = arith.addi %add3A_72, %add3A_97 : i32
      %lt3A_99 = arith.cmpi slt, %add3A_98, %select_n3A_6 : i32
      %convert_element_type3A_100 = arith.extui %lt3A_99 : i1 to i32
      %cond3A_101 = arith.constant 0 : i32
      %cond3A_102 = arith.cmpi ne, %convert_element_type3A_100, %cond3A_101 : i32
      scf.if %cond3A_102 {
        %add3A_168 = arith.constant 4 : i32
        %add3A_169 = arith.addi %add3A_72, %add3A_168 : i32
        %dma_start3A_170 = arith.constant 0 : i32
        %dma_start3A_171 = tpu.memref_slice %arg5[%add3A_169, %dma_start3A_170] : memref<12x128xi32, #tpu.memory_space<vmem>> -> memref<1x128xi32, #tpu.memory_space<vmem>>
        %dma_start3A_172 = tpu.memref_squeeze %dma_start3A_171 : memref<1x128xi32, #tpu.memory_space<vmem>> -> memref<128xi32, #tpu.memory_space<vmem>>
        %dma_start3A_173 = arith.constant 0 : i32
        %dma_start3A_174 = arith.constant 0 : i32
        %dma_start3A_175 = tpu.memref_slice %arg2[%dma_start3A_173, %dma_start3A_174] : memref<10000x128xf32, #tpu.memory_space<hbm>> -> memref<10000x128xf32, #tpu.memory_space<hbm>>
        tpu.enqueue_indirect_dma source(%dma_start3A_175 : memref<10000x128xf32, #tpu.memory_space<hbm>>) target(%arg7 : memref<128x128xf32, #tpu.memory_space<vmem>>) offsets(%dma_start3A_172 : memref<128xi32, #tpu.memory_space<vmem>>) semaphore(%arg11 : memref<!tpu.dma_semaphore, #tpu.memory_space<semaphore_mem>>)
      } else {
      }
      %add3A_103 = arith.constant 2 : i32
      %add3A_104 = arith.addi %mul3A_41, %add3A_103 : i32
      %dma_wait3A_105 = arith.constant 0 : i32
      %dma_wait3A_106 = tpu.memref_slice %arg5[%add3A_104, %dma_wait3A_105] : memref<12x128xi32, #tpu.memory_space<vmem>> -> memref<1x128xi32, #tpu.memory_space<vmem>>
      %dma_wait3A_107 = tpu.memref_squeeze %dma_wait3A_106 : memref<1x128xi32, #tpu.memory_space<vmem>> -> memref<128xi32, #tpu.memory_space<vmem>>
      %dma_wait3A_108 = arith.constant 0 : i32
      %dma_wait3A_109 = arith.constant 0 : i32
      %dma_wait3A_110 = tpu.memref_slice %arg2[%dma_wait3A_108, %dma_wait3A_109] : memref<10000x128xf32, #tpu.memory_space<hbm>> -> memref<10000x128xf32, #tpu.memory_space<hbm>>
      tpu.wait_indirect_dma semaphore(%arg12 : memref<!tpu.dma_semaphore, #tpu.memory_space<semaphore_mem>>) src(%dma_wait3A_110 : memref<10000x128xf32, #tpu.memory_space<hbm>>) dst(%arg8 : memref<128x128xf32, #tpu.memory_space<vmem>>)
      %add3A_111 = arith.addi %select_n3A, %add3A_104 : i32
      %dma_start3A_112 = arith.constant 0 : i32
      %dma_start3A_113 = arith.constant 0 : i32
      %dma_start3A_114 = tpu.memref_slice %arg4[%add3A_111, %dma_start3A_112, %dma_start3A_113] : memref<256x128x128xf32, #tpu.memory_space<hbm>> -> memref<1x128x128xf32, #tpu.memory_space<hbm>>
      %dma_start3A_115 = tpu.memref_squeeze %dma_start3A_114 : memref<1x128x128xf32, #tpu.memory_space<hbm>> -> memref<128x128xf32, #tpu.memory_space<hbm>>
      %dma_start3A_116 = arith.constant 0 : i32
      %dma_start3A_117 = arith.constant 0 : i32
      %dma_start3A_118 = tpu.memref_slice %arg4[%add3A_111, %dma_start3A_116, %dma_start3A_117] : memref<256x128x128xf32, #tpu.memory_space<hbm>> -> memref<1x128x128xf32, #tpu.memory_space<hbm>>
      %dma_start3A_119 = tpu.memref_squeeze %dma_start3A_118 : memref<1x128x128xf32, #tpu.memory_space<hbm>> -> memref<128x128xf32, #tpu.memory_space<hbm>>
      tpu.enqueue_dma source(%arg8 : memref<128x128xf32, #tpu.memory_space<vmem>>) target(%dma_start3A_119 : memref<128x128xf32, #tpu.memory_space<hbm>>) target_semaphore(%arg16 : memref<!tpu.dma_semaphore, #tpu.memory_space<semaphore_mem>>)
      %add3A_120 = arith.addi %select_n3A, %add3A_104 : i32
      %dma_wait3A_121 = arith.constant 0 : i32
      %dma_wait3A_122 = arith.constant 0 : i32
      %dma_wait3A_123 = tpu.memref_slice %arg4[%add3A_120, %dma_wait3A_121, %dma_wait3A_122] : memref<256x128x128xf32, #tpu.memory_space<hbm>> -> memref<1x128x128xf32, #tpu.memory_space<hbm>>
      %dma_wait3A_124 = tpu.memref_squeeze %dma_wait3A_123 : memref<1x128x128xf32, #tpu.memory_space<hbm>> -> memref<128x128xf32, #tpu.memory_space<hbm>>
      %dma_wait3A_125 = arith.constant 0 : i32
      %dma_wait3A_126 = arith.constant 0 : i32
      %dma_wait3A_127 = tpu.memref_slice %arg4[%add3A_120, %dma_wait3A_125, %dma_wait3A_126] : memref<256x128x128xf32, #tpu.memory_space<hbm>> -> memref<1x128x128xf32, #tpu.memory_space<hbm>>
      %dma_wait3A_128 = tpu.memref_squeeze %dma_wait3A_127 : memref<1x128x128xf32, #tpu.memory_space<hbm>> -> memref<128x128xf32, #tpu.memory_space<hbm>>
      tpu.wait_dma2 semaphore(%arg16 : memref<!tpu.dma_semaphore, #tpu.memory_space<semaphore_mem>>) src(%arg8 : memref<128x128xf32, #tpu.memory_space<vmem>>) dst(%dma_wait3A_128 : memref<128x128xf32, #tpu.memory_space<hbm>>)
      %add3A_129 = arith.constant 4 : i32
      %add3A_130 = arith.addi %add3A_104, %add3A_129 : i32
      %lt3A_131 = arith.cmpi slt, %add3A_130, %select_n3A_6 : i32
      %convert_element_type3A_132 = arith.extui %lt3A_131 : i1 to i32
      %cond3A_133 = arith.constant 0 : i32
      %cond3A_134 = arith.cmpi ne, %convert_element_type3A_132, %cond3A_133 : i32
      scf.if %cond3A_134 {
        %add3A_168 = arith.constant 4 : i32
        %add3A_169 = arith.addi %add3A_104, %add3A_168 : i32
        %dma_start3A_170 = arith.constant 0 : i32
        %dma_start3A_171 = tpu.memref_slice %arg5[%add3A_169, %dma_start3A_170] : memref<12x128xi32, #tpu.memory_space<vmem>> -> memref<1x128xi32, #tpu.memory_space<vmem>>
        %dma_start3A_172 = tpu.memref_squeeze %dma_start3A_171 : memref<1x128xi32, #tpu.memory_space<vmem>> -> memref<128xi32, #tpu.memory_space<vmem>>
        %dma_start3A_173 = arith.constant 0 : i32
        %dma_start3A_174 = arith.constant 0 : i32
        %dma_start3A_175 = tpu.memref_slice %arg2[%dma_start3A_173, %dma_start3A_174] : memref<10000x128xf32, #tpu.memory_space<hbm>> -> memref<10000x128xf32, #tpu.memory_space<hbm>>
        tpu.enqueue_indirect_dma source(%dma_start3A_175 : memref<10000x128xf32, #tpu.memory_space<hbm>>) target(%arg8 : memref<128x128xf32, #tpu.memory_space<vmem>>) offsets(%dma_start3A_172 : memref<128xi32, #tpu.memory_space<vmem>>) semaphore(%arg12 : memref<!tpu.dma_semaphore, #tpu.memory_space<semaphore_mem>>)
      } else {
      }
      %add3A_135 = arith.constant 3 : i32
      %add3A_136 = arith.addi %mul3A_41, %add3A_135 : i32
      %dma_wait3A_137 = arith.constant 0 : i32
      %dma_wait3A_138 = tpu.memref_slice %arg5[%add3A_136, %dma_wait3A_137] : memref<12x128xi32, #tpu.memory_space<vmem>> -> memref<1x128xi32, #tpu.memory_space<vmem>>
      %dma_wait3A_139 = tpu.memref_squeeze %dma_wait3A_138 : memref<1x128xi32, #tpu.memory_space<vmem>> -> memref<128xi32, #tpu.memory_space<vmem>>
      %dma_wait3A_140 = arith.constant 0 : i32
      %dma_wait3A_141 = arith.constant 0 : i32
      %dma_wait3A_142 = tpu.memref_slice %arg2[%dma_wait3A_140, %dma_wait3A_141] : memref<10000x128xf32, #tpu.memory_space<hbm>> -> memref<10000x128xf32, #tpu.memory_space<hbm>>
      tpu.wait_indirect_dma semaphore(%arg13 : memref<!tpu.dma_semaphore, #tpu.memory_space<semaphore_mem>>) src(%dma_wait3A_142 : memref<10000x128xf32, #tpu.memory_space<hbm>>) dst(%arg9 : memref<128x128xf32, #tpu.memory_space<vmem>>)
      %add3A_143 = arith.addi %select_n3A, %add3A_136 : i32
      %dma_start3A_144 = arith.constant 0 : i32
      %dma_start3A_145 = arith.constant 0 : i32
      %dma_start3A_146 = tpu.memref_slice %arg4[%add3A_143, %dma_start3A_144, %dma_start3A_145] : memref<256x128x128xf32, #tpu.memory_space<hbm>> -> memref<1x128x128xf32, #tpu.memory_space<hbm>>
      %dma_start3A_147 = tpu.memref_squeeze %dma_start3A_146 : memref<1x128x128xf32, #tpu.memory_space<hbm>> -> memref<128x128xf32, #tpu.memory_space<hbm>>
      %dma_start3A_148 = arith.constant 0 : i32
      %dma_start3A_149 = arith.constant 0 : i32
      %dma_start3A_150 = tpu.memref_slice %arg4[%add3A_143, %dma_start3A_148, %dma_start3A_149] : memref<256x128x128xf32, #tpu.memory_space<hbm>> -> memref<1x128x128xf32, #tpu.memory_space<hbm>>
      %dma_start3A_151 = tpu.memref_squeeze %dma_start3A_150 : memref<1x128x128xf32, #tpu.memory_space<hbm>> -> memref<128x128xf32, #tpu.memory_space<hbm>>
      tpu.enqueue_dma source(%arg9 : memref<128x128xf32, #tpu.memory_space<vmem>>) target(%dma_start3A_151 : memref<128x128xf32, #tpu.memory_space<hbm>>) target_semaphore(%arg17 : memref<!tpu.dma_semaphore, #tpu.memory_space<semaphore_mem>>)
      %add3A_152 = arith.addi %select_n3A, %add3A_136 : i32
      %dma_wait3A_153 = arith.constant 0 : i32
      %dma_wait3A_154 = arith.constant 0 : i32
      %dma_wait3A_155 = tpu.memref_slice %arg4[%add3A_152, %dma_wait3A_153, %dma_wait3A_154] : memref<256x128x128xf32, #tpu.memory_space<hbm>> -> memref<1x128x128xf32, #tpu.memory_space<hbm>>
      %dma_wait3A_156 = tpu.memref_squeeze %dma_wait3A_155 : memref<1x128x128xf32, #tpu.memory_space<hbm>> -> memref<128x128xf32, #tpu.memory_space<hbm>>
      %dma_wait3A_157 = arith.constant 0 : i32
      %dma_wait3A_158 = arith.constant 0 : i32
      %dma_wait3A_159 = tpu.memref_slice %arg4[%add3A_152, %dma_wait3A_157, %dma_wait3A_158] : memref<256x128x128xf32, #tpu.memory_space<hbm>> -> memref<1x128x128xf32, #tpu.memory_space<hbm>>
      %dma_wait3A_160 = tpu.memref_squeeze %dma_wait3A_159 : memref<1x128x128xf32, #tpu.memory_space<hbm>> -> memref<128x128xf32, #tpu.memory_space<hbm>>
      tpu.wait_dma2 semaphore(%arg17 : memref<!tpu.dma_semaphore, #tpu.memory_space<semaphore_mem>>) src(%arg9 : memref<128x128xf32, #tpu.memory_space<vmem>>) dst(%dma_wait3A_160 : memref<128x128xf32, #tpu.memory_space<hbm>>)
      %add3A_161 = arith.constant 4 : i32
      %add3A_162 = arith.addi %add3A_136, %add3A_161 : i32
      %lt3A_163 = arith.cmpi slt, %add3A_162, %select_n3A_6 : i32
      %convert_element_type3A_164 = arith.extui %lt3A_163 : i1 to i32
      %cond3A_165 = arith.constant 0 : i32
      %cond3A_166 = arith.cmpi ne, %convert_element_type3A_164, %cond3A_165 : i32
      scf.if %cond3A_166 {
        %add3A_168 = arith.constant 4 : i32
        %add3A_169 = arith.addi %add3A_136, %add3A_168 : i32
        %dma_start3A_170 = arith.constant 0 : i32
        %dma_start3A_171 = tpu.memref_slice %arg5[%add3A_169, %dma_start3A_170] : memref<12x128xi32, #tpu.memory_space<vmem>> -> memref<1x128xi32, #tpu.memory_space<vmem>>
        %dma_start3A_172 = tpu.memref_squeeze %dma_start3A_171 : memref<1x128xi32, #tpu.memory_space<vmem>> -> memref<128xi32, #tpu.memory_space<vmem>>
        %dma_start3A_173 = arith.constant 0 : i32
        %dma_start3A_174 = arith.constant 0 : i32
        %dma_start3A_175 = tpu.memref_slice %arg2[%dma_start3A_173, %dma_start3A_174] : memref<10000x128xf32, #tpu.memory_space<hbm>> -> memref<10000x128xf32, #tpu.memory_space<hbm>>
        tpu.enqueue_indirect_dma source(%dma_start3A_175 : memref<10000x128xf32, #tpu.memory_space<hbm>>) target(%arg9 : memref<128x128xf32, #tpu.memory_space<vmem>>) offsets(%dma_start3A_172 : memref<128xi32, #tpu.memory_space<vmem>>) semaphore(%arg13 : memref<!tpu.dma_semaphore, #tpu.memory_space<semaphore_mem>>)
      } else {
      }
      %while3A_167 = arith.constant 0 : i32
      scf.yield %while3A_167 : i32
    }
    return
  }
}

#map = affine_map<(d0, d1) -> (0, 0)>
#map1 = affine_map<(d0, d1) -> (0, 0, 0)>
module attributes {stable_mosaic.version = 14 : i64} {
  func.func @gather_kernel(%arg0: i32, %arg1: i32, %arg2: memref<10000x128xf32, #tpu.memory_space<hbm>>, %arg3: memref<264x128xi32, #tpu.memory_space<hbm>>, %arg4: memref<256x128x128xf32, #tpu.memory_space<hbm>>, %arg5: memref<12x128xi32, #tpu.memory_space<vmem>>, %arg6: memref<128x128xf32, #tpu.memory_space<vmem>>, %arg7: memref<128x128xf32, #tpu.memory_space<vmem>>, %arg8: memref<128x128xf32, #tpu.memory_space<vmem>>, %arg9: memref<128x128xf32, #tpu.memory_space<vmem>>, %arg10: memref<!tpu.dma_semaphore, #tpu.memory_space<semaphore_mem>>, %arg11: memref<!tpu.dma_semaphore, #tpu.memory_space<semaphore_mem>>, %arg12: memref<!tpu.dma_semaphore, #tpu.memory_space<semaphore_mem>>, %arg13: memref<!tpu.dma_semaphore, #tpu.memory_space<semaphore_mem>>, %arg14: memref<!tpu.dma_semaphore, #tpu.memory_space<semaphore_mem>>, %arg15: memref<!tpu.dma_semaphore, #tpu.memory_space<semaphore_mem>>, %arg16: memref<!tpu.dma_semaphore, #tpu.memory_space<semaphore_mem>>, %arg17: memref<!tpu.dma_semaphore, #tpu.memory_space<semaphore_mem>>) attributes {dimension_semantics = [#tpu.dimension_semantics<core_parallel>, #tpu.dimension_semantics<subcore_parallel>], iteration_bounds = array<i64: 2, 16>, scalar_prefetch = 0 : i64, scratch_operands = 13 : i64, tpu.core_type = #tpu.core_type<sc_vector_subcore>, window_params = [{transform_indices = #map}, {transform_indices = #map}, {transform_indices = #map1}]} {
    %eq3A = arith.constant 0 : i32
    %eq3A_0 = arith.cmpi eq, %arg0, %eq3A : i32
    %mul3A = arith.constant 12 : i32
    %mul3A_1 = arith.muli %arg1, %mul3A : i32
    %mul3A_2 = arith.constant 4 : i32
    %mul3A_3 = arith.muli %arg1, %mul3A_2 : i32
    %add3A = arith.constant 192 : i32
    %add3A_4 = arith.addi %add3A, %mul3A_3 : i32
    %select_n3A = arith.select %eq3A_0, %mul3A_1, %add3A_4 : i32
    %jit3A = arith.constant 12 : i32
    %jit3A_5 = arith.constant 4 : i32
    %select_n3A_6 = arith.select %eq3A_0, %jit3A, %jit3A_5 : i32
    %gt3A = arith.constant 0 : i32
    %gt3A_7 = arith.cmpi sgt, %select_n3A_6, %gt3A : i32
    %convert_element_type3A = arith.extui %gt3A_7 : i1 to i32
    %cond3A = arith.constant 0 : i32
    %cond3A_8 = arith.cmpi ne, %convert_element_type3A, %cond3A : i32
    scf.if %cond3A_8 {
      "tpu.region"() ({
        %run_scoped3A = tpu.sem_alloc : memref<!tpu.dma_semaphore, #tpu.memory_space<semaphore_mem>>
        %dma_start3A_65 = arith.constant 0 : i32
        %dma_start3A_66 = tpu.memref_slice %arg3[%select_n3A, %dma_start3A_65] : memref<264x128xi32, #tpu.memory_space<hbm>> -> memref<12x128xi32, #tpu.memory_space<hbm>>
        %dma_start3A_67 = arith.constant 0 : i32
        %dma_start3A_68 = tpu.memref_slice %arg3[%select_n3A, %dma_start3A_67] : memref<264x128xi32, #tpu.memory_space<hbm>> -> memref<12x128xi32, #tpu.memory_space<hbm>>
        tpu.enqueue_dma source(%dma_start3A_68 : memref<12x128xi32, #tpu.memory_space<hbm>>) target(%arg5 : memref<12x128xi32, #tpu.memory_space<vmem>>) target_semaphore(%run_scoped3A : memref<!tpu.dma_semaphore, #tpu.memory_space<semaphore_mem>>)
        %dma_wait3A = arith.constant 0 : i32
        %dma_wait3A_69 = tpu.memref_slice %arg3[%select_n3A, %dma_wait3A] : memref<264x128xi32, #tpu.memory_space<hbm>> -> memref<12x128xi32, #tpu.memory_space<hbm>>
        %dma_wait3A_70 = arith.constant 0 : i32
        %dma_wait3A_71 = tpu.memref_slice %arg3[%select_n3A, %dma_wait3A_70] : memref<264x128xi32, #tpu.memory_space<hbm>> -> memref<12x128xi32, #tpu.memory_space<hbm>>
        tpu.wait_dma2 semaphore(%run_scoped3A : memref<!tpu.dma_semaphore, #tpu.memory_space<semaphore_mem>>) src(%dma_wait3A_71 : memref<12x128xi32, #tpu.memory_space<hbm>>) dst(%arg5 : memref<12x128xi32, #tpu.memory_space<vmem>>)
        tpu.yield
      }) : () -> ()
      %dma_start3A = arith.constant 0 : i32
      %dma_start3A_38 = arith.constant 0 : i32
      %dma_start3A_39 = tpu.memref_slice %arg5[%dma_start3A, %dma_start3A_38] : memref<12x128xi32, #tpu.memory_space<vmem>> -> memref<1x128xi32, #tpu.memory_space<vmem>>
      %dma_start3A_40 = tpu.memref_squeeze %dma_start3A_39 : memref<1x128xi32, #tpu.memory_space<vmem>> -> memref<128xi32, #tpu.memory_space<vmem>>
      %dma_start3A_41 = arith.constant 0 : i32
      %dma_start3A_42 = arith.constant 0 : i32
      %dma_start3A_43 = tpu.memref_slice %arg2[%dma_start3A_41, %dma_start3A_42] : memref<10000x128xf32, #tpu.memory_space<hbm>> -> memref<10000x128xf32, #tpu.memory_space<hbm>>
      tpu.enqueue_indirect_dma source(%dma_start3A_43 : memref<10000x128xf32, #tpu.memory_space<hbm>>) target(%arg6 : memref<128x128xf32, #tpu.memory_space<vmem>>) offsets(%dma_start3A_40 : memref<128xi32, #tpu.memory_space<vmem>>) semaphore(%arg10 : memref<!tpu.dma_semaphore, #tpu.memory_space<semaphore_mem>>)
      %dma_start3A_44 = arith.constant 1 : i32
      %dma_start3A_45 = arith.constant 0 : i32
      %dma_start3A_46 = tpu.memref_slice %arg5[%dma_start3A_44, %dma_start3A_45] : memref<12x128xi32, #tpu.memory_space<vmem>> -> memref<1x128xi32, #tpu.memory_space<vmem>>
      %dma_start3A_47 = tpu.memref_squeeze %dma_start3A_46 : memref<1x128xi32, #tpu.memory_space<vmem>> -> memref<128xi32, #tpu.memory_space<vmem>>
      %dma_start3A_48 = arith.constant 0 : i32
      %dma_start3A_49 = arith.constant 0 : i32
      %dma_start3A_50 = tpu.memref_slice %arg2[%dma_start3A_48, %dma_start3A_49] : memref<10000x128xf32, #tpu.memory_space<hbm>> -> memref<10000x128xf32, #tpu.memory_space<hbm>>
      tpu.enqueue_indirect_dma source(%dma_start3A_50 : memref<10000x128xf32, #tpu.memory_space<hbm>>) target(%arg7 : memref<128x128xf32, #tpu.memory_space<vmem>>) offsets(%dma_start3A_47 : memref<128xi32, #tpu.memory_space<vmem>>) semaphore(%arg11 : memref<!tpu.dma_semaphore, #tpu.memory_space<semaphore_mem>>)
      %dma_start3A_51 = arith.constant 2 : i32
      %dma_start3A_52 = arith.constant 0 : i32
      %dma_start3A_53 = tpu.memref_slice %arg5[%dma_start3A_51, %dma_start3A_52] : memref<12x128xi32, #tpu.memory_space<vmem>> -> memref<1x128xi32, #tpu.memory_space<vmem>>
      %dma_start3A_54 = tpu.memref_squeeze %dma_start3A_53 : memref<1x128xi32, #tpu.memory_space<vmem>> -> memref<128xi32, #tpu.memory_space<vmem>>
      %dma_start3A_55 = arith.constant 0 : i32
      %dma_start3A_56 = arith.constant 0 : i32
      %dma_start3A_57 = tpu.memref_slice %arg2[%dma_start3A_55, %dma_start3A_56] : memref<10000x128xf32, #tpu.memory_space<hbm>> -> memref<10000x128xf32, #tpu.memory_space<hbm>>
      tpu.enqueue_indirect_dma source(%dma_start3A_57 : memref<10000x128xf32, #tpu.memory_space<hbm>>) target(%arg8 : memref<128x128xf32, #tpu.memory_space<vmem>>) offsets(%dma_start3A_54 : memref<128xi32, #tpu.memory_space<vmem>>) semaphore(%arg12 : memref<!tpu.dma_semaphore, #tpu.memory_space<semaphore_mem>>)
      %dma_start3A_58 = arith.constant 3 : i32
      %dma_start3A_59 = arith.constant 0 : i32
      %dma_start3A_60 = tpu.memref_slice %arg5[%dma_start3A_58, %dma_start3A_59] : memref<12x128xi32, #tpu.memory_space<vmem>> -> memref<1x128xi32, #tpu.memory_space<vmem>>
      %dma_start3A_61 = tpu.memref_squeeze %dma_start3A_60 : memref<1x128xi32, #tpu.memory_space<vmem>> -> memref<128xi32, #tpu.memory_space<vmem>>
      %dma_start3A_62 = arith.constant 0 : i32
      %dma_start3A_63 = arith.constant 0 : i32
      %dma_start3A_64 = tpu.memref_slice %arg2[%dma_start3A_62, %dma_start3A_63] : memref<10000x128xf32, #tpu.memory_space<hbm>> -> memref<10000x128xf32, #tpu.memory_space<hbm>>
      tpu.enqueue_indirect_dma source(%dma_start3A_64 : memref<10000x128xf32, #tpu.memory_space<hbm>>) target(%arg9 : memref<128x128xf32, #tpu.memory_space<vmem>>) offsets(%dma_start3A_61 : memref<128xi32, #tpu.memory_space<vmem>>) semaphore(%arg13 : memref<!tpu.dma_semaphore, #tpu.memory_space<semaphore_mem>>)
    } else {
    }
    %jit3A_9 = arith.constant 4 : i32
    %div3A = arith.divsi %select_n3A_6, %jit3A_9 : i32
    %sign3A = arith.constant 0 : i32
    %sign3A_10 = arith.cmpi sgt, %select_n3A_6, %sign3A : i32
    %sign3A_11 = arith.extui %sign3A_10 : i1 to i32
    %sign3A_12 = arith.constant 0 : i32
    %sign3A_13 = arith.cmpi slt, %select_n3A_6, %sign3A_12 : i32
    %sign3A_14 = arith.extui %sign3A_13 : i1 to i32
    %sign3A_15 = arith.subi %sign3A_11, %sign3A_14 : i32
    %sign3A_16 = arith.constant 0 : i32
    %sign3A_17 = arith.cmpi sgt, %jit3A_9, %sign3A_16 : i32
    %sign3A_18 = arith.extui %sign3A_17 : i1 to i32
    %sign3A_19 = arith.constant 0 : i32
    %sign3A_20 = arith.cmpi slt, %jit3A_9, %sign3A_19 : i32
    %sign3A_21 = arith.extui %sign3A_20 : i1 to i32
    %sign3A_22 = arith.subi %sign3A_18, %sign3A_21 : i32
    %ne3A = arith.cmpi ne, %sign3A_15, %sign3A_22 : i32
    %rem3A = arith.remsi %select_n3A_6, %jit3A_9 : i32
    %ne3A_23 = arith.constant 0 : i32
    %ne3A_24 = arith.cmpi ne, %rem3A, %ne3A_23 : i32
    %and3A = arith.andi %ne3A, %ne3A_24 : i1
    %sub3A = arith.constant 1 : i32
    %sub3A_25 = arith.subi %div3A, %sub3A : i32
    %select_n3A_26 = arith.select %and3A, %sub3A_25, %div3A : i32
    %while3A = arith.constant 0 : i32
    %while3A_27 = arith.constant 0 : i32
    %while3A_28 = arith.subi %select_n3A_26, %while3A : i32
    %while3A_29 = arith.addi %while3A, %while3A_28 : i32
    %while3A_30 = arith.constant 1 : i32
    %while3A_31 = arith.divsi %while3A_28, %while3A_30 : i32
    %while3A_32 = arith.muli %while3A_31, %while3A_30 : i32
    %while3A_33 = arith.addi %while3A, %while3A_32 : i32
    %while3A_34 = arith.constant 1 : i32
    %while3A_35 = scf.for %while3A_38 = %while3A to %while3A_33 step %while3A_34 iter_args(%while3A_39 = %while3A_27) -> (i32)  : i32 {
      %mul3A_40 = arith.constant 4 : i32
      %mul3A_41 = arith.muli %while3A_38, %mul3A_40 : i32
      %add3A_42 = arith.constant 0 : i32
      %add3A_43 = arith.addi %mul3A_41, %add3A_42 : i32
      %dma_wait3A = arith.constant 0 : i32
      %dma_wait3A_44 = tpu.memref_slice %arg5[%add3A_43, %dma_wait3A] : memref<12x128xi32, #tpu.memory_space<vmem>> -> memref<1x128xi32, #tpu.memory_space<vmem>>
      %dma_wait3A_45 = tpu.memref_squeeze %dma_wait3A_44 : memref<1x128xi32, #tpu.memory_space<vmem>> -> memref<128xi32, #tpu.memory_space<vmem>>
      %dma_wait3A_46 = arith.constant 0 : i32
      %dma_wait3A_47 = arith.constant 0 : i32
      %dma_wait3A_48 = tpu.memref_slice %arg2[%dma_wait3A_46, %dma_wait3A_47] : memref<10000x128xf32, #tpu.memory_space<hbm>> -> memref<10000x128xf32, #tpu.memory_space<hbm>>
      tpu.wait_indirect_dma semaphore(%arg10 : memref<!tpu.dma_semaphore, #tpu.memory_space<semaphore_mem>>) src(%dma_wait3A_48 : memref<10000x128xf32, #tpu.memory_space<hbm>>) dst(%arg6 : memref<128x128xf32, #tpu.memory_space<vmem>>)
      %add3A_49 = arith.addi %select_n3A, %add3A_43 : i32
      %dma_start3A = arith.constant 0 : i32
      %dma_start3A_50 = arith.constant 0 : i32
      %dma_start3A_51 = tpu.memref_slice %arg4[%add3A_49, %dma_start3A, %dma_start3A_50] : memref<256x128x128xf32, #tpu.memory_space<hbm>> -> memref<1x128x128xf32, #tpu.memory_space<hbm>>
      %dma_start3A_52 = tpu.memref_squeeze %dma_start3A_51 : memref<1x128x128xf32, #tpu.memory_space<hbm>> -> memref<128x128xf32, #tpu.memory_space<hbm>>
      %dma_start3A_53 = arith.constant 0 : i32
      %dma_start3A_54 = arith.constant 0 : i32
      %dma_start3A_55 = tpu.memref_slice %arg4[%add3A_49, %dma_start3A_53, %dma_start3A_54] : memref<256x128x128xf32, #tpu.memory_space<hbm>> -> memref<1x128x128xf32, #tpu.memory_space<hbm>>
      %dma_start3A_56 = tpu.memref_squeeze %dma_start3A_55 : memref<1x128x128xf32, #tpu.memory_space<hbm>> -> memref<128x128xf32, #tpu.memory_space<hbm>>
      tpu.enqueue_dma source(%arg6 : memref<128x128xf32, #tpu.memory_space<vmem>>) target(%dma_start3A_56 : memref<128x128xf32, #tpu.memory_space<hbm>>) target_semaphore(%arg14 : memref<!tpu.dma_semaphore, #tpu.memory_space<semaphore_mem>>)
      %add3A_57 = arith.addi %select_n3A, %add3A_43 : i32
      %dma_wait3A_58 = arith.constant 0 : i32
      %dma_wait3A_59 = arith.constant 0 : i32
      %dma_wait3A_60 = tpu.memref_slice %arg4[%add3A_57, %dma_wait3A_58, %dma_wait3A_59] : memref<256x128x128xf32, #tpu.memory_space<hbm>> -> memref<1x128x128xf32, #tpu.memory_space<hbm>>
      %dma_wait3A_61 = tpu.memref_squeeze %dma_wait3A_60 : memref<1x128x128xf32, #tpu.memory_space<hbm>> -> memref<128x128xf32, #tpu.memory_space<hbm>>
      %dma_wait3A_62 = arith.constant 0 : i32
      %dma_wait3A_63 = arith.constant 0 : i32
      %dma_wait3A_64 = tpu.memref_slice %arg4[%add3A_57, %dma_wait3A_62, %dma_wait3A_63] : memref<256x128x128xf32, #tpu.memory_space<hbm>> -> memref<1x128x128xf32, #tpu.memory_space<hbm>>
      %dma_wait3A_65 = tpu.memref_squeeze %dma_wait3A_64 : memref<1x128x128xf32, #tpu.memory_space<hbm>> -> memref<128x128xf32, #tpu.memory_space<hbm>>
      tpu.wait_dma2 semaphore(%arg14 : memref<!tpu.dma_semaphore, #tpu.memory_space<semaphore_mem>>) src(%arg6 : memref<128x128xf32, #tpu.memory_space<vmem>>) dst(%dma_wait3A_65 : memref<128x128xf32, #tpu.memory_space<hbm>>)
      %add3A_66 = arith.constant 4 : i32
      %add3A_67 = arith.addi %add3A_43, %add3A_66 : i32
      %lt3A = arith.cmpi slt, %add3A_67, %select_n3A_6 : i32
      %convert_element_type3A_68 = arith.extui %lt3A : i1 to i32
      %cond3A_69 = arith.constant 0 : i32
      %cond3A_70 = arith.cmpi ne, %convert_element_type3A_68, %cond3A_69 : i32
      scf.if %cond3A_70 {
        %add3A_168 = arith.constant 4 : i32
        %add3A_169 = arith.addi %add3A_43, %add3A_168 : i32
        %dma_start3A_170 = arith.constant 0 : i32
        %dma_start3A_171 = tpu.memref_slice %arg5[%add3A_169, %dma_start3A_170] : memref<12x128xi32, #tpu.memory_space<vmem>> -> memref<1x128xi32, #tpu.memory_space<vmem>>
        %dma_start3A_172 = tpu.memref_squeeze %dma_start3A_171 : memref<1x128xi32, #tpu.memory_space<vmem>> -> memref<128xi32, #tpu.memory_space<vmem>>
        %dma_start3A_173 = arith.constant 0 : i32
        %dma_start3A_174 = arith.constant 0 : i32
        %dma_start3A_175 = tpu.memref_slice %arg2[%dma_start3A_173, %dma_start3A_174] : memref<10000x128xf32, #tpu.memory_space<hbm>> -> memref<10000x128xf32, #tpu.memory_space<hbm>>
        tpu.enqueue_indirect_dma source(%dma_start3A_175 : memref<10000x128xf32, #tpu.memory_space<hbm>>) target(%arg6 : memref<128x128xf32, #tpu.memory_space<vmem>>) offsets(%dma_start3A_172 : memref<128xi32, #tpu.memory_space<vmem>>) semaphore(%arg10 : memref<!tpu.dma_semaphore, #tpu.memory_space<semaphore_mem>>)
      } else {
      }
      %add3A_71 = arith.constant 1 : i32
      %add3A_72 = arith.addi %mul3A_41, %add3A_71 : i32
      %dma_wait3A_73 = arith.constant 0 : i32
      %dma_wait3A_74 = tpu.memref_slice %arg5[%add3A_72, %dma_wait3A_73] : memref<12x128xi32, #tpu.memory_space<vmem>> -> memref<1x128xi32, #tpu.memory_space<vmem>>
      %dma_wait3A_75 = tpu.memref_squeeze %dma_wait3A_74 : memref<1x128xi32, #tpu.memory_space<vmem>> -> memref<128xi32, #tpu.memory_space<vmem>>
      %dma_wait3A_76 = arith.constant 0 : i32
      %dma_wait3A_77 = arith.constant 0 : i32
      %dma_wait3A_78 = tpu.memref_slice %arg2[%dma_wait3A_76, %dma_wait3A_77] : memref<10000x128xf32, #tpu.memory_space<hbm>> -> memref<10000x128xf32, #tpu.memory_space<hbm>>
      tpu.wait_indirect_dma semaphore(%arg11 : memref<!tpu.dma_semaphore, #tpu.memory_space<semaphore_mem>>) src(%dma_wait3A_78 : memref<10000x128xf32, #tpu.memory_space<hbm>>) dst(%arg7 : memref<128x128xf32, #tpu.memory_space<vmem>>)
      %add3A_79 = arith.addi %select_n3A, %add3A_72 : i32
      %dma_start3A_80 = arith.constant 0 : i32
      %dma_start3A_81 = arith.constant 0 : i32
      %dma_start3A_82 = tpu.memref_slice %arg4[%add3A_79, %dma_start3A_80, %dma_start3A_81] : memref<256x128x128xf32, #tpu.memory_space<hbm>> -> memref<1x128x128xf32, #tpu.memory_space<hbm>>
      %dma_start3A_83 = tpu.memref_squeeze %dma_start3A_82 : memref<1x128x128xf32, #tpu.memory_space<hbm>> -> memref<128x128xf32, #tpu.memory_space<hbm>>
      %dma_start3A_84 = arith.constant 0 : i32
      %dma_start3A_85 = arith.constant 0 : i32
      %dma_start3A_86 = tpu.memref_slice %arg4[%add3A_79, %dma_start3A_84, %dma_start3A_85] : memref<256x128x128xf32, #tpu.memory_space<hbm>> -> memref<1x128x128xf32, #tpu.memory_space<hbm>>
      %dma_start3A_87 = tpu.memref_squeeze %dma_start3A_86 : memref<1x128x128xf32, #tpu.memory_space<hbm>> -> memref<128x128xf32, #tpu.memory_space<hbm>>
      tpu.enqueue_dma source(%arg7 : memref<128x128xf32, #tpu.memory_space<vmem>>) target(%dma_start3A_87 : memref<128x128xf32, #tpu.memory_space<hbm>>) target_semaphore(%arg15 : memref<!tpu.dma_semaphore, #tpu.memory_space<semaphore_mem>>)
      %add3A_88 = arith.addi %select_n3A, %add3A_72 : i32
      %dma_wait3A_89 = arith.constant 0 : i32
      %dma_wait3A_90 = arith.constant 0 : i32
      %dma_wait3A_91 = tpu.memref_slice %arg4[%add3A_88, %dma_wait3A_89, %dma_wait3A_90] : memref<256x128x128xf32, #tpu.memory_space<hbm>> -> memref<1x128x128xf32, #tpu.memory_space<hbm>>
      %dma_wait3A_92 = tpu.memref_squeeze %dma_wait3A_91 : memref<1x128x128xf32, #tpu.memory_space<hbm>> -> memref<128x128xf32, #tpu.memory_space<hbm>>
      %dma_wait3A_93 = arith.constant 0 : i32
      %dma_wait3A_94 = arith.constant 0 : i32
      %dma_wait3A_95 = tpu.memref_slice %arg4[%add3A_88, %dma_wait3A_93, %dma_wait3A_94] : memref<256x128x128xf32, #tpu.memory_space<hbm>> -> memref<1x128x128xf32, #tpu.memory_space<hbm>>
      %dma_wait3A_96 = tpu.memref_squeeze %dma_wait3A_95 : memref<1x128x128xf32, #tpu.memory_space<hbm>> -> memref<128x128xf32, #tpu.memory_space<hbm>>
      tpu.wait_dma2 semaphore(%arg15 : memref<!tpu.dma_semaphore, #tpu.memory_space<semaphore_mem>>) src(%arg7 : memref<128x128xf32, #tpu.memory_space<vmem>>) dst(%dma_wait3A_96 : memref<128x128xf32, #tpu.memory_space<hbm>>)
      %add3A_97 = arith.constant 4 : i32
      %add3A_98 = arith.addi %add3A_72, %add3A_97 : i32
      %lt3A_99 = arith.cmpi slt, %add3A_98, %select_n3A_6 : i32
      %convert_element_type3A_100 = arith.extui %lt3A_99 : i1 to i32
      %cond3A_101 = arith.constant 0 : i32
      %cond3A_102 = arith.cmpi ne, %convert_element_type3A_100, %cond3A_101 : i32
      scf.if %cond3A_102 {
        %add3A_168 = arith.constant 4 : i32
        %add3A_169 = arith.addi %add3A_72, %add3A_168 : i32
        %dma_start3A_170 = arith.constant 0 : i32
        %dma_start3A_171 = tpu.memref_slice %arg5[%add3A_169, %dma_start3A_170] : memref<12x128xi32, #tpu.memory_space<vmem>> -> memref<1x128xi32, #tpu.memory_space<vmem>>
        %dma_start3A_172 = tpu.memref_squeeze %dma_start3A_171 : memref<1x128xi32, #tpu.memory_space<vmem>> -> memref<128xi32, #tpu.memory_space<vmem>>
        %dma_start3A_173 = arith.constant 0 : i32
        %dma_start3A_174 = arith.constant 0 : i32
        %dma_start3A_175 = tpu.memref_slice %arg2[%dma_start3A_173, %dma_start3A_174] : memref<10000x128xf32, #tpu.memory_space<hbm>> -> memref<10000x128xf32, #tpu.memory_space<hbm>>
        tpu.enqueue_indirect_dma source(%dma_start3A_175 : memref<10000x128xf32, #tpu.memory_space<hbm>>) target(%arg7 : memref<128x128xf32, #tpu.memory_space<vmem>>) offsets(%dma_start3A_172 : memref<128xi32, #tpu.memory_space<vmem>>) semaphore(%arg11 : memref<!tpu.dma_semaphore, #tpu.memory_space<semaphore_mem>>)
      } else {
      }
      %add3A_103 = arith.constant 2 : i32
      %add3A_104 = arith.addi %mul3A_41, %add3A_103 : i32
      %dma_wait3A_105 = arith.constant 0 : i32
      %dma_wait3A_106 = tpu.memref_slice %arg5[%add3A_104, %dma_wait3A_105] : memref<12x128xi32, #tpu.memory_space<vmem>> -> memref<1x128xi32, #tpu.memory_space<vmem>>
      %dma_wait3A_107 = tpu.memref_squeeze %dma_wait3A_106 : memref<1x128xi32, #tpu.memory_space<vmem>> -> memref<128xi32, #tpu.memory_space<vmem>>
      %dma_wait3A_108 = arith.constant 0 : i32
      %dma_wait3A_109 = arith.constant 0 : i32
      %dma_wait3A_110 = tpu.memref_slice %arg2[%dma_wait3A_108, %dma_wait3A_109] : memref<10000x128xf32, #tpu.memory_space<hbm>> -> memref<10000x128xf32, #tpu.memory_space<hbm>>
      tpu.wait_indirect_dma semaphore(%arg12 : memref<!tpu.dma_semaphore, #tpu.memory_space<semaphore_mem>>) src(%dma_wait3A_110 : memref<10000x128xf32, #tpu.memory_space<hbm>>) dst(%arg8 : memref<128x128xf32, #tpu.memory_space<vmem>>)
      %add3A_111 = arith.addi %select_n3A, %add3A_104 : i32
      %dma_start3A_112 = arith.constant 0 : i32
      %dma_start3A_113 = arith.constant 0 : i32
      %dma_start3A_114 = tpu.memref_slice %arg4[%add3A_111, %dma_start3A_112, %dma_start3A_113] : memref<256x128x128xf32, #tpu.memory_space<hbm>> -> memref<1x128x128xf32, #tpu.memory_space<hbm>>
      %dma_start3A_115 = tpu.memref_squeeze %dma_start3A_114 : memref<1x128x128xf32, #tpu.memory_space<hbm>> -> memref<128x128xf32, #tpu.memory_space<hbm>>
      %dma_start3A_116 = arith.constant 0 : i32
      %dma_start3A_117 = arith.constant 0 : i32
      %dma_start3A_118 = tpu.memref_slice %arg4[%add3A_111, %dma_start3A_116, %dma_start3A_117] : memref<256x128x128xf32, #tpu.memory_space<hbm>> -> memref<1x128x128xf32, #tpu.memory_space<hbm>>
      %dma_start3A_119 = tpu.memref_squeeze %dma_start3A_118 : memref<1x128x128xf32, #tpu.memory_space<hbm>> -> memref<128x128xf32, #tpu.memory_space<hbm>>
      tpu.enqueue_dma source(%arg8 : memref<128x128xf32, #tpu.memory_space<vmem>>) target(%dma_start3A_119 : memref<128x128xf32, #tpu.memory_space<hbm>>) target_semaphore(%arg16 : memref<!tpu.dma_semaphore, #tpu.memory_space<semaphore_mem>>)
      %add3A_120 = arith.addi %select_n3A, %add3A_104 : i32
      %dma_wait3A_121 = arith.constant 0 : i32
      %dma_wait3A_122 = arith.constant 0 : i32
      %dma_wait3A_123 = tpu.memref_slice %arg4[%add3A_120, %dma_wait3A_121, %dma_wait3A_122] : memref<256x128x128xf32, #tpu.memory_space<hbm>> -> memref<1x128x128xf32, #tpu.memory_space<hbm>>
      %dma_wait3A_124 = tpu.memref_squeeze %dma_wait3A_123 : memref<1x128x128xf32, #tpu.memory_space<hbm>> -> memref<128x128xf32, #tpu.memory_space<hbm>>
      %dma_wait3A_125 = arith.constant 0 : i32
      %dma_wait3A_126 = arith.constant 0 : i32
      %dma_wait3A_127 = tpu.memref_slice %arg4[%add3A_120, %dma_wait3A_125, %dma_wait3A_126] : memref<256x128x128xf32, #tpu.memory_space<hbm>> -> memref<1x128x128xf32, #tpu.memory_space<hbm>>
      %dma_wait3A_128 = tpu.memref_squeeze %dma_wait3A_127 : memref<1x128x128xf32, #tpu.memory_space<hbm>> -> memref<128x128xf32, #tpu.memory_space<hbm>>
      tpu.wait_dma2 semaphore(%arg16 : memref<!tpu.dma_semaphore, #tpu.memory_space<semaphore_mem>>) src(%arg8 : memref<128x128xf32, #tpu.memory_space<vmem>>) dst(%dma_wait3A_128 : memref<128x128xf32, #tpu.memory_space<hbm>>)
      %add3A_129 = arith.constant 4 : i32
      %add3A_130 = arith.addi %add3A_104, %add3A_129 : i32
      %lt3A_131 = arith.cmpi slt, %add3A_130, %select_n3A_6 : i32
      %convert_element_type3A_132 = arith.extui %lt3A_131 : i1 to i32
      %cond3A_133 = arith.constant 0 : i32
      %cond3A_134 = arith.cmpi ne, %convert_element_type3A_132, %cond3A_133 : i32
      scf.if %cond3A_134 {
        %add3A_168 = arith.constant 4 : i32
        %add3A_169 = arith.addi %add3A_104, %add3A_168 : i32
        %dma_start3A_170 = arith.constant 0 : i32
        %dma_start3A_171 = tpu.memref_slice %arg5[%add3A_169, %dma_start3A_170] : memref<12x128xi32, #tpu.memory_space<vmem>> -> memref<1x128xi32, #tpu.memory_space<vmem>>
        %dma_start3A_172 = tpu.memref_squeeze %dma_start3A_171 : memref<1x128xi32, #tpu.memory_space<vmem>> -> memref<128xi32, #tpu.memory_space<vmem>>
        %dma_start3A_173 = arith.constant 0 : i32
        %dma_start3A_174 = arith.constant 0 : i32
        %dma_start3A_175 = tpu.memref_slice %arg2[%dma_start3A_173, %dma_start3A_174] : memref<10000x128xf32, #tpu.memory_space<hbm>> -> memref<10000x128xf32, #tpu.memory_space<hbm>>
        tpu.enqueue_indirect_dma source(%dma_start3A_175 : memref<10000x128xf32, #tpu.memory_space<hbm>>) target(%arg8 : memref<128x128xf32, #tpu.memory_space<vmem>>) offsets(%dma_start3A_172 : memref<128xi32, #tpu.memory_space<vmem>>) semaphore(%arg12 : memref<!tpu.dma_semaphore, #tpu.memory_space<semaphore_mem>>)
      } else {
      }
      %add3A_135 = arith.constant 3 : i32
      %add3A_136 = arith.addi %mul3A_41, %add3A_135 : i32
      %dma_wait3A_137 = arith.constant 0 : i32
      %dma_wait3A_138 = tpu.memref_slice %arg5[%add3A_136, %dma_wait3A_137] : memref<12x128xi32, #tpu.memory_space<vmem>> -> memref<1x128xi32, #tpu.memory_space<vmem>>
      %dma_wait3A_139 = tpu.memref_squeeze %dma_wait3A_138 : memref<1x128xi32, #tpu.memory_space<vmem>> -> memref<128xi32, #tpu.memory_space<vmem>>
      %dma_wait3A_140 = arith.constant 0 : i32
      %dma_wait3A_141 = arith.constant 0 : i32
      %dma_wait3A_142 = tpu.memref_slice %arg2[%dma_wait3A_140, %dma_wait3A_141] : memref<10000x128xf32, #tpu.memory_space<hbm>> -> memref<10000x128xf32, #tpu.memory_space<hbm>>
      tpu.wait_indirect_dma semaphore(%arg13 : memref<!tpu.dma_semaphore, #tpu.memory_space<semaphore_mem>>) src(%dma_wait3A_142 : memref<10000x128xf32, #tpu.memory_space<hbm>>) dst(%arg9 : memref<128x128xf32, #tpu.memory_space<vmem>>)
      %add3A_143 = arith.addi %select_n3A, %add3A_136 : i32
      %dma_start3A_144 = arith.constant 0 : i32
      %dma_start3A_145 = arith.constant 0 : i32
      %dma_start3A_146 = tpu.memref_slice %arg4[%add3A_143, %dma_start3A_144, %dma_start3A_145] : memref<256x128x128xf32, #tpu.memory_space<hbm>> -> memref<1x128x128xf32, #tpu.memory_space<hbm>>
      %dma_start3A_147 = tpu.memref_squeeze %dma_start3A_146 : memref<1x128x128xf32, #tpu.memory_space<hbm>> -> memref<128x128xf32, #tpu.memory_space<hbm>>
      %dma_start3A_148 = arith.constant 0 : i32
      %dma_start3A_149 = arith.constant 0 : i32
      %dma_start3A_150 = tpu.memref_slice %arg4[%add3A_143, %dma_start3A_148, %dma_start3A_149] : memref<256x128x128xf32, #tpu.memory_space<hbm>> -> memref<1x128x128xf32, #tpu.memory_space<hbm>>
      %dma_start3A_151 = tpu.memref_squeeze %dma_start3A_150 : memref<1x128x128xf32, #tpu.memory_space<hbm>> -> memref<128x128xf32, #tpu.memory_space<hbm>>
      tpu.enqueue_dma source(%arg9 : memref<128x128xf32, #tpu.memory_space<vmem>>) target(%dma_start3A_151 : memref<128x128xf32, #tpu.memory_space<hbm>>) target_semaphore(%arg17 : memref<!tpu.dma_semaphore, #tpu.memory_space<semaphore_mem>>)
      %add3A_152 = arith.addi %select_n3A, %add3A_136 : i32
      %dma_wait3A_153 = arith.constant 0 : i32
      %dma_wait3A_154 = arith.constant 0 : i32
      %dma_wait3A_155 = tpu.memref_slice %arg4[%add3A_152, %dma_wait3A_153, %dma_wait3A_154] : memref<256x128x128xf32, #tpu.memory_space<hbm>> -> memref<1x128x128xf32, #tpu.memory_space<hbm>>
      %dma_wait3A_156 = tpu.memref_squeeze %dma_wait3A_155 : memref<1x128x128xf32, #tpu.memory_space<hbm>> -> memref<128x128xf32, #tpu.memory_space<hbm>>
      %dma_wait3A_157 = arith.constant 0 : i32
      %dma_wait3A_158 = arith.constant 0 : i32
      %dma_wait3A_159 = tpu.memref_slice %arg4[%add3A_152, %dma_wait3A_157, %dma_wait3A_158] : memref<256x128x128xf32, #tpu.memory_space<hbm>> -> memref<1x128x128xf32, #tpu.memory_space<hbm>>
      %dma_wait3A_160 = tpu.memref_squeeze %dma_wait3A_159 : memref<1x128x128xf32, #tpu.memory_space<hbm>> -> memref<128x128xf32, #tpu.memory_space<hbm>>
      tpu.wait_dma2 semaphore(%arg17 : memref<!tpu.dma_semaphore, #tpu.memory_space<semaphore_mem>>) src(%arg9 : memref<128x128xf32, #tpu.memory_space<vmem>>) dst(%dma_wait3A_160 : memref<128x128xf32, #tpu.memory_space<hbm>>)
      %add3A_161 = arith.constant 4 : i32
      %add3A_162 = arith.addi %add3A_136, %add3A_161 : i32
      %lt3A_163 = arith.cmpi slt, %add3A_162, %select_n3A_6 : i32
      %convert_element_type3A_164 = arith.extui %lt3A_163 : i1 to i32
      %cond3A_165 = arith.constant 0 : i32
      %cond3A_166 = arith.cmpi ne, %convert_element_type3A_164, %cond3A_165 : i32
      scf.if %cond3A_166 {
        %add3A_168 = arith.constant 4 : i32
        %add3A_169 = arith.addi %add3A_136, %add3A_168 : i32
        %dma_start3A_170 = arith.constant 0 : i32
        %dma_start3A_171 = tpu.memref_slice %arg5[%add3A_169, %dma_start3A_170] : memref<12x128xi32, #tpu.memory_space<vmem>> -> memref<1x128xi32, #tpu.memory_space<vmem>>
        %dma_start3A_172 = tpu.memref_squeeze %dma_start3A_171 : memref<1x128xi32, #tpu.memory_space<vmem>> -> memref<128xi32, #tpu.memory_space<vmem>>
        %dma_start3A_173 = arith.constant 0 : i32
        %dma_start3A_174 = arith.constant 0 : i32
        %dma_start3A_175 = tpu.memref_slice %arg2[%dma_start3A_173, %dma_start3A_174] : memref<10000x128xf32, #tpu.memory_space<hbm>> -> memref<10000x128xf32, #tpu.memory_space<hbm>>
        tpu.enqueue_indirect_dma source(%dma_start3A_175 : memref<10000x128xf32, #tpu.memory_space<hbm>>) target(%arg9 : memref<128x128xf32, #tpu.memory_space<vmem>>) offsets(%dma_start3A_172 : memref<128xi32, #tpu.memory_space<vmem>>) semaphore(%arg13 : memref<!tpu.dma_semaphore, #tpu.memory_space<semaphore_mem>>)
      } else {
      }
      %while3A_167 = arith.constant 0 : i32
      scf.yield %while3A_167 : i32
    }
    %while3A_36 = arith.constant 1 : i32
    %while3A_37 = scf.for %while3A_38 = %while3A_33 to %while3A_29 step %while3A_36 iter_args(%while3A_39 = %while3A_35) -> (i32)  : i32 {
      %mul3A_40 = arith.constant 4 : i32
      %mul3A_41 = arith.muli %while3A_38, %mul3A_40 : i32
      %add3A_42 = arith.constant 0 : i32
      %add3A_43 = arith.addi %mul3A_41, %add3A_42 : i32
      %dma_wait3A = arith.constant 0 : i32
      %dma_wait3A_44 = tpu.memref_slice %arg5[%add3A_43, %dma_wait3A] : memref<12x128xi32, #tpu.memory_space<vmem>> -> memref<1x128xi32, #tpu.memory_space<vmem>>
      %dma_wait3A_45 = tpu.memref_squeeze %dma_wait3A_44 : memref<1x128xi32, #tpu.memory_space<vmem>> -> memref<128xi32, #tpu.memory_space<vmem>>
      %dma_wait3A_46 = arith.constant 0 : i32
      %dma_wait3A_47 = arith.constant 0 : i32
      %dma_wait3A_48 = tpu.memref_slice %arg2[%dma_wait3A_46, %dma_wait3A_47] : memref<10000x128xf32, #tpu.memory_space<hbm>> -> memref<10000x128xf32, #tpu.memory_space<hbm>>
      tpu.wait_indirect_dma semaphore(%arg10 : memref<!tpu.dma_semaphore, #tpu.memory_space<semaphore_mem>>) src(%dma_wait3A_48 : memref<10000x128xf32, #tpu.memory_space<hbm>>) dst(%arg6 : memref<128x128xf32, #tpu.memory_space<vmem>>)
      %add3A_49 = arith.addi %select_n3A, %add3A_43 : i32
      %dma_start3A = arith.constant 0 : i32
      %dma_start3A_50 = arith.constant 0 : i32
      %dma_start3A_51 = tpu.memref_slice %arg4[%add3A_49, %dma_start3A, %dma_start3A_50] : memref<256x128x128xf32, #tpu.memory_space<hbm>> -> memref<1x128x128xf32, #tpu.memory_space<hbm>>
      %dma_start3A_52 = tpu.memref_squeeze %dma_start3A_51 : memref<1x128x128xf32, #tpu.memory_space<hbm>> -> memref<128x128xf32, #tpu.memory_space<hbm>>
      %dma_start3A_53 = arith.constant 0 : i32
      %dma_start3A_54 = arith.constant 0 : i32
      %dma_start3A_55 = tpu.memref_slice %arg4[%add3A_49, %dma_start3A_53, %dma_start3A_54] : memref<256x128x128xf32, #tpu.memory_space<hbm>> -> memref<1x128x128xf32, #tpu.memory_space<hbm>>
      %dma_start3A_56 = tpu.memref_squeeze %dma_start3A_55 : memref<1x128x128xf32, #tpu.memory_space<hbm>> -> memref<128x128xf32, #tpu.memory_space<hbm>>
      tpu.enqueue_dma source(%arg6 : memref<128x128xf32, #tpu.memory_space<vmem>>) target(%dma_start3A_56 : memref<128x128xf32, #tpu.memory_space<hbm>>) target_semaphore(%arg14 : memref<!tpu.dma_semaphore, #tpu.memory_space<semaphore_mem>>)
      %add3A_57 = arith.addi %select_n3A, %add3A_43 : i32
      %dma_wait3A_58 = arith.constant 0 : i32
      %dma_wait3A_59 = arith.constant 0 : i32
      %dma_wait3A_60 = tpu.memref_slice %arg4[%add3A_57, %dma_wait3A_58, %dma_wait3A_59] : memref<256x128x128xf32, #tpu.memory_space<hbm>> -> memref<1x128x128xf32, #tpu.memory_space<hbm>>
      %dma_wait3A_61 = tpu.memref_squeeze %dma_wait3A_60 : memref<1x128x128xf32, #tpu.memory_space<hbm>> -> memref<128x128xf32, #tpu.memory_space<hbm>>
      %dma_wait3A_62 = arith.constant 0 : i32
      %dma_wait3A_63 = arith.constant 0 : i32
      %dma_wait3A_64 = tpu.memref_slice %arg4[%add3A_57, %dma_wait3A_62, %dma_wait3A_63] : memref<256x128x128xf32, #tpu.memory_space<hbm>> -> memref<1x128x128xf32, #tpu.memory_space<hbm>>
      %dma_wait3A_65 = tpu.memref_squeeze %dma_wait3A_64 : memref<1x128x128xf32, #tpu.memory_space<hbm>> -> memref<128x128xf32, #tpu.memory_space<hbm>>
      tpu.wait_dma2 semaphore(%arg14 : memref<!tpu.dma_semaphore, #tpu.memory_space<semaphore_mem>>) src(%arg6 : memref<128x128xf32, #tpu.memory_space<vmem>>) dst(%dma_wait3A_65 : memref<128x128xf32, #tpu.memory_space<hbm>>)
      %add3A_66 = arith.constant 4 : i32
      %add3A_67 = arith.addi %add3A_43, %add3A_66 : i32
      %lt3A = arith.cmpi slt, %add3A_67, %select_n3A_6 : i32
      %convert_element_type3A_68 = arith.extui %lt3A : i1 to i32
      %cond3A_69 = arith.constant 0 : i32
      %cond3A_70 = arith.cmpi ne, %convert_element_type3A_68, %cond3A_69 : i32
      scf.if %cond3A_70 {
        %add3A_168 = arith.constant 4 : i32
        %add3A_169 = arith.addi %add3A_43, %add3A_168 : i32
        %dma_start3A_170 = arith.constant 0 : i32
        %dma_start3A_171 = tpu.memref_slice %arg5[%add3A_169, %dma_start3A_170] : memref<12x128xi32, #tpu.memory_space<vmem>> -> memref<1x128xi32, #tpu.memory_space<vmem>>
        %dma_start3A_172 = tpu.memref_squeeze %dma_start3A_171 : memref<1x128xi32, #tpu.memory_space<vmem>> -> memref<128xi32, #tpu.memory_space<vmem>>
        %dma_start3A_173 = arith.constant 0 : i32
        %dma_start3A_174 = arith.constant 0 : i32
        %dma_start3A_175 = tpu.memref_slice %arg2[%dma_start3A_173, %dma_start3A_174] : memref<10000x128xf32, #tpu.memory_space<hbm>> -> memref<10000x128xf32, #tpu.memory_space<hbm>>
        tpu.enqueue_indirect_dma source(%dma_start3A_175 : memref<10000x128xf32, #tpu.memory_space<hbm>>) target(%arg6 : memref<128x128xf32, #tpu.memory_space<vmem>>) offsets(%dma_start3A_172 : memref<128xi32, #tpu.memory_space<vmem>>) semaphore(%arg10 : memref<!tpu.dma_semaphore, #tpu.memory_space<semaphore_mem>>)
      } else {
      }
      %add3A_71 = arith.constant 1 : i32
      %add3A_72 = arith.addi %mul3A_41, %add3A_71 : i32
      %dma_wait3A_73 = arith.constant 0 : i32
      %dma_wait3A_74 = tpu.memref_slice %arg5[%add3A_72, %dma_wait3A_73] : memref<12x128xi32, #tpu.memory_space<vmem>> -> memref<1x128xi32, #tpu.memory_space<vmem>>
      %dma_wait3A_75 = tpu.memref_squeeze %dma_wait3A_74 : memref<1x128xi32, #tpu.memory_space<vmem>> -> memref<128xi32, #tpu.memory_space<vmem>>
      %dma_wait3A_76 = arith.constant 0 : i32
      %dma_wait3A_77 = arith.constant 0 : i32
      %dma_wait3A_78 = tpu.memref_slice %arg2[%dma_wait3A_76, %dma_wait3A_77] : memref<10000x128xf32, #tpu.memory_space<hbm>> -> memref<10000x128xf32, #tpu.memory_space<hbm>>
      tpu.wait_indirect_dma semaphore(%arg11 : memref<!tpu.dma_semaphore, #tpu.memory_space<semaphore_mem>>) src(%dma_wait3A_78 : memref<10000x128xf32, #tpu.memory_space<hbm>>) dst(%arg7 : memref<128x128xf32, #tpu.memory_space<vmem>>)
      %add3A_79 = arith.addi %select_n3A, %add3A_72 : i32
      %dma_start3A_80 = arith.constant 0 : i32
      %dma_start3A_81 = arith.constant 0 : i32
      %dma_start3A_82 = tpu.memref_slice %arg4[%add3A_79, %dma_start3A_80, %dma_start3A_81] : memref<256x128x128xf32, #tpu.memory_space<hbm>> -> memref<1x128x128xf32, #tpu.memory_space<hbm>>
      %dma_start3A_83 = tpu.memref_squeeze %dma_start3A_82 : memref<1x128x128xf32, #tpu.memory_space<hbm>> -> memref<128x128xf32, #tpu.memory_space<hbm>>
      %dma_start3A_84 = arith.constant 0 : i32
      %dma_start3A_85 = arith.constant 0 : i32
      %dma_start3A_86 = tpu.memref_slice %arg4[%add3A_79, %dma_start3A_84, %dma_start3A_85] : memref<256x128x128xf32, #tpu.memory_space<hbm>> -> memref<1x128x128xf32, #tpu.memory_space<hbm>>
      %dma_start3A_87 = tpu.memref_squeeze %dma_start3A_86 : memref<1x128x128xf32, #tpu.memory_space<hbm>> -> memref<128x128xf32, #tpu.memory_space<hbm>>
      tpu.enqueue_dma source(%arg7 : memref<128x128xf32, #tpu.memory_space<vmem>>) target(%dma_start3A_87 : memref<128x128xf32, #tpu.memory_space<hbm>>) target_semaphore(%arg15 : memref<!tpu.dma_semaphore, #tpu.memory_space<semaphore_mem>>)
      %add3A_88 = arith.addi %select_n3A, %add3A_72 : i32
      %dma_wait3A_89 = arith.constant 0 : i32
      %dma_wait3A_90 = arith.constant 0 : i32
      %dma_wait3A_91 = tpu.memref_slice %arg4[%add3A_88, %dma_wait3A_89, %dma_wait3A_90] : memref<256x128x128xf32, #tpu.memory_space<hbm>> -> memref<1x128x128xf32, #tpu.memory_space<hbm>>
      %dma_wait3A_92 = tpu.memref_squeeze %dma_wait3A_91 : memref<1x128x128xf32, #tpu.memory_space<hbm>> -> memref<128x128xf32, #tpu.memory_space<hbm>>
      %dma_wait3A_93 = arith.constant 0 : i32
      %dma_wait3A_94 = arith.constant 0 : i32
      %dma_wait3A_95 = tpu.memref_slice %arg4[%add3A_88, %dma_wait3A_93, %dma_wait3A_94] : memref<256x128x128xf32, #tpu.memory_space<hbm>> -> memref<1x128x128xf32, #tpu.memory_space<hbm>>
      %dma_wait3A_96 = tpu.memref_squeeze %dma_wait3A_95 : memref<1x128x128xf32, #tpu.memory_space<hbm>> -> memref<128x128xf32, #tpu.memory_space<hbm>>
      tpu.wait_dma2 semaphore(%arg15 : memref<!tpu.dma_semaphore, #tpu.memory_space<semaphore_mem>>) src(%arg7 : memref<128x128xf32, #tpu.memory_space<vmem>>) dst(%dma_wait3A_96 : memref<128x128xf32, #tpu.memory_space<hbm>>)
      %add3A_97 = arith.constant 4 : i32
      %add3A_98 = arith.addi %add3A_72, %add3A_97 : i32
      %lt3A_99 = arith.cmpi slt, %add3A_98, %select_n3A_6 : i32
      %convert_element_type3A_100 = arith.extui %lt3A_99 : i1 to i32
      %cond3A_101 = arith.constant 0 : i32
      %cond3A_102 = arith.cmpi ne, %convert_element_type3A_100, %cond3A_101 : i32
      scf.if %cond3A_102 {
        %add3A_168 = arith.constant 4 : i32
        %add3A_169 = arith.addi %add3A_72, %add3A_168 : i32
        %dma_start3A_170 = arith.constant 0 : i32
        %dma_start3A_171 = tpu.memref_slice %arg5[%add3A_169, %dma_start3A_170] : memref<12x128xi32, #tpu.memory_space<vmem>> -> memref<1x128xi32, #tpu.memory_space<vmem>>
        %dma_start3A_172 = tpu.memref_squeeze %dma_start3A_171 : memref<1x128xi32, #tpu.memory_space<vmem>> -> memref<128xi32, #tpu.memory_space<vmem>>
        %dma_start3A_173 = arith.constant 0 : i32
        %dma_start3A_174 = arith.constant 0 : i32
        %dma_start3A_175 = tpu.memref_slice %arg2[%dma_start3A_173, %dma_start3A_174] : memref<10000x128xf32, #tpu.memory_space<hbm>> -> memref<10000x128xf32, #tpu.memory_space<hbm>>
        tpu.enqueue_indirect_dma source(%dma_start3A_175 : memref<10000x128xf32, #tpu.memory_space<hbm>>) target(%arg7 : memref<128x128xf32, #tpu.memory_space<vmem>>) offsets(%dma_start3A_172 : memref<128xi32, #tpu.memory_space<vmem>>) semaphore(%arg11 : memref<!tpu.dma_semaphore, #tpu.memory_space<semaphore_mem>>)
      } else {
      }
      %add3A_103 = arith.constant 2 : i32
      %add3A_104 = arith.addi %mul3A_41, %add3A_103 : i32
      %dma_wait3A_105 = arith.constant 0 : i32
      %dma_wait3A_106 = tpu.memref_slice %arg5[%add3A_104, %dma_wait3A_105] : memref<12x128xi32, #tpu.memory_space<vmem>> -> memref<1x128xi32, #tpu.memory_space<vmem>>
      %dma_wait3A_107 = tpu.memref_squeeze %dma_wait3A_106 : memref<1x128xi32, #tpu.memory_space<vmem>> -> memref<128xi32, #tpu.memory_space<vmem>>
      %dma_wait3A_108 = arith.constant 0 : i32
      %dma_wait3A_109 = arith.constant 0 : i32
      %dma_wait3A_110 = tpu.memref_slice %arg2[%dma_wait3A_108, %dma_wait3A_109] : memref<10000x128xf32, #tpu.memory_space<hbm>> -> memref<10000x128xf32, #tpu.memory_space<hbm>>
      tpu.wait_indirect_dma semaphore(%arg12 : memref<!tpu.dma_semaphore, #tpu.memory_space<semaphore_mem>>) src(%dma_wait3A_110 : memref<10000x128xf32, #tpu.memory_space<hbm>>) dst(%arg8 : memref<128x128xf32, #tpu.memory_space<vmem>>)
      %add3A_111 = arith.addi %select_n3A, %add3A_104 : i32
      %dma_start3A_112 = arith.constant 0 : i32
      %dma_start3A_113 = arith.constant 0 : i32
      %dma_start3A_114 = tpu.memref_slice %arg4[%add3A_111, %dma_start3A_112, %dma_start3A_113] : memref<256x128x128xf32, #tpu.memory_space<hbm>> -> memref<1x128x128xf32, #tpu.memory_space<hbm>>
      %dma_start3A_115 = tpu.memref_squeeze %dma_start3A_114 : memref<1x128x128xf32, #tpu.memory_space<hbm>> -> memref<128x128xf32, #tpu.memory_space<hbm>>
      %dma_start3A_116 = arith.constant 0 : i32
      %dma_start3A_117 = arith.constant 0 : i32
      %dma_start3A_118 = tpu.memref_slice %arg4[%add3A_111, %dma_start3A_116, %dma_start3A_117] : memref<256x128x128xf32, #tpu.memory_space<hbm>> -> memref<1x128x128xf32, #tpu.memory_space<hbm>>
      %dma_start3A_119 = tpu.memref_squeeze %dma_start3A_118 : memref<1x128x128xf32, #tpu.memory_space<hbm>> -> memref<128x128xf32, #tpu.memory_space<hbm>>
      tpu.enqueue_dma source(%arg8 : memref<128x128xf32, #tpu.memory_space<vmem>>) target(%dma_start3A_119 : memref<128x128xf32, #tpu.memory_space<hbm>>) target_semaphore(%arg16 : memref<!tpu.dma_semaphore, #tpu.memory_space<semaphore_mem>>)
      %add3A_120 = arith.addi %select_n3A, %add3A_104 : i32
      %dma_wait3A_121 = arith.constant 0 : i32
      %dma_wait3A_122 = arith.constant 0 : i32
      %dma_wait3A_123 = tpu.memref_slice %arg4[%add3A_120, %dma_wait3A_121, %dma_wait3A_122] : memref<256x128x128xf32, #tpu.memory_space<hbm>> -> memref<1x128x128xf32, #tpu.memory_space<hbm>>
      %dma_wait3A_124 = tpu.memref_squeeze %dma_wait3A_123 : memref<1x128x128xf32, #tpu.memory_space<hbm>> -> memref<128x128xf32, #tpu.memory_space<hbm>>
      %dma_wait3A_125 = arith.constant 0 : i32
      %dma_wait3A_126 = arith.constant 0 : i32
      %dma_wait3A_127 = tpu.memref_slice %arg4[%add3A_120, %dma_wait3A_125, %dma_wait3A_126] : memref<256x128x128xf32, #tpu.memory_space<hbm>> -> memref<1x128x128xf32, #tpu.memory_space<hbm>>
      %dma_wait3A_128 = tpu.memref_squeeze %dma_wait3A_127 : memref<1x128x128xf32, #tpu.memory_space<hbm>> -> memref<128x128xf32, #tpu.memory_space<hbm>>
      tpu.wait_dma2 semaphore(%arg16 : memref<!tpu.dma_semaphore, #tpu.memory_space<semaphore_mem>>) src(%arg8 : memref<128x128xf32, #tpu.memory_space<vmem>>) dst(%dma_wait3A_128 : memref<128x128xf32, #tpu.memory_space<hbm>>)
      %add3A_129 = arith.constant 4 : i32
      %add3A_130 = arith.addi %add3A_104, %add3A_129 : i32
      %lt3A_131 = arith.cmpi slt, %add3A_130, %select_n3A_6 : i32
      %convert_element_type3A_132 = arith.extui %lt3A_131 : i1 to i32
      %cond3A_133 = arith.constant 0 : i32
      %cond3A_134 = arith.cmpi ne, %convert_element_type3A_132, %cond3A_133 : i32
      scf.if %cond3A_134 {
        %add3A_168 = arith.constant 4 : i32
        %add3A_169 = arith.addi %add3A_104, %add3A_168 : i32
        %dma_start3A_170 = arith.constant 0 : i32
        %dma_start3A_171 = tpu.memref_slice %arg5[%add3A_169, %dma_start3A_170] : memref<12x128xi32, #tpu.memory_space<vmem>> -> memref<1x128xi32, #tpu.memory_space<vmem>>
        %dma_start3A_172 = tpu.memref_squeeze %dma_start3A_171 : memref<1x128xi32, #tpu.memory_space<vmem>> -> memref<128xi32, #tpu.memory_space<vmem>>
        %dma_start3A_173 = arith.constant 0 : i32
        %dma_start3A_174 = arith.constant 0 : i32
        %dma_start3A_175 = tpu.memref_slice %arg2[%dma_start3A_173, %dma_start3A_174] : memref<10000x128xf32, #tpu.memory_space<hbm>> -> memref<10000x128xf32, #tpu.memory_space<hbm>>
        tpu.enqueue_indirect_dma source(%dma_start3A_175 : memref<10000x128xf32, #tpu.memory_space<hbm>>) target(%arg8 : memref<128x128xf32, #tpu.memory_space<vmem>>) offsets(%dma_start3A_172 : memref<128xi32, #tpu.memory_space<vmem>>) semaphore(%arg12 : memref<!tpu.dma_semaphore, #tpu.memory_space<semaphore_mem>>)
      } else {
      }
      %add3A_135 = arith.constant 3 : i32
      %add3A_136 = arith.addi %mul3A_41, %add3A_135 : i32
      %dma_wait3A_137 = arith.constant 0 : i32
      %dma_wait3A_138 = tpu.memref_slice %arg5[%add3A_136, %dma_wait3A_137] : memref<12x128xi32, #tpu.memory_space<vmem>> -> memref<1x128xi32, #tpu.memory_space<vmem>>
      %dma_wait3A_139 = tpu.memref_squeeze %dma_wait3A_138 : memref<1x128xi32, #tpu.memory_space<vmem>> -> memref<128xi32, #tpu.memory_space<vmem>>
      %dma_wait3A_140 = arith.constant 0 : i32
      %dma_wait3A_141 = arith.constant 0 : i32
      %dma_wait3A_142 = tpu.memref_slice %arg2[%dma_wait3A_140, %dma_wait3A_141] : memref<10000x128xf32, #tpu.memory_space<hbm>> -> memref<10000x128xf32, #tpu.memory_space<hbm>>
      tpu.wait_indirect_dma semaphore(%arg13 : memref<!tpu.dma_semaphore, #tpu.memory_space<semaphore_mem>>) src(%dma_wait3A_142 : memref<10000x128xf32, #tpu.memory_space<hbm>>) dst(%arg9 : memref<128x128xf32, #tpu.memory_space<vmem>>)
      %add3A_143 = arith.addi %select_n3A, %add3A_136 : i32
      %dma_start3A_144 = arith.constant 0 : i32
      %dma_start3A_145 = arith.constant 0 : i32
      %dma_start3A_146 = tpu.memref_slice %arg4[%add3A_143, %dma_start3A_144, %dma_start3A_145] : memref<256x128x128xf32, #tpu.memory_space<hbm>> -> memref<1x128x128xf32, #tpu.memory_space<hbm>>
      %dma_start3A_147 = tpu.memref_squeeze %dma_start3A_146 : memref<1x128x128xf32, #tpu.memory_space<hbm>> -> memref<128x128xf32, #tpu.memory_space<hbm>>
      %dma_start3A_148 = arith.constant 0 : i32
      %dma_start3A_149 = arith.constant 0 : i32
      %dma_start3A_150 = tpu.memref_slice %arg4[%add3A_143, %dma_start3A_148, %dma_start3A_149] : memref<256x128x128xf32, #tpu.memory_space<hbm>> -> memref<1x128x128xf32, #tpu.memory_space<hbm>>
      %dma_start3A_151 = tpu.memref_squeeze %dma_start3A_150 : memref<1x128x128xf32, #tpu.memory_space<hbm>> -> memref<128x128xf32, #tpu.memory_space<hbm>>
      tpu.enqueue_dma source(%arg9 : memref<128x128xf32, #tpu.memory_space<vmem>>) target(%dma_start3A_151 : memref<128x128xf32, #tpu.memory_space<hbm>>) target_semaphore(%arg17 : memref<!tpu.dma_semaphore, #tpu.memory_space<semaphore_mem>>)
      %add3A_152 = arith.addi %select_n3A, %add3A_136 : i32
      %dma_wait3A_153 = arith.constant 0 : i32
      %dma_wait3A_154 = arith.constant 0 : i32
      %dma_wait3A_155 = tpu.memref_slice %arg4[%add3A_152, %dma_wait3A_153, %dma_wait3A_154] : memref<256x128x128xf32, #tpu.memory_space<hbm>> -> memref<1x128x128xf32, #tpu.memory_space<hbm>>
      %dma_wait3A_156 = tpu.memref_squeeze %dma_wait3A_155 : memref<1x128x128xf32, #tpu.memory_space<hbm>> -> memref<128x128xf32, #tpu.memory_space<hbm>>
      %dma_wait3A_157 = arith.constant 0 : i32
      %dma_wait3A_158 = arith.constant 0 : i32
      %dma_wait3A_159 = tpu.memref_slice %arg4[%add3A_152, %dma_wait3A_157, %dma_wait3A_158] : memref<256x128x128xf32, #tpu.memory_space<hbm>> -> memref<1x128x128xf32, #tpu.memory_space<hbm>>
      %dma_wait3A_160 = tpu.memref_squeeze %dma_wait3A_159 : memref<1x128x128xf32, #tpu.memory_space<hbm>> -> memref<128x128xf32, #tpu.memory_space<hbm>>
      tpu.wait_dma2 semaphore(%arg17 : memref<!tpu.dma_semaphore, #tpu.memory_space<semaphore_mem>>) src(%arg9 : memref<128x128xf32, #tpu.memory_space<vmem>>) dst(%dma_wait3A_160 : memref<128x128xf32, #tpu.memory_space<hbm>>)
      %add3A_161 = arith.constant 4 : i32
      %add3A_162 = arith.addi %add3A_136, %add3A_161 : i32
      %lt3A_163 = arith.cmpi slt, %add3A_162, %select_n3A_6 : i32
      %convert_element_type3A_164 = arith.extui %lt3A_163 : i1 to i32
      %cond3A_165 = arith.constant 0 : i32
      %cond3A_166 = arith.cmpi ne, %convert_element_type3A_164, %cond3A_165 : i32
      scf.if %cond3A_166 {
        %add3A_168 = arith.constant 4 : i32
        %add3A_169 = arith.addi %add3A_136, %add3A_168 : i32
        %dma_start3A_170 = arith.constant 0 : i32
        %dma_start3A_171 = tpu.memref_slice %arg5[%add3A_169, %dma_start3A_170] : memref<12x128xi32, #tpu.memory_space<vmem>> -> memref<1x128xi32, #tpu.memory_space<vmem>>
        %dma_start3A_172 = tpu.memref_squeeze %dma_start3A_171 : memref<1x128xi32, #tpu.memory_space<vmem>> -> memref<128xi32, #tpu.memory_space<vmem>>
        %dma_start3A_173 = arith.constant 0 : i32
        %dma_start3A_174 = arith.constant 0 : i32
        %dma_start3A_175 = tpu.memref_slice %arg2[%dma_start3A_173, %dma_start3A_174] : memref<10000x128xf32, #tpu.memory_space<hbm>> -> memref<10000x128xf32, #tpu.memory_space<hbm>>
        tpu.enqueue_indirect_dma source(%dma_start3A_175 : memref<10000x128xf32, #tpu.memory_space<hbm>>) target(%arg9 : memref<128x128xf32, #tpu.memory_space<vmem>>) offsets(%dma_start3A_172 : memref<128xi32, #tpu.memory_space<vmem>>) semaphore(%arg13 : memref<!tpu.dma_semaphore, #tpu.memory_space<semaphore_mem>>)
      } else {
      }
      %while3A_167 = arith.constant 0 : i32
      scf.yield %while3A_167 : i32
    }
    return
  }
}

module attributes {stable_mosaic.version = 14 : i64} {
  func.func @_precompute_body(%arg0: i32, %arg1: memref<1000x128xf32, #tpu.memory_space<vmem>>, %arg2: memref<1000x128xf32, #tpu.memory_space<vmem>>, %arg3: memref<128x128xf32, #tpu.memory_space<vmem>>, %arg4: memref<128x128xf32, #tpu.memory_space<vmem>>, %arg5: memref<128x128xf32, #tpu.memory_space<vmem>>, %arg6: memref<128x128xf32, #tpu.memory_space<vmem>>, %arg7: memref<1x128xf32, #tpu.memory_space<vmem>>, %arg8: memref<1000x128xf32, #tpu.memory_space<vmem>>, %arg9: memref<1000x128xf32, #tpu.memory_space<vmem>>) attributes {dimension_semantics = [#tpu.dimension_semantics<arbitrary>], iteration_bounds = array<i64: 10>, scalar_prefetch = 0 : i64, scratch_operands = 0 : i64, tpu.core_type = #tpu.core_type<tc>, window_params = [{transform_indices = @transform_0, window_bounds = array<i64: 1000, 128>}, {transform_indices = @transform_1, window_bounds = array<i64: 1000, 128>}, {pipeline_mode = #tpu.pipeline_mode<synchronous>, transform_indices = @transform_2, window_bounds = array<i64: 128, 128>}, {pipeline_mode = #tpu.pipeline_mode<synchronous>, transform_indices = @transform_3, window_bounds = array<i64: 128, 128>}, {pipeline_mode = #tpu.pipeline_mode<synchronous>, transform_indices = @transform_4, window_bounds = array<i64: 128, 128>}, {pipeline_mode = #tpu.pipeline_mode<synchronous>, transform_indices = @transform_5, window_bounds = array<i64: 128, 128>}, {pipeline_mode = #tpu.pipeline_mode<synchronous>, transform_indices = @transform_6, window_bounds = array<i64: 1, 128>}, {transform_indices = @transform_7, window_bounds = array<i64: 1000, 128>}, {transform_indices = @transform_8, window_bounds = array<i64: 1000, 128>}]} {
    %get3A = arith.constant 0 : index
    %get3A_0 = arith.constant 0 : index
    %get3A_1 = vector.load %arg1[%get3A, %get3A_0] : memref<1000x128xf32, #tpu.memory_space<vmem>>, vector<1000x128xf32>
    %get3A_2 = arith.constant 0 : index
    %get3A_3 = arith.constant 0 : index
    %get3A_4 = vector.load %arg2[%get3A_2, %get3A_3] : memref<1000x128xf32, #tpu.memory_space<vmem>>, vector<1000x128xf32>
    %get3A_5 = arith.constant 0 : index
    %get3A_6 = arith.constant 0 : index
    %get3A_7 = vector.load %arg3[%get3A_5, %get3A_6] : memref<128x128xf32, #tpu.memory_space<vmem>>, vector<128x128xf32>
    %dot_general3A = arith.constant dense<0.000000e+00> : vector<1000x128xf32>
    %dot_general3A_8 = tpu.matmul %get3A_1, %get3A_7, %dot_general3A {dimension_numbers = #tpu.dot_dimension_numbers<[1], [0], [0], [1], [0, 0, 1, 1], [], []>, transpose_lhs_hint = false} : vector<1000x128xf32>, vector<128x128xf32>, vector<1000x128xf32> -> vector<1000x128xf32>
    %get3A_9 = arith.constant 0 : index
    %get3A_10 = arith.constant 0 : index
    %get3A_11 = vector.load %arg4[%get3A_9, %get3A_10] : memref<128x128xf32, #tpu.memory_space<vmem>>, vector<128x128xf32>
    %dot_general3A_12 = arith.constant dense<0.000000e+00> : vector<1000x128xf32>
    %dot_general3A_13 = tpu.matmul %get3A_4, %get3A_11, %dot_general3A_12 {dimension_numbers = #tpu.dot_dimension_numbers<[1], [0], [0], [1], [0, 0, 1, 1], [], []>, transpose_lhs_hint = false} : vector<1000x128xf32>, vector<128x128xf32>, vector<1000x128xf32> -> vector<1000x128xf32>
    %add3A = arith.addf %dot_general3A_8, %dot_general3A_13 : vector<1000x128xf32>
    %get3A_14 = arith.constant 0 : index
    %get3A_15 = arith.constant 0 : index
    %get3A_16 = vector.load %arg7[%get3A_14, %get3A_15] : memref<1x128xf32, #tpu.memory_space<vmem>>, vector<1x128xf32>
    %add3A_17 = vector.broadcast %get3A_16 : vector<1x128xf32> to vector<1000x128xf32>
    %add3A_18 = arith.addf %add3A, %add3A_17 : vector<1000x128xf32>
    %swap3A = arith.constant 0 : index
    %swap3A_19 = arith.constant 0 : index
    %swap3A_20 = vector.load %arg8[%swap3A, %swap3A_19] : memref<1000x128xf32, #tpu.memory_space<vmem>>, vector<1000x128xf32>
    tpu.vector_store %arg8[%swap3A, %swap3A_19], %add3A_18 {strides = array<i32>} : memref<1000x128xf32, #tpu.memory_space<vmem>>, vector<1000x128xf32>,
    %get3A_21 = arith.constant 0 : index
    %get3A_22 = arith.constant 0 : index
    %get3A_23 = vector.load %arg5[%get3A_21, %get3A_22] : memref<128x128xf32, #tpu.memory_space<vmem>>, vector<128x128xf32>
    %dot_general3A_24 = arith.constant dense<0.000000e+00> : vector<1000x128xf32>
    %dot_general3A_25 = tpu.matmul %get3A_1, %get3A_23, %dot_general3A_24 {dimension_numbers = #tpu.dot_dimension_numbers<[1], [0], [0], [1], [0, 0, 1, 1], [], []>, transpose_lhs_hint = false} : vector<1000x128xf32>, vector<128x128xf32>, vector<1000x128xf32> -> vector<1000x128xf32>
    %get3A_26 = arith.constant 0 : index
    %get3A_27 = arith.constant 0 : index
    %get3A_28 = vector.load %arg6[%get3A_26, %get3A_27] : memref<128x128xf32, #tpu.memory_space<vmem>>, vector<128x128xf32>
    %dot_general3A_29 = arith.constant dense<0.000000e+00> : vector<1000x128xf32>
    %dot_general3A_30 = tpu.matmul %get3A_4, %get3A_28, %dot_general3A_29 {dimension_numbers = #tpu.dot_dimension_numbers<[1], [0], [0], [1], [0, 0, 1, 1], [], []>, transpose_lhs_hint = false} : vector<1000x128xf32>, vector<128x128xf32>, vector<1000x128xf32> -> vector<1000x128xf32>
    %add3A_31 = arith.addf %dot_general3A_25, %dot_general3A_30 : vector<1000x128xf32>
    %swap3A_32 = arith.constant 0 : index
    %swap3A_33 = arith.constant 0 : index
    %swap3A_34 = vector.load %arg9[%swap3A_32, %swap3A_33] : memref<1000x128xf32, #tpu.memory_space<vmem>>, vector<1000x128xf32>
    tpu.vector_store %arg9[%swap3A_32, %swap3A_33], %add3A_31 {strides = array<i32>} : memref<1000x128xf32, #tpu.memory_space<vmem>>, vector<1000x128xf32>,
    return
  }
  func.func @transform_0(%arg0: i32) -> (i32, i32) {
    %c0_i32 = arith.constant 0 : i32
    %c0_i32_0 = arith.constant 0 : i32
    return %arg0, %c0_i32 : i32, i32
  }
  func.func @transform_1(%arg0: i32) -> (i32, i32) {
    %c0_i32 = arith.constant 0 : i32
    %c0_i32_0 = arith.constant 0 : i32
    return %arg0, %c0_i32 : i32, i32
  }
  func.func @transform_2(%arg0: i32) -> (i32, i32) {
    %c0_i32 = arith.constant 0 : i32
    %c0_i32_0 = arith.constant 0 : i32
    %c0_i32_1 = arith.constant 0 : i32
    return %c0_i32, %c0_i32_0 : i32, i32
  }
  func.func @transform_3(%arg0: i32) -> (i32, i32) {
    %c0_i32 = arith.constant 0 : i32
    %c0_i32_0 = arith.constant 0 : i32
    %c0_i32_1 = arith.constant 0 : i32
    return %c0_i32, %c0_i32_0 : i32, i32
  }
  func.func @transform_4(%arg0: i32) -> (i32, i32) {
    %c0_i32 = arith.constant 0 : i32
    %c0_i32_0 = arith.constant 0 : i32
    %c0_i32_1 = arith.constant 0 : i32
    return %c0_i32, %c0_i32_0 : i32, i32
  }
  func.func @transform_5(%arg0: i32) -> (i32, i32) {
    %c0_i32 = arith.constant 0 : i32
    %c0_i32_0 = arith.constant 0 : i32
    %c0_i32_1 = arith.constant 0 : i32
    return %c0_i32, %c0_i32_0 : i32, i32
  }
  func.func @transform_6(%arg0: i32) -> (i32, i32) {
    %c0_i32 = arith.constant 0 : i32
    %c0_i32_0 = arith.constant 0 : i32
    %c0_i32_1 = arith.constant 0 : i32
    return %c0_i32, %c0_i32_0 : i32, i32
  }
  func.func @transform_7(%arg0: i32) -> (i32, i32) {
    %c0_i32 = arith.constant 0 : i32
    %c0_i32_0 = arith.constant 0 : i32
    return %arg0, %c0_i32 : i32, i32
  }
  func.func @transform_8(%arg0: i32) -> (i32, i32) {
    %c0_i32 = arith.constant 0 : i32
    %c0_i32_0 = arith.constant 0 : i32
    return %arg0, %c0_i32 : i32, i32
  }
}

module attributes {stable_mosaic.version = 14 : i64} {
  func.func @_mlp_body(%arg0: i32, %arg1: memref<400x128xf32, #tpu.memory_space<vmem>>, %arg2: memref<400x128xf32, #tpu.memory_space<vmem>>, %arg3: memref<400x16x128xf32, #tpu.memory_space<vmem>>, %arg4: memref<400x16x128xf32, #tpu.memory_space<vmem>>, %arg5: memref<400x16xf32, #tpu.memory_space<vmem>>, %arg6: memref<128x128xf32, #tpu.memory_space<vmem>>, %arg7: memref<128x128xf32, #tpu.memory_space<vmem>>, %arg8: memref<128x128xf32, #tpu.memory_space<vmem>>, %arg9: memref<1x128xf32, #tpu.memory_space<vmem>>, %arg10: memref<1x128xf32, #tpu.memory_space<vmem>>, %arg11: memref<400x128xf32, #tpu.memory_space<vmem>>) attributes {dimension_semantics = [#tpu.dimension_semantics<arbitrary>], iteration_bounds = array<i64: 5>, scalar_prefetch = 0 : i64, scratch_operands = 0 : i64, tpu.core_type = #tpu.core_type<tc>, window_params = [{transform_indices = @transform_0, window_bounds = array<i64: 400, 128>}, {transform_indices = @transform_1, window_bounds = array<i64: 400, 128>}, {transform_indices = @transform_2, window_bounds = array<i64: 400, 16, 128>}, {transform_indices = @transform_3, window_bounds = array<i64: 400, 16, 128>}, {transform_indices = @transform_4, window_bounds = array<i64: 400, 16>}, {pipeline_mode = #tpu.pipeline_mode<synchronous>, transform_indices = @transform_5, window_bounds = array<i64: 128, 128>}, {pipeline_mode = #tpu.pipeline_mode<synchronous>, transform_indices = @transform_6, window_bounds = array<i64: 128, 128>}, {pipeline_mode = #tpu.pipeline_mode<synchronous>, transform_indices = @transform_7, window_bounds = array<i64: 128, 128>}, {pipeline_mode = #tpu.pipeline_mode<synchronous>, transform_indices = @transform_8, window_bounds = array<i64: 1, 128>}, {pipeline_mode = #tpu.pipeline_mode<synchronous>, transform_indices = @transform_9, window_bounds = array<i64: 1, 128>}, {transform_indices = @transform_10, window_bounds = array<i64: 400, 128>}]} {
    %get3A = arith.constant 0 : index
    %get3A_0 = arith.constant 0 : index
    %get3A_1 = vector.load %arg2[%get3A, %get3A_0] : memref<400x128xf32, #tpu.memory_space<vmem>>, vector<400x128xf32>
    %get3A_2 = arith.constant 0 : index
    %get3A_3 = arith.constant 0 : index
    %get3A_4 = vector.load %arg6[%get3A_2, %get3A_3] : memref<128x128xf32, #tpu.memory_space<vmem>>, vector<128x128xf32>
    %get3A_5 = arith.constant 0 : index
    %get3A_6 = arith.constant 0 : index
    %get3A_7 = vector.load %arg7[%get3A_5, %get3A_6] : memref<128x128xf32, #tpu.memory_space<vmem>>, vector<128x128xf32>
    %get3A_8 = arith.constant 0 : index
    %get3A_9 = arith.constant 0 : index
    %get3A_10 = vector.load %arg8[%get3A_8, %get3A_9] : memref<128x128xf32, #tpu.memory_space<vmem>>, vector<128x128xf32>
    %get3A_11 = arith.constant 0 : index
    %get3A_12 = arith.constant 0 : index
    %get3A_13 = vector.load %arg9[%get3A_11, %get3A_12] : memref<1x128xf32, #tpu.memory_space<vmem>>, vector<1x128xf32>
    %broadcast_in_dim3A = arith.constant 0.000000e+00 : f32
    %broadcast_in_dim3A_14 = vector.broadcast %broadcast_in_dim3A : f32 to vector<400x128xf32>
    %get3A_15 = arith.constant 0 : index
    %get3A_16 = arith.constant 0 : index
    %get3A_17 = arith.constant 0 : index
    %get3A_18 = vector.load %arg3[%get3A_15, %get3A_16, %get3A_17] : memref<400x16x128xf32, #tpu.memory_space<vmem>>, vector<400x1x128xf32>
    %get3A_19 = vector.shape_cast %get3A_18 : vector<400x1x128xf32> to vector<400x128xf32>
    %get3A_20 = arith.constant 0 : index
    %get3A_21 = arith.constant 0 : index
    %get3A_22 = arith.constant 0 : index
    %get3A_23 = vector.load %arg4[%get3A_20, %get3A_21, %get3A_22] : memref<400x16x128xf32, #tpu.memory_space<vmem>>, vector<400x1x128xf32>
    %get3A_24 = vector.shape_cast %get3A_23 : vector<400x1x128xf32> to vector<400x128xf32>
    %get3A_25 = arith.constant 0 : index
    %get3A_26 = arith.constant 0 : index
    %get3A_27 = vector.load %arg5[%get3A_25, %get3A_26] : memref<400x16xf32, #tpu.memory_space<vmem>>, vector<400x1xf32>
    %dot_general3A = arith.constant dense<0.000000e+00> : vector<400x128xf32>
    %dot_general3A_28 = tpu.matmul %get3A_19, %get3A_4, %dot_general3A {dimension_numbers = #tpu.dot_dimension_numbers<[1], [0], [0], [1], [0, 0, 1, 1], [], []>, transpose_lhs_hint = false} : vector<400x128xf32>, vector<128x128xf32>, vector<400x128xf32> -> vector<400x128xf32>
    %add3A = arith.addf %dot_general3A_28, %get3A_24 : vector<400x128xf32>
    %mul3A = vector.broadcast %get3A_27 : vector<400x1xf32> to vector<400x128xf32>
    %mul3A_29 = arith.mulf %mul3A, %add3A : vector<400x128xf32>
    %add3A_30 = arith.addf %get3A_1, %mul3A_29 : vector<400x128xf32>
    %gt3A = arith.constant 0.000000e+00 : f32
    %gt3A_31 = vector.broadcast %gt3A : f32 to vector<400x128xf32>
    %gt3A_32 = arith.cmpf ogt, %add3A_30, %gt3A_31 : vector<400x128xf32>
    %exp3A = math.exp %add3A_30 : vector<400x128xf32>
    %sub3A = arith.constant 1.000000e+00 : f32
    %sub3A_33 = vector.broadcast %sub3A : f32 to vector<400x128xf32>
    %sub3A_34 = arith.subf %exp3A, %sub3A_33 : vector<400x128xf32>
    %mul3A_35 = arith.constant 1.67326319 : f32
    %mul3A_36 = vector.broadcast %mul3A_35 : f32 to vector<400x128xf32>
    %mul3A_37 = arith.mulf %mul3A_36, %sub3A_34 : vector<400x128xf32>
    %select_n3A = arith.select %gt3A_32, %add3A_30, %mul3A_37 : vector<400x128xi1>, vector<400x128xf32>
    %mul3A_38 = arith.constant 1.05070102 : f32
    %mul3A_39 = vector.broadcast %mul3A_38 : f32 to vector<400x128xf32>
    %mul3A_40 = arith.mulf %mul3A_39, %select_n3A : vector<400x128xf32>
    %dot_general3A_41 = arith.constant dense<0.000000e+00> : vector<400x128xf32>
    %dot_general3A_42 = tpu.matmul %mul3A_40, %get3A_7, %dot_general3A_41 {dimension_numbers = #tpu.dot_dimension_numbers<[1], [0], [0], [1], [0, 0, 1, 1], [], []>, transpose_lhs_hint = false} : vector<400x128xf32>, vector<128x128xf32>, vector<400x128xf32> -> vector<400x128xf32>
    %add3A_43 = vector.broadcast %get3A_13 : vector<1x128xf32> to vector<400x128xf32>
    %add3A_44 = arith.addf %dot_general3A_42, %add3A_43 : vector<400x128xf32>
    %gt3A_45 = arith.constant 0.000000e+00 : f32
    %gt3A_46 = vector.broadcast %gt3A_45 : f32 to vector<400x128xf32>
    %gt3A_47 = arith.cmpf ogt, %add3A_44, %gt3A_46 : vector<400x128xf32>
    %exp3A_48 = math.exp %add3A_44 : vector<400x128xf32>
    %sub3A_49 = arith.constant 1.000000e+00 : f32
    %sub3A_50 = vector.broadcast %sub3A_49 : f32 to vector<400x128xf32>
    %sub3A_51 = arith.subf %exp3A_48, %sub3A_50 : vector<400x128xf32>
    %mul3A_52 = arith.constant 1.67326319 : f32
    %mul3A_53 = vector.broadcast %mul3A_52 : f32 to vector<400x128xf32>
    %mul3A_54 = arith.mulf %mul3A_53, %sub3A_51 : vector<400x128xf32>
    %select_n3A_55 = arith.select %gt3A_47, %add3A_44, %mul3A_54 : vector<400x128xi1>, vector<400x128xf32>
    %mul3A_56 = arith.constant 1.05070102 : f32
    %mul3A_57 = vector.broadcast %mul3A_56 : f32 to vector<400x128xf32>
    %mul3A_58 = arith.mulf %mul3A_57, %select_n3A_55 : vector<400x128xf32>
    %dot_general3A_59 = arith.constant dense<0.000000e+00> : vector<400x128xf32>
    %dot_general3A_60 = tpu.matmul %mul3A_58, %get3A_10, %dot_general3A_59 {dimension_numbers = #tpu.dot_dimension_numbers<[1], [0], [0], [1], [0, 0, 1, 1], [], []>, transpose_lhs_hint = false} : vector<400x128xf32>, vector<128x128xf32>, vector<400x128xf32> -> vector<400x128xf32>
    %add3A_61 = arith.addf %broadcast_in_dim3A_14, %dot_general3A_60 : vector<400x128xf32>
    %get3A_62 = arith.constant 0 : index
    %get3A_63 = arith.constant 1 : index
    %get3A_64 = arith.constant 0 : index
    %get3A_65 = vector.load %arg3[%get3A_62, %get3A_63, %get3A_64] : memref<400x16x128xf32, #tpu.memory_space<vmem>>, vector<400x1x128xf32>
    %get3A_66 = vector.shape_cast %get3A_65 : vector<400x1x128xf32> to vector<400x128xf32>
    %get3A_67 = arith.constant 0 : index
    %get3A_68 = arith.constant 1 : index
    %get3A_69 = arith.constant 0 : index
    %get3A_70 = vector.load %arg4[%get3A_67, %get3A_68, %get3A_69] : memref<400x16x128xf32, #tpu.memory_space<vmem>>, vector<400x1x128xf32>
    %get3A_71 = vector.shape_cast %get3A_70 : vector<400x1x128xf32> to vector<400x128xf32>
    %get3A_72 = arith.constant 0 : index
    %get3A_73 = arith.constant 1 : index
    %get3A_74 = vector.load %arg5[%get3A_72, %get3A_73] : memref<400x16xf32, #tpu.memory_space<vmem>>, vector<400x1xf32>
    %dot_general3A_75 = arith.constant dense<0.000000e+00> : vector<400x128xf32>
    %dot_general3A_76 = tpu.matmul %get3A_66, %get3A_4, %dot_general3A_75 {dimension_numbers = #tpu.dot_dimension_numbers<[1], [0], [0], [1], [0, 0, 1, 1], [], []>, transpose_lhs_hint = false} : vector<400x128xf32>, vector<128x128xf32>, vector<400x128xf32> -> vector<400x128xf32>
    %add3A_77 = arith.addf %dot_general3A_76, %get3A_71 : vector<400x128xf32>
    %mul3A_78 = vector.broadcast %get3A_74 : vector<400x1xf32> to vector<400x128xf32>
    %mul3A_79 = arith.mulf %mul3A_78, %add3A_77 : vector<400x128xf32>
    %add3A_80 = arith.addf %get3A_1, %mul3A_79 : vector<400x128xf32>
    %gt3A_81 = arith.constant 0.000000e+00 : f32
    %gt3A_82 = vector.broadcast %gt3A_81 : f32 to vector<400x128xf32>
    %gt3A_83 = arith.cmpf ogt, %add3A_80, %gt3A_82 : vector<400x128xf32>
    %exp3A_84 = math.exp %add3A_80 : vector<400x128xf32>
    %sub3A_85 = arith.constant 1.000000e+00 : f32
    %sub3A_86 = vector.broadcast %sub3A_85 : f32 to vector<400x128xf32>
    %sub3A_87 = arith.subf %exp3A_84, %sub3A_86 : vector<400x128xf32>
    %mul3A_88 = arith.constant 1.67326319 : f32
    %mul3A_89 = vector.broadcast %mul3A_88 : f32 to vector<400x128xf32>
    %mul3A_90 = arith.mulf %mul3A_89, %sub3A_87 : vector<400x128xf32>
    %select_n3A_91 = arith.select %gt3A_83, %add3A_80, %mul3A_90 : vector<400x128xi1>, vector<400x128xf32>
    %mul3A_92 = arith.constant 1.05070102 : f32
    %mul3A_93 = vector.broadcast %mul3A_92 : f32 to vector<400x128xf32>
    %mul3A_94 = arith.mulf %mul3A_93, %select_n3A_91 : vector<400x128xf32>
    %dot_general3A_95 = arith.constant dense<0.000000e+00> : vector<400x128xf32>
    %dot_general3A_96 = tpu.matmul %mul3A_94, %get3A_7, %dot_general3A_95 {dimension_numbers = #tpu.dot_dimension_numbers<[1], [0], [0], [1], [0, 0, 1, 1], [], []>, transpose_lhs_hint = false} : vector<400x128xf32>, vector<128x128xf32>, vector<400x128xf32> -> vector<400x128xf32>
    %add3A_97 = vector.broadcast %get3A_13 : vector<1x128xf32> to vector<400x128xf32>
    %add3A_98 = arith.addf %dot_general3A_96, %add3A_97 : vector<400x128xf32>
    %gt3A_99 = arith.constant 0.000000e+00 : f32
    %gt3A_100 = vector.broadcast %gt3A_99 : f32 to vector<400x128xf32>
    %gt3A_101 = arith.cmpf ogt, %add3A_98, %gt3A_100 : vector<400x128xf32>
    %exp3A_102 = math.exp %add3A_98 : vector<400x128xf32>
    %sub3A_103 = arith.constant 1.000000e+00 : f32
    %sub3A_104 = vector.broadcast %sub3A_103 : f32 to vector<400x128xf32>
    %sub3A_105 = arith.subf %exp3A_102, %sub3A_104 : vector<400x128xf32>
    %mul3A_106 = arith.constant 1.67326319 : f32
    %mul3A_107 = vector.broadcast %mul3A_106 : f32 to vector<400x128xf32>
    %mul3A_108 = arith.mulf %mul3A_107, %sub3A_105 : vector<400x128xf32>
    %select_n3A_109 = arith.select %gt3A_101, %add3A_98, %mul3A_108 : vector<400x128xi1>, vector<400x128xf32>
    %mul3A_110 = arith.constant 1.05070102 : f32
    %mul3A_111 = vector.broadcast %mul3A_110 : f32 to vector<400x128xf32>
    %mul3A_112 = arith.mulf %mul3A_111, %select_n3A_109 : vector<400x128xf32>
    %dot_general3A_113 = arith.constant dense<0.000000e+00> : vector<400x128xf32>
    %dot_general3A_114 = tpu.matmul %mul3A_112, %get3A_10, %dot_general3A_113 {dimension_numbers = #tpu.dot_dimension_numbers<[1], [0], [0], [1], [0, 0, 1, 1], [], []>, transpose_lhs_hint = false} : vector<400x128xf32>, vector<128x128xf32>, vector<400x128xf32> -> vector<400x128xf32>
    %add3A_115 = arith.addf %add3A_61, %dot_general3A_114 : vector<400x128xf32>
    %get3A_116 = arith.constant 0 : index
    %get3A_117 = arith.constant 2 : index
    %get3A_118 = arith.constant 0 : index
    %get3A_119 = vector.load %arg3[%get3A_116, %get3A_117, %get3A_118] : memref<400x16x128xf32, #tpu.memory_space<vmem>>, vector<400x1x128xf32>
    %get3A_120 = vector.shape_cast %get3A_119 : vector<400x1x128xf32> to vector<400x128xf32>
    %get3A_121 = arith.constant 0 : index
    %get3A_122 = arith.constant 2 : index
    %get3A_123 = arith.constant 0 : index
    %get3A_124 = vector.load %arg4[%get3A_121, %get3A_122, %get3A_123] : memref<400x16x128xf32, #tpu.memory_space<vmem>>, vector<400x1x128xf32>
    %get3A_125 = vector.shape_cast %get3A_124 : vector<400x1x128xf32> to vector<400x128xf32>
    %get3A_126 = arith.constant 0 : index
    %get3A_127 = arith.constant 2 : index
    %get3A_128 = vector.load %arg5[%get3A_126, %get3A_127] : memref<400x16xf32, #tpu.memory_space<vmem>>, vector<400x1xf32>
    %dot_general3A_129 = arith.constant dense<0.000000e+00> : vector<400x128xf32>
    %dot_general3A_130 = tpu.matmul %get3A_120, %get3A_4, %dot_general3A_129 {dimension_numbers = #tpu.dot_dimension_numbers<[1], [0], [0], [1], [0, 0, 1, 1], [], []>, transpose_lhs_hint = false} : vector<400x128xf32>, vector<128x128xf32>, vector<400x128xf32> -> vector<400x128xf32>
    %add3A_131 = arith.addf %dot_general3A_130, %get3A_125 : vector<400x128xf32>
    %mul3A_132 = vector.broadcast %get3A_128 : vector<400x1xf32> to vector<400x128xf32>
    %mul3A_133 = arith.mulf %mul3A_132, %add3A_131 : vector<400x128xf32>
    %add3A_134 = arith.addf %get3A_1, %mul3A_133 : vector<400x128xf32>
    %gt3A_135 = arith.constant 0.000000e+00 : f32
    %gt3A_136 = vector.broadcast %gt3A_135 : f32 to vector<400x128xf32>
    %gt3A_137 = arith.cmpf ogt, %add3A_134, %gt3A_136 : vector<400x128xf32>
    %exp3A_138 = math.exp %add3A_134 : vector<400x128xf32>
    %sub3A_139 = arith.constant 1.000000e+00 : f32
    %sub3A_140 = vector.broadcast %sub3A_139 : f32 to vector<400x128xf32>
    %sub3A_141 = arith.subf %exp3A_138, %sub3A_140 : vector<400x128xf32>
    %mul3A_142 = arith.constant 1.67326319 : f32
    %mul3A_143 = vector.broadcast %mul3A_142 : f32 to vector<400x128xf32>
    %mul3A_144 = arith.mulf %mul3A_143, %sub3A_141 : vector<400x128xf32>
    %select_n3A_145 = arith.select %gt3A_137, %add3A_134, %mul3A_144 : vector<400x128xi1>, vector<400x128xf32>
    %mul3A_146 = arith.constant 1.05070102 : f32
    %mul3A_147 = vector.broadcast %mul3A_146 : f32 to vector<400x128xf32>
    %mul3A_148 = arith.mulf %mul3A_147, %select_n3A_145 : vector<400x128xf32>
    %dot_general3A_149 = arith.constant dense<0.000000e+00> : vector<400x128xf32>
    %dot_general3A_150 = tpu.matmul %mul3A_148, %get3A_7, %dot_general3A_149 {dimension_numbers = #tpu.dot_dimension_numbers<[1], [0], [0], [1], [0, 0, 1, 1], [], []>, transpose_lhs_hint = false} : vector<400x128xf32>, vector<128x128xf32>, vector<400x128xf32> -> vector<400x128xf32>
    %add3A_151 = vector.broadcast %get3A_13 : vector<1x128xf32> to vector<400x128xf32>
    %add3A_152 = arith.addf %dot_general3A_150, %add3A_151 : vector<400x128xf32>
    %gt3A_153 = arith.constant 0.000000e+00 : f32
    %gt3A_154 = vector.broadcast %gt3A_153 : f32 to vector<400x128xf32>
    %gt3A_155 = arith.cmpf ogt, %add3A_152, %gt3A_154 : vector<400x128xf32>
    %exp3A_156 = math.exp %add3A_152 : vector<400x128xf32>
    %sub3A_157 = arith.constant 1.000000e+00 : f32
    %sub3A_158 = vector.broadcast %sub3A_157 : f32 to vector<400x128xf32>
    %sub3A_159 = arith.subf %exp3A_156, %sub3A_158 : vector<400x128xf32>
    %mul3A_160 = arith.constant 1.67326319 : f32
    %mul3A_161 = vector.broadcast %mul3A_160 : f32 to vector<400x128xf32>
    %mul3A_162 = arith.mulf %mul3A_161, %sub3A_159 : vector<400x128xf32>
    %select_n3A_163 = arith.select %gt3A_155, %add3A_152, %mul3A_162 : vector<400x128xi1>, vector<400x128xf32>
    %mul3A_164 = arith.constant 1.05070102 : f32
    %mul3A_165 = vector.broadcast %mul3A_164 : f32 to vector<400x128xf32>
    %mul3A_166 = arith.mulf %mul3A_165, %select_n3A_163 : vector<400x128xf32>
    %dot_general3A_167 = arith.constant dense<0.000000e+00> : vector<400x128xf32>
    %dot_general3A_168 = tpu.matmul %mul3A_166, %get3A_10, %dot_general3A_167 {dimension_numbers = #tpu.dot_dimension_numbers<[1], [0], [0], [1], [0, 0, 1, 1], [], []>, transpose_lhs_hint = false} : vector<400x128xf32>, vector<128x128xf32>, vector<400x128xf32> -> vector<400x128xf32>
    %add3A_169 = arith.addf %add3A_115, %dot_general3A_168 : vector<400x128xf32>
    %get3A_170 = arith.constant 0 : index
    %get3A_171 = arith.constant 3 : index
    %get3A_172 = arith.constant 0 : index
    %get3A_173 = vector.load %arg3[%get3A_170, %get3A_171, %get3A_172] : memref<400x16x128xf32, #tpu.memory_space<vmem>>, vector<400x1x128xf32>
    %get3A_174 = vector.shape_cast %get3A_173 : vector<400x1x128xf32> to vector<400x128xf32>
    %get3A_175 = arith.constant 0 : index
    %get3A_176 = arith.constant 3 : index
    %get3A_177 = arith.constant 0 : index
    %get3A_178 = vector.load %arg4[%get3A_175, %get3A_176, %get3A_177] : memref<400x16x128xf32, #tpu.memory_space<vmem>>, vector<400x1x128xf32>
    %get3A_179 = vector.shape_cast %get3A_178 : vector<400x1x128xf32> to vector<400x128xf32>
    %get3A_180 = arith.constant 0 : index
    %get3A_181 = arith.constant 3 : index
    %get3A_182 = vector.load %arg5[%get3A_180, %get3A_181] : memref<400x16xf32, #tpu.memory_space<vmem>>, vector<400x1xf32>
    %dot_general3A_183 = arith.constant dense<0.000000e+00> : vector<400x128xf32>
    %dot_general3A_184 = tpu.matmul %get3A_174, %get3A_4, %dot_general3A_183 {dimension_numbers = #tpu.dot_dimension_numbers<[1], [0], [0], [1], [0, 0, 1, 1], [], []>, transpose_lhs_hint = false} : vector<400x128xf32>, vector<128x128xf32>, vector<400x128xf32> -> vector<400x128xf32>
    %add3A_185 = arith.addf %dot_general3A_184, %get3A_179 : vector<400x128xf32>
    %mul3A_186 = vector.broadcast %get3A_182 : vector<400x1xf32> to vector<400x128xf32>
    %mul3A_187 = arith.mulf %mul3A_186, %add3A_185 : vector<400x128xf32>
    %add3A_188 = arith.addf %get3A_1, %mul3A_187 : vector<400x128xf32>
    %gt3A_189 = arith.constant 0.000000e+00 : f32
    %gt3A_190 = vector.broadcast %gt3A_189 : f32 to vector<400x128xf32>
    %gt3A_191 = arith.cmpf ogt, %add3A_188, %gt3A_190 : vector<400x128xf32>
    %exp3A_192 = math.exp %add3A_188 : vector<400x128xf32>
    %sub3A_193 = arith.constant 1.000000e+00 : f32
    %sub3A_194 = vector.broadcast %sub3A_193 : f32 to vector<400x128xf32>
    %sub3A_195 = arith.subf %exp3A_192, %sub3A_194 : vector<400x128xf32>
    %mul3A_196 = arith.constant 1.67326319 : f32
    %mul3A_197 = vector.broadcast %mul3A_196 : f32 to vector<400x128xf32>
    %mul3A_198 = arith.mulf %mul3A_197, %sub3A_195 : vector<400x128xf32>
    %select_n3A_199 = arith.select %gt3A_191, %add3A_188, %mul3A_198 : vector<400x128xi1>, vector<400x128xf32>
    %mul3A_200 = arith.constant 1.05070102 : f32
    %mul3A_201 = vector.broadcast %mul3A_200 : f32 to vector<400x128xf32>
    %mul3A_202 = arith.mulf %mul3A_201, %select_n3A_199 : vector<400x128xf32>
    %dot_general3A_203 = arith.constant dense<0.000000e+00> : vector<400x128xf32>
    %dot_general3A_204 = tpu.matmul %mul3A_202, %get3A_7, %dot_general3A_203 {dimension_numbers = #tpu.dot_dimension_numbers<[1], [0], [0], [1], [0, 0, 1, 1], [], []>, transpose_lhs_hint = false} : vector<400x128xf32>, vector<128x128xf32>, vector<400x128xf32> -> vector<400x128xf32>
    %add3A_205 = vector.broadcast %get3A_13 : vector<1x128xf32> to vector<400x128xf32>
    %add3A_206 = arith.addf %dot_general3A_204, %add3A_205 : vector<400x128xf32>
    %gt3A_207 = arith.constant 0.000000e+00 : f32
    %gt3A_208 = vector.broadcast %gt3A_207 : f32 to vector<400x128xf32>
    %gt3A_209 = arith.cmpf ogt, %add3A_206, %gt3A_208 : vector<400x128xf32>
    %exp3A_210 = math.exp %add3A_206 : vector<400x128xf32>
    %sub3A_211 = arith.constant 1.000000e+00 : f32
    %sub3A_212 = vector.broadcast %sub3A_211 : f32 to vector<400x128xf32>
    %sub3A_213 = arith.subf %exp3A_210, %sub3A_212 : vector<400x128xf32>
    %mul3A_214 = arith.constant 1.67326319 : f32
    %mul3A_215 = vector.broadcast %mul3A_214 : f32 to vector<400x128xf32>
    %mul3A_216 = arith.mulf %mul3A_215, %sub3A_213 : vector<400x128xf32>
    %select_n3A_217 = arith.select %gt3A_209, %add3A_206, %mul3A_216 : vector<400x128xi1>, vector<400x128xf32>
    %mul3A_218 = arith.constant 1.05070102 : f32
    %mul3A_219 = vector.broadcast %mul3A_218 : f32 to vector<400x128xf32>
    %mul3A_220 = arith.mulf %mul3A_219, %select_n3A_217 : vector<400x128xf32>
    %dot_general3A_221 = arith.constant dense<0.000000e+00> : vector<400x128xf32>
    %dot_general3A_222 = tpu.matmul %mul3A_220, %get3A_10, %dot_general3A_221 {dimension_numbers = #tpu.dot_dimension_numbers<[1], [0], [0], [1], [0, 0, 1, 1], [], []>, transpose_lhs_hint = false} : vector<400x128xf32>, vector<128x128xf32>, vector<400x128xf32> -> vector<400x128xf32>
    %add3A_223 = arith.addf %add3A_169, %dot_general3A_222 : vector<400x128xf32>
    %get3A_224 = arith.constant 0 : index
    %get3A_225 = arith.constant 4 : index
    %get3A_226 = arith.constant 0 : index
    %get3A_227 = vector.load %arg3[%get3A_224, %get3A_225, %get3A_226] : memref<400x16x128xf32, #tpu.memory_space<vmem>>, vector<400x1x128xf32>
    %get3A_228 = vector.shape_cast %get3A_227 : vector<400x1x128xf32> to vector<400x128xf32>
    %get3A_229 = arith.constant 0 : index
    %get3A_230 = arith.constant 4 : index
    %get3A_231 = arith.constant 0 : index
    %get3A_232 = vector.load %arg4[%get3A_229, %get3A_230, %get3A_231] : memref<400x16x128xf32, #tpu.memory_space<vmem>>, vector<400x1x128xf32>
    %get3A_233 = vector.shape_cast %get3A_232 : vector<400x1x128xf32> to vector<400x128xf32>
    %get3A_234 = arith.constant 0 : index
    %get3A_235 = arith.constant 4 : index
    %get3A_236 = vector.load %arg5[%get3A_234, %get3A_235] : memref<400x16xf32, #tpu.memory_space<vmem>>, vector<400x1xf32>
    %dot_general3A_237 = arith.constant dense<0.000000e+00> : vector<400x128xf32>
    %dot_general3A_238 = tpu.matmul %get3A_228, %get3A_4, %dot_general3A_237 {dimension_numbers = #tpu.dot_dimension_numbers<[1], [0], [0], [1], [0, 0, 1, 1], [], []>, transpose_lhs_hint = false} : vector<400x128xf32>, vector<128x128xf32>, vector<400x128xf32> -> vector<400x128xf32>
    %add3A_239 = arith.addf %dot_general3A_238, %get3A_233 : vector<400x128xf32>
    %mul3A_240 = vector.broadcast %get3A_236 : vector<400x1xf32> to vector<400x128xf32>
    %mul3A_241 = arith.mulf %mul3A_240, %add3A_239 : vector<400x128xf32>
    %add3A_242 = arith.addf %get3A_1, %mul3A_241 : vector<400x128xf32>
    %gt3A_243 = arith.constant 0.000000e+00 : f32
    %gt3A_244 = vector.broadcast %gt3A_243 : f32 to vector<400x128xf32>
    %gt3A_245 = arith.cmpf ogt, %add3A_242, %gt3A_244 : vector<400x128xf32>
    %exp3A_246 = math.exp %add3A_242 : vector<400x128xf32>
    %sub3A_247 = arith.constant 1.000000e+00 : f32
    %sub3A_248 = vector.broadcast %sub3A_247 : f32 to vector<400x128xf32>
    %sub3A_249 = arith.subf %exp3A_246, %sub3A_248 : vector<400x128xf32>
    %mul3A_250 = arith.constant 1.67326319 : f32
    %mul3A_251 = vector.broadcast %mul3A_250 : f32 to vector<400x128xf32>
    %mul3A_252 = arith.mulf %mul3A_251, %sub3A_249 : vector<400x128xf32>
    %select_n3A_253 = arith.select %gt3A_245, %add3A_242, %mul3A_252 : vector<400x128xi1>, vector<400x128xf32>
    %mul3A_254 = arith.constant 1.05070102 : f32
    %mul3A_255 = vector.broadcast %mul3A_254 : f32 to vector<400x128xf32>
    %mul3A_256 = arith.mulf %mul3A_255, %select_n3A_253 : vector<400x128xf32>
    %dot_general3A_257 = arith.constant dense<0.000000e+00> : vector<400x128xf32>
    %dot_general3A_258 = tpu.matmul %mul3A_256, %get3A_7, %dot_general3A_257 {dimension_numbers = #tpu.dot_dimension_numbers<[1], [0], [0], [1], [0, 0, 1, 1], [], []>, transpose_lhs_hint = false} : vector<400x128xf32>, vector<128x128xf32>, vector<400x128xf32> -> vector<400x128xf32>
    %add3A_259 = vector.broadcast %get3A_13 : vector<1x128xf32> to vector<400x128xf32>
    %add3A_260 = arith.addf %dot_general3A_258, %add3A_259 : vector<400x128xf32>
    %gt3A_261 = arith.constant 0.000000e+00 : f32
    %gt3A_262 = vector.broadcast %gt3A_261 : f32 to vector<400x128xf32>
    %gt3A_263 = arith.cmpf ogt, %add3A_260, %gt3A_262 : vector<400x128xf32>
    %exp3A_264 = math.exp %add3A_260 : vector<400x128xf32>
    %sub3A_265 = arith.constant 1.000000e+00 : f32
    %sub3A_266 = vector.broadcast %sub3A_265 : f32 to vector<400x128xf32>
    %sub3A_267 = arith.subf %exp3A_264, %sub3A_266 : vector<400x128xf32>
    %mul3A_268 = arith.constant 1.67326319 : f32
    %mul3A_269 = vector.broadcast %mul3A_268 : f32 to vector<400x128xf32>
    %mul3A_270 = arith.mulf %mul3A_269, %sub3A_267 : vector<400x128xf32>
    %select_n3A_271 = arith.select %gt3A_263, %add3A_260, %mul3A_270 : vector<400x128xi1>, vector<400x128xf32>
    %mul3A_272 = arith.constant 1.05070102 : f32
    %mul3A_273 = vector.broadcast %mul3A_272 : f32 to vector<400x128xf32>
    %mul3A_274 = arith.mulf %mul3A_273, %select_n3A_271 : vector<400x128xf32>
    %dot_general3A_275 = arith.constant dense<0.000000e+00> : vector<400x128xf32>
    %dot_general3A_276 = tpu.matmul %mul3A_274, %get3A_10, %dot_general3A_275 {dimension_numbers = #tpu.dot_dimension_numbers<[1], [0], [0], [1], [0, 0, 1, 1], [], []>, transpose_lhs_hint = false} : vector<400x128xf32>, vector<128x128xf32>, vector<400x128xf32> -> vector<400x128xf32>
    %add3A_277 = arith.addf %add3A_223, %dot_general3A_276 : vector<400x128xf32>
    %get3A_278 = arith.constant 0 : index
    %get3A_279 = arith.constant 5 : index
    %get3A_280 = arith.constant 0 : index
    %get3A_281 = vector.load %arg3[%get3A_278, %get3A_279, %get3A_280] : memref<400x16x128xf32, #tpu.memory_space<vmem>>, vector<400x1x128xf32>
    %get3A_282 = vector.shape_cast %get3A_281 : vector<400x1x128xf32> to vector<400x128xf32>
    %get3A_283 = arith.constant 0 : index
    %get3A_284 = arith.constant 5 : index
    %get3A_285 = arith.constant 0 : index
    %get3A_286 = vector.load %arg4[%get3A_283, %get3A_284, %get3A_285] : memref<400x16x128xf32, #tpu.memory_space<vmem>>, vector<400x1x128xf32>
    %get3A_287 = vector.shape_cast %get3A_286 : vector<400x1x128xf32> to vector<400x128xf32>
    %get3A_288 = arith.constant 0 : index
    %get3A_289 = arith.constant 5 : index
    %get3A_290 = vector.load %arg5[%get3A_288, %get3A_289] : memref<400x16xf32, #tpu.memory_space<vmem>>, vector<400x1xf32>
    %dot_general3A_291 = arith.constant dense<0.000000e+00> : vector<400x128xf32>
    %dot_general3A_292 = tpu.matmul %get3A_282, %get3A_4, %dot_general3A_291 {dimension_numbers = #tpu.dot_dimension_numbers<[1], [0], [0], [1], [0, 0, 1, 1], [], []>, transpose_lhs_hint = false} : vector<400x128xf32>, vector<128x128xf32>, vector<400x128xf32> -> vector<400x128xf32>
    %add3A_293 = arith.addf %dot_general3A_292, %get3A_287 : vector<400x128xf32>
    %mul3A_294 = vector.broadcast %get3A_290 : vector<400x1xf32> to vector<400x128xf32>
    %mul3A_295 = arith.mulf %mul3A_294, %add3A_293 : vector<400x128xf32>
    %add3A_296 = arith.addf %get3A_1, %mul3A_295 : vector<400x128xf32>
    %gt3A_297 = arith.constant 0.000000e+00 : f32
    %gt3A_298 = vector.broadcast %gt3A_297 : f32 to vector<400x128xf32>
    %gt3A_299 = arith.cmpf ogt, %add3A_296, %gt3A_298 : vector<400x128xf32>
    %exp3A_300 = math.exp %add3A_296 : vector<400x128xf32>
    %sub3A_301 = arith.constant 1.000000e+00 : f32
    %sub3A_302 = vector.broadcast %sub3A_301 : f32 to vector<400x128xf32>
    %sub3A_303 = arith.subf %exp3A_300, %sub3A_302 : vector<400x128xf32>
    %mul3A_304 = arith.constant 1.67326319 : f32
    %mul3A_305 = vector.broadcast %mul3A_304 : f32 to vector<400x128xf32>
    %mul3A_306 = arith.mulf %mul3A_305, %sub3A_303 : vector<400x128xf32>
    %select_n3A_307 = arith.select %gt3A_299, %add3A_296, %mul3A_306 : vector<400x128xi1>, vector<400x128xf32>
    %mul3A_308 = arith.constant 1.05070102 : f32
    %mul3A_309 = vector.broadcast %mul3A_308 : f32 to vector<400x128xf32>
    %mul3A_310 = arith.mulf %mul3A_309, %select_n3A_307 : vector<400x128xf32>
    %dot_general3A_311 = arith.constant dense<0.000000e+00> : vector<400x128xf32>
    %dot_general3A_312 = tpu.matmul %mul3A_310, %get3A_7, %dot_general3A_311 {dimension_numbers = #tpu.dot_dimension_numbers<[1], [0], [0], [1], [0, 0, 1, 1], [], []>, transpose_lhs_hint = false} : vector<400x128xf32>, vector<128x128xf32>, vector<400x128xf32> -> vector<400x128xf32>
    %add3A_313 = vector.broadcast %get3A_13 : vector<1x128xf32> to vector<400x128xf32>
    %add3A_314 = arith.addf %dot_general3A_312, %add3A_313 : vector<400x128xf32>
    %gt3A_315 = arith.constant 0.000000e+00 : f32
    %gt3A_316 = vector.broadcast %gt3A_315 : f32 to vector<400x128xf32>
    %gt3A_317 = arith.cmpf ogt, %add3A_314, %gt3A_316 : vector<400x128xf32>
    %exp3A_318 = math.exp %add3A_314 : vector<400x128xf32>
    %sub3A_319 = arith.constant 1.000000e+00 : f32
    %sub3A_320 = vector.broadcast %sub3A_319 : f32 to vector<400x128xf32>
    %sub3A_321 = arith.subf %exp3A_318, %sub3A_320 : vector<400x128xf32>
    %mul3A_322 = arith.constant 1.67326319 : f32
    %mul3A_323 = vector.broadcast %mul3A_322 : f32 to vector<400x128xf32>
    %mul3A_324 = arith.mulf %mul3A_323, %sub3A_321 : vector<400x128xf32>
    %select_n3A_325 = arith.select %gt3A_317, %add3A_314, %mul3A_324 : vector<400x128xi1>, vector<400x128xf32>
    %mul3A_326 = arith.constant 1.05070102 : f32
    %mul3A_327 = vector.broadcast %mul3A_326 : f32 to vector<400x128xf32>
    %mul3A_328 = arith.mulf %mul3A_327, %select_n3A_325 : vector<400x128xf32>
    %dot_general3A_329 = arith.constant dense<0.000000e+00> : vector<400x128xf32>
    %dot_general3A_330 = tpu.matmul %mul3A_328, %get3A_10, %dot_general3A_329 {dimension_numbers = #tpu.dot_dimension_numbers<[1], [0], [0], [1], [0, 0, 1, 1], [], []>, transpose_lhs_hint = false} : vector<400x128xf32>, vector<128x128xf32>, vector<400x128xf32> -> vector<400x128xf32>
    %add3A_331 = arith.addf %add3A_277, %dot_general3A_330 : vector<400x128xf32>
    %get3A_332 = arith.constant 0 : index
    %get3A_333 = arith.constant 6 : index
    %get3A_334 = arith.constant 0 : index
    %get3A_335 = vector.load %arg3[%get3A_332, %get3A_333, %get3A_334] : memref<400x16x128xf32, #tpu.memory_space<vmem>>, vector<400x1x128xf32>
    %get3A_336 = vector.shape_cast %get3A_335 : vector<400x1x128xf32> to vector<400x128xf32>
    %get3A_337 = arith.constant 0 : index
    %get3A_338 = arith.constant 6 : index
    %get3A_339 = arith.constant 0 : index
    %get3A_340 = vector.load %arg4[%get3A_337, %get3A_338, %get3A_339] : memref<400x16x128xf32, #tpu.memory_space<vmem>>, vector<400x1x128xf32>
    %get3A_341 = vector.shape_cast %get3A_340 : vector<400x1x128xf32> to vector<400x128xf32>
    %get3A_342 = arith.constant 0 : index
    %get3A_343 = arith.constant 6 : index
    %get3A_344 = vector.load %arg5[%get3A_342, %get3A_343] : memref<400x16xf32, #tpu.memory_space<vmem>>, vector<400x1xf32>
    %dot_general3A_345 = arith.constant dense<0.000000e+00> : vector<400x128xf32>
    %dot_general3A_346 = tpu.matmul %get3A_336, %get3A_4, %dot_general3A_345 {dimension_numbers = #tpu.dot_dimension_numbers<[1], [0], [0], [1], [0, 0, 1, 1], [], []>, transpose_lhs_hint = false} : vector<400x128xf32>, vector<128x128xf32>, vector<400x128xf32> -> vector<400x128xf32>
    %add3A_347 = arith.addf %dot_general3A_346, %get3A_341 : vector<400x128xf32>
    %mul3A_348 = vector.broadcast %get3A_344 : vector<400x1xf32> to vector<400x128xf32>
    %mul3A_349 = arith.mulf %mul3A_348, %add3A_347 : vector<400x128xf32>
    %add3A_350 = arith.addf %get3A_1, %mul3A_349 : vector<400x128xf32>
    %gt3A_351 = arith.constant 0.000000e+00 : f32
    %gt3A_352 = vector.broadcast %gt3A_351 : f32 to vector<400x128xf32>
    %gt3A_353 = arith.cmpf ogt, %add3A_350, %gt3A_352 : vector<400x128xf32>
    %exp3A_354 = math.exp %add3A_350 : vector<400x128xf32>
    %sub3A_355 = arith.constant 1.000000e+00 : f32
    %sub3A_356 = vector.broadcast %sub3A_355 : f32 to vector<400x128xf32>
    %sub3A_357 = arith.subf %exp3A_354, %sub3A_356 : vector<400x128xf32>
    %mul3A_358 = arith.constant 1.67326319 : f32
    %mul3A_359 = vector.broadcast %mul3A_358 : f32 to vector<400x128xf32>
    %mul3A_360 = arith.mulf %mul3A_359, %sub3A_357 : vector<400x128xf32>
    %select_n3A_361 = arith.select %gt3A_353, %add3A_350, %mul3A_360 : vector<400x128xi1>, vector<400x128xf32>
    %mul3A_362 = arith.constant 1.05070102 : f32
    %mul3A_363 = vector.broadcast %mul3A_362 : f32 to vector<400x128xf32>
    %mul3A_364 = arith.mulf %mul3A_363, %select_n3A_361 : vector<400x128xf32>
    %dot_general3A_365 = arith.constant dense<0.000000e+00> : vector<400x128xf32>
    %dot_general3A_366 = tpu.matmul %mul3A_364, %get3A_7, %dot_general3A_365 {dimension_numbers = #tpu.dot_dimension_numbers<[1], [0], [0], [1], [0, 0, 1, 1], [], []>, transpose_lhs_hint = false} : vector<400x128xf32>, vector<128x128xf32>, vector<400x128xf32> -> vector<400x128xf32>
    %add3A_367 = vector.broadcast %get3A_13 : vector<1x128xf32> to vector<400x128xf32>
    %add3A_368 = arith.addf %dot_general3A_366, %add3A_367 : vector<400x128xf32>
    %gt3A_369 = arith.constant 0.000000e+00 : f32
    %gt3A_370 = vector.broadcast %gt3A_369 : f32 to vector<400x128xf32>
    %gt3A_371 = arith.cmpf ogt, %add3A_368, %gt3A_370 : vector<400x128xf32>
    %exp3A_372 = math.exp %add3A_368 : vector<400x128xf32>
    %sub3A_373 = arith.constant 1.000000e+00 : f32
    %sub3A_374 = vector.broadcast %sub3A_373 : f32 to vector<400x128xf32>
    %sub3A_375 = arith.subf %exp3A_372, %sub3A_374 : vector<400x128xf32>
    %mul3A_376 = arith.constant 1.67326319 : f32
    %mul3A_377 = vector.broadcast %mul3A_376 : f32 to vector<400x128xf32>
    %mul3A_378 = arith.mulf %mul3A_377, %sub3A_375 : vector<400x128xf32>
    %select_n3A_379 = arith.select %gt3A_371, %add3A_368, %mul3A_378 : vector<400x128xi1>, vector<400x128xf32>
    %mul3A_380 = arith.constant 1.05070102 : f32
    %mul3A_381 = vector.broadcast %mul3A_380 : f32 to vector<400x128xf32>
    %mul3A_382 = arith.mulf %mul3A_381, %select_n3A_379 : vector<400x128xf32>
    %dot_general3A_383 = arith.constant dense<0.000000e+00> : vector<400x128xf32>
    %dot_general3A_384 = tpu.matmul %mul3A_382, %get3A_10, %dot_general3A_383 {dimension_numbers = #tpu.dot_dimension_numbers<[1], [0], [0], [1], [0, 0, 1, 1], [], []>, transpose_lhs_hint = false} : vector<400x128xf32>, vector<128x128xf32>, vector<400x128xf32> -> vector<400x128xf32>
    %add3A_385 = arith.addf %add3A_331, %dot_general3A_384 : vector<400x128xf32>
    %get3A_386 = arith.constant 0 : index
    %get3A_387 = arith.constant 7 : index
    %get3A_388 = arith.constant 0 : index
    %get3A_389 = vector.load %arg3[%get3A_386, %get3A_387, %get3A_388] : memref<400x16x128xf32, #tpu.memory_space<vmem>>, vector<400x1x128xf32>
    %get3A_390 = vector.shape_cast %get3A_389 : vector<400x1x128xf32> to vector<400x128xf32>
    %get3A_391 = arith.constant 0 : index
    %get3A_392 = arith.constant 7 : index
    %get3A_393 = arith.constant 0 : index
    %get3A_394 = vector.load %arg4[%get3A_391, %get3A_392, %get3A_393] : memref<400x16x128xf32, #tpu.memory_space<vmem>>, vector<400x1x128xf32>
    %get3A_395 = vector.shape_cast %get3A_394 : vector<400x1x128xf32> to vector<400x128xf32>
    %get3A_396 = arith.constant 0 : index
    %get3A_397 = arith.constant 7 : index
    %get3A_398 = vector.load %arg5[%get3A_396, %get3A_397] : memref<400x16xf32, #tpu.memory_space<vmem>>, vector<400x1xf32>
    %dot_general3A_399 = arith.constant dense<0.000000e+00> : vector<400x128xf32>
    %dot_general3A_400 = tpu.matmul %get3A_390, %get3A_4, %dot_general3A_399 {dimension_numbers = #tpu.dot_dimension_numbers<[1], [0], [0], [1], [0, 0, 1, 1], [], []>, transpose_lhs_hint = false} : vector<400x128xf32>, vector<128x128xf32>, vector<400x128xf32> -> vector<400x128xf32>
    %add3A_401 = arith.addf %dot_general3A_400, %get3A_395 : vector<400x128xf32>
    %mul3A_402 = vector.broadcast %get3A_398 : vector<400x1xf32> to vector<400x128xf32>
    %mul3A_403 = arith.mulf %mul3A_402, %add3A_401 : vector<400x128xf32>
    %add3A_404 = arith.addf %get3A_1, %mul3A_403 : vector<400x128xf32>
    %gt3A_405 = arith.constant 0.000000e+00 : f32
    %gt3A_406 = vector.broadcast %gt3A_405 : f32 to vector<400x128xf32>
    %gt3A_407 = arith.cmpf ogt, %add3A_404, %gt3A_406 : vector<400x128xf32>
    %exp3A_408 = math.exp %add3A_404 : vector<400x128xf32>
    %sub3A_409 = arith.constant 1.000000e+00 : f32
    %sub3A_410 = vector.broadcast %sub3A_409 : f32 to vector<400x128xf32>
    %sub3A_411 = arith.subf %exp3A_408, %sub3A_410 : vector<400x128xf32>
    %mul3A_412 = arith.constant 1.67326319 : f32
    %mul3A_413 = vector.broadcast %mul3A_412 : f32 to vector<400x128xf32>
    %mul3A_414 = arith.mulf %mul3A_413, %sub3A_411 : vector<400x128xf32>
    %select_n3A_415 = arith.select %gt3A_407, %add3A_404, %mul3A_414 : vector<400x128xi1>, vector<400x128xf32>
    %mul3A_416 = arith.constant 1.05070102 : f32
    %mul3A_417 = vector.broadcast %mul3A_416 : f32 to vector<400x128xf32>
    %mul3A_418 = arith.mulf %mul3A_417, %select_n3A_415 : vector<400x128xf32>
    %dot_general3A_419 = arith.constant dense<0.000000e+00> : vector<400x128xf32>
    %dot_general3A_420 = tpu.matmul %mul3A_418, %get3A_7, %dot_general3A_419 {dimension_numbers = #tpu.dot_dimension_numbers<[1], [0], [0], [1], [0, 0, 1, 1], [], []>, transpose_lhs_hint = false} : vector<400x128xf32>, vector<128x128xf32>, vector<400x128xf32> -> vector<400x128xf32>
    %add3A_421 = vector.broadcast %get3A_13 : vector<1x128xf32> to vector<400x128xf32>
    %add3A_422 = arith.addf %dot_general3A_420, %add3A_421 : vector<400x128xf32>
    %gt3A_423 = arith.constant 0.000000e+00 : f32
    %gt3A_424 = vector.broadcast %gt3A_423 : f32 to vector<400x128xf32>
    %gt3A_425 = arith.cmpf ogt, %add3A_422, %gt3A_424 : vector<400x128xf32>
    %exp3A_426 = math.exp %add3A_422 : vector<400x128xf32>
    %sub3A_427 = arith.constant 1.000000e+00 : f32
    %sub3A_428 = vector.broadcast %sub3A_427 : f32 to vector<400x128xf32>
    %sub3A_429 = arith.subf %exp3A_426, %sub3A_428 : vector<400x128xf32>
    %mul3A_430 = arith.constant 1.67326319 : f32
    %mul3A_431 = vector.broadcast %mul3A_430 : f32 to vector<400x128xf32>
    %mul3A_432 = arith.mulf %mul3A_431, %sub3A_429 : vector<400x128xf32>
    %select_n3A_433 = arith.select %gt3A_425, %add3A_422, %mul3A_432 : vector<400x128xi1>, vector<400x128xf32>
    %mul3A_434 = arith.constant 1.05070102 : f32
    %mul3A_435 = vector.broadcast %mul3A_434 : f32 to vector<400x128xf32>
    %mul3A_436 = arith.mulf %mul3A_435, %select_n3A_433 : vector<400x128xf32>
    %dot_general3A_437 = arith.constant dense<0.000000e+00> : vector<400x128xf32>
    %dot_general3A_438 = tpu.matmul %mul3A_436, %get3A_10, %dot_general3A_437 {dimension_numbers = #tpu.dot_dimension_numbers<[1], [0], [0], [1], [0, 0, 1, 1], [], []>, transpose_lhs_hint = false} : vector<400x128xf32>, vector<128x128xf32>, vector<400x128xf32> -> vector<400x128xf32>
    %add3A_439 = arith.addf %add3A_385, %dot_general3A_438 : vector<400x128xf32>
    %get3A_440 = arith.constant 0 : index
    %get3A_441 = arith.constant 8 : index
    %get3A_442 = arith.constant 0 : index
    %get3A_443 = vector.load %arg3[%get3A_440, %get3A_441, %get3A_442] : memref<400x16x128xf32, #tpu.memory_space<vmem>>, vector<400x1x128xf32>
    %get3A_444 = vector.shape_cast %get3A_443 : vector<400x1x128xf32> to vector<400x128xf32>
    %get3A_445 = arith.constant 0 : index
    %get3A_446 = arith.constant 8 : index
    %get3A_447 = arith.constant 0 : index
    %get3A_448 = vector.load %arg4[%get3A_445, %get3A_446, %get3A_447] : memref<400x16x128xf32, #tpu.memory_space<vmem>>, vector<400x1x128xf32>
    %get3A_449 = vector.shape_cast %get3A_448 : vector<400x1x128xf32> to vector<400x128xf32>
    %get3A_450 = arith.constant 0 : index
    %get3A_451 = arith.constant 8 : index
    %get3A_452 = vector.load %arg5[%get3A_450, %get3A_451] : memref<400x16xf32, #tpu.memory_space<vmem>>, vector<400x1xf32>
    %dot_general3A_453 = arith.constant dense<0.000000e+00> : vector<400x128xf32>
    %dot_general3A_454 = tpu.matmul %get3A_444, %get3A_4, %dot_general3A_453 {dimension_numbers = #tpu.dot_dimension_numbers<[1], [0], [0], [1], [0, 0, 1, 1], [], []>, transpose_lhs_hint = false} : vector<400x128xf32>, vector<128x128xf32>, vector<400x128xf32> -> vector<400x128xf32>
    %add3A_455 = arith.addf %dot_general3A_454, %get3A_449 : vector<400x128xf32>
    %mul3A_456 = vector.broadcast %get3A_452 : vector<400x1xf32> to vector<400x128xf32>
    %mul3A_457 = arith.mulf %mul3A_456, %add3A_455 : vector<400x128xf32>
    %add3A_458 = arith.addf %get3A_1, %mul3A_457 : vector<400x128xf32>
    %gt3A_459 = arith.constant 0.000000e+00 : f32
    %gt3A_460 = vector.broadcast %gt3A_459 : f32 to vector<400x128xf32>
    %gt3A_461 = arith.cmpf ogt, %add3A_458, %gt3A_460 : vector<400x128xf32>
    %exp3A_462 = math.exp %add3A_458 : vector<400x128xf32>
    %sub3A_463 = arith.constant 1.000000e+00 : f32
    %sub3A_464 = vector.broadcast %sub3A_463 : f32 to vector<400x128xf32>
    %sub3A_465 = arith.subf %exp3A_462, %sub3A_464 : vector<400x128xf32>
    %mul3A_466 = arith.constant 1.67326319 : f32
    %mul3A_467 = vector.broadcast %mul3A_466 : f32 to vector<400x128xf32>
    %mul3A_468 = arith.mulf %mul3A_467, %sub3A_465 : vector<400x128xf32>
    %select_n3A_469 = arith.select %gt3A_461, %add3A_458, %mul3A_468 : vector<400x128xi1>, vector<400x128xf32>
    %mul3A_470 = arith.constant 1.05070102 : f32
    %mul3A_471 = vector.broadcast %mul3A_470 : f32 to vector<400x128xf32>
    %mul3A_472 = arith.mulf %mul3A_471, %select_n3A_469 : vector<400x128xf32>
    %dot_general3A_473 = arith.constant dense<0.000000e+00> : vector<400x128xf32>
    %dot_general3A_474 = tpu.matmul %mul3A_472, %get3A_7, %dot_general3A_473 {dimension_numbers = #tpu.dot_dimension_numbers<[1], [0], [0], [1], [0, 0, 1, 1], [], []>, transpose_lhs_hint = false} : vector<400x128xf32>, vector<128x128xf32>, vector<400x128xf32> -> vector<400x128xf32>
    %add3A_475 = vector.broadcast %get3A_13 : vector<1x128xf32> to vector<400x128xf32>
    %add3A_476 = arith.addf %dot_general3A_474, %add3A_475 : vector<400x128xf32>
    %gt3A_477 = arith.constant 0.000000e+00 : f32
    %gt3A_478 = vector.broadcast %gt3A_477 : f32 to vector<400x128xf32>
    %gt3A_479 = arith.cmpf ogt, %add3A_476, %gt3A_478 : vector<400x128xf32>
    %exp3A_480 = math.exp %add3A_476 : vector<400x128xf32>
    %sub3A_481 = arith.constant 1.000000e+00 : f32
    %sub3A_482 = vector.broadcast %sub3A_481 : f32 to vector<400x128xf32>
    %sub3A_483 = arith.subf %exp3A_480, %sub3A_482 : vector<400x128xf32>
    %mul3A_484 = arith.constant 1.67326319 : f32
    %mul3A_485 = vector.broadcast %mul3A_484 : f32 to vector<400x128xf32>
    %mul3A_486 = arith.mulf %mul3A_485, %sub3A_483 : vector<400x128xf32>
    %select_n3A_487 = arith.select %gt3A_479, %add3A_476, %mul3A_486 : vector<400x128xi1>, vector<400x128xf32>
    %mul3A_488 = arith.constant 1.05070102 : f32
    %mul3A_489 = vector.broadcast %mul3A_488 : f32 to vector<400x128xf32>
    %mul3A_490 = arith.mulf %mul3A_489, %select_n3A_487 : vector<400x128xf32>
    %dot_general3A_491 = arith.constant dense<0.000000e+00> : vector<400x128xf32>
    %dot_general3A_492 = tpu.matmul %mul3A_490, %get3A_10, %dot_general3A_491 {dimension_numbers = #tpu.dot_dimension_numbers<[1], [0], [0], [1], [0, 0, 1, 1], [], []>, transpose_lhs_hint = false} : vector<400x128xf32>, vector<128x128xf32>, vector<400x128xf32> -> vector<400x128xf32>
    %add3A_493 = arith.addf %add3A_439, %dot_general3A_492 : vector<400x128xf32>
    %get3A_494 = arith.constant 0 : index
    %get3A_495 = arith.constant 9 : index
    %get3A_496 = arith.constant 0 : index
    %get3A_497 = vector.load %arg3[%get3A_494, %get3A_495, %get3A_496] : memref<400x16x128xf32, #tpu.memory_space<vmem>>, vector<400x1x128xf32>
    %get3A_498 = vector.shape_cast %get3A_497 : vector<400x1x128xf32> to vector<400x128xf32>
    %get3A_499 = arith.constant 0 : index
    %get3A_500 = arith.constant 9 : index
    %get3A_501 = arith.constant 0 : index
    %get3A_502 = vector.load %arg4[%get3A_499, %get3A_500, %get3A_501] : memref<400x16x128xf32, #tpu.memory_space<vmem>>, vector<400x1x128xf32>
    %get3A_503 = vector.shape_cast %get3A_502 : vector<400x1x128xf32> to vector<400x128xf32>
    %get3A_504 = arith.constant 0 : index
    %get3A_505 = arith.constant 9 : index
    %get3A_506 = vector.load %arg5[%get3A_504, %get3A_505] : memref<400x16xf32, #tpu.memory_space<vmem>>, vector<400x1xf32>
    %dot_general3A_507 = arith.constant dense<0.000000e+00> : vector<400x128xf32>
    %dot_general3A_508 = tpu.matmul %get3A_498, %get3A_4, %dot_general3A_507 {dimension_numbers = #tpu.dot_dimension_numbers<[1], [0], [0], [1], [0, 0, 1, 1], [], []>, transpose_lhs_hint = false} : vector<400x128xf32>, vector<128x128xf32>, vector<400x128xf32> -> vector<400x128xf32>
    %add3A_509 = arith.addf %dot_general3A_508, %get3A_503 : vector<400x128xf32>
    %mul3A_510 = vector.broadcast %get3A_506 : vector<400x1xf32> to vector<400x128xf32>
    %mul3A_511 = arith.mulf %mul3A_510, %add3A_509 : vector<400x128xf32>
    %add3A_512 = arith.addf %get3A_1, %mul3A_511 : vector<400x128xf32>
    %gt3A_513 = arith.constant 0.000000e+00 : f32
    %gt3A_514 = vector.broadcast %gt3A_513 : f32 to vector<400x128xf32>
    %gt3A_515 = arith.cmpf ogt, %add3A_512, %gt3A_514 : vector<400x128xf32>
    %exp3A_516 = math.exp %add3A_512 : vector<400x128xf32>
    %sub3A_517 = arith.constant 1.000000e+00 : f32
    %sub3A_518 = vector.broadcast %sub3A_517 : f32 to vector<400x128xf32>
    %sub3A_519 = arith.subf %exp3A_516, %sub3A_518 : vector<400x128xf32>
    %mul3A_520 = arith.constant 1.67326319 : f32
    %mul3A_521 = vector.broadcast %mul3A_520 : f32 to vector<400x128xf32>
    %mul3A_522 = arith.mulf %mul3A_521, %sub3A_519 : vector<400x128xf32>
    %select_n3A_523 = arith.select %gt3A_515, %add3A_512, %mul3A_522 : vector<400x128xi1>, vector<400x128xf32>
    %mul3A_524 = arith.constant 1.05070102 : f32
    %mul3A_525 = vector.broadcast %mul3A_524 : f32 to vector<400x128xf32>
    %mul3A_526 = arith.mulf %mul3A_525, %select_n3A_523 : vector<400x128xf32>
    %dot_general3A_527 = arith.constant dense<0.000000e+00> : vector<400x128xf32>
    %dot_general3A_528 = tpu.matmul %mul3A_526, %get3A_7, %dot_general3A_527 {dimension_numbers = #tpu.dot_dimension_numbers<[1], [0], [0], [1], [0, 0, 1, 1], [], []>, transpose_lhs_hint = false} : vector<400x128xf32>, vector<128x128xf32>, vector<400x128xf32> -> vector<400x128xf32>
    %add3A_529 = vector.broadcast %get3A_13 : vector<1x128xf32> to vector<400x128xf32>
    %add3A_530 = arith.addf %dot_general3A_528, %add3A_529 : vector<400x128xf32>
    %gt3A_531 = arith.constant 0.000000e+00 : f32
    %gt3A_532 = vector.broadcast %gt3A_531 : f32 to vector<400x128xf32>
    %gt3A_533 = arith.cmpf ogt, %add3A_530, %gt3A_532 : vector<400x128xf32>
    %exp3A_534 = math.exp %add3A_530 : vector<400x128xf32>
    %sub3A_535 = arith.constant 1.000000e+00 : f32
    %sub3A_536 = vector.broadcast %sub3A_535 : f32 to vector<400x128xf32>
    %sub3A_537 = arith.subf %exp3A_534, %sub3A_536 : vector<400x128xf32>
    %mul3A_538 = arith.constant 1.67326319 : f32
    %mul3A_539 = vector.broadcast %mul3A_538 : f32 to vector<400x128xf32>
    %mul3A_540 = arith.mulf %mul3A_539, %sub3A_537 : vector<400x128xf32>
    %select_n3A_541 = arith.select %gt3A_533, %add3A_530, %mul3A_540 : vector<400x128xi1>, vector<400x128xf32>
    %mul3A_542 = arith.constant 1.05070102 : f32
    %mul3A_543 = vector.broadcast %mul3A_542 : f32 to vector<400x128xf32>
    %mul3A_544 = arith.mulf %mul3A_543, %select_n3A_541 : vector<400x128xf32>
    %dot_general3A_545 = arith.constant dense<0.000000e+00> : vector<400x128xf32>
    %dot_general3A_546 = tpu.matmul %mul3A_544, %get3A_10, %dot_general3A_545 {dimension_numbers = #tpu.dot_dimension_numbers<[1], [0], [0], [1], [0, 0, 1, 1], [], []>, transpose_lhs_hint = false} : vector<400x128xf32>, vector<128x128xf32>, vector<400x128xf32> -> vector<400x128xf32>
    %add3A_547 = arith.addf %add3A_493, %dot_general3A_546 : vector<400x128xf32>
    %get3A_548 = arith.constant 0 : index
    %get3A_549 = arith.constant 10 : index
    %get3A_550 = arith.constant 0 : index
    %get3A_551 = vector.load %arg3[%get3A_548, %get3A_549, %get3A_550] : memref<400x16x128xf32, #tpu.memory_space<vmem>>, vector<400x1x128xf32>
    %get3A_552 = vector.shape_cast %get3A_551 : vector<400x1x128xf32> to vector<400x128xf32>
    %get3A_553 = arith.constant 0 : index
    %get3A_554 = arith.constant 10 : index
    %get3A_555 = arith.constant 0 : index
    %get3A_556 = vector.load %arg4[%get3A_553, %get3A_554, %get3A_555] : memref<400x16x128xf32, #tpu.memory_space<vmem>>, vector<400x1x128xf32>
    %get3A_557 = vector.shape_cast %get3A_556 : vector<400x1x128xf32> to vector<400x128xf32>
    %get3A_558 = arith.constant 0 : index
    %get3A_559 = arith.constant 10 : index
    %get3A_560 = vector.load %arg5[%get3A_558, %get3A_559] : memref<400x16xf32, #tpu.memory_space<vmem>>, vector<400x1xf32>
    %dot_general3A_561 = arith.constant dense<0.000000e+00> : vector<400x128xf32>
    %dot_general3A_562 = tpu.matmul %get3A_552, %get3A_4, %dot_general3A_561 {dimension_numbers = #tpu.dot_dimension_numbers<[1], [0], [0], [1], [0, 0, 1, 1], [], []>, transpose_lhs_hint = false} : vector<400x128xf32>, vector<128x128xf32>, vector<400x128xf32> -> vector<400x128xf32>
    %add3A_563 = arith.addf %dot_general3A_562, %get3A_557 : vector<400x128xf32>
    %mul3A_564 = vector.broadcast %get3A_560 : vector<400x1xf32> to vector<400x128xf32>
    %mul3A_565 = arith.mulf %mul3A_564, %add3A_563 : vector<400x128xf32>
    %add3A_566 = arith.addf %get3A_1, %mul3A_565 : vector<400x128xf32>
    %gt3A_567 = arith.constant 0.000000e+00 : f32
    %gt3A_568 = vector.broadcast %gt3A_567 : f32 to vector<400x128xf32>
    %gt3A_569 = arith.cmpf ogt, %add3A_566, %gt3A_568 : vector<400x128xf32>
    %exp3A_570 = math.exp %add3A_566 : vector<400x128xf32>
    %sub3A_571 = arith.constant 1.000000e+00 : f32
    %sub3A_572 = vector.broadcast %sub3A_571 : f32 to vector<400x128xf32>
    %sub3A_573 = arith.subf %exp3A_570, %sub3A_572 : vector<400x128xf32>
    %mul3A_574 = arith.constant 1.67326319 : f32
    %mul3A_575 = vector.broadcast %mul3A_574 : f32 to vector<400x128xf32>
    %mul3A_576 = arith.mulf %mul3A_575, %sub3A_573 : vector<400x128xf32>
    %select_n3A_577 = arith.select %gt3A_569, %add3A_566, %mul3A_576 : vector<400x128xi1>, vector<400x128xf32>
    %mul3A_578 = arith.constant 1.05070102 : f32
    %mul3A_579 = vector.broadcast %mul3A_578 : f32 to vector<400x128xf32>
    %mul3A_580 = arith.mulf %mul3A_579, %select_n3A_577 : vector<400x128xf32>
    %dot_general3A_581 = arith.constant dense<0.000000e+00> : vector<400x128xf32>
    %dot_general3A_582 = tpu.matmul %mul3A_580, %get3A_7, %dot_general3A_581 {dimension_numbers = #tpu.dot_dimension_numbers<[1], [0], [0], [1], [0, 0, 1, 1], [], []>, transpose_lhs_hint = false} : vector<400x128xf32>, vector<128x128xf32>, vector<400x128xf32> -> vector<400x128xf32>
    %add3A_583 = vector.broadcast %get3A_13 : vector<1x128xf32> to vector<400x128xf32>
    %add3A_584 = arith.addf %dot_general3A_582, %add3A_583 : vector<400x128xf32>
    %gt3A_585 = arith.constant 0.000000e+00 : f32
    %gt3A_586 = vector.broadcast %gt3A_585 : f32 to vector<400x128xf32>
    %gt3A_587 = arith.cmpf ogt, %add3A_584, %gt3A_586 : vector<400x128xf32>
    %exp3A_588 = math.exp %add3A_584 : vector<400x128xf32>
    %sub3A_589 = arith.constant 1.000000e+00 : f32
    %sub3A_590 = vector.broadcast %sub3A_589 : f32 to vector<400x128xf32>
    %sub3A_591 = arith.subf %exp3A_588, %sub3A_590 : vector<400x128xf32>
    %mul3A_592 = arith.constant 1.67326319 : f32
    %mul3A_593 = vector.broadcast %mul3A_592 : f32 to vector<400x128xf32>
    %mul3A_594 = arith.mulf %mul3A_593, %sub3A_591 : vector<400x128xf32>
    %select_n3A_595 = arith.select %gt3A_587, %add3A_584, %mul3A_594 : vector<400x128xi1>, vector<400x128xf32>
    %mul3A_596 = arith.constant 1.05070102 : f32
    %mul3A_597 = vector.broadcast %mul3A_596 : f32 to vector<400x128xf32>
    %mul3A_598 = arith.mulf %mul3A_597, %select_n3A_595 : vector<400x128xf32>
    %dot_general3A_599 = arith.constant dense<0.000000e+00> : vector<400x128xf32>
    %dot_general3A_600 = tpu.matmul %mul3A_598, %get3A_10, %dot_general3A_599 {dimension_numbers = #tpu.dot_dimension_numbers<[1], [0], [0], [1], [0, 0, 1, 1], [], []>, transpose_lhs_hint = false} : vector<400x128xf32>, vector<128x128xf32>, vector<400x128xf32> -> vector<400x128xf32>
    %add3A_601 = arith.addf %add3A_547, %dot_general3A_600 : vector<400x128xf32>
    %get3A_602 = arith.constant 0 : index
    %get3A_603 = arith.constant 11 : index
    %get3A_604 = arith.constant 0 : index
    %get3A_605 = vector.load %arg3[%get3A_602, %get3A_603, %get3A_604] : memref<400x16x128xf32, #tpu.memory_space<vmem>>, vector<400x1x128xf32>
    %get3A_606 = vector.shape_cast %get3A_605 : vector<400x1x128xf32> to vector<400x128xf32>
    %get3A_607 = arith.constant 0 : index
    %get3A_608 = arith.constant 11 : index
    %get3A_609 = arith.constant 0 : index
    %get3A_610 = vector.load %arg4[%get3A_607, %get3A_608, %get3A_609] : memref<400x16x128xf32, #tpu.memory_space<vmem>>, vector<400x1x128xf32>
    %get3A_611 = vector.shape_cast %get3A_610 : vector<400x1x128xf32> to vector<400x128xf32>
    %get3A_612 = arith.constant 0 : index
    %get3A_613 = arith.constant 11 : index
    %get3A_614 = vector.load %arg5[%get3A_612, %get3A_613] : memref<400x16xf32, #tpu.memory_space<vmem>>, vector<400x1xf32>
    %dot_general3A_615 = arith.constant dense<0.000000e+00> : vector<400x128xf32>
    %dot_general3A_616 = tpu.matmul %get3A_606, %get3A_4, %dot_general3A_615 {dimension_numbers = #tpu.dot_dimension_numbers<[1], [0], [0], [1], [0, 0, 1, 1], [], []>, transpose_lhs_hint = false} : vector<400x128xf32>, vector<128x128xf32>, vector<400x128xf32> -> vector<400x128xf32>
    %add3A_617 = arith.addf %dot_general3A_616, %get3A_611 : vector<400x128xf32>
    %mul3A_618 = vector.broadcast %get3A_614 : vector<400x1xf32> to vector<400x128xf32>
    %mul3A_619 = arith.mulf %mul3A_618, %add3A_617 : vector<400x128xf32>
    %add3A_620 = arith.addf %get3A_1, %mul3A_619 : vector<400x128xf32>
    %gt3A_621 = arith.constant 0.000000e+00 : f32
    %gt3A_622 = vector.broadcast %gt3A_621 : f32 to vector<400x128xf32>
    %gt3A_623 = arith.cmpf ogt, %add3A_620, %gt3A_622 : vector<400x128xf32>
    %exp3A_624 = math.exp %add3A_620 : vector<400x128xf32>
    %sub3A_625 = arith.constant 1.000000e+00 : f32
    %sub3A_626 = vector.broadcast %sub3A_625 : f32 to vector<400x128xf32>
    %sub3A_627 = arith.subf %exp3A_624, %sub3A_626 : vector<400x128xf32>
    %mul3A_628 = arith.constant 1.67326319 : f32
    %mul3A_629 = vector.broadcast %mul3A_628 : f32 to vector<400x128xf32>
    %mul3A_630 = arith.mulf %mul3A_629, %sub3A_627 : vector<400x128xf32>
    %select_n3A_631 = arith.select %gt3A_623, %add3A_620, %mul3A_630 : vector<400x128xi1>, vector<400x128xf32>
    %mul3A_632 = arith.constant 1.05070102 : f32
    %mul3A_633 = vector.broadcast %mul3A_632 : f32 to vector<400x128xf32>
    %mul3A_634 = arith.mulf %mul3A_633, %select_n3A_631 : vector<400x128xf32>
    %dot_general3A_635 = arith.constant dense<0.000000e+00> : vector<400x128xf32>
    %dot_general3A_636 = tpu.matmul %mul3A_634, %get3A_7, %dot_general3A_635 {dimension_numbers = #tpu.dot_dimension_numbers<[1], [0], [0], [1], [0, 0, 1, 1], [], []>, transpose_lhs_hint = false} : vector<400x128xf32>, vector<128x128xf32>, vector<400x128xf32> -> vector<400x128xf32>
    %add3A_637 = vector.broadcast %get3A_13 : vector<1x128xf32> to vector<400x128xf32>
    %add3A_638 = arith.addf %dot_general3A_636, %add3A_637 : vector<400x128xf32>
    %gt3A_639 = arith.constant 0.000000e+00 : f32
    %gt3A_640 = vector.broadcast %gt3A_639 : f32 to vector<400x128xf32>
    %gt3A_641 = arith.cmpf ogt, %add3A_638, %gt3A_640 : vector<400x128xf32>
    %exp3A_642 = math.exp %add3A_638 : vector<400x128xf32>
    %sub3A_643 = arith.constant 1.000000e+00 : f32
    %sub3A_644 = vector.broadcast %sub3A_643 : f32 to vector<400x128xf32>
    %sub3A_645 = arith.subf %exp3A_642, %sub3A_644 : vector<400x128xf32>
    %mul3A_646 = arith.constant 1.67326319 : f32
    %mul3A_647 = vector.broadcast %mul3A_646 : f32 to vector<400x128xf32>
    %mul3A_648 = arith.mulf %mul3A_647, %sub3A_645 : vector<400x128xf32>
    %select_n3A_649 = arith.select %gt3A_641, %add3A_638, %mul3A_648 : vector<400x128xi1>, vector<400x128xf32>
    %mul3A_650 = arith.constant 1.05070102 : f32
    %mul3A_651 = vector.broadcast %mul3A_650 : f32 to vector<400x128xf32>
    %mul3A_652 = arith.mulf %mul3A_651, %select_n3A_649 : vector<400x128xf32>
    %dot_general3A_653 = arith.constant dense<0.000000e+00> : vector<400x128xf32>
    %dot_general3A_654 = tpu.matmul %mul3A_652, %get3A_10, %dot_general3A_653 {dimension_numbers = #tpu.dot_dimension_numbers<[1], [0], [0], [1], [0, 0, 1, 1], [], []>, transpose_lhs_hint = false} : vector<400x128xf32>, vector<128x128xf32>, vector<400x128xf32> -> vector<400x128xf32>
    %add3A_655 = arith.addf %add3A_601, %dot_general3A_654 : vector<400x128xf32>
    %get3A_656 = arith.constant 0 : index
    %get3A_657 = arith.constant 12 : index
    %get3A_658 = arith.constant 0 : index
    %get3A_659 = vector.load %arg3[%get3A_656, %get3A_657, %get3A_658] : memref<400x16x128xf32, #tpu.memory_space<vmem>>, vector<400x1x128xf32>
    %get3A_660 = vector.shape_cast %get3A_659 : vector<400x1x128xf32> to vector<400x128xf32>
    %get3A_661 = arith.constant 0 : index
    %get3A_662 = arith.constant 12 : index
    %get3A_663 = arith.constant 0 : index
    %get3A_664 = vector.load %arg4[%get3A_661, %get3A_662, %get3A_663] : memref<400x16x128xf32, #tpu.memory_space<vmem>>, vector<400x1x128xf32>
    %get3A_665 = vector.shape_cast %get3A_664 : vector<400x1x128xf32> to vector<400x128xf32>
    %get3A_666 = arith.constant 0 : index
    %get3A_667 = arith.constant 12 : index
    %get3A_668 = vector.load %arg5[%get3A_666, %get3A_667] : memref<400x16xf32, #tpu.memory_space<vmem>>, vector<400x1xf32>
    %dot_general3A_669 = arith.constant dense<0.000000e+00> : vector<400x128xf32>
    %dot_general3A_670 = tpu.matmul %get3A_660, %get3A_4, %dot_general3A_669 {dimension_numbers = #tpu.dot_dimension_numbers<[1], [0], [0], [1], [0, 0, 1, 1], [], []>, transpose_lhs_hint = false} : vector<400x128xf32>, vector<128x128xf32>, vector<400x128xf32> -> vector<400x128xf32>
    %add3A_671 = arith.addf %dot_general3A_670, %get3A_665 : vector<400x128xf32>
    %mul3A_672 = vector.broadcast %get3A_668 : vector<400x1xf32> to vector<400x128xf32>
    %mul3A_673 = arith.mulf %mul3A_672, %add3A_671 : vector<400x128xf32>
    %add3A_674 = arith.addf %get3A_1, %mul3A_673 : vector<400x128xf32>
    %gt3A_675 = arith.constant 0.000000e+00 : f32
    %gt3A_676 = vector.broadcast %gt3A_675 : f32 to vector<400x128xf32>
    %gt3A_677 = arith.cmpf ogt, %add3A_674, %gt3A_676 : vector<400x128xf32>
    %exp3A_678 = math.exp %add3A_674 : vector<400x128xf32>
    %sub3A_679 = arith.constant 1.000000e+00 : f32
    %sub3A_680 = vector.broadcast %sub3A_679 : f32 to vector<400x128xf32>
    %sub3A_681 = arith.subf %exp3A_678, %sub3A_680 : vector<400x128xf32>
    %mul3A_682 = arith.constant 1.67326319 : f32
    %mul3A_683 = vector.broadcast %mul3A_682 : f32 to vector<400x128xf32>
    %mul3A_684 = arith.mulf %mul3A_683, %sub3A_681 : vector<400x128xf32>
    %select_n3A_685 = arith.select %gt3A_677, %add3A_674, %mul3A_684 : vector<400x128xi1>, vector<400x128xf32>
    %mul3A_686 = arith.constant 1.05070102 : f32
    %mul3A_687 = vector.broadcast %mul3A_686 : f32 to vector<400x128xf32>
    %mul3A_688 = arith.mulf %mul3A_687, %select_n3A_685 : vector<400x128xf32>
    %dot_general3A_689 = arith.constant dense<0.000000e+00> : vector<400x128xf32>
    %dot_general3A_690 = tpu.matmul %mul3A_688, %get3A_7, %dot_general3A_689 {dimension_numbers = #tpu.dot_dimension_numbers<[1], [0], [0], [1], [0, 0, 1, 1], [], []>, transpose_lhs_hint = false} : vector<400x128xf32>, vector<128x128xf32>, vector<400x128xf32> -> vector<400x128xf32>
    %add3A_691 = vector.broadcast %get3A_13 : vector<1x128xf32> to vector<400x128xf32>
    %add3A_692 = arith.addf %dot_general3A_690, %add3A_691 : vector<400x128xf32>
    %gt3A_693 = arith.constant 0.000000e+00 : f32
    %gt3A_694 = vector.broadcast %gt3A_693 : f32 to vector<400x128xf32>
    %gt3A_695 = arith.cmpf ogt, %add3A_692, %gt3A_694 : vector<400x128xf32>
    %exp3A_696 = math.exp %add3A_692 : vector<400x128xf32>
    %sub3A_697 = arith.constant 1.000000e+00 : f32
    %sub3A_698 = vector.broadcast %sub3A_697 : f32 to vector<400x128xf32>
    %sub3A_699 = arith.subf %exp3A_696, %sub3A_698 : vector<400x128xf32>
    %mul3A_700 = arith.constant 1.67326319 : f32
    %mul3A_701 = vector.broadcast %mul3A_700 : f32 to vector<400x128xf32>
    %mul3A_702 = arith.mulf %mul3A_701, %sub3A_699 : vector<400x128xf32>
    %select_n3A_703 = arith.select %gt3A_695, %add3A_692, %mul3A_702 : vector<400x128xi1>, vector<400x128xf32>
    %mul3A_704 = arith.constant 1.05070102 : f32
    %mul3A_705 = vector.broadcast %mul3A_704 : f32 to vector<400x128xf32>
    %mul3A_706 = arith.mulf %mul3A_705, %select_n3A_703 : vector<400x128xf32>
    %dot_general3A_707 = arith.constant dense<0.000000e+00> : vector<400x128xf32>
    %dot_general3A_708 = tpu.matmul %mul3A_706, %get3A_10, %dot_general3A_707 {dimension_numbers = #tpu.dot_dimension_numbers<[1], [0], [0], [1], [0, 0, 1, 1], [], []>, transpose_lhs_hint = false} : vector<400x128xf32>, vector<128x128xf32>, vector<400x128xf32> -> vector<400x128xf32>
    %add3A_709 = arith.addf %add3A_655, %dot_general3A_708 : vector<400x128xf32>
    %get3A_710 = arith.constant 0 : index
    %get3A_711 = arith.constant 13 : index
    %get3A_712 = arith.constant 0 : index
    %get3A_713 = vector.load %arg3[%get3A_710, %get3A_711, %get3A_712] : memref<400x16x128xf32, #tpu.memory_space<vmem>>, vector<400x1x128xf32>
    %get3A_714 = vector.shape_cast %get3A_713 : vector<400x1x128xf32> to vector<400x128xf32>
    %get3A_715 = arith.constant 0 : index
    %get3A_716 = arith.constant 13 : index
    %get3A_717 = arith.constant 0 : index
    %get3A_718 = vector.load %arg4[%get3A_715, %get3A_716, %get3A_717] : memref<400x16x128xf32, #tpu.memory_space<vmem>>, vector<400x1x128xf32>
    %get3A_719 = vector.shape_cast %get3A_718 : vector<400x1x128xf32> to vector<400x128xf32>
    %get3A_720 = arith.constant 0 : index
    %get3A_721 = arith.constant 13 : index
    %get3A_722 = vector.load %arg5[%get3A_720, %get3A_721] : memref<400x16xf32, #tpu.memory_space<vmem>>, vector<400x1xf32>
    %dot_general3A_723 = arith.constant dense<0.000000e+00> : vector<400x128xf32>
    %dot_general3A_724 = tpu.matmul %get3A_714, %get3A_4, %dot_general3A_723 {dimension_numbers = #tpu.dot_dimension_numbers<[1], [0], [0], [1], [0, 0, 1, 1], [], []>, transpose_lhs_hint = false} : vector<400x128xf32>, vector<128x128xf32>, vector<400x128xf32> -> vector<400x128xf32>
    %add3A_725 = arith.addf %dot_general3A_724, %get3A_719 : vector<400x128xf32>
    %mul3A_726 = vector.broadcast %get3A_722 : vector<400x1xf32> to vector<400x128xf32>
    %mul3A_727 = arith.mulf %mul3A_726, %add3A_725 : vector<400x128xf32>
    %add3A_728 = arith.addf %get3A_1, %mul3A_727 : vector<400x128xf32>
    %gt3A_729 = arith.constant 0.000000e+00 : f32
    %gt3A_730 = vector.broadcast %gt3A_729 : f32 to vector<400x128xf32>
    %gt3A_731 = arith.cmpf ogt, %add3A_728, %gt3A_730 : vector<400x128xf32>
    %exp3A_732 = math.exp %add3A_728 : vector<400x128xf32>
    %sub3A_733 = arith.constant 1.000000e+00 : f32
    %sub3A_734 = vector.broadcast %sub3A_733 : f32 to vector<400x128xf32>
    %sub3A_735 = arith.subf %exp3A_732, %sub3A_734 : vector<400x128xf32>
    %mul3A_736 = arith.constant 1.67326319 : f32
    %mul3A_737 = vector.broadcast %mul3A_736 : f32 to vector<400x128xf32>
    %mul3A_738 = arith.mulf %mul3A_737, %sub3A_735 : vector<400x128xf32>
    %select_n3A_739 = arith.select %gt3A_731, %add3A_728, %mul3A_738 : vector<400x128xi1>, vector<400x128xf32>
    %mul3A_740 = arith.constant 1.05070102 : f32
    %mul3A_741 = vector.broadcast %mul3A_740 : f32 to vector<400x128xf32>
    %mul3A_742 = arith.mulf %mul3A_741, %select_n3A_739 : vector<400x128xf32>
    %dot_general3A_743 = arith.constant dense<0.000000e+00> : vector<400x128xf32>
    %dot_general3A_744 = tpu.matmul %mul3A_742, %get3A_7, %dot_general3A_743 {dimension_numbers = #tpu.dot_dimension_numbers<[1], [0], [0], [1], [0, 0, 1, 1], [], []>, transpose_lhs_hint = false} : vector<400x128xf32>, vector<128x128xf32>, vector<400x128xf32> -> vector<400x128xf32>
    %add3A_745 = vector.broadcast %get3A_13 : vector<1x128xf32> to vector<400x128xf32>
    %add3A_746 = arith.addf %dot_general3A_744, %add3A_745 : vector<400x128xf32>
    %gt3A_747 = arith.constant 0.000000e+00 : f32
    %gt3A_748 = vector.broadcast %gt3A_747 : f32 to vector<400x128xf32>
    %gt3A_749 = arith.cmpf ogt, %add3A_746, %gt3A_748 : vector<400x128xf32>
    %exp3A_750 = math.exp %add3A_746 : vector<400x128xf32>
    %sub3A_751 = arith.constant 1.000000e+00 : f32
    %sub3A_752 = vector.broadcast %sub3A_751 : f32 to vector<400x128xf32>
    %sub3A_753 = arith.subf %exp3A_750, %sub3A_752 : vector<400x128xf32>
    %mul3A_754 = arith.constant 1.67326319 : f32
    %mul3A_755 = vector.broadcast %mul3A_754 : f32 to vector<400x128xf32>
    %mul3A_756 = arith.mulf %mul3A_755, %sub3A_753 : vector<400x128xf32>
    %select_n3A_757 = arith.select %gt3A_749, %add3A_746, %mul3A_756 : vector<400x128xi1>, vector<400x128xf32>
    %mul3A_758 = arith.constant 1.05070102 : f32
    %mul3A_759 = vector.broadcast %mul3A_758 : f32 to vector<400x128xf32>
    %mul3A_760 = arith.mulf %mul3A_759, %select_n3A_757 : vector<400x128xf32>
    %dot_general3A_761 = arith.constant dense<0.000000e+00> : vector<400x128xf32>
    %dot_general3A_762 = tpu.matmul %mul3A_760, %get3A_10, %dot_general3A_761 {dimension_numbers = #tpu.dot_dimension_numbers<[1], [0], [0], [1], [0, 0, 1, 1], [], []>, transpose_lhs_hint = false} : vector<400x128xf32>, vector<128x128xf32>, vector<400x128xf32> -> vector<400x128xf32>
    %add3A_763 = arith.addf %add3A_709, %dot_general3A_762 : vector<400x128xf32>
    %get3A_764 = arith.constant 0 : index
    %get3A_765 = arith.constant 14 : index
    %get3A_766 = arith.constant 0 : index
    %get3A_767 = vector.load %arg3[%get3A_764, %get3A_765, %get3A_766] : memref<400x16x128xf32, #tpu.memory_space<vmem>>, vector<400x1x128xf32>
    %get3A_768 = vector.shape_cast %get3A_767 : vector<400x1x128xf32> to vector<400x128xf32>
    %get3A_769 = arith.constant 0 : index
    %get3A_770 = arith.constant 14 : index
    %get3A_771 = arith.constant 0 : index
    %get3A_772 = vector.load %arg4[%get3A_769, %get3A_770, %get3A_771] : memref<400x16x128xf32, #tpu.memory_space<vmem>>, vector<400x1x128xf32>
    %get3A_773 = vector.shape_cast %get3A_772 : vector<400x1x128xf32> to vector<400x128xf32>
    %get3A_774 = arith.constant 0 : index
    %get3A_775 = arith.constant 14 : index
    %get3A_776 = vector.load %arg5[%get3A_774, %get3A_775] : memref<400x16xf32, #tpu.memory_space<vmem>>, vector<400x1xf32>
    %dot_general3A_777 = arith.constant dense<0.000000e+00> : vector<400x128xf32>
    %dot_general3A_778 = tpu.matmul %get3A_768, %get3A_4, %dot_general3A_777 {dimension_numbers = #tpu.dot_dimension_numbers<[1], [0], [0], [1], [0, 0, 1, 1], [], []>, transpose_lhs_hint = false} : vector<400x128xf32>, vector<128x128xf32>, vector<400x128xf32> -> vector<400x128xf32>
    %add3A_779 = arith.addf %dot_general3A_778, %get3A_773 : vector<400x128xf32>
    %mul3A_780 = vector.broadcast %get3A_776 : vector<400x1xf32> to vector<400x128xf32>
    %mul3A_781 = arith.mulf %mul3A_780, %add3A_779 : vector<400x128xf32>
    %add3A_782 = arith.addf %get3A_1, %mul3A_781 : vector<400x128xf32>
    %gt3A_783 = arith.constant 0.000000e+00 : f32
    %gt3A_784 = vector.broadcast %gt3A_783 : f32 to vector<400x128xf32>
    %gt3A_785 = arith.cmpf ogt, %add3A_782, %gt3A_784 : vector<400x128xf32>
    %exp3A_786 = math.exp %add3A_782 : vector<400x128xf32>
    %sub3A_787 = arith.constant 1.000000e+00 : f32
    %sub3A_788 = vector.broadcast %sub3A_787 : f32 to vector<400x128xf32>
    %sub3A_789 = arith.subf %exp3A_786, %sub3A_788 : vector<400x128xf32>
    %mul3A_790 = arith.constant 1.67326319 : f32
    %mul3A_791 = vector.broadcast %mul3A_790 : f32 to vector<400x128xf32>
    %mul3A_792 = arith.mulf %mul3A_791, %sub3A_789 : vector<400x128xf32>
    %select_n3A_793 = arith.select %gt3A_785, %add3A_782, %mul3A_792 : vector<400x128xi1>, vector<400x128xf32>
    %mul3A_794 = arith.constant 1.05070102 : f32
    %mul3A_795 = vector.broadcast %mul3A_794 : f32 to vector<400x128xf32>
    %mul3A_796 = arith.mulf %mul3A_795, %select_n3A_793 : vector<400x128xf32>
    %dot_general3A_797 = arith.constant dense<0.000000e+00> : vector<400x128xf32>
    %dot_general3A_798 = tpu.matmul %mul3A_796, %get3A_7, %dot_general3A_797 {dimension_numbers = #tpu.dot_dimension_numbers<[1], [0], [0], [1], [0, 0, 1, 1], [], []>, transpose_lhs_hint = false} : vector<400x128xf32>, vector<128x128xf32>, vector<400x128xf32> -> vector<400x128xf32>
    %add3A_799 = vector.broadcast %get3A_13 : vector<1x128xf32> to vector<400x128xf32>
    %add3A_800 = arith.addf %dot_general3A_798, %add3A_799 : vector<400x128xf32>
    %gt3A_801 = arith.constant 0.000000e+00 : f32
    %gt3A_802 = vector.broadcast %gt3A_801 : f32 to vector<400x128xf32>
    %gt3A_803 = arith.cmpf ogt, %add3A_800, %gt3A_802 : vector<400x128xf32>
    %exp3A_804 = math.exp %add3A_800 : vector<400x128xf32>
    %sub3A_805 = arith.constant 1.000000e+00 : f32
    %sub3A_806 = vector.broadcast %sub3A_805 : f32 to vector<400x128xf32>
    %sub3A_807 = arith.subf %exp3A_804, %sub3A_806 : vector<400x128xf32>
    %mul3A_808 = arith.constant 1.67326319 : f32
    %mul3A_809 = vector.broadcast %mul3A_808 : f32 to vector<400x128xf32>
    %mul3A_810 = arith.mulf %mul3A_809, %sub3A_807 : vector<400x128xf32>
    %select_n3A_811 = arith.select %gt3A_803, %add3A_800, %mul3A_810 : vector<400x128xi1>, vector<400x128xf32>
    %mul3A_812 = arith.constant 1.05070102 : f32
    %mul3A_813 = vector.broadcast %mul3A_812 : f32 to vector<400x128xf32>
    %mul3A_814 = arith.mulf %mul3A_813, %select_n3A_811 : vector<400x128xf32>
    %dot_general3A_815 = arith.constant dense<0.000000e+00> : vector<400x128xf32>
    %dot_general3A_816 = tpu.matmul %mul3A_814, %get3A_10, %dot_general3A_815 {dimension_numbers = #tpu.dot_dimension_numbers<[1], [0], [0], [1], [0, 0, 1, 1], [], []>, transpose_lhs_hint = false} : vector<400x128xf32>, vector<128x128xf32>, vector<400x128xf32> -> vector<400x128xf32>
    %add3A_817 = arith.addf %add3A_763, %dot_general3A_816 : vector<400x128xf32>
    %get3A_818 = arith.constant 0 : index
    %get3A_819 = arith.constant 15 : index
    %get3A_820 = arith.constant 0 : index
    %get3A_821 = vector.load %arg3[%get3A_818, %get3A_819, %get3A_820] : memref<400x16x128xf32, #tpu.memory_space<vmem>>, vector<400x1x128xf32>
    %get3A_822 = vector.shape_cast %get3A_821 : vector<400x1x128xf32> to vector<400x128xf32>
    %get3A_823 = arith.constant 0 : index
    %get3A_824 = arith.constant 15 : index
    %get3A_825 = arith.constant 0 : index
    %get3A_826 = vector.load %arg4[%get3A_823, %get3A_824, %get3A_825] : memref<400x16x128xf32, #tpu.memory_space<vmem>>, vector<400x1x128xf32>
    %get3A_827 = vector.shape_cast %get3A_826 : vector<400x1x128xf32> to vector<400x128xf32>
    %get3A_828 = arith.constant 0 : index
    %get3A_829 = arith.constant 15 : index
    %get3A_830 = vector.load %arg5[%get3A_828, %get3A_829] : memref<400x16xf32, #tpu.memory_space<vmem>>, vector<400x1xf32>
    %dot_general3A_831 = arith.constant dense<0.000000e+00> : vector<400x128xf32>
    %dot_general3A_832 = tpu.matmul %get3A_822, %get3A_4, %dot_general3A_831 {dimension_numbers = #tpu.dot_dimension_numbers<[1], [0], [0], [1], [0, 0, 1, 1], [], []>, transpose_lhs_hint = false} : vector<400x128xf32>, vector<128x128xf32>, vector<400x128xf32> -> vector<400x128xf32>
    %add3A_833 = arith.addf %dot_general3A_832, %get3A_827 : vector<400x128xf32>
    %mul3A_834 = vector.broadcast %get3A_830 : vector<400x1xf32> to vector<400x128xf32>
    %mul3A_835 = arith.mulf %mul3A_834, %add3A_833 : vector<400x128xf32>
    %add3A_836 = arith.addf %get3A_1, %mul3A_835 : vector<400x128xf32>
    %gt3A_837 = arith.constant 0.000000e+00 : f32
    %gt3A_838 = vector.broadcast %gt3A_837 : f32 to vector<400x128xf32>
    %gt3A_839 = arith.cmpf ogt, %add3A_836, %gt3A_838 : vector<400x128xf32>
    %exp3A_840 = math.exp %add3A_836 : vector<400x128xf32>
    %sub3A_841 = arith.constant 1.000000e+00 : f32
    %sub3A_842 = vector.broadcast %sub3A_841 : f32 to vector<400x128xf32>
    %sub3A_843 = arith.subf %exp3A_840, %sub3A_842 : vector<400x128xf32>
    %mul3A_844 = arith.constant 1.67326319 : f32
    %mul3A_845 = vector.broadcast %mul3A_844 : f32 to vector<400x128xf32>
    %mul3A_846 = arith.mulf %mul3A_845, %sub3A_843 : vector<400x128xf32>
    %select_n3A_847 = arith.select %gt3A_839, %add3A_836, %mul3A_846 : vector<400x128xi1>, vector<400x128xf32>
    %mul3A_848 = arith.constant 1.05070102 : f32
    %mul3A_849 = vector.broadcast %mul3A_848 : f32 to vector<400x128xf32>
    %mul3A_850 = arith.mulf %mul3A_849, %select_n3A_847 : vector<400x128xf32>
    %dot_general3A_851 = arith.constant dense<0.000000e+00> : vector<400x128xf32>
    %dot_general3A_852 = tpu.matmul %mul3A_850, %get3A_7, %dot_general3A_851 {dimension_numbers = #tpu.dot_dimension_numbers<[1], [0], [0], [1], [0, 0, 1, 1], [], []>, transpose_lhs_hint = false} : vector<400x128xf32>, vector<128x128xf32>, vector<400x128xf32> -> vector<400x128xf32>
    %add3A_853 = vector.broadcast %get3A_13 : vector<1x128xf32> to vector<400x128xf32>
    %add3A_854 = arith.addf %dot_general3A_852, %add3A_853 : vector<400x128xf32>
    %gt3A_855 = arith.constant 0.000000e+00 : f32
    %gt3A_856 = vector.broadcast %gt3A_855 : f32 to vector<400x128xf32>
    %gt3A_857 = arith.cmpf ogt, %add3A_854, %gt3A_856 : vector<400x128xf32>
    %exp3A_858 = math.exp %add3A_854 : vector<400x128xf32>
    %sub3A_859 = arith.constant 1.000000e+00 : f32
    %sub3A_860 = vector.broadcast %sub3A_859 : f32 to vector<400x128xf32>
    %sub3A_861 = arith.subf %exp3A_858, %sub3A_860 : vector<400x128xf32>
    %mul3A_862 = arith.constant 1.67326319 : f32
    %mul3A_863 = vector.broadcast %mul3A_862 : f32 to vector<400x128xf32>
    %mul3A_864 = arith.mulf %mul3A_863, %sub3A_861 : vector<400x128xf32>
    %select_n3A_865 = arith.select %gt3A_857, %add3A_854, %mul3A_864 : vector<400x128xi1>, vector<400x128xf32>
    %mul3A_866 = arith.constant 1.05070102 : f32
    %mul3A_867 = vector.broadcast %mul3A_866 : f32 to vector<400x128xf32>
    %mul3A_868 = arith.mulf %mul3A_867, %select_n3A_865 : vector<400x128xf32>
    %dot_general3A_869 = arith.constant dense<0.000000e+00> : vector<400x128xf32>
    %dot_general3A_870 = tpu.matmul %mul3A_868, %get3A_10, %dot_general3A_869 {dimension_numbers = #tpu.dot_dimension_numbers<[1], [0], [0], [1], [0, 0, 1, 1], [], []>, transpose_lhs_hint = false} : vector<400x128xf32>, vector<128x128xf32>, vector<400x128xf32> -> vector<400x128xf32>
    %add3A_871 = arith.addf %add3A_817, %dot_general3A_870 : vector<400x128xf32>
    %get3A_872 = arith.constant 0 : index
    %get3A_873 = arith.constant 0 : index
    %get3A_874 = vector.load %arg10[%get3A_872, %get3A_873] : memref<1x128xf32, #tpu.memory_space<vmem>>, vector<1x128xf32>
    %mul3A_875 = arith.constant 1.600000e+01 : f32
    %mul3A_876 = vector.broadcast %mul3A_875 : f32 to vector<1x128xf32>
    %mul3A_877 = arith.mulf %mul3A_876, %get3A_874 : vector<1x128xf32>
    %add3A_878 = vector.broadcast %mul3A_877 : vector<1x128xf32> to vector<400x128xf32>
    %add3A_879 = arith.addf %add3A_871, %add3A_878 : vector<400x128xf32>
    %mul3A_880 = arith.constant 0.0333333351 : f32
    %mul3A_881 = vector.broadcast %mul3A_880 : f32 to vector<400x128xf32>
    %mul3A_882 = arith.mulf %add3A_879, %mul3A_881 : vector<400x128xf32>
    %get3A_883 = arith.constant 0 : index
    %get3A_884 = arith.constant 0 : index
    %get3A_885 = vector.load %arg1[%get3A_883, %get3A_884] : memref<400x128xf32, #tpu.memory_space<vmem>>, vector<400x128xf32>
    %add3A_886 = arith.addf %get3A_885, %mul3A_882 : vector<400x128xf32>
    %reduce_sum3A = arith.constant dense<0.000000e+00> : vector<400xf32>
    %reduce_sum3A_887 = vector.multi_reduction <add>, %add3A_886, %reduce_sum3A [1] : vector<400x128xf32> to vector<400xf32>
    %broadcast_in_dim3A_888 = vector.shape_cast %reduce_sum3A_887 : vector<400xf32> to vector<400x1xf32>
    %div3A = arith.constant 1.280000e+02 : f32
    %div3A_889 = vector.broadcast %div3A : f32 to vector<400x1xf32>
    %div3A_890 = arith.divf %broadcast_in_dim3A_888, %div3A_889 : vector<400x1xf32>
    %sub3A_891 = vector.broadcast %div3A_890 : vector<400x1xf32> to vector<400x128xf32>
    %sub3A_892 = arith.subf %add3A_886, %sub3A_891 : vector<400x128xf32>
    %square3A = arith.mulf %sub3A_892, %sub3A_892 : vector<400x128xf32>
    %reduce_sum3A_893 = arith.constant dense<0.000000e+00> : vector<400xf32>
    %reduce_sum3A_894 = vector.multi_reduction <add>, %square3A, %reduce_sum3A_893 [1] : vector<400x128xf32> to vector<400xf32>
    %broadcast_in_dim3A_895 = vector.shape_cast %reduce_sum3A_894 : vector<400xf32> to vector<400x1xf32>
    %div3A_896 = arith.constant 1.280000e+02 : f32
    %div3A_897 = vector.broadcast %div3A_896 : f32 to vector<400x1xf32>
    %div3A_898 = arith.divf %broadcast_in_dim3A_895, %div3A_897 : vector<400x1xf32>
    %sub3A_899 = vector.broadcast %div3A_890 : vector<400x1xf32> to vector<400x128xf32>
    %sub3A_900 = arith.subf %add3A_886, %sub3A_899 : vector<400x128xf32>
    %add3A_901 = arith.constant 9.99999974E-6 : f32
    %add3A_902 = vector.broadcast %add3A_901 : f32 to vector<400x1xf32>
    %add3A_903 = arith.addf %div3A_898, %add3A_902 : vector<400x1xf32>
    %rsqrt3A = math.rsqrt %add3A_903 : vector<400x1xf32>
    %mul3A_904 = vector.broadcast %rsqrt3A : vector<400x1xf32> to vector<400x128xf32>
    %mul3A_905 = arith.mulf %sub3A_900, %mul3A_904 : vector<400x128xf32>
    %swap3A = arith.constant 0 : index
    %swap3A_906 = arith.constant 0 : index
    %swap3A_907 = vector.load %arg11[%swap3A, %swap3A_906] : memref<400x128xf32, #tpu.memory_space<vmem>>, vector<400x128xf32>
    tpu.vector_store %arg11[%swap3A, %swap3A_906], %mul3A_905 {strides = array<i32>} : memref<400x128xf32, #tpu.memory_space<vmem>>, vector<400x128xf32>,
    return
  }
  func.func @transform_0(%arg0: i32) -> (i32, i32) {
    %c0_i32 = arith.constant 0 : i32
    %c0_i32_0 = arith.constant 0 : i32
    return %arg0, %c0_i32 : i32, i32
  }
  func.func @transform_1(%arg0: i32) -> (i32, i32) {
    %c0_i32 = arith.constant 0 : i32
    %c0_i32_0 = arith.constant 0 : i32
    return %arg0, %c0_i32 : i32, i32
  }
  func.func @transform_2(%arg0: i32) -> (i32, i32, i32) {
    %c0_i32 = arith.constant 0 : i32
    %c0_i32_0 = arith.constant 0 : i32
    %c0_i32_1 = arith.constant 0 : i32
    return %arg0, %c0_i32, %c0_i32_0 : i32, i32, i32
  }
  func.func @transform_3(%arg0: i32) -> (i32, i32, i32) {
    %c0_i32 = arith.constant 0 : i32
    %c0_i32_0 = arith.constant 0 : i32
    %c0_i32_1 = arith.constant 0 : i32
    return %arg0, %c0_i32, %c0_i32_0 : i32, i32, i32
  }
  func.func @transform_4(%arg0: i32) -> (i32, i32) {
    %c0_i32 = arith.constant 0 : i32
    %c0_i32_0 = arith.constant 0 : i32
    return %arg0, %c0_i32 : i32, i32
  }
  func.func @transform_5(%arg0: i32) -> (i32, i32) {
    %c0_i32 = arith.constant 0 : i32
    %c0_i32_0 = arith.constant 0 : i32
    %c0_i32_1 = arith.constant 0 : i32
    return %c0_i32, %c0_i32_0 : i32, i32
  }
  func.func @transform_6(%arg0: i32) -> (i32, i32) {
    %c0_i32 = arith.constant 0 : i32
    %c0_i32_0 = arith.constant 0 : i32
    %c0_i32_1 = arith.constant 0 : i32
    return %c0_i32, %c0_i32_0 : i32, i32
  }
  func.func @transform_7(%arg0: i32) -> (i32, i32) {
    %c0_i32 = arith.constant 0 : i32
    %c0_i32_0 = arith.constant 0 : i32
    %c0_i32_1 = arith.constant 0 : i32
    return %c0_i32, %c0_i32_0 : i32, i32
  }
  func.func @transform_8(%arg0: i32) -> (i32, i32) {
    %c0_i32 = arith.constant 0 : i32
    %c0_i32_0 = arith.constant 0 : i32
    %c0_i32_1 = arith.constant 0 : i32
    return %c0_i32, %c0_i32_0 : i32, i32
  }
  func.func @transform_9(%arg0: i32) -> (i32, i32) {
    %c0_i32 = arith.constant 0 : i32
    %c0_i32_0 = arith.constant 0 : i32
    %c0_i32_1 = arith.constant 0 : i32
    return %c0_i32, %c0_i32_0 : i32, i32
  }
  func.func @transform_10(%arg0: i32) -> (i32, i32) {
    %c0_i32 = arith.constant 0 : i32
    %c0_i32_0 = arith.constant 0 : i32
    return %arg0, %c0_i32 : i32, i32
  }
}

</mosaic_0001>

<sc_bundles>
// kernel: kernel.13.cloned.1.call-start
scs
__scs_entry_jumppad:
0x0: {  	(pc) =	sbr.rel $0x88, $3  }
0x1: {  	(tag) =	ssettag $0x0;
	lr =	simm.s32 $0x1  }
0x2: {  	[smem:$0x3F96] =	sst lr;
	_ =	strace $0xD0000000  }
0x3: {  	_ = 	snop  }
0x4: {  	_ = 	snop  }
0x5: {  	_ = 	snop  }
0x6: {  	_ = 	snop  }
0x7: {  	_ = 	snop  }
__scs_overlays_trampoline_lowered:
0x8: {  	[smem:$0x3FA5] =	sst s0  }
0x9: {  	[smem:$0x3FA6] =	sst s1  }
0xa: {  	[smem:$0x3FA7] =	sst s2  }
0xb: {  	[smem:$0x3FA8] =	sst s3  }
0xc: {  	[smem:$0x3FA9] =	sst s4  }
0xd: {  	[smem:$0x3FAA] =	sst s5  }
0xe: {  	[smem:$0x3FAB] =	sst s6  }
0xf: {  	[smem:$0x3FAC] =	sst s7  }
0x10: {  	[smem:$0x3FAD] =	sst s8  }
0x11: {  	[smem:$0x3FAE] =	sst s9;
	s0 =	simm.s32 @!p0 $0x0  }
0x12: {  	s1 =	sld [smem:$0x3F94];
	s0 =	simm.s32 @p0 $0x1  }
0x13: {  	[smem:$0x3FAF] =	sst s0;
	s0 =	simm.s32 @!p1 $0x0  }
0x14: {  	s2 =	sld [smem:$0x3F93];
	s0 =	simm.s32 @p1 $0x1  }
0x15: {  	[smem:$0x3FB0] =	sst s0;
	s0 =	simm.s32 @!p2 $0x0  }
0x16: {  	s3 =	sld [smem:$0x3FDB];
	s0 =	simm.s32 @p2 $0x1  }
0x17: {  	s4 =	simm.s32 $0x1BF5;
	[smem:$0x3FB2] =	sst s0  }
0x18: {  	s0 =	sld [smem:$0x3F95];
	_ =	swait.ge [sflag:s4], $0x0  }
0x19: {  	s7 =	sld [smem:$0x3F96]  }
0x1a: {  	s8 =	sadd.s32 $0xFFFFE003, lr  }
0x1b: {  	s9 =	sadd.s32 $0xFFFFFEF7, lr;
	s5 =	simm.s32 $0xFFFFFFFF;
	p2 =	slt.u32 s8, $0xFFFFF086  }
0x1c: {  	p1 =	slt.u32 s9, $0xF7A;
	s5 =	simm.s32 @!p2 $0x0  }
0x1d: {  	s5 =	simm.s32 @p1 $0x1;
	p0 =	seq.s32 s7, s2  }
0x1e: {  	s7 =	smul.u32 @!p0 $0xF7A, s2;
	p2 =	seq.s32 @!p0 s5, $0x0  }
0x1f: {  	s9 =	smul.u32 $0xF7A, s1;
	s8 =	simm.s32 @!p0 $0x1BF5;
	p2 =	por !p2, p0  }
0x20: {  	[sflag:s8] =	ssyncset.s32 @!p0 $0xFFFFF086;
	s6 =	sadd.s32 @!p0 s3, s7;
	s7 =	simm.s32 @!p0 $0x108  }
0x21: {  	s3 =	sadd.s32 s3, s9;
	s6 =	sadd.s32 @!p0 $0x88, s6;
	s7 =	simm.s32 @p2 $0x1082  }
0x22: {  	[simem:s7], [sflag:s8] =	dma.local @!p0 [hbm:s6], $0xF7A  }
0x23: {  	s9 =	sor.u32 $0xD0000000, s2;
	s6 =	simm.s32 $0x108;
	_ =	swait.ge @!p0 [sflag:s8], $0x0  }
0x24: {  	s3 =	sadd.s32 $0x88, s3;
	s6 =	simm.s32 @!p1 $0x1082;
	[sflag:s4] =	ssyncset.s32 $0xFFFFF086  }
0x25: {  	[simem:s6], [sflag:s4] =	dma.local [hbm:s3], $0xF7A  }
0x26: {  	[smem:$0x3F96] =	sst s1;
	(tag) =	ssettag s2;
	_ =	strace s9  }
0x27: {  	s1 =	sld [smem:$0x3FA6]  }
0x28: {  	s2 =	sld [smem:$0x3FA7]  }
0x29: {  	s4 =	sld [smem:$0x3FA9]  }
0x2a: {  	p0 =	seq.s32 s5, $0x0;
	s5 =	sld [smem:$0x3FAA]  }
0x2b: {  	s6 =	sld [smem:$0x3FAB]  }
0x2c: {  	s7 =	sld [smem:$0x3FAC]  }
0x2d: {  	s3 =	simm.s32 $0x108;
	s8 =	sld [smem:$0x3FAD]  }
0x2e: {  	s3 =	simm.s32 @!p0 $0x1082;
	s9 =	sld [smem:$0x3FAE]  }
0x2f: {  	lr =	sadd.s32 s0, s3;
	s0 =	sld [smem:$0x3FA5]  }
0x30: {  	s3 =	sld [smem:$0x3FA8]  }
0x31: {  	[smem:$0x3FB1] =	sst s10  }
0x32: {  	s10 =	sld [smem:$0x3FAF];
	_ =	sdelay $0x3  }
0x33: {  	p0 =	seq.s32 s10, $0x1;
	s10 =	sld [smem:$0x3FB1];
	_ =	sdelay $0x3  }
0x34: {  	[smem:$0x3FB1] =	sst s10  }
0x35: {  	s10 =	sld [smem:$0x3FB0];
	_ =	sdelay $0x3  }
0x36: {  	p1 =	seq.s32 s10, $0x1;
	s10 =	sld [smem:$0x3FB1];
	_ =	sdelay $0x3  }
0x37: {  	[smem:$0x3FB1] =	sst s10  }
0x38: {  	s10 =	sld [smem:$0x3FB2]  }
0x39: {  	_ = 	snop;
	(pc) =	sbr.ind lr, $3  }
0x3a: {  	_ = 	snop  }
0x3b: {  	_ = 	snop  }
0x3c: {  	p2 =	seq.s32 s10, $0x1;
	s10 =	sld [smem:$0x3FB1]  }
0x3d: {  	_ =	shalt  }
0x3e: {  	_ =	shalt  }
0x3f: {  	_ =	shalt  }
0x40: {  	_ =	shalt  }
0x41: {  	_ =	shalt  }
0x42: {  	_ =	shalt  }
0x43: {  	_ =	shalt  }
0x44: {  	_ =	shalt  }
0x45: {  	_ =	shalt  }
0x46: {  	_ =	shalt  }
0x47: {  	_ =	shalt  }
0x48: {  	_ =	shalt  }
0x49: {  	_ =	shalt  }
0x4a: {  	_ =	shalt  }
0x4b: {  	_ =	shalt  }
0x4c: {  	_ =	shalt  }
0x4d: {  	_ =	shalt  }
0x4e: {  	_ =	shalt  }
0x4f: {  	_ =	shalt  }
0x50: {  	_ =	shalt  }
0x51: {  	_ =	shalt  }
0x52: {  	_ =	shalt  }
0x53: {  	_ =	shalt  }
0x54: {  	_ =	shalt  }
0x55: {  	_ =	shalt  }
0x56: {  	_ =	shalt  }
0x57: {  	_ =	shalt  }
0x58: {  	_ =	shalt  }
0x59: {  	_ =	shalt  }
0x5a: {  	_ =	shalt  }
0x5b: {  	_ =	shalt  }
0x5c: {  	_ =	shalt  }
0x5d: {  	_ =	shalt  }
0x5e: {  	_ =	shalt  }
0x5f: {  	_ =	shalt  }
0x60: {  	_ =	shalt  }
0x61: {  	_ =	shalt  }
0x62: {  	_ =	shalt  }
0x63: {  	_ =	shalt  }
0x64: {  	_ =	shalt  }
0x65: {  	_ =	shalt  }
0x66: {  	_ =	shalt  }
0x67: {  	_ =	shalt  }
0x68: {  	_ =	shalt  }
0x69: {  	_ =	shalt  }
0x6a: {  	_ =	shalt  }
0x6b: {  	_ =	shalt  }
0x6c: {  	_ =	shalt  }
0x6d: {  	_ =	shalt  }
0x6e: {  	_ =	shalt  }
0x6f: {  	_ =	shalt  }
0x70: {  	_ =	shalt  }
0x71: {  	_ =	shalt  }
0x72: {  	_ =	shalt  }
0x73: {  	_ =	shalt  }
0x74: {  	_ =	shalt  }
0x75: {  	_ =	shalt  }
0x76: {  	_ =	shalt  }
0x77: {  	_ =	shalt  }
0x78: {  	_ =	shalt  }
0x79: {  	_ =	shalt  }
0x7a: {  	_ =	shalt  }
0x7b: {  	_ =	shalt  }
0x7c: {  	_ =	shalt  }
0x7d: {  	_ =	shalt  }
0x7e: {  	_ =	shalt  }
0x7f: {  	_ =	shalt  }
0x80: {  	_ =	shalt  }
0x81: {  	_ =	shalt  }
0x82: {  	_ =	shalt  }
0x83: {  	_ =	shalt  }
0x84: {  	_ =	shalt  }
0x85: {  	_ =	shalt  }
0x86: {  	_ =	shalt  }
0x87: {  	_ =	shalt  }
.Lfunc_end0:
.L_simem_size_0:
called_computation_lowered:
.L_overlay_start_0:
0x88: {  	s2 =	sld [smem:$0x3FD9]  }
0x89: {  	s3 =	sld [smem:$0x3FFE];
	_ =	sdelay $0x1  }
0x8a: {  	s1 =	srdreg.scid  }
0x8b: {  	s0 =	sand.u32 $0x1, s1  }
0x8c: {  	s17 =	sshll.u32 s0, $0xA;
	s2 =	sadd.s32 s3, s2  }
0x8d: {  	s2 =	sadd.s32 s2, s17  }
0x8e: {  	[smem:$0x3FBD] =	sst s2  }
0x8f: {  	_ = 	snop  }
0x90: {  	(tm) =	ssettm $0x1  }
0x91: {  	s18 =	sld [smem:$0x3FFB];
	_ =	sdelay $0x3  }
0x92: {  	_ =	strace s18  }
0x93: {  	s2 =	sld [smem:$0x3FFC];
	_ =	sdelay $0x3  }
0x94: {  	_ =	strace s2  }
0x95: {  	s2 =	sld [smem:$0x3FFD];
	_ =	sdelay $0x3  }
0x96: {  	_ =	strace s2  }
0x97: {  	_ =	strace $0x8FFFFFFF  }
0x98: {  	s19 =	sld [smem:$0x3FDB];
	_ =	sdelay $0x1  }
0x99: {  	s20 =	simm.s32 $_scs_section_size  }
0x9a: {  	s4 =	simm.s32 $_size__tile_overlayer_lowered;
	s5 =	simm.s32 $_tile_overlayer_lowered  }
0x9b: {  	s6 =	simm.s32 $0x1BFF;
	s21 =	sshll.u32 s5, $0x1;
	s3 =	sadd.s32 s20, s19  }
0x9c: {  	s22 =	simm.s32 $0x0;
	s4 =	sshll.u32 s4, $0x1;
	s5 =	sadd.s32 s21, s3  }
0x9d: {  	[timem:s22], [sflag:s6] =	dma.local [hbm:s5], s4  }
0x9e: {  	_ =	swait.ge [sflag:s6], s4  }
0x9f: {  	s4 =	ssub.s32 $0x0, s4;
	[sflag:s6] =	ssyncset.done $0x0  }
0xa0: {  	[sflag:s6] =	ssyncadd.s32 s4;
	_ =	sdelay $0x1  }
0xa1: {  	s23 =	simm.s32 $0x1B8B  }
0xa2: {  	_ =	swait.ge [sflag:s23], $0x1  }
0xa3: {  	[sflag:s23] =	ssyncset.done $0x0  }
0xa4: {  	[sflag:s23] =	ssyncadd.s32 $0xFFFFFFFF  }
0xa5: {  	s4 =	sld [smem:$0x0]  }
0xa6: {  	s5 =	sand.u32 $0xFFFFFFFE, s1  }
0xa7: {  	p0 =	sne.s32 s1, s5  }
0xa8: {  	s5 =	sshll.u32 @p0 s5, $0xE  }
0xa9: {  	s5 =	sadd.s32 @p0 $0x11B8D, s5;
	s6 =	sshll.u32 @p0 s4, $0x11  }
0xaa: {  	s5 =	sor.u32 @p0 s6, s5  }
0xab: {  	[sflag:s5] =	ssyncadd.remote.s32 @p0 $0x1;
	_ =	sdelay $0x1  }
0xac: {  	s5 =	simm.s32 @p0 $0x1B8D  }
0xad: {  	_ =	swait.eq @p0 [sflag:s5], $0x1  }
0xae: {  	[sflag:s5] =	ssyncadd.s32 @p0 $0xFFFFFFFF  }
0xaf: {  	s6 =	sshll.u32 @!p0 s1, $0xE  }
0xb0: {  	s6 =	sor.u32 @!p0 $0x4000, s6;
	s5 =	simm.s32 @!p0 $0x1B8D  }
0xb1: {  	s4 =	sshll.u32 @!p0 s4, $0x11;
	s6 =	sadd.s32 @!p0 $0x11B8D, s6;
	_ =	swait.eq @!p0 [sflag:s5], $0x1  }
0xb2: {  	s4 =	sor.u32 @!p0 s4, s6;
	[sflag:s5] =	ssyncadd.s32 @!p0 $0xFFFFFFFF  }
0xb3: {  	s25 =	simm.s32 $0x1B8E;
	s24 =	sld [smem:$0x3FFE];
	[sflag:s4] =	ssyncadd.remote.s32 @!p0 $0x1  }
0xb4: {  	s26 =	simm.s32 $execute0_lowered;
	[smem:$0x3FD2] =	sst s25  }
0xb5: {  	s5 =	sshll.u32 s26, $0x1;
	_ =	strace $0x80000049;
	[dreg:$0x1] =	wrdreg $0xFFFFFFFF  }
0xb6: {  	s28 =	simm.s32 $_size_execute0_lowered;
	s3 =	sadd.s32 s3, s5;
	[dreg:$0x0] =	wrdreg $0x0  }
0xb7: {  	s5 =	sshll.u32 s28, $0x1;
	[dreg:$0x2] =	wrdreg s3  }
0xb8: {  	[dreg:$0x3] =	wrdreg s5  }
0xb9: {  	[dreg:$0x4] =	wrdreg $0xC0  }
0xba: {  	_ =	task [dreg:s22], $0x5FFFF  }
0xbb: {  	[dreg:$0x1] =	wrdreg $0xFFFFFFFF  }
0xbc: {  	[dreg:$0x0] =	wrdreg $0x60  }
0xbd: {  	[dreg:$0x2] =	wrdreg s24  }
0xbe: {  	[dreg:$0x3] =	wrdreg $0x9  }
0xbf: {  	_ =	task.clear_ibuf [dreg:s22], $0x4FFFF;
	_ =	strace $0x90000049  }
0xc0: {  	s29 =	simm.s32 $0x9;
	_ =	strace $0x8000004B  }
0xc1: {  	_ =	swait.ge [sflag:s29], $0x1  }
0xc2: {  	[sflag:s29] =	ssyncadd.s32 $0xFFFFFFFF  }
0xc3: {  	_ =	strace $0x9000004B  }
0xc4: {  	_ =	sfence  }
0xc5: {  	s30 =	sld [smem:$0x0];
	_ =	sdelay $0x2  }
0xc6: {  	s31 =	sshll.u32 s1, $0xD;
	s1 =	sshrl.u32 s1, $0x2  }
0xc7: {  	s4 =	sand.u32 $0x4000, s31;
	s1 =	sadd.s32 s1, s30  }
0xc8: {  	s0 =	sor.u32 s4, s0;
	s1 =	sshll.u32 s1, $0x11  }
0xc9: {  	s0 =	sor.u32 s1, s0  }
0xca: {  	s0 =	sadd.s32 $0x8F2B, s0  }
0xcb: {  	[sflag:s0] =	ssyncadd.remote.s32 $0x1  }
0xcc: {  	_ =	sfence.sel $0xFFFF  }
0xcd: {  	[dreg:$0x0] =	wrdreg $0xFFFFFFFF;
	(pc) =	sbr.abs _section_cstart, $3  }
0xce: {  	[dreg:$0x1] =	wrdreg $0xFFFFFFFF  }
0xcf: {  	_ =	task.clear_ibuf [dreg:s22], $0x2FFFF;
	_ =	strace $0x9FFFFFFF  }
0xd0: {  	(tm) =	ssettm $0x7FFFFFFF  }
0xd1: {  	_ =	shalt  }
tec
execute0_lowered:
.L_overlay_start_1:
0x0: {  	(tag) =	ssettag $0x1  }
0x1: {  	s1 =	srdreg.scid  }
0x2: {  	s0 =	stileid.u32;
	s5 =	rddreg [dreg:$0x0];
	s2 =	simm.s32 $0x0  }
0x3: {  	s10 =	simm.s32 $0x4600;
	s11 =	simm.s32 $0x100;
	s12 =	simm.s32 $0x8600  }
0x4: {  	s13 =	simm.s32 $0x180;
	s14 =	simm.s32 $0xC600;
	s15 =	simm.s32 $0x1  }
0x5: {  	s16 =	simm.s32 $0x5;
	s17 =	simm.s32 $0x2;
	s18 =	simm.s32 $0x6  }
0x6: {  	s19 =	simm.s32 $0x3;
	s20 =	simm.s32 $0x7;
	s21 =	simm.s32 $0x4  }
0x7: {  	s22 =	simm.s32 $0x8;
	s23 =	simm.s32 $0x0;
	s4 =	sand.u32 $0x1, s1  }
0x8: {  	s3 =	smul.u32 $0xC, s0;
	s26 =	sshll.u32 s0, $0x2;
	s1 =	rddreg [dreg:$0x1]  }
0x9: {  	[smem:$0x7FF] =	sst s2;
	p0 =	seq.s32 s4, $0x0;
	s6 =	sor.u32 $0xC0, s26  }
0xa: {  	_ =	strace $0x8000004A;
	s8 =	ssub.s32 $0x2, s4;
	s4 =	simm.s32 $0xC  }
0xb: {  	s6 =	smov.u32 @p0 s3;
	s3 =	sadd.s32 $0x6400, s5;
	s28 =	sshrl.u32 s8, $0x1  }
0xc: {  	s4 =	simm.s32 @!p0 $0x4;
	s7 =	sshll.u32 s6, $0x4;
	s6 =	sshll.u32 s6, $0xB  }
0xd: {  	s29 =	ssub.s32 s8, s28;
	s30 =	sshll.u32 s4, $0xB;
	s8 =	simm.s32 $0x80  }
0xe: {  	s7 =	sadd.s32 s7, s5;
	s9 =	sadd.s32 s6, s5;
	s6 =	smax.u32 s29, $0x1  }
0xf: {  	[dreg:$0x2] =	wrdreg s30;
	s5 =	sadd.s32 $0xAD600, s7;
	s31 =	sadd.s32 $0xAE800, s9  }
0x10: {  	s7 =	simm.s32 $0x9;
	s9 =	simm.s32 $0x600;
	[dreg:$0x3] =	wrdreg s31  }
.LBB2_1:
0x11: {  	[tilespmem:s2], [sflag:$0x9] =	stream.linear.gather [hbm4b:s5+s2], $0x600, $0x38;
	[tilespmem:$0x10600] =	vst v63  }
0x12: {  	_ =	swait.ge [sflag:s7], $0x600  }
0x13: {  	[sflag:s7] =	ssyncset.done $0x0  }
0x14: {  	[sflag:s7] =	ssyncadd.s32 $0xFFFFFA00  }
0x15: {  	[tilespmem:s9], [sflag:$0x1] =	stream.indirect.gather [hbm4b:s3+s8], $0x80, s2, s8, $0xb8;
	[tilespmem:$0x10600] =	vst v63  }
0x16: {  	_ = 	snop  }
0x17: {  	[tilespmem:s10], [sflag:$0x2] =	stream.indirect.gather [hbm4b:s3+s8], $0x80, s8, s8, $0xb8;
	[tilespmem:$0x10600] =	vst v63  }
0x18: {  	_ = 	snop  }
0x19: {  	[tilespmem:s12], [sflag:$0x3] =	stream.indirect.gather [hbm4b:s3+s8], $0x80, s11, s8, $0xb8;
	[tilespmem:$0x10600] =	vst v63  }
0x1a: {  	s24 =	simm.s32 $0x200;
	s25 =	simm.s32 $0x4;
	s26 =	simm.s32 $0x0  }
0x1b: {  	[tilespmem:s14], [sflag:$0x4] =	stream.indirect.gather [hbm4b:s3+s8], $0x80, s13, s8, $0xb8;
	[tilespmem:$0x10600] =	vst v63  }
.LBB2_2:
0x1c: {  	_ =	swait.ge [sflag:s15], $0x4000  }
0x1d: {  	s28 =	rddreg [dreg:$0x3];
	[sflag:s15] =	ssyncset.done $0x0  }
0x1e: {  	[sflag:s15] =	ssyncadd.s32 $0xFFFFC000;
	s28 =	sadd.s32 s26, s28  }
0x1f: {  	[hbm4b:s28+s2] =	stream.linear.scatter [tilespmem:s9], [sflag:$0x5], $0x4000, $0x38;
	[tilespmem:$0x10600] =	vst v63  }
0x20: {  	_ =	swait.ge [sflag:s16], $0x4000  }
0x21: {  	p0 =	sge.u32 s25, s4;
	[sflag:s16] =	ssyncset.done $0x0  }
0x22: {  	s29 =	simm.s32 @!p0 $0x80;
	s30 =	simm.s32 @!p0 $0x600;
	[sflag:s16] =	ssyncadd.s32 $0xFFFFC000  }
0x23: {  	[tilespmem:s30], [sflag:$0x1] =	stream.indirect.gather @!p0 [hbm4b:s3+s29], $0x80, s24, s29, $0xb8;
	[tilespmem:$0x10600] =	vst v63  }
0x24: {  	_ =	swait.ge [sflag:s17], $0x4000  }
0x25: {  	[sflag:s17] =	ssyncset.done $0x0  }
0x26: {  	s31 =	sadd.s32 $0x800, s28;
	s30 =	sadd.s32 $0x1, s25;
	[sflag:s17] =	ssyncadd.s32 $0xFFFFC000  }
0x27: {  	[hbm4b:s31+s2] =	stream.linear.scatter [tilespmem:s10], [sflag:$0x6], $0x4000, $0x38;
	[tilespmem:$0x10600] =	vst v63  }
0x28: {  	p0 =	sge.u32 s30, s4;
	_ =	swait.ge [sflag:s18], $0x4000  }
0x29: {  	s29 =	sadd.s32 @!p0 $0x80, s24;
	[sflag:s18] =	ssyncset.done $0x0  }
0x2a: {  	s30 =	simm.s32 @!p0 $0x80;
	s31 =	simm.s32 @!p0 $0x4600;
	[sflag:s18] =	ssyncadd.s32 $0xFFFFC000  }
0x2b: {  	[tilespmem:s31], [sflag:$0x2] =	stream.indirect.gather @!p0 [hbm4b:s3+s30], $0x80, s29, s30, $0xb8;
	[tilespmem:$0x10600] =	vst v63  }
0x2c: {  	_ =	swait.ge [sflag:s19], $0x4000  }
0x2d: {  	[sflag:s19] =	ssyncset.done $0x0  }
0x2e: {  	s31 =	sadd.s32 $0x1000, s28;
	s30 =	sadd.s32 $0x2, s25;
	[sflag:s19] =	ssyncadd.s32 $0xFFFFC000  }
0x2f: {  	[hbm4b:s31+s2] =	stream.linear.scatter [tilespmem:s12], [sflag:$0x7], $0x4000, $0x38;
	[tilespmem:$0x10600] =	vst v63  }
0x30: {  	p0 =	sge.u32 s30, s4;
	_ =	swait.ge [sflag:s20], $0x4000  }
0x31: {  	s29 =	sadd.s32 @!p0 $0x100, s24;
	[sflag:s20] =	ssyncset.done $0x0  }
0x32: {  	s30 =	simm.s32 @!p0 $0x80;
	s31 =	simm.s32 @!p0 $0x8600;
	[sflag:s20] =	ssyncadd.s32 $0xFFFFC000  }
0x33: {  	[tilespmem:s31], [sflag:$0x3] =	stream.indirect.gather @!p0 [hbm4b:s3+s30], $0x80, s29, s30, $0xb8;
	[tilespmem:$0x10600] =	vst v63  }
0x34: {  	_ =	swait.ge [sflag:s21], $0x4000  }
0x35: {  	[sflag:s21] =	ssyncset.done $0x0  }
0x36: {  	s28 =	sadd.s32 $0x1800, s28;
	s31 =	sadd.s32 $0x3, s25;
	[sflag:s21] =	ssyncadd.s32 $0xFFFFC000  }
0x37: {  	[hbm4b:s28+s2] =	stream.linear.scatter [tilespmem:s14], [sflag:$0x8], $0x4000, $0x38;
	[tilespmem:$0x10600] =	vst v63  }
0x38: {  	s26 =	sadd.s32 $0x2000, s26;
	p0 =	sge.u32 s31, s4;
	_ =	swait.ge [sflag:s22], $0x4000  }
0x39: {  	s29 =	simm.s32 @!p0 $0x80;
	s30 =	simm.s32 @!p0 $0xC600;
	[sflag:s22] =	ssyncset.done $0x0  }
0x3a: {  	s28 =	sadd.s32 @!p0 $0x180, s24;
	s31 =	rddreg [dreg:$0x2];
	[sflag:s22] =	ssyncadd.s32 $0xFFFFC000  }
0x3b: {  	[tilespmem:s30], [sflag:$0x4] =	stream.indirect.gather @!p0 [hbm4b:s3+s29], $0x80, s28, s29, $0xb8;
	[tilespmem:$0x10600] =	vst v63  }
0x3c: {  	p0 =	sne.s32 s31, s26  }
.Ltmp0:
0x3d: {  	_ = 	snop;
	(pc) =	sbr.rel @p0 .LBB2_2-.Ltmp0, $2  }
0x3e: {  	_ =	sdelay $0x2  }
0x3f: {  	s25 =	sadd.s32 $0x4, s25;
	s24 =	sadd.s32 $0x200, s24  }
0x40: {  	s23 =	sadd.s32 $0x1, s23  }
0x41: {  	p0 =	sne.s32 s23, s6  }
.Ltmp1:
0x42: {  	_ = 	snop;
	(pc) =	sbr.rel @p0 .LBB2_1-.Ltmp1, $1  }
0x43: {  	_ =	sdelay $0x3  }
0x44: {  	_ =	sfence.sel $0x180000  }
0x45: {  	[bflag:$0x0] =	sbarrier.arrive $0xFFFF  }
0x46: {  	p0 =	sne.s32 s0, $0x0;
	_ =	strace $0x9000004A  }
0x47: {  	s0 =	sadd.s32 @!p0 $0x100000, s1;
	[bflag:$0x2] =	sbarrier.arrive $0xFFFF  }
0x48: {  	[sflag:s0] =	ssyncadd.tile.s32 @!p0 $0x1;
	_ =	shalt  }
.Lfunc_end2:
_tile_overlayer_lowered:
.L_overlay_start_2:
0x49: {  	(tag) =	ssettag $0x2  }
0x4a: {  	s0 =	rddreg [dreg:$0x0];
	s2 =	stileid.u32  }
0x4b: {  	s1 =	rddreg [dreg:$0x1];
	p0 =	sne.s32 s2, $0x0  }
0x4c: {  	s3 =	rddreg [dreg:$0x2];
	[bflag:$0x3] =	sbarrier.arrive $0xFFFF;
	s2 =	simm.s32 @!p0 $0x1C09  }
0x4d: {  	[timem:s3], [sflag:s2] =	dma.local @!p0 [hbm:s0], s1  }
0x4e: {  	s0 =	simm.s32 @!p0 $0x9  }
0x4f: {  	_ =	swait.ge @!p0 [sflag:s0], s1  }
0x50: {  	s1 =	ssub.s32 @!p0 $0x0, s1;
	[sflag:s0] =	ssyncset.done @!p0 $0x0  }
0x51: {  	[sflag:s0] =	ssyncadd.s32 @!p0 s1  }
0x52: {  	[bflag:$0x3] =	sbarrier.arrive $0xFFFF  }
0x53: {  	_ =	shalt  }

// kernel: kernel.16.cloned.1.call-start
scs
__scs_entry_jumppad:
0x0: {  	(pc) =	sbr.rel $0x88, $3  }
0x1: {  	(tag) =	ssettag $0x0;
	lr =	simm.s32 $0x1  }
0x2: {  	[smem:$0x3F96] =	sst lr;
	_ =	strace $0xD0000000  }
0x3: {  	_ = 	snop  }
0x4: {  	_ = 	snop  }
0x5: {  	_ = 	snop  }
0x6: {  	_ = 	snop  }
0x7: {  	_ = 	snop  }
__scs_overlays_trampoline_lowered:
0x8: {  	[smem:$0x3FA5] =	sst s0  }
0x9: {  	[smem:$0x3FA6] =	sst s1  }
0xa: {  	[smem:$0x3FA7] =	sst s2  }
0xb: {  	[smem:$0x3FA8] =	sst s3  }
0xc: {  	[smem:$0x3FA9] =	sst s4  }
0xd: {  	[smem:$0x3FAA] =	sst s5  }
0xe: {  	[smem:$0x3FAB] =	sst s6  }
0xf: {  	[smem:$0x3FAC] =	sst s7  }
0x10: {  	[smem:$0x3FAD] =	sst s8  }
0x11: {  	[smem:$0x3FAE] =	sst s9;
	s0 =	simm.s32 @!p0 $0x0  }
0x12: {  	s1 =	sld [smem:$0x3F94];
	s0 =	simm.s32 @p0 $0x1  }
0x13: {  	[smem:$0x3FAF] =	sst s0;
	s0 =	simm.s32 @!p1 $0x0  }
0x14: {  	s2 =	sld [smem:$0x3F93];
	s0 =	simm.s32 @p1 $0x1  }
0x15: {  	[smem:$0x3FB0] =	sst s0;
	s0 =	simm.s32 @!p2 $0x0  }
0x16: {  	s3 =	sld [smem:$0x3FDB];
	s0 =	simm.s32 @p2 $0x1  }
0x17: {  	s4 =	simm.s32 $0x1BF5;
	[smem:$0x3FB2] =	sst s0  }
0x18: {  	s0 =	sld [smem:$0x3F95];
	_ =	swait.ge [sflag:s4], $0x0  }
0x19: {  	s7 =	sld [smem:$0x3F96]  }
0x1a: {  	s8 =	sadd.s32 $0xFFFFE003, lr  }
0x1b: {  	s9 =	sadd.s32 $0xFFFFFEF7, lr;
	s5 =	simm.s32 $0xFFFFFFFF;
	p2 =	slt.u32 s8, $0xFFFFF086  }
0x1c: {  	p1 =	slt.u32 s9, $0xF7A;
	s5 =	simm.s32 @!p2 $0x0  }
0x1d: {  	s5 =	simm.s32 @p1 $0x1;
	p0 =	seq.s32 s7, s2  }
0x1e: {  	s7 =	smul.u32 @!p0 $0xF7A, s2;
	p2 =	seq.s32 @!p0 s5, $0x0  }
0x1f: {  	s9 =	smul.u32 $0xF7A, s1;
	s8 =	simm.s32 @!p0 $0x1BF5;
	p2 =	por !p2, p0  }
0x20: {  	[sflag:s8] =	ssyncset.s32 @!p0 $0xFFFFF086;
	s6 =	sadd.s32 @!p0 s3, s7;
	s7 =	simm.s32 @!p0 $0x108  }
0x21: {  	s3 =	sadd.s32 s3, s9;
	s6 =	sadd.s32 @!p0 $0x88, s6;
	s7 =	simm.s32 @p2 $0x1082  }
0x22: {  	[simem:s7], [sflag:s8] =	dma.local @!p0 [hbm:s6], $0xF7A  }
0x23: {  	s9 =	sor.u32 $0xD0000000, s2;
	s6 =	simm.s32 $0x108;
	_ =	swait.ge @!p0 [sflag:s8], $0x0  }
0x24: {  	s3 =	sadd.s32 $0x88, s3;
	s6 =	simm.s32 @!p1 $0x1082;
	[sflag:s4] =	ssyncset.s32 $0xFFFFF086  }
0x25: {  	[simem:s6], [sflag:s4] =	dma.local [hbm:s3], $0xF7A  }
0x26: {  	[smem:$0x3F96] =	sst s1;
	(tag) =	ssettag s2;
	_ =	strace s9  }
0x27: {  	s1 =	sld [smem:$0x3FA6]  }
0x28: {  	s2 =	sld [smem:$0x3FA7]  }
0x29: {  	s4 =	sld [smem:$0x3FA9]  }
0x2a: {  	p0 =	seq.s32 s5, $0x0;
	s5 =	sld [smem:$0x3FAA]  }
0x2b: {  	s6 =	sld [smem:$0x3FAB]  }
0x2c: {  	s7 =	sld [smem:$0x3FAC]  }
0x2d: {  	s3 =	simm.s32 $0x108;
	s8 =	sld [smem:$0x3FAD]  }
0x2e: {  	s3 =	simm.s32 @!p0 $0x1082;
	s9 =	sld [smem:$0x3FAE]  }
0x2f: {  	lr =	sadd.s32 s0, s3;
	s0 =	sld [smem:$0x3FA5]  }
0x30: {  	s3 =	sld [smem:$0x3FA8]  }
0x31: {  	[smem:$0x3FB1] =	sst s10  }
0x32: {  	s10 =	sld [smem:$0x3FAF];
	_ =	sdelay $0x3  }
0x33: {  	p0 =	seq.s32 s10, $0x1;
	s10 =	sld [smem:$0x3FB1];
	_ =	sdelay $0x3  }
0x34: {  	[smem:$0x3FB1] =	sst s10  }
0x35: {  	s10 =	sld [smem:$0x3FB0];
	_ =	sdelay $0x3  }
0x36: {  	p1 =	seq.s32 s10, $0x1;
	s10 =	sld [smem:$0x3FB1];
	_ =	sdelay $0x3  }
0x37: {  	[smem:$0x3FB1] =	sst s10  }
0x38: {  	s10 =	sld [smem:$0x3FB2]  }
0x39: {  	_ = 	snop;
	(pc) =	sbr.ind lr, $3  }
0x3a: {  	_ = 	snop  }
0x3b: {  	_ = 	snop  }
0x3c: {  	p2 =	seq.s32 s10, $0x1;
	s10 =	sld [smem:$0x3FB1]  }
0x3d: {  	_ =	shalt  }
0x3e: {  	_ =	shalt  }
0x3f: {  	_ =	shalt  }
0x40: {  	_ =	shalt  }
0x41: {  	_ =	shalt  }
0x42: {  	_ =	shalt  }
0x43: {  	_ =	shalt  }
0x44: {  	_ =	shalt  }
0x45: {  	_ =	shalt  }
0x46: {  	_ =	shalt  }
0x47: {  	_ =	shalt  }
0x48: {  	_ =	shalt  }
0x49: {  	_ =	shalt  }
0x4a: {  	_ =	shalt  }
0x4b: {  	_ =	shalt  }
0x4c: {  	_ =	shalt  }
0x4d: {  	_ =	shalt  }
0x4e: {  	_ =	shalt  }
0x4f: {  	_ =	shalt  }
0x50: {  	_ =	shalt  }
0x51: {  	_ =	shalt  }
0x52: {  	_ =	shalt  }
0x53: {  	_ =	shalt  }
0x54: {  	_ =	shalt  }
0x55: {  	_ =	shalt  }
0x56: {  	_ =	shalt  }
0x57: {  	_ =	shalt  }
0x58: {  	_ =	shalt  }
0x59: {  	_ =	shalt  }
0x5a: {  	_ =	shalt  }
0x5b: {  	_ =	shalt  }
0x5c: {  	_ =	shalt  }
0x5d: {  	_ =	shalt  }
0x5e: {  	_ =	shalt  }
0x5f: {  	_ =	shalt  }
0x60: {  	_ =	shalt  }
0x61: {  	_ =	shalt  }
0x62: {  	_ =	shalt  }
0x63: {  	_ =	shalt  }
0x64: {  	_ =	shalt  }
0x65: {  	_ =	shalt  }
0x66: {  	_ =	shalt  }
0x67: {  	_ =	shalt  }
0x68: {  	_ =	shalt  }
0x69: {  	_ =	shalt  }
0x6a: {  	_ =	shalt  }
0x6b: {  	_ =	shalt  }
0x6c: {  	_ =	shalt  }
0x6d: {  	_ =	shalt  }
0x6e: {  	_ =	shalt  }
0x6f: {  	_ =	shalt  }
0x70: {  	_ =	shalt  }
0x71: {  	_ =	shalt  }
0x72: {  	_ =	shalt  }
0x73: {  	_ =	shalt  }
0x74: {  	_ =	shalt  }
0x75: {  	_ =	shalt  }
0x76: {  	_ =	shalt  }
0x77: {  	_ =	shalt  }
0x78: {  	_ =	shalt  }
0x79: {  	_ =	shalt  }
0x7a: {  	_ =	shalt  }
0x7b: {  	_ =	shalt  }
0x7c: {  	_ =	shalt  }
0x7d: {  	_ =	shalt  }
0x7e: {  	_ =	shalt  }
0x7f: {  	_ =	shalt  }
0x80: {  	_ =	shalt  }
0x81: {  	_ =	shalt  }
0x82: {  	_ =	shalt  }
0x83: {  	_ =	shalt  }
0x84: {  	_ =	shalt  }
0x85: {  	_ =	shalt  }
0x86: {  	_ =	shalt  }
0x87: {  	_ =	shalt  }
.Lfunc_end0:
.L_simem_size_0:
called_computation.1_lowered:
.L_overlay_start_0:
0x88: {  	s2 =	sld [smem:$0x3FD9]  }
0x89: {  	s3 =	sld [smem:$0x3FFE];
	_ =	sdelay $0x1  }
0x8a: {  	s1 =	srdreg.scid  }
0x8b: {  	s0 =	sand.u32 $0x1, s1  }
0x8c: {  	s16 =	sshll.u32 s0, $0xA;
	s2 =	sadd.s32 s3, s2  }
0x8d: {  	s2 =	sadd.s32 s2, s16  }
0x8e: {  	[smem:$0x3FBD] =	sst s2  }
0x8f: {  	_ = 	snop  }
0x90: {  	(tm) =	ssettm $0x1  }
0x91: {  	s17 =	sld [smem:$0x3FFB];
	_ =	sdelay $0x3  }
0x92: {  	_ =	strace s17  }
0x93: {  	s2 =	sld [smem:$0x3FFC];
	_ =	sdelay $0x3  }
0x94: {  	_ =	strace s2  }
0x95: {  	s2 =	sld [smem:$0x3FFD];
	_ =	sdelay $0x3  }
0x96: {  	_ =	strace s2  }
0x97: {  	_ =	strace $0x8FFFFFFF  }
0x98: {  	s18 =	sld [smem:$0x3FDB];
	_ =	sdelay $0x1  }
0x99: {  	s19 =	simm.s32 $_scs_section_size  }
0x9a: {  	s4 =	simm.s32 $_size__tile_overlayer_lowered;
	s5 =	simm.s32 $_tile_overlayer_lowered  }
0x9b: {  	s22 =	simm.s32 $0x1BFF;
	s21 =	sshll.u32 s5, $0x1;
	s2 =	sadd.s32 s19, s18  }
0x9c: {  	s6 =	simm.s32 $0x0;
	s20 =	sshll.u32 s4, $0x1;
	s4 =	sadd.s32 s21, s2  }
0x9d: {  	[timem:s6], [sflag:s22] =	dma.local [hbm:s4], s20  }
0x9e: {  	_ =	swait.ge [sflag:s22], s20  }
0x9f: {  	s3 =	ssub.s32 $0x0, s20;
	[sflag:s22] =	ssyncset.done $0x0  }
0xa0: {  	[sflag:s22] =	ssyncadd.s32 s3;
	_ =	sdelay $0x1  }
0xa1: {  	s23 =	simm.s32 $0x1B8B  }
0xa2: {  	_ =	swait.ge [sflag:s23], $0x1  }
0xa3: {  	[sflag:s23] =	ssyncset.done $0x0  }
0xa4: {  	s25 =	simm.s32 $0x1B8E;
	s24 =	sld [smem:$0x3FFE];
	[sflag:s23] =	ssyncadd.s32 $0xFFFFFFFF  }
0xa5: {  	s26 =	simm.s32 $execute0_lowered;
	[smem:$0x3FD2] =	sst s25  }
0xa6: {  	s4 =	sshll.u32 s26, $0x1;
	_ =	strace $0x80000046;
	[dreg:$0x1] =	wrdreg $0xFFFFFFFF  }
0xa7: {  	s28 =	simm.s32 $_size_execute0_lowered;
	s2 =	sadd.s32 s2, s4;
	[dreg:$0x0] =	wrdreg $0x0  }
0xa8: {  	s4 =	sshll.u32 s28, $0x1;
	[dreg:$0x2] =	wrdreg s2  }
0xa9: {  	[dreg:$0x3] =	wrdreg s4  }
0xaa: {  	[dreg:$0x4] =	wrdreg $0xC0  }
0xab: {  	_ =	task [dreg:s6], $0x5FFFF  }
0xac: {  	[dreg:$0x1] =	wrdreg $0xFFFFFFFF  }
0xad: {  	[dreg:$0x0] =	wrdreg $0x60  }
0xae: {  	[dreg:$0x2] =	wrdreg s24  }
0xaf: {  	[dreg:$0x3] =	wrdreg $0xA  }
0xb0: {  	_ =	task.clear_ibuf [dreg:s6], $0x4FFFF;
	_ =	strace $0x90000046  }
0xb1: {  	s29 =	simm.s32 $0xA;
	_ =	strace $0x80000048  }
0xb2: {  	_ =	swait.ge [sflag:s29], $0x1  }
0xb3: {  	[sflag:s29] =	ssyncadd.s32 $0xFFFFFFFF  }
0xb4: {  	_ =	strace $0x90000048  }
0xb5: {  	_ =	sfence  }
0xb6: {  	s30 =	sld [smem:$0x0];
	_ =	sdelay $0x2  }
0xb7: {  	s31 =	sshll.u32 s1, $0xD;
	s1 =	sshrl.u32 s1, $0x2  }
0xb8: {  	s3 =	sand.u32 $0x4000, s31;
	s1 =	sadd.s32 s1, s30  }
0xb9: {  	s0 =	sor.u32 s3, s0;
	s1 =	sshll.u32 s1, $0x11  }
0xba: {  	s0 =	sor.u32 s1, s0  }
0xbb: {  	s0 =	sadd.s32 $0x8F2B, s0  }
0xbc: {  	[sflag:s0] =	ssyncadd.remote.s32 $0x1  }
0xbd: {  	_ =	sfence.sel $0xFFFF  }
0xbe: {  	[dreg:$0x0] =	wrdreg $0xFFFFFFFF;
	(pc) =	sbr.abs _section_cstart, $3  }
0xbf: {  	[dreg:$0x1] =	wrdreg $0xFFFFFFFF  }
0xc0: {  	_ =	task.clear_ibuf [dreg:s6], $0x2FFFF;
	_ =	strace $0x9FFFFFFF  }
0xc1: {  	(tm) =	ssettm $0x7FFFFFFF  }
tec
execute0_lowered:
.L_overlay_start_1:
0x0: {  	(tag) =	ssettag $0x1  }
0x1: {  	s1 =	srdreg.scid  }
0x2: {  	s0 =	stileid.u32;
	s5 =	rddreg [dreg:$0x0];
	s2 =	simm.s32 $0x0  }
0x3: {  	s10 =	simm.s32 $0x4600;
	s11 =	simm.s32 $0x100;
	s12 =	simm.s32 $0x8600  }
0x4: {  	s13 =	simm.s32 $0x180;
	s14 =	simm.s32 $0xC600;
	s15 =	simm.s32 $0x1  }
0x5: {  	s16 =	simm.s32 $0x5;
	s17 =	simm.s32 $0x2;
	s18 =	simm.s32 $0x6  }
0x6: {  	s19 =	simm.s32 $0x3;
	s20 =	simm.s32 $0x7;
	s21 =	simm.s32 $0x4  }
0x7: {  	s22 =	simm.s32 $0x8;
	s23 =	simm.s32 $0x0;
	s4 =	sand.u32 $0x1, s1  }
0x8: {  	s3 =	smul.u32 $0xC, s0;
	s26 =	sshll.u32 s0, $0x2;
	s1 =	rddreg [dreg:$0x1]  }
0x9: {  	[smem:$0x7FF] =	sst s2;
	p0 =	seq.s32 s4, $0x0;
	s6 =	sor.u32 $0xC0, s26  }
0xa: {  	_ =	strace $0x80000047;
	s8 =	ssub.s32 $0x2, s4;
	s4 =	simm.s32 $0xC  }
0xb: {  	s6 =	smov.u32 @p0 s3;
	s3 =	sadd.s32 $0x6400, s5;
	s28 =	sshrl.u32 s8, $0x1  }
0xc: {  	s4 =	simm.s32 @!p0 $0x4;
	s7 =	sshll.u32 s6, $0x4;
	s6 =	sshll.u32 s6, $0xB  }
0xd: {  	s29 =	ssub.s32 s8, s28;
	s30 =	sshll.u32 s4, $0xB;
	s8 =	simm.s32 $0x80  }
0xe: {  	s7 =	sadd.s32 s7, s5;
	s9 =	sadd.s32 s6, s5;
	s6 =	smax.u32 s29, $0x1  }
0xf: {  	[dreg:$0x2] =	wrdreg s30;
	s5 =	sadd.s32 $0x5200, s7;
	s31 =	sadd.s32 $0x2D600, s9  }
0x10: {  	s7 =	simm.s32 $0x9;
	s9 =	simm.s32 $0x600;
	[dreg:$0x3] =	wrdreg s31  }
.LBB2_1:
0x11: {  	[tilespmem:s2], [sflag:$0x9] =	stream.linear.gather [hbm4b:s5+s2], $0x600, $0x38;
	[tilespmem:$0x10600] =	vst v63  }
0x12: {  	_ =	swait.ge [sflag:s7], $0x600  }
0x13: {  	[sflag:s7] =	ssyncset.done $0x0  }
0x14: {  	[sflag:s7] =	ssyncadd.s32 $0xFFFFFA00  }
0x15: {  	[tilespmem:s9], [sflag:$0x1] =	stream.indirect.gather [hbm4b:s3+s8], $0x80, s2, s8, $0xb8;
	[tilespmem:$0x10600] =	vst v63  }
0x16: {  	_ = 	snop  }
0x17: {  	[tilespmem:s10], [sflag:$0x2] =	stream.indirect.gather [hbm4b:s3+s8], $0x80, s8, s8, $0xb8;
	[tilespmem:$0x10600] =	vst v63  }
0x18: {  	_ = 	snop  }
0x19: {  	[tilespmem:s12], [sflag:$0x3] =	stream.indirect.gather [hbm4b:s3+s8], $0x80, s11, s8, $0xb8;
	[tilespmem:$0x10600] =	vst v63  }
0x1a: {  	s24 =	simm.s32 $0x200;
	s25 =	simm.s32 $0x4;
	s26 =	simm.s32 $0x0  }
0x1b: {  	[tilespmem:s14], [sflag:$0x4] =	stream.indirect.gather [hbm4b:s3+s8], $0x80, s13, s8, $0xb8;
	[tilespmem:$0x10600] =	vst v63  }
.LBB2_2:
0x1c: {  	_ =	swait.ge [sflag:s15], $0x4000  }
0x1d: {  	s28 =	rddreg [dreg:$0x3];
	[sflag:s15] =	ssyncset.done $0x0  }
0x1e: {  	[sflag:s15] =	ssyncadd.s32 $0xFFFFC000;
	s28 =	sadd.s32 s26, s28  }
0x1f: {  	[hbm4b:s28+s2] =	stream.linear.scatter [tilespmem:s9], [sflag:$0x5], $0x4000, $0x38;
	[tilespmem:$0x10600] =	vst v63  }
0x20: {  	_ =	swait.ge [sflag:s16], $0x4000  }
0x21: {  	p0 =	sge.u32 s25, s4;
	[sflag:s16] =	ssyncset.done $0x0  }
0x22: {  	s29 =	simm.s32 @!p0 $0x80;
	s30 =	simm.s32 @!p0 $0x600;
	[sflag:s16] =	ssyncadd.s32 $0xFFFFC000  }
0x23: {  	[tilespmem:s30], [sflag:$0x1] =	stream.indirect.gather @!p0 [hbm4b:s3+s29], $0x80, s24, s29, $0xb8;
	[tilespmem:$0x10600] =	vst v63  }
0x24: {  	_ =	swait.ge [sflag:s17], $0x4000  }
0x25: {  	[sflag:s17] =	ssyncset.done $0x0  }
0x26: {  	s31 =	sadd.s32 $0x800, s28;
	s30 =	sadd.s32 $0x1, s25;
	[sflag:s17] =	ssyncadd.s32 $0xFFFFC000  }
0x27: {  	[hbm4b:s31+s2] =	stream.linear.scatter [tilespmem:s10], [sflag:$0x6], $0x4000, $0x38;
	[tilespmem:$0x10600] =	vst v63  }
0x28: {  	p0 =	sge.u32 s30, s4;
	_ =	swait.ge [sflag:s18], $0x4000  }
0x29: {  	s29 =	sadd.s32 @!p0 $0x80, s24;
	[sflag:s18] =	ssyncset.done $0x0  }
0x2a: {  	s30 =	simm.s32 @!p0 $0x80;
	s31 =	simm.s32 @!p0 $0x4600;
	[sflag:s18] =	ssyncadd.s32 $0xFFFFC000  }
0x2b: {  	[tilespmem:s31], [sflag:$0x2] =	stream.indirect.gather @!p0 [hbm4b:s3+s30], $0x80, s29, s30, $0xb8;
	[tilespmem:$0x10600] =	vst v63  }
0x2c: {  	_ =	swait.ge [sflag:s19], $0x4000  }
0x2d: {  	[sflag:s19] =	ssyncset.done $0x0  }
0x2e: {  	s31 =	sadd.s32 $0x1000, s28;
	s30 =	sadd.s32 $0x2, s25;
	[sflag:s19] =	ssyncadd.s32 $0xFFFFC000  }
0x2f: {  	[hbm4b:s31+s2] =	stream.linear.scatter [tilespmem:s12], [sflag:$0x7], $0x4000, $0x38;
	[tilespmem:$0x10600] =	vst v63  }
0x30: {  	p0 =	sge.u32 s30, s4;
	_ =	swait.ge [sflag:s20], $0x4000  }
0x31: {  	s29 =	sadd.s32 @!p0 $0x100, s24;
	[sflag:s20] =	ssyncset.done $0x0  }
0x32: {  	s30 =	simm.s32 @!p0 $0x80;
	s31 =	simm.s32 @!p0 $0x8600;
	[sflag:s20] =	ssyncadd.s32 $0xFFFFC000  }
0x33: {  	[tilespmem:s31], [sflag:$0x3] =	stream.indirect.gather @!p0 [hbm4b:s3+s30], $0x80, s29, s30, $0xb8;
	[tilespmem:$0x10600] =	vst v63  }
0x34: {  	_ =	swait.ge [sflag:s21], $0x4000  }
0x35: {  	[sflag:s21] =	ssyncset.done $0x0  }
0x36: {  	s28 =	sadd.s32 $0x1800, s28;
	s31 =	sadd.s32 $0x3, s25;
	[sflag:s21] =	ssyncadd.s32 $0xFFFFC000  }
0x37: {  	[hbm4b:s28+s2] =	stream.linear.scatter [tilespmem:s14], [sflag:$0x8], $0x4000, $0x38;
	[tilespmem:$0x10600] =	vst v63  }
0x38: {  	s26 =	sadd.s32 $0x2000, s26;
	p0 =	sge.u32 s31, s4;
	_ =	swait.ge [sflag:s22], $0x4000  }
0x39: {  	s29 =	simm.s32 @!p0 $0x80;
	s30 =	simm.s32 @!p0 $0xC600;
	[sflag:s22] =	ssyncset.done $0x0  }
0x3a: {  	s28 =	sadd.s32 @!p0 $0x180, s24;
	s31 =	rddreg [dreg:$0x2];
	[sflag:s22] =	ssyncadd.s32 $0xFFFFC000  }
0x3b: {  	[tilespmem:s30], [sflag:$0x4] =	stream.indirect.gather @!p0 [hbm4b:s3+s29], $0x80, s28, s29, $0xb8;
	[tilespmem:$0x10600] =	vst v63  }
0x3c: {  	p0 =	sne.s32 s31, s26  }
.Ltmp0:
0x3d: {  	_ = 	snop;
	(pc) =	sbr.rel @p0 .LBB2_2-.Ltmp0, $2  }
0x3e: {  	_ =	sdelay $0x2  }
0x3f: {  	s25 =	sadd.s32 $0x4, s25;
	s24 =	sadd.s32 $0x200, s24  }
0x40: {  	s23 =	sadd.s32 $0x1, s23  }
0x41: {  	p0 =	sne.s32 s23, s6  }
.Ltmp1:
0x42: {  	_ = 	snop;
	(pc) =	sbr.rel @p0 .LBB2_1-.Ltmp1, $1  }
0x43: {  	_ =	sdelay $0x3  }
0x44: {  	_ =	sfence.sel $0x180000  }
0x45: {  	[bflag:$0x0] =	sbarrier.arrive $0xFFFF  }
0x46: {  	p0 =	sne.s32 s0, $0x0;
	_ =	strace $0x90000047  }
0x47: {  	s0 =	sadd.s32 @!p0 $0x100000, s1;
	[bflag:$0x2] =	sbarrier.arrive $0xFFFF  }
0x48: {  	[sflag:s0] =	ssyncadd.tile.s32 @!p0 $0x1;
	_ =	shalt  }
.Lfunc_end2:
_tile_overlayer_lowered:
.L_overlay_start_2:
0x49: {  	(tag) =	ssettag $0x2  }
0x4a: {  	s0 =	rddreg [dreg:$0x0];
	s2 =	stileid.u32  }
0x4b: {  	s1 =	rddreg [dreg:$0x1];
	p0 =	sne.s32 s2, $0x0  }
0x4c: {  	s3 =	rddreg [dreg:$0x2];
	[bflag:$0x3] =	sbarrier.arrive $0xFFFF;
	s2 =	simm.s32 @!p0 $0x1C09  }
0x4d: {  	[timem:s3], [sflag:s2] =	dma.local @!p0 [hbm:s0], s1  }
0x4e: {  	s0 =	simm.s32 @!p0 $0x9  }
0x4f: {  	_ =	swait.ge @!p0 [sflag:s0], s1  }
0x50: {  	s1 =	ssub.s32 @!p0 $0x0, s1;
	[sflag:s0] =	ssyncset.done @!p0 $0x0  }
0x51: {  	[sflag:s0] =	ssyncadd.s32 @!p0 s1  }
0x52: {  	[bflag:$0x3] =	sbarrier.arrive $0xFFFF  }
0x53: {  	_ =	shalt  }

// kernel: kernel.19.cloned.1.call-start
scs
__scs_entry_jumppad:
0x0: {  	(pc) =	sbr.rel $0x88, $3  }
0x1: {  	(tag) =	ssettag $0x0;
	lr =	simm.s32 $0x1  }
0x2: {  	[smem:$0x3F96] =	sst lr;
	_ =	strace $0xD0000000  }
0x3: {  	_ = 	snop  }
0x4: {  	_ = 	snop  }
0x5: {  	_ = 	snop  }
0x6: {  	_ = 	snop  }
0x7: {  	_ = 	snop  }
__scs_overlays_trampoline_lowered:
0x8: {  	[smem:$0x3FA5] =	sst s0  }
0x9: {  	[smem:$0x3FA6] =	sst s1  }
0xa: {  	[smem:$0x3FA7] =	sst s2  }
0xb: {  	[smem:$0x3FA8] =	sst s3  }
0xc: {  	[smem:$0x3FA9] =	sst s4  }
0xd: {  	[smem:$0x3FAA] =	sst s5  }
0xe: {  	[smem:$0x3FAB] =	sst s6  }
0xf: {  	[smem:$0x3FAC] =	sst s7  }
0x10: {  	[smem:$0x3FAD] =	sst s8  }
0x11: {  	[smem:$0x3FAE] =	sst s9;
	s0 =	simm.s32 @!p0 $0x0  }
0x12: {  	s1 =	sld [smem:$0x3F94];
	s0 =	simm.s32 @p0 $0x1  }
0x13: {  	[smem:$0x3FAF] =	sst s0;
	s0 =	simm.s32 @!p1 $0x0  }
0x14: {  	s2 =	sld [smem:$0x3F93];
	s0 =	simm.s32 @p1 $0x1  }
0x15: {  	[smem:$0x3FB0] =	sst s0;
	s0 =	simm.s32 @!p2 $0x0  }
0x16: {  	s3 =	sld [smem:$0x3FDB];
	s0 =	simm.s32 @p2 $0x1  }
0x17: {  	s4 =	simm.s32 $0x1BF5;
	[smem:$0x3FB2] =	sst s0  }
0x18: {  	s0 =	sld [smem:$0x3F95];
	_ =	swait.ge [sflag:s4], $0x0  }
0x19: {  	s7 =	sld [smem:$0x3F96]  }
0x1a: {  	s8 =	sadd.s32 $0xFFFFE003, lr  }
0x1b: {  	s9 =	sadd.s32 $0xFFFFFEF7, lr;
	s5 =	simm.s32 $0xFFFFFFFF;
	p2 =	slt.u32 s8, $0xFFFFF086  }
0x1c: {  	p1 =	slt.u32 s9, $0xF7A;
	s5 =	simm.s32 @!p2 $0x0  }
0x1d: {  	s5 =	simm.s32 @p1 $0x1;
	p0 =	seq.s32 s7, s2  }
0x1e: {  	s7 =	smul.u32 @!p0 $0xF7A, s2;
	p2 =	seq.s32 @!p0 s5, $0x0  }
0x1f: {  	s9 =	smul.u32 $0xF7A, s1;
	s8 =	simm.s32 @!p0 $0x1BF5;
	p2 =	por !p2, p0  }
0x20: {  	[sflag:s8] =	ssyncset.s32 @!p0 $0xFFFFF086;
	s6 =	sadd.s32 @!p0 s3, s7;
	s7 =	simm.s32 @!p0 $0x108  }
0x21: {  	s3 =	sadd.s32 s3, s9;
	s6 =	sadd.s32 @!p0 $0x88, s6;
	s7 =	simm.s32 @p2 $0x1082  }
0x22: {  	[simem:s7], [sflag:s8] =	dma.local @!p0 [hbm:s6], $0xF7A  }
0x23: {  	s9 =	sor.u32 $0xD0000000, s2;
	s6 =	simm.s32 $0x108;
	_ =	swait.ge @!p0 [sflag:s8], $0x0  }
0x24: {  	s3 =	sadd.s32 $0x88, s3;
	s6 =	simm.s32 @!p1 $0x1082;
	[sflag:s4] =	ssyncset.s32 $0xFFFFF086  }
0x25: {  	[simem:s6], [sflag:s4] =	dma.local [hbm:s3], $0xF7A  }
0x26: {  	[smem:$0x3F96] =	sst s1;
	(tag) =	ssettag s2;
	_ =	strace s9  }
0x27: {  	s1 =	sld [smem:$0x3FA6]  }
0x28: {  	s2 =	sld [smem:$0x3FA7]  }
0x29: {  	s4 =	sld [smem:$0x3FA9]  }
0x2a: {  	p0 =	seq.s32 s5, $0x0;
	s5 =	sld [smem:$0x3FAA]  }
0x2b: {  	s6 =	sld [smem:$0x3FAB]  }
0x2c: {  	s7 =	sld [smem:$0x3FAC]  }
0x2d: {  	s3 =	simm.s32 $0x108;
	s8 =	sld [smem:$0x3FAD]  }
0x2e: {  	s3 =	simm.s32 @!p0 $0x1082;
	s9 =	sld [smem:$0x3FAE]  }
0x2f: {  	lr =	sadd.s32 s0, s3;
	s0 =	sld [smem:$0x3FA5]  }
0x30: {  	s3 =	sld [smem:$0x3FA8]  }
0x31: {  	[smem:$0x3FB1] =	sst s10  }
0x32: {  	s10 =	sld [smem:$0x3FAF];
	_ =	sdelay $0x3  }
0x33: {  	p0 =	seq.s32 s10, $0x1;
	s10 =	sld [smem:$0x3FB1];
	_ =	sdelay $0x3  }
0x34: {  	[smem:$0x3FB1] =	sst s10  }
0x35: {  	s10 =	sld [smem:$0x3FB0];
	_ =	sdelay $0x3  }
0x36: {  	p1 =	seq.s32 s10, $0x1;
	s10 =	sld [smem:$0x3FB1];
	_ =	sdelay $0x3  }
0x37: {  	[smem:$0x3FB1] =	sst s10  }
0x38: {  	s10 =	sld [smem:$0x3FB2]  }
0x39: {  	_ = 	snop;
	(pc) =	sbr.ind lr, $3  }
0x3a: {  	_ = 	snop  }
0x3b: {  	_ = 	snop  }
0x3c: {  	p2 =	seq.s32 s10, $0x1;
	s10 =	sld [smem:$0x3FB1]  }
0x3d: {  	_ =	shalt  }
0x3e: {  	_ =	shalt  }
0x3f: {  	_ =	shalt  }
0x40: {  	_ =	shalt  }
0x41: {  	_ =	shalt  }
0x42: {  	_ =	shalt  }
0x43: {  	_ =	shalt  }
0x44: {  	_ =	shalt  }
0x45: {  	_ =	shalt  }
0x46: {  	_ =	shalt  }
0x47: {  	_ =	shalt  }
0x48: {  	_ =	shalt  }
0x49: {  	_ =	shalt  }
0x4a: {  	_ =	shalt  }
0x4b: {  	_ =	shalt  }
0x4c: {  	_ =	shalt  }
0x4d: {  	_ =	shalt  }
0x4e: {  	_ =	shalt  }
0x4f: {  	_ =	shalt  }
0x50: {  	_ =	shalt  }
0x51: {  	_ =	shalt  }
0x52: {  	_ =	shalt  }
0x53: {  	_ =	shalt  }
0x54: {  	_ =	shalt  }
0x55: {  	_ =	shalt  }
0x56: {  	_ =	shalt  }
0x57: {  	_ =	shalt  }
0x58: {  	_ =	shalt  }
0x59: {  	_ =	shalt  }
0x5a: {  	_ =	shalt  }
0x5b: {  	_ =	shalt  }
0x5c: {  	_ =	shalt  }
0x5d: {  	_ =	shalt  }
0x5e: {  	_ =	shalt  }
0x5f: {  	_ =	shalt  }
0x60: {  	_ =	shalt  }
0x61: {  	_ =	shalt  }
0x62: {  	_ =	shalt  }
0x63: {  	_ =	shalt  }
0x64: {  	_ =	shalt  }
0x65: {  	_ =	shalt  }
0x66: {  	_ =	shalt  }
0x67: {  	_ =	shalt  }
0x68: {  	_ =	shalt  }
0x69: {  	_ =	shalt  }
0x6a: {  	_ =	shalt  }
0x6b: {  	_ =	shalt  }
0x6c: {  	_ =	shalt  }
0x6d: {  	_ =	shalt  }
0x6e: {  	_ =	shalt  }
0x6f: {  	_ =	shalt  }
0x70: {  	_ =	shalt  }
0x71: {  	_ =	shalt  }
0x72: {  	_ =	shalt  }
0x73: {  	_ =	shalt  }
0x74: {  	_ =	shalt  }
0x75: {  	_ =	shalt  }
0x76: {  	_ =	shalt  }
0x77: {  	_ =	shalt  }
0x78: {  	_ =	shalt  }
0x79: {  	_ =	shalt  }
0x7a: {  	_ =	shalt  }
0x7b: {  	_ =	shalt  }
0x7c: {  	_ =	shalt  }
0x7d: {  	_ =	shalt  }
0x7e: {  	_ =	shalt  }
0x7f: {  	_ =	shalt  }
0x80: {  	_ =	shalt  }
0x81: {  	_ =	shalt  }
0x82: {  	_ =	shalt  }
0x83: {  	_ =	shalt  }
0x84: {  	_ =	shalt  }
0x85: {  	_ =	shalt  }
0x86: {  	_ =	shalt  }
0x87: {  	_ =	shalt  }
.Lfunc_end0:
.L_simem_size_0:
called_computation.2_lowered:
.L_overlay_start_0:
0x88: {  	s2 =	sld [smem:$0x3FD9]  }
0x89: {  	s3 =	sld [smem:$0x3FFE];
	_ =	sdelay $0x1  }
0x8a: {  	s1 =	srdreg.scid  }
0x8b: {  	s0 =	sand.u32 $0x1, s1  }
0x8c: {  	s17 =	sshll.u32 s0, $0xA;
	s2 =	sadd.s32 s3, s2  }
0x8d: {  	s2 =	sadd.s32 s2, s17  }
0x8e: {  	[smem:$0x3FBD] =	sst s2  }
0x8f: {  	_ = 	snop  }
0x90: {  	(tm) =	ssettm $0x1  }
0x91: {  	s18 =	sld [smem:$0x3FFB];
	_ =	sdelay $0x3  }
0x92: {  	_ =	strace s18  }
0x93: {  	s2 =	sld [smem:$0x3FFC];
	_ =	sdelay $0x3  }
0x94: {  	_ =	strace s2  }
0x95: {  	s2 =	sld [smem:$0x3FFD];
	_ =	sdelay $0x3  }
0x96: {  	_ =	strace s2  }
0x97: {  	_ =	strace $0x8FFFFFFF  }
0x98: {  	s19 =	sld [smem:$0x3FDB];
	_ =	sdelay $0x1  }
0x99: {  	s20 =	simm.s32 $_scs_section_size  }
0x9a: {  	s4 =	simm.s32 $_size__tile_overlayer_lowered;
	s5 =	simm.s32 $_tile_overlayer_lowered  }
0x9b: {  	s6 =	simm.s32 $0x1BFF;
	s21 =	sshll.u32 s5, $0x1;
	s3 =	sadd.s32 s20, s19  }
0x9c: {  	s22 =	simm.s32 $0x0;
	s4 =	sshll.u32 s4, $0x1;
	s5 =	sadd.s32 s21, s3  }
0x9d: {  	[timem:s22], [sflag:s6] =	dma.local [hbm:s5], s4  }
0x9e: {  	_ =	swait.ge [sflag:s6], s4  }
0x9f: {  	s4 =	ssub.s32 $0x0, s4;
	[sflag:s6] =	ssyncset.done $0x0  }
0xa0: {  	[sflag:s6] =	ssyncadd.s32 s4;
	_ =	sdelay $0x1  }
0xa1: {  	s23 =	simm.s32 $0x1B8B  }
0xa2: {  	_ =	swait.ge [sflag:s23], $0x1  }
0xa3: {  	[sflag:s23] =	ssyncset.done $0x0  }
0xa4: {  	[sflag:s23] =	ssyncadd.s32 $0xFFFFFFFF  }
0xa5: {  	s4 =	sld [smem:$0x0]  }
0xa6: {  	s5 =	sand.u32 $0xFFFFFFFE, s1  }
0xa7: {  	p0 =	sne.s32 s1, s5  }
0xa8: {  	s5 =	sshll.u32 @p0 s5, $0xE  }
0xa9: {  	s5 =	sadd.s32 @p0 $0x11B8D, s5;
	s6 =	sshll.u32 @p0 s4, $0x11  }
0xaa: {  	s5 =	sor.u32 @p0 s6, s5  }
0xab: {  	[sflag:s5] =	ssyncadd.remote.s32 @p0 $0x1;
	_ =	sdelay $0x1  }
0xac: {  	s5 =	simm.s32 @p0 $0x1B8D  }
0xad: {  	_ =	swait.eq @p0 [sflag:s5], $0x1  }
0xae: {  	[sflag:s5] =	ssyncadd.s32 @p0 $0xFFFFFFFF  }
0xaf: {  	s6 =	sshll.u32 @!p0 s1, $0xE  }
0xb0: {  	s6 =	sor.u32 @!p0 $0x4000, s6;
	s5 =	simm.s32 @!p0 $0x1B8D  }
0xb1: {  	s4 =	sshll.u32 @!p0 s4, $0x11;
	s6 =	sadd.s32 @!p0 $0x11B8D, s6;
	_ =	swait.eq @!p0 [sflag:s5], $0x1  }
0xb2: {  	s4 =	sor.u32 @!p0 s4, s6;
	[sflag:s5] =	ssyncadd.s32 @!p0 $0xFFFFFFFF  }
0xb3: {  	s25 =	simm.s32 $0x1B8E;
	s24 =	sld [smem:$0x3FFE];
	[sflag:s4] =	ssyncadd.remote.s32 @!p0 $0x1  }
0xb4: {  	s26 =	simm.s32 $execute0_lowered;
	[smem:$0x3FD2] =	sst s25  }
0xb5: {  	s5 =	sshll.u32 s26, $0x1;
	_ =	strace $0x8000004C;
	[dreg:$0x1] =	wrdreg $0xFFFFFFFF  }
0xb6: {  	s28 =	simm.s32 $_size_execute0_lowered;
	s3 =	sadd.s32 s3, s5;
	[dreg:$0x0] =	wrdreg $0x0  }
0xb7: {  	s5 =	sshll.u32 s28, $0x1;
	[dreg:$0x2] =	wrdreg s3  }
0xb8: {  	[dreg:$0x3] =	wrdreg s5  }
0xb9: {  	[dreg:$0x4] =	wrdreg $0xC0  }
0xba: {  	_ =	task [dreg:s22], $0x5FFFF  }
0xbb: {  	[dreg:$0x1] =	wrdreg $0xFFFFFFFF  }
0xbc: {  	[dreg:$0x0] =	wrdreg $0x60  }
0xbd: {  	[dreg:$0x2] =	wrdreg s24  }
0xbe: {  	[dreg:$0x3] =	wrdreg $0xB  }
0xbf: {  	_ =	task.clear_ibuf [dreg:s22], $0x4FFFF;
	_ =	strace $0x9000004C  }
0xc0: {  	s29 =	simm.s32 $0xB;
	_ =	strace $0x8000004E  }
0xc1: {  	_ =	swait.ge [sflag:s29], $0x1  }
0xc2: {  	[sflag:s29] =	ssyncadd.s32 $0xFFFFFFFF  }
0xc3: {  	_ =	strace $0x9000004E  }
0xc4: {  	_ =	sfence  }
0xc5: {  	s30 =	sld [smem:$0x0];
	_ =	sdelay $0x2  }
0xc6: {  	s31 =	sshll.u32 s1, $0xD;
	s1 =	sshrl.u32 s1, $0x2  }
0xc7: {  	s4 =	sand.u32 $0x4000, s31;
	s1 =	sadd.s32 s1, s30  }
0xc8: {  	s0 =	sor.u32 s4, s0;
	s1 =	sshll.u32 s1, $0x11  }
0xc9: {  	s0 =	sor.u32 s1, s0  }
0xca: {  	s0 =	sadd.s32 $0x8F2B, s0  }
0xcb: {  	[sflag:s0] =	ssyncadd.remote.s32 $0x1  }
0xcc: {  	_ =	sfence.sel $0xFFFF  }
0xcd: {  	[dreg:$0x0] =	wrdreg $0xFFFFFFFF;
	(pc) =	sbr.abs _section_cstart, $3  }
0xce: {  	[dreg:$0x1] =	wrdreg $0xFFFFFFFF  }
0xcf: {  	_ =	task.clear_ibuf [dreg:s22], $0x2FFFF;
	_ =	strace $0x9FFFFFFF  }
0xd0: {  	(tm) =	ssettm $0x7FFFFFFF  }
0xd1: {  	_ =	shalt  }
tec
execute0_lowered:
.L_overlay_start_1:
0x0: {  	(tag) =	ssettag $0x1  }
0x1: {  	s1 =	srdreg.scid  }
0x2: {  	s0 =	stileid.u32;
	s5 =	rddreg [dreg:$0x0];
	s2 =	simm.s32 $0x0  }
0x3: {  	s10 =	simm.s32 $0x4600;
	s11 =	simm.s32 $0x100;
	s12 =	simm.s32 $0x8600  }
0x4: {  	s13 =	simm.s32 $0x180;
	s14 =	simm.s32 $0xC600;
	s15 =	simm.s32 $0x1  }
0x5: {  	s16 =	simm.s32 $0x5;
	s17 =	simm.s32 $0x2;
	s18 =	simm.s32 $0x6  }
0x6: {  	s19 =	simm.s32 $0x3;
	s20 =	simm.s32 $0x7;
	s21 =	simm.s32 $0x4  }
0x7: {  	s22 =	simm.s32 $0x8;
	s23 =	simm.s32 $0x0;
	s4 =	sand.u32 $0x1, s1  }
0x8: {  	s3 =	smul.u32 $0xC, s0;
	s26 =	sshll.u32 s0, $0x2;
	s1 =	rddreg [dreg:$0x1]  }
0x9: {  	[smem:$0x7FF] =	sst s2;
	p0 =	seq.s32 s4, $0x0;
	s6 =	sor.u32 $0xC0, s26  }
0xa: {  	_ =	strace $0x8000004D;
	s8 =	ssub.s32 $0x2, s4;
	s4 =	simm.s32 $0xC  }
0xb: {  	s6 =	smov.u32 @p0 s3;
	s3 =	sadd.s32 $0x6400, s5;
	s28 =	sshrl.u32 s8, $0x1  }
0xc: {  	s4 =	simm.s32 @!p0 $0x4;
	s7 =	sshll.u32 s6, $0x4;
	s6 =	sshll.u32 s6, $0xB  }
0xd: {  	s29 =	ssub.s32 s8, s28;
	s30 =	sshll.u32 s4, $0xB;
	s8 =	simm.s32 $0x80  }
0xe: {  	s7 =	sadd.s32 s7, s5;
	s9 =	sadd.s32 s6, s5;
	s6 =	smax.u32 s29, $0x1  }
0xf: {  	[dreg:$0x2] =	wrdreg s30;
	s5 =	sadd.s32 $0x12E800, s7;
	s31 =	sadd.s32 $0x12FA00, s9  }
0x10: {  	s7 =	simm.s32 $0x9;
	s9 =	simm.s32 $0x600;
	[dreg:$0x3] =	wrdreg s31  }
.LBB2_1:
0x11: {  	[tilespmem:s2], [sflag:$0x9] =	stream.linear.gather [hbm4b:s5+s2], $0x600, $0x38;
	[tilespmem:$0x10600] =	vst v63  }
0x12: {  	_ =	swait.ge [sflag:s7], $0x600  }
0x13: {  	[sflag:s7] =	ssyncset.done $0x0  }
0x14: {  	[sflag:s7] =	ssyncadd.s32 $0xFFFFFA00  }
0x15: {  	[tilespmem:s9], [sflag:$0x1] =	stream.indirect.gather [hbm4b:s3+s8], $0x80, s2, s8, $0xb8;
	[tilespmem:$0x10600] =	vst v63  }
0x16: {  	_ = 	snop  }
0x17: {  	[tilespmem:s10], [sflag:$0x2] =	stream.indirect.gather [hbm4b:s3+s8], $0x80, s8, s8, $0xb8;
	[tilespmem:$0x10600] =	vst v63  }
0x18: {  	_ = 	snop  }
0x19: {  	[tilespmem:s12], [sflag:$0x3] =	stream.indirect.gather [hbm4b:s3+s8], $0x80, s11, s8, $0xb8;
	[tilespmem:$0x10600] =	vst v63  }
0x1a: {  	s24 =	simm.s32 $0x200;
	s25 =	simm.s32 $0x4;
	s26 =	simm.s32 $0x0  }
0x1b: {  	[tilespmem:s14], [sflag:$0x4] =	stream.indirect.gather [hbm4b:s3+s8], $0x80, s13, s8, $0xb8;
	[tilespmem:$0x10600] =	vst v63  }
.LBB2_2:
0x1c: {  	_ =	swait.ge [sflag:s15], $0x4000  }
0x1d: {  	s28 =	rddreg [dreg:$0x3];
	[sflag:s15] =	ssyncset.done $0x0  }
0x1e: {  	[sflag:s15] =	ssyncadd.s32 $0xFFFFC000;
	s28 =	sadd.s32 s26, s28  }
0x1f: {  	[hbm4b:s28+s2] =	stream.linear.scatter [tilespmem:s9], [sflag:$0x5], $0x4000, $0x38;
	[tilespmem:$0x10600] =	vst v63  }
0x20: {  	_ =	swait.ge [sflag:s16], $0x4000  }
0x21: {  	p0 =	sge.u32 s25, s4;
	[sflag:s16] =	ssyncset.done $0x0  }
0x22: {  	s29 =	simm.s32 @!p0 $0x80;
	s30 =	simm.s32 @!p0 $0x600;
	[sflag:s16] =	ssyncadd.s32 $0xFFFFC000  }
0x23: {  	[tilespmem:s30], [sflag:$0x1] =	stream.indirect.gather @!p0 [hbm4b:s3+s29], $0x80, s24, s29, $0xb8;
	[tilespmem:$0x10600] =	vst v63  }
0x24: {  	_ =	swait.ge [sflag:s17], $0x4000  }
0x25: {  	[sflag:s17] =	ssyncset.done $0x0  }
0x26: {  	s31 =	sadd.s32 $0x800, s28;
	s30 =	sadd.s32 $0x1, s25;
	[sflag:s17] =	ssyncadd.s32 $0xFFFFC000  }
0x27: {  	[hbm4b:s31+s2] =	stream.linear.scatter [tilespmem:s10], [sflag:$0x6], $0x4000, $0x38;
	[tilespmem:$0x10600] =	vst v63  }
0x28: {  	p0 =	sge.u32 s30, s4;
	_ =	swait.ge [sflag:s18], $0x4000  }
0x29: {  	s29 =	sadd.s32 @!p0 $0x80, s24;
	[sflag:s18] =	ssyncset.done $0x0  }
0x2a: {  	s30 =	simm.s32 @!p0 $0x80;
	s31 =	simm.s32 @!p0 $0x4600;
	[sflag:s18] =	ssyncadd.s32 $0xFFFFC000  }
0x2b: {  	[tilespmem:s31], [sflag:$0x2] =	stream.indirect.gather @!p0 [hbm4b:s3+s30], $0x80, s29, s30, $0xb8;
	[tilespmem:$0x10600] =	vst v63  }
0x2c: {  	_ =	swait.ge [sflag:s19], $0x4000  }
0x2d: {  	[sflag:s19] =	ssyncset.done $0x0  }
0x2e: {  	s31 =	sadd.s32 $0x1000, s28;
	s30 =	sadd.s32 $0x2, s25;
	[sflag:s19] =	ssyncadd.s32 $0xFFFFC000  }
0x2f: {  	[hbm4b:s31+s2] =	stream.linear.scatter [tilespmem:s12], [sflag:$0x7], $0x4000, $0x38;
	[tilespmem:$0x10600] =	vst v63  }
0x30: {  	p0 =	sge.u32 s30, s4;
	_ =	swait.ge [sflag:s20], $0x4000  }
0x31: {  	s29 =	sadd.s32 @!p0 $0x100, s24;
	[sflag:s20] =	ssyncset.done $0x0  }
0x32: {  	s30 =	simm.s32 @!p0 $0x80;
	s31 =	simm.s32 @!p0 $0x8600;
	[sflag:s20] =	ssyncadd.s32 $0xFFFFC000  }
0x33: {  	[tilespmem:s31], [sflag:$0x3] =	stream.indirect.gather @!p0 [hbm4b:s3+s30], $0x80, s29, s30, $0xb8;
	[tilespmem:$0x10600] =	vst v63  }
0x34: {  	_ =	swait.ge [sflag:s21], $0x4000  }
0x35: {  	[sflag:s21] =	ssyncset.done $0x0  }
0x36: {  	s28 =	sadd.s32 $0x1800, s28;
	s31 =	sadd.s32 $0x3, s25;
	[sflag:s21] =	ssyncadd.s32 $0xFFFFC000  }
0x37: {  	[hbm4b:s28+s2] =	stream.linear.scatter [tilespmem:s14], [sflag:$0x8], $0x4000, $0x38;
	[tilespmem:$0x10600] =	vst v63  }
0x38: {  	s26 =	sadd.s32 $0x2000, s26;
	p0 =	sge.u32 s31, s4;
	_ =	swait.ge [sflag:s22], $0x4000  }
0x39: {  	s29 =	simm.s32 @!p0 $0x80;
	s30 =	simm.s32 @!p0 $0xC600;
	[sflag:s22] =	ssyncset.done $0x0  }
0x3a: {  	s28 =	sadd.s32 @!p0 $0x180, s24;
	s31 =	rddreg [dreg:$0x2];
	[sflag:s22] =	ssyncadd.s32 $0xFFFFC000  }
0x3b: {  	[tilespmem:s30], [sflag:$0x4] =	stream.indirect.gather @!p0 [hbm4b:s3+s29], $0x80, s28, s29, $0xb8;
	[tilespmem:$0x10600] =	vst v63  }
0x3c: {  	p0 =	sne.s32 s31, s26  }
.Ltmp0:
0x3d: {  	_ = 	snop;
	(pc) =	sbr.rel @p0 .LBB2_2-.Ltmp0, $2  }
0x3e: {  	_ =	sdelay $0x2  }
0x3f: {  	s25 =	sadd.s32 $0x4, s25;
	s24 =	sadd.s32 $0x200, s24  }
0x40: {  	s23 =	sadd.s32 $0x1, s23  }
0x41: {  	p0 =	sne.s32 s23, s6  }
.Ltmp1:
0x42: {  	_ = 	snop;
	(pc) =	sbr.rel @p0 .LBB2_1-.Ltmp1, $1  }
0x43: {  	_ =	sdelay $0x3  }
0x44: {  	_ =	sfence.sel $0x180000  }
0x45: {  	[bflag:$0x0] =	sbarrier.arrive $0xFFFF  }
0x46: {  	p0 =	sne.s32 s0, $0x0;
	_ =	strace $0x9000004D  }
0x47: {  	s0 =	sadd.s32 @!p0 $0x100000, s1;
	[bflag:$0x2] =	sbarrier.arrive $0xFFFF  }
0x48: {  	[sflag:s0] =	ssyncadd.tile.s32 @!p0 $0x1;
	_ =	shalt  }
.Lfunc_end2:
_tile_overlayer_lowered:
.L_overlay_start_2:
0x49: {  	(tag) =	ssettag $0x2  }
0x4a: {  	s0 =	rddreg [dreg:$0x0];
	s2 =	stileid.u32  }
0x4b: {  	s1 =	rddreg [dreg:$0x1];
	p0 =	sne.s32 s2, $0x0  }
0x4c: {  	s3 =	rddreg [dreg:$0x2];
	[bflag:$0x3] =	sbarrier.arrive $0xFFFF;
	s2 =	simm.s32 @!p0 $0x1C09  }
0x4d: {  	[timem:s3], [sflag:s2] =	dma.local @!p0 [hbm:s0], s1  }
0x4e: {  	s0 =	simm.s32 @!p0 $0x9  }
0x4f: {  	_ =	swait.ge @!p0 [sflag:s0], s1  }
0x50: {  	s1 =	ssub.s32 @!p0 $0x0, s1;
	[sflag:s0] =	ssyncset.done @!p0 $0x0  }
0x51: {  	[sflag:s0] =	ssyncadd.s32 @!p0 s1  }
0x52: {  	[bflag:$0x3] =	sbarrier.arrive $0xFFFF  }
0x53: {  	_ =	shalt  }

// kernel: kernel.22.cloned.1.call-start
scs
__scs_entry_jumppad:
0x0: {  	(pc) =	sbr.rel $0x88, $3  }
0x1: {  	(tag) =	ssettag $0x0;
	lr =	simm.s32 $0x1  }
0x2: {  	[smem:$0x3F96] =	sst lr;
	_ =	strace $0xD0000000  }
0x3: {  	_ = 	snop  }
0x4: {  	_ = 	snop  }
0x5: {  	_ = 	snop  }
0x6: {  	_ = 	snop  }
0x7: {  	_ = 	snop  }
__scs_overlays_trampoline_lowered:
0x8: {  	[smem:$0x3FA5] =	sst s0  }
0x9: {  	[smem:$0x3FA6] =	sst s1  }
0xa: {  	[smem:$0x3FA7] =	sst s2  }
0xb: {  	[smem:$0x3FA8] =	sst s3  }
0xc: {  	[smem:$0x3FA9] =	sst s4  }
0xd: {  	[smem:$0x3FAA] =	sst s5  }
0xe: {  	[smem:$0x3FAB] =	sst s6  }
0xf: {  	[smem:$0x3FAC] =	sst s7  }
0x10: {  	[smem:$0x3FAD] =	sst s8  }
0x11: {  	[smem:$0x3FAE] =	sst s9;
	s0 =	simm.s32 @!p0 $0x0  }
0x12: {  	s1 =	sld [smem:$0x3F94];
	s0 =	simm.s32 @p0 $0x1  }
0x13: {  	[smem:$0x3FAF] =	sst s0;
	s0 =	simm.s32 @!p1 $0x0  }
0x14: {  	s2 =	sld [smem:$0x3F93];
	s0 =	simm.s32 @p1 $0x1  }
0x15: {  	[smem:$0x3FB0] =	sst s0;
	s0 =	simm.s32 @!p2 $0x0  }
0x16: {  	s3 =	sld [smem:$0x3FDB];
	s0 =	simm.s32 @p2 $0x1  }
0x17: {  	s4 =	simm.s32 $0x1BF5;
	[smem:$0x3FB2] =	sst s0  }
0x18: {  	s0 =	sld [smem:$0x3F95];
	_ =	swait.ge [sflag:s4], $0x0  }
0x19: {  	s7 =	sld [smem:$0x3F96]  }
0x1a: {  	s8 =	sadd.s32 $0xFFFFE003, lr  }
0x1b: {  	s9 =	sadd.s32 $0xFFFFFEF7, lr;
	s5 =	simm.s32 $0xFFFFFFFF;
	p2 =	slt.u32 s8, $0xFFFFF086  }
0x1c: {  	p1 =	slt.u32 s9, $0xF7A;
	s5 =	simm.s32 @!p2 $0x0  }
0x1d: {  	s5 =	simm.s32 @p1 $0x1;
	p0 =	seq.s32 s7, s2  }
0x1e: {  	s7 =	smul.u32 @!p0 $0xF7A, s2;
	p2 =	seq.s32 @!p0 s5, $0x0  }
0x1f: {  	s9 =	smul.u32 $0xF7A, s1;
	s8 =	simm.s32 @!p0 $0x1BF5;
	p2 =	por !p2, p0  }
0x20: {  	[sflag:s8] =	ssyncset.s32 @!p0 $0xFFFFF086;
	s6 =	sadd.s32 @!p0 s3, s7;
	s7 =	simm.s32 @!p0 $0x108  }
0x21: {  	s3 =	sadd.s32 s3, s9;
	s6 =	sadd.s32 @!p0 $0x88, s6;
	s7 =	simm.s32 @p2 $0x1082  }
0x22: {  	[simem:s7], [sflag:s8] =	dma.local @!p0 [hbm:s6], $0xF7A  }
0x23: {  	s9 =	sor.u32 $0xD0000000, s2;
	s6 =	simm.s32 $0x108;
	_ =	swait.ge @!p0 [sflag:s8], $0x0  }
0x24: {  	s3 =	sadd.s32 $0x88, s3;
	s6 =	simm.s32 @!p1 $0x1082;
	[sflag:s4] =	ssyncset.s32 $0xFFFFF086  }
0x25: {  	[simem:s6], [sflag:s4] =	dma.local [hbm:s3], $0xF7A  }
0x26: {  	[smem:$0x3F96] =	sst s1;
	(tag) =	ssettag s2;
	_ =	strace s9  }
0x27: {  	s1 =	sld [smem:$0x3FA6]  }
0x28: {  	s2 =	sld [smem:$0x3FA7]  }
0x29: {  	s4 =	sld [smem:$0x3FA9]  }
0x2a: {  	p0 =	seq.s32 s5, $0x0;
	s5 =	sld [smem:$0x3FAA]  }
0x2b: {  	s6 =	sld [smem:$0x3FAB]  }
0x2c: {  	s7 =	sld [smem:$0x3FAC]  }
0x2d: {  	s3 =	simm.s32 $0x108;
	s8 =	sld [smem:$0x3FAD]  }
0x2e: {  	s3 =	simm.s32 @!p0 $0x1082;
	s9 =	sld [smem:$0x3FAE]  }
0x2f: {  	lr =	sadd.s32 s0, s3;
	s0 =	sld [smem:$0x3FA5]  }
0x30: {  	s3 =	sld [smem:$0x3FA8]  }
0x31: {  	[smem:$0x3FB1] =	sst s10  }
0x32: {  	s10 =	sld [smem:$0x3FAF];
	_ =	sdelay $0x3  }
0x33: {  	p0 =	seq.s32 s10, $0x1;
	s10 =	sld [smem:$0x3FB1];
	_ =	sdelay $0x3  }
0x34: {  	[smem:$0x3FB1] =	sst s10  }
0x35: {  	s10 =	sld [smem:$0x3FB0];
	_ =	sdelay $0x3  }
0x36: {  	p1 =	seq.s32 s10, $0x1;
	s10 =	sld [smem:$0x3FB1];
	_ =	sdelay $0x3  }
0x37: {  	[smem:$0x3FB1] =	sst s10  }
0x38: {  	s10 =	sld [smem:$0x3FB2]  }
0x39: {  	_ = 	snop;
	(pc) =	sbr.ind lr, $3  }
0x3a: {  	_ = 	snop  }
0x3b: {  	_ = 	snop  }
0x3c: {  	p2 =	seq.s32 s10, $0x1;
	s10 =	sld [smem:$0x3FB1]  }
0x3d: {  	_ =	shalt  }
0x3e: {  	_ =	shalt  }
0x3f: {  	_ =	shalt  }
0x40: {  	_ =	shalt  }
0x41: {  	_ =	shalt  }
0x42: {  	_ =	shalt  }
0x43: {  	_ =	shalt  }
0x44: {  	_ =	shalt  }
0x45: {  	_ =	shalt  }
0x46: {  	_ =	shalt  }
0x47: {  	_ =	shalt  }
0x48: {  	_ =	shalt  }
0x49: {  	_ =	shalt  }
0x4a: {  	_ =	shalt  }
0x4b: {  	_ =	shalt  }
0x4c: {  	_ =	shalt  }
0x4d: {  	_ =	shalt  }
0x4e: {  	_ =	shalt  }
0x4f: {  	_ =	shalt  }
0x50: {  	_ =	shalt  }
0x51: {  	_ =	shalt  }
0x52: {  	_ =	shalt  }
0x53: {  	_ =	shalt  }
0x54: {  	_ =	shalt  }
0x55: {  	_ =	shalt  }
0x56: {  	_ =	shalt  }
0x57: {  	_ =	shalt  }
0x58: {  	_ =	shalt  }
0x59: {  	_ =	shalt  }
0x5a: {  	_ =	shalt  }
0x5b: {  	_ =	shalt  }
0x5c: {  	_ =	shalt  }
0x5d: {  	_ =	shalt  }
0x5e: {  	_ =	shalt  }
0x5f: {  	_ =	shalt  }
0x60: {  	_ =	shalt  }
0x61: {  	_ =	shalt  }
0x62: {  	_ =	shalt  }
0x63: {  	_ =	shalt  }
0x64: {  	_ =	shalt  }
0x65: {  	_ =	shalt  }
0x66: {  	_ =	shalt  }
0x67: {  	_ =	shalt  }
0x68: {  	_ =	shalt  }
0x69: {  	_ =	shalt  }
0x6a: {  	_ =	shalt  }
0x6b: {  	_ =	shalt  }
0x6c: {  	_ =	shalt  }
0x6d: {  	_ =	shalt  }
0x6e: {  	_ =	shalt  }
0x6f: {  	_ =	shalt  }
0x70: {  	_ =	shalt  }
0x71: {  	_ =	shalt  }
0x72: {  	_ =	shalt  }
0x73: {  	_ =	shalt  }
0x74: {  	_ =	shalt  }
0x75: {  	_ =	shalt  }
0x76: {  	_ =	shalt  }
0x77: {  	_ =	shalt  }
0x78: {  	_ =	shalt  }
0x79: {  	_ =	shalt  }
0x7a: {  	_ =	shalt  }
0x7b: {  	_ =	shalt  }
0x7c: {  	_ =	shalt  }
0x7d: {  	_ =	shalt  }
0x7e: {  	_ =	shalt  }
0x7f: {  	_ =	shalt  }
0x80: {  	_ =	shalt  }
0x81: {  	_ =	shalt  }
0x82: {  	_ =	shalt  }
0x83: {  	_ =	shalt  }
0x84: {  	_ =	shalt  }
0x85: {  	_ =	shalt  }
0x86: {  	_ =	shalt  }
0x87: {  	_ =	shalt  }
.Lfunc_end0:
.L_simem_size_0:
called_computation.3_lowered:
.L_overlay_start_0:
0x88: {  	s2 =	sld [smem:$0x3FD9]  }
0x89: {  	s3 =	sld [smem:$0x3FFE];
	_ =	sdelay $0x1  }
0x8a: {  	s1 =	srdreg.scid  }
0x8b: {  	s0 =	sand.u32 $0x1, s1  }
0x8c: {  	s17 =	sshll.u32 s0, $0xA;
	s2 =	sadd.s32 s3, s2  }
0x8d: {  	s2 =	sadd.s32 s2, s17  }
0x8e: {  	[smem:$0x3FBD] =	sst s2  }
0x8f: {  	_ = 	snop  }
0x90: {  	(tm) =	ssettm $0x1  }
0x91: {  	s18 =	sld [smem:$0x3FFB];
	_ =	sdelay $0x3  }
0x92: {  	_ =	strace s18  }
0x93: {  	s2 =	sld [smem:$0x3FFC];
	_ =	sdelay $0x3  }
0x94: {  	_ =	strace s2  }
0x95: {  	s2 =	sld [smem:$0x3FFD];
	_ =	sdelay $0x3  }
0x96: {  	_ =	strace s2  }
0x97: {  	_ =	strace $0x8FFFFFFF  }
0x98: {  	s19 =	sld [smem:$0x3FDB];
	_ =	sdelay $0x1  }
0x99: {  	s20 =	simm.s32 $_scs_section_size  }
0x9a: {  	s4 =	simm.s32 $_size__tile_overlayer_lowered;
	s5 =	simm.s32 $_tile_overlayer_lowered  }
0x9b: {  	s6 =	simm.s32 $0x1BFF;
	s21 =	sshll.u32 s5, $0x1;
	s3 =	sadd.s32 s20, s19  }
0x9c: {  	s22 =	simm.s32 $0x0;
	s4 =	sshll.u32 s4, $0x1;
	s5 =	sadd.s32 s21, s3  }
0x9d: {  	[timem:s22], [sflag:s6] =	dma.local [hbm:s5], s4  }
0x9e: {  	_ =	swait.ge [sflag:s6], s4  }
0x9f: {  	s4 =	ssub.s32 $0x0, s4;
	[sflag:s6] =	ssyncset.done $0x0  }
0xa0: {  	[sflag:s6] =	ssyncadd.s32 s4;
	_ =	sdelay $0x1  }
0xa1: {  	s23 =	simm.s32 $0x1B8B  }
0xa2: {  	_ =	swait.ge [sflag:s23], $0x1  }
0xa3: {  	[sflag:s23] =	ssyncset.done $0x0  }
0xa4: {  	[sflag:s23] =	ssyncadd.s32 $0xFFFFFFFF  }
0xa5: {  	s4 =	sld [smem:$0x0]  }
0xa6: {  	s5 =	sand.u32 $0xFFFFFFFE, s1  }
0xa7: {  	p0 =	sne.s32 s1, s5  }
0xa8: {  	s5 =	sshll.u32 @p0 s5, $0xE  }
0xa9: {  	s5 =	sadd.s32 @p0 $0x11B8D, s5;
	s6 =	sshll.u32 @p0 s4, $0x11  }
0xaa: {  	s5 =	sor.u32 @p0 s6, s5  }
0xab: {  	[sflag:s5] =	ssyncadd.remote.s32 @p0 $0x1;
	_ =	sdelay $0x1  }
0xac: {  	s5 =	simm.s32 @p0 $0x1B8D  }
0xad: {  	_ =	swait.eq @p0 [sflag:s5], $0x1  }
0xae: {  	[sflag:s5] =	ssyncadd.s32 @p0 $0xFFFFFFFF  }
0xaf: {  	s6 =	sshll.u32 @!p0 s1, $0xE  }
0xb0: {  	s6 =	sor.u32 @!p0 $0x4000, s6;
	s5 =	simm.s32 @!p0 $0x1B8D  }
0xb1: {  	s4 =	sshll.u32 @!p0 s4, $0x11;
	s6 =	sadd.s32 @!p0 $0x11B8D, s6;
	_ =	swait.eq @!p0 [sflag:s5], $0x1  }
0xb2: {  	s4 =	sor.u32 @!p0 s4, s6;
	[sflag:s5] =	ssyncadd.s32 @!p0 $0xFFFFFFFF  }
0xb3: {  	s25 =	simm.s32 $0x1B8E;
	s24 =	sld [smem:$0x3FFE];
	[sflag:s4] =	ssyncadd.remote.s32 @!p0 $0x1  }
0xb4: {  	s26 =	simm.s32 $execute0_lowered;
	[smem:$0x3FD2] =	sst s25  }
0xb5: {  	s5 =	sshll.u32 s26, $0x1;
	_ =	strace $0x8000004F;
	[dreg:$0x1] =	wrdreg $0xFFFFFFFF  }
0xb6: {  	s28 =	simm.s32 $_size_execute0_lowered;
	s3 =	sadd.s32 s3, s5;
	[dreg:$0x0] =	wrdreg $0x0  }
0xb7: {  	s5 =	sshll.u32 s28, $0x1;
	[dreg:$0x2] =	wrdreg s3  }
0xb8: {  	[dreg:$0x3] =	wrdreg s5  }
0xb9: {  	[dreg:$0x4] =	wrdreg $0xC0  }
0xba: {  	_ =	task [dreg:s22], $0x5FFFF  }
0xbb: {  	[dreg:$0x1] =	wrdreg $0xFFFFFFFF  }
0xbc: {  	[dreg:$0x0] =	wrdreg $0x60  }
0xbd: {  	[dreg:$0x2] =	wrdreg s24  }
0xbe: {  	[dreg:$0x3] =	wrdreg $0xC  }
0xbf: {  	_ =	task.clear_ibuf [dreg:s22], $0x4FFFF;
	_ =	strace $0x9000004F  }
0xc0: {  	s29 =	simm.s32 $0xC;
	_ =	strace $0x80000051  }
0xc1: {  	_ =	swait.ge [sflag:s29], $0x1  }
0xc2: {  	[sflag:s29] =	ssyncadd.s32 $0xFFFFFFFF  }
0xc3: {  	_ =	strace $0x90000051  }
0xc4: {  	_ =	sfence  }
0xc5: {  	s30 =	sld [smem:$0x0];
	_ =	sdelay $0x2  }
0xc6: {  	s31 =	sshll.u32 s1, $0xD;
	s1 =	sshrl.u32 s1, $0x2  }
0xc7: {  	s4 =	sand.u32 $0x4000, s31;
	s1 =	sadd.s32 s1, s30  }
0xc8: {  	s0 =	sor.u32 s4, s0;
	s1 =	sshll.u32 s1, $0x11  }
0xc9: {  	s0 =	sor.u32 s1, s0  }
0xca: {  	s0 =	sadd.s32 $0x8F2B, s0  }
0xcb: {  	[sflag:s0] =	ssyncadd.remote.s32 $0x1  }
0xcc: {  	_ =	sfence.sel $0xFFFF  }
0xcd: {  	[dreg:$0x0] =	wrdreg $0xFFFFFFFF;
	(pc) =	sbr.abs _section_cstart, $3  }
0xce: {  	[dreg:$0x1] =	wrdreg $0xFFFFFFFF  }
0xcf: {  	_ =	task.clear_ibuf [dreg:s22], $0x2FFFF;
	_ =	strace $0x9FFFFFFF  }
0xd0: {  	(tm) =	ssettm $0x7FFFFFFF  }
0xd1: {  	_ =	shalt  }
tec
execute0_lowered:
.L_overlay_start_1:
0x0: {  	(tag) =	ssettag $0x1  }
0x1: {  	s1 =	srdreg.scid  }
0x2: {  	s0 =	stileid.u32;
	s5 =	rddreg [dreg:$0x0];
	s2 =	simm.s32 $0x0  }
0x3: {  	s10 =	simm.s32 $0x4600;
	s11 =	simm.s32 $0x100;
	s12 =	simm.s32 $0x8600  }
0x4: {  	s13 =	simm.s32 $0x180;
	s14 =	simm.s32 $0xC600;
	s15 =	simm.s32 $0x1  }
0x5: {  	s16 =	simm.s32 $0x5;
	s17 =	simm.s32 $0x2;
	s18 =	simm.s32 $0x6  }
0x6: {  	s19 =	simm.s32 $0x3;
	s20 =	simm.s32 $0x7;
	s21 =	simm.s32 $0x4  }
0x7: {  	s22 =	simm.s32 $0x8;
	s23 =	simm.s32 $0x0;
	s4 =	sand.u32 $0x1, s1  }
0x8: {  	s3 =	smul.u32 $0xC, s0;
	s26 =	sshll.u32 s0, $0x2;
	s1 =	rddreg [dreg:$0x1]  }
0x9: {  	[smem:$0x7FF] =	sst s2;
	p0 =	seq.s32 s4, $0x0;
	s6 =	sor.u32 $0xC0, s26  }
0xa: {  	_ =	strace $0x80000050;
	s8 =	ssub.s32 $0x2, s4;
	s4 =	simm.s32 $0xC  }
0xb: {  	s6 =	smov.u32 @p0 s3;
	s3 =	sadd.s32 $0x6400, s5;
	s28 =	sshrl.u32 s8, $0x1  }
0xc: {  	s4 =	simm.s32 @!p0 $0x4;
	s7 =	sshll.u32 s6, $0x4;
	s6 =	sshll.u32 s6, $0xB  }
0xd: {  	s29 =	ssub.s32 s8, s28;
	s30 =	sshll.u32 s4, $0xB;
	s8 =	simm.s32 $0x80  }
0xe: {  	s7 =	sadd.s32 s7, s5;
	s9 =	sadd.s32 s6, s5;
	s6 =	smax.u32 s29, $0x1  }
0xf: {  	[dreg:$0x2] =	wrdreg s30;
	s5 =	sadd.s32 $0x1AFA00, s7;
	s31 =	sadd.s32 $0x1B0C00, s9  }
0x10: {  	s7 =	simm.s32 $0x9;
	s9 =	simm.s32 $0x600;
	[dreg:$0x3] =	wrdreg s31  }
.LBB2_1:
0x11: {  	[tilespmem:s2], [sflag:$0x9] =	stream.linear.gather [hbm4b:s5+s2], $0x600, $0x38;
	[tilespmem:$0x10600] =	vst v63  }
0x12: {  	_ =	swait.ge [sflag:s7], $0x600  }
0x13: {  	[sflag:s7] =	ssyncset.done $0x0  }
0x14: {  	[sflag:s7] =	ssyncadd.s32 $0xFFFFFA00  }
0x15: {  	[tilespmem:s9], [sflag:$0x1] =	stream.indirect.gather [hbm4b:s3+s8], $0x80, s2, s8, $0xb8;
	[tilespmem:$0x10600] =	vst v63  }
0x16: {  	_ = 	snop  }
0x17: {  	[tilespmem:s10], [sflag:$0x2] =	stream.indirect.gather [hbm4b:s3+s8], $0x80, s8, s8, $0xb8;
	[tilespmem:$0x10600] =	vst v63  }
0x18: {  	_ = 	snop  }
0x19: {  	[tilespmem:s12], [sflag:$0x3] =	stream.indirect.gather [hbm4b:s3+s8], $0x80, s11, s8, $0xb8;
	[tilespmem:$0x10600] =	vst v63  }
0x1a: {  	s24 =	simm.s32 $0x200;
	s25 =	simm.s32 $0x4;
	s26 =	simm.s32 $0x0  }
0x1b: {  	[tilespmem:s14], [sflag:$0x4] =	stream.indirect.gather [hbm4b:s3+s8], $0x80, s13, s8, $0xb8;
	[tilespmem:$0x10600] =	vst v63  }
.LBB2_2:
0x1c: {  	_ =	swait.ge [sflag:s15], $0x4000  }
0x1d: {  	s28 =	rddreg [dreg:$0x3];
	[sflag:s15] =	ssyncset.done $0x0  }
0x1e: {  	[sflag:s15] =	ssyncadd.s32 $0xFFFFC000;
	s28 =	sadd.s32 s26, s28  }
0x1f: {  	[hbm4b:s28+s2] =	stream.linear.scatter [tilespmem:s9], [sflag:$0x5], $0x4000, $0x38;
	[tilespmem:$0x10600] =	vst v63  }
0x20: {  	_ =	swait.ge [sflag:s16], $0x4000  }
0x21: {  	p0 =	sge.u32 s25, s4;
	[sflag:s16] =	ssyncset.done $0x0  }
0x22: {  	s29 =	simm.s32 @!p0 $0x80;
	s30 =	simm.s32 @!p0 $0x600;
	[sflag:s16] =	ssyncadd.s32 $0xFFFFC000  }
0x23: {  	[tilespmem:s30], [sflag:$0x1] =	stream.indirect.gather @!p0 [hbm4b:s3+s29], $0x80, s24, s29, $0xb8;
	[tilespmem:$0x10600] =	vst v63  }
0x24: {  	_ =	swait.ge [sflag:s17], $0x4000  }
0x25: {  	[sflag:s17] =	ssyncset.done $0x0  }
0x26: {  	s31 =	sadd.s32 $0x800, s28;
	s30 =	sadd.s32 $0x1, s25;
	[sflag:s17] =	ssyncadd.s32 $0xFFFFC000  }
0x27: {  	[hbm4b:s31+s2] =	stream.linear.scatter [tilespmem:s10], [sflag:$0x6], $0x4000, $0x38;
	[tilespmem:$0x10600] =	vst v63  }
0x28: {  	p0 =	sge.u32 s30, s4;
	_ =	swait.ge [sflag:s18], $0x4000  }
0x29: {  	s29 =	sadd.s32 @!p0 $0x80, s24;
	[sflag:s18] =	ssyncset.done $0x0  }
0x2a: {  	s30 =	simm.s32 @!p0 $0x80;
	s31 =	simm.s32 @!p0 $0x4600;
	[sflag:s18] =	ssyncadd.s32 $0xFFFFC000  }
0x2b: {  	[tilespmem:s31], [sflag:$0x2] =	stream.indirect.gather @!p0 [hbm4b:s3+s30], $0x80, s29, s30, $0xb8;
	[tilespmem:$0x10600] =	vst v63  }
0x2c: {  	_ =	swait.ge [sflag:s19], $0x4000  }
0x2d: {  	[sflag:s19] =	ssyncset.done $0x0  }
0x2e: {  	s31 =	sadd.s32 $0x1000, s28;
	s30 =	sadd.s32 $0x2, s25;
	[sflag:s19] =	ssyncadd.s32 $0xFFFFC000  }
0x2f: {  	[hbm4b:s31+s2] =	stream.linear.scatter [tilespmem:s12], [sflag:$0x7], $0x4000, $0x38;
	[tilespmem:$0x10600] =	vst v63  }
0x30: {  	p0 =	sge.u32 s30, s4;
	_ =	swait.ge [sflag:s20], $0x4000  }
0x31: {  	s29 =	sadd.s32 @!p0 $0x100, s24;
	[sflag:s20] =	ssyncset.done $0x0  }
0x32: {  	s30 =	simm.s32 @!p0 $0x80;
	s31 =	simm.s32 @!p0 $0x8600;
	[sflag:s20] =	ssyncadd.s32 $0xFFFFC000  }
0x33: {  	[tilespmem:s31], [sflag:$0x3] =	stream.indirect.gather @!p0 [hbm4b:s3+s30], $0x80, s29, s30, $0xb8;
	[tilespmem:$0x10600] =	vst v63  }
0x34: {  	_ =	swait.ge [sflag:s21], $0x4000  }
0x35: {  	[sflag:s21] =	ssyncset.done $0x0  }
0x36: {  	s28 =	sadd.s32 $0x1800, s28;
	s31 =	sadd.s32 $0x3, s25;
	[sflag:s21] =	ssyncadd.s32 $0xFFFFC000  }
0x37: {  	[hbm4b:s28+s2] =	stream.linear.scatter [tilespmem:s14], [sflag:$0x8], $0x4000, $0x38;
	[tilespmem:$0x10600] =	vst v63  }
0x38: {  	s26 =	sadd.s32 $0x2000, s26;
	p0 =	sge.u32 s31, s4;
	_ =	swait.ge [sflag:s22], $0x4000  }
0x39: {  	s29 =	simm.s32 @!p0 $0x80;
	s30 =	simm.s32 @!p0 $0xC600;
	[sflag:s22] =	ssyncset.done $0x0  }
0x3a: {  	s28 =	sadd.s32 @!p0 $0x180, s24;
	s31 =	rddreg [dreg:$0x2];
	[sflag:s22] =	ssyncadd.s32 $0xFFFFC000  }
0x3b: {  	[tilespmem:s30], [sflag:$0x4] =	stream.indirect.gather @!p0 [hbm4b:s3+s29], $0x80, s28, s29, $0xb8;
	[tilespmem:$0x10600] =	vst v63  }
0x3c: {  	p0 =	sne.s32 s31, s26  }
.Ltmp0:
0x3d: {  	_ = 	snop;
	(pc) =	sbr.rel @p0 .LBB2_2-.Ltmp0, $2  }
0x3e: {  	_ =	sdelay $0x2  }
0x3f: {  	s25 =	sadd.s32 $0x4, s25;
	s24 =	sadd.s32 $0x200, s24  }
0x40: {  	s23 =	sadd.s32 $0x1, s23  }
0x41: {  	p0 =	sne.s32 s23, s6  }
.Ltmp1:
0x42: {  	_ = 	snop;
	(pc) =	sbr.rel @p0 .LBB2_1-.Ltmp1, $1  }
0x43: {  	_ =	sdelay $0x3  }
0x44: {  	_ =	sfence.sel $0x180000  }
0x45: {  	[bflag:$0x0] =	sbarrier.arrive $0xFFFF  }
0x46: {  	p0 =	sne.s32 s0, $0x0;
	_ =	strace $0x90000050  }
0x47: {  	s0 =	sadd.s32 @!p0 $0x100000, s1;
	[bflag:$0x2] =	sbarrier.arrive $0xFFFF  }
0x48: {  	[sflag:s0] =	ssyncadd.tile.s32 @!p0 $0x1;
	_ =	shalt  }
.Lfunc_end2:
_tile_overlayer_lowered:
.L_overlay_start_2:
0x49: {  	(tag) =	ssettag $0x2  }
0x4a: {  	s0 =	rddreg [dreg:$0x0];
	s2 =	stileid.u32  }
0x4b: {  	s1 =	rddreg [dreg:$0x1];
	p0 =	sne.s32 s2, $0x0  }
0x4c: {  	s3 =	rddreg [dreg:$0x2];
	[bflag:$0x3] =	sbarrier.arrive $0xFFFF;
	s2 =	simm.s32 @!p0 $0x1C09  }
0x4d: {  	[timem:s3], [sflag:s2] =	dma.local @!p0 [hbm:s0], s1  }
0x4e: {  	s0 =	simm.s32 @!p0 $0x9  }
0x4f: {  	_ =	swait.ge @!p0 [sflag:s0], s1  }
0x50: {  	s1 =	ssub.s32 @!p0 $0x0, s1;
	[sflag:s0] =	ssyncset.done @!p0 $0x0  }
0x51: {  	[sflag:s0] =	ssyncadd.s32 @!p0 s1  }
0x52: {  	[bflag:$0x3] =	sbarrier.arrive $0xFFFF  }
0x53: {  	_ =	shalt  }

// kernel: kernel.25.cloned.1.call-start
scs
__scs_entry_jumppad:
0x0: {  	(pc) =	sbr.rel $0x88, $3  }
0x1: {  	(tag) =	ssettag $0x0;
	lr =	simm.s32 $0x1  }
0x2: {  	[smem:$0x3F96] =	sst lr;
	_ =	strace $0xD0000000  }
0x3: {  	_ = 	snop  }
0x4: {  	_ = 	snop  }
0x5: {  	_ = 	snop  }
0x6: {  	_ = 	snop  }
0x7: {  	_ = 	snop  }
__scs_overlays_trampoline_lowered:
0x8: {  	[smem:$0x3FA5] =	sst s0  }
0x9: {  	[smem:$0x3FA6] =	sst s1  }
0xa: {  	[smem:$0x3FA7] =	sst s2  }
0xb: {  	[smem:$0x3FA8] =	sst s3  }
0xc: {  	[smem:$0x3FA9] =	sst s4  }
0xd: {  	[smem:$0x3FAA] =	sst s5  }
0xe: {  	[smem:$0x3FAB] =	sst s6  }
0xf: {  	[smem:$0x3FAC] =	sst s7  }
0x10: {  	[smem:$0x3FAD] =	sst s8  }
0x11: {  	[smem:$0x3FAE] =	sst s9;
	s0 =	simm.s32 @!p0 $0x0  }
0x12: {  	s1 =	sld [smem:$0x3F94];
	s0 =	simm.s32 @p0 $0x1  }
0x13: {  	[smem:$0x3FAF] =	sst s0;
	s0 =	simm.s32 @!p1 $0x0  }
0x14: {  	s2 =	sld [smem:$0x3F93];
	s0 =	simm.s32 @p1 $0x1  }
0x15: {  	[smem:$0x3FB0] =	sst s0;
	s0 =	simm.s32 @!p2 $0x0  }
0x16: {  	s3 =	sld [smem:$0x3FDB];
	s0 =	simm.s32 @p2 $0x1  }
0x17: {  	s4 =	simm.s32 $0x1BF5;
	[smem:$0x3FB2] =	sst s0  }
0x18: {  	s0 =	sld [smem:$0x3F95];
	_ =	swait.ge [sflag:s4], $0x0  }
0x19: {  	s7 =	sld [smem:$0x3F96]  }
0x1a: {  	s8 =	sadd.s32 $0xFFFFE003, lr  }
0x1b: {  	s9 =	sadd.s32 $0xFFFFFEF7, lr;
	s5 =	simm.s32 $0xFFFFFFFF;
	p2 =	slt.u32 s8, $0xFFFFF086  }
0x1c: {  	p1 =	slt.u32 s9, $0xF7A;
	s5 =	simm.s32 @!p2 $0x0  }
0x1d: {  	s5 =	simm.s32 @p1 $0x1;
	p0 =	seq.s32 s7, s2  }
0x1e: {  	s7 =	smul.u32 @!p0 $0xF7A, s2;
	p2 =	seq.s32 @!p0 s5, $0x0  }
0x1f: {  	s9 =	smul.u32 $0xF7A, s1;
	s8 =	simm.s32 @!p0 $0x1BF5;
	p2 =	por !p2, p0  }
0x20: {  	[sflag:s8] =	ssyncset.s32 @!p0 $0xFFFFF086;
	s6 =	sadd.s32 @!p0 s3, s7;
	s7 =	simm.s32 @!p0 $0x108  }
0x21: {  	s3 =	sadd.s32 s3, s9;
	s6 =	sadd.s32 @!p0 $0x88, s6;
	s7 =	simm.s32 @p2 $0x1082  }
0x22: {  	[simem:s7], [sflag:s8] =	dma.local @!p0 [hbm:s6], $0xF7A  }
0x23: {  	s9 =	sor.u32 $0xD0000000, s2;
	s6 =	simm.s32 $0x108;
	_ =	swait.ge @!p0 [sflag:s8], $0x0  }
0x24: {  	s3 =	sadd.s32 $0x88, s3;
	s6 =	simm.s32 @!p1 $0x1082;
	[sflag:s4] =	ssyncset.s32 $0xFFFFF086  }
0x25: {  	[simem:s6], [sflag:s4] =	dma.local [hbm:s3], $0xF7A  }
0x26: {  	[smem:$0x3F96] =	sst s1;
	(tag) =	ssettag s2;
	_ =	strace s9  }
0x27: {  	s1 =	sld [smem:$0x3FA6]  }
0x28: {  	s2 =	sld [smem:$0x3FA7]  }
0x29: {  	s4 =	sld [smem:$0x3FA9]  }
0x2a: {  	p0 =	seq.s32 s5, $0x0;
	s5 =	sld [smem:$0x3FAA]  }
0x2b: {  	s6 =	sld [smem:$0x3FAB]  }
0x2c: {  	s7 =	sld [smem:$0x3FAC]  }
0x2d: {  	s3 =	simm.s32 $0x108;
	s8 =	sld [smem:$0x3FAD]  }
0x2e: {  	s3 =	simm.s32 @!p0 $0x1082;
	s9 =	sld [smem:$0x3FAE]  }
0x2f: {  	lr =	sadd.s32 s0, s3;
	s0 =	sld [smem:$0x3FA5]  }
0x30: {  	s3 =	sld [smem:$0x3FA8]  }
0x31: {  	[smem:$0x3FB1] =	sst s10  }
0x32: {  	s10 =	sld [smem:$0x3FAF];
	_ =	sdelay $0x3  }
0x33: {  	p0 =	seq.s32 s10, $0x1;
	s10 =	sld [smem:$0x3FB1];
	_ =	sdelay $0x3  }
0x34: {  	[smem:$0x3FB1] =	sst s10  }
0x35: {  	s10 =	sld [smem:$0x3FB0];
	_ =	sdelay $0x3  }
0x36: {  	p1 =	seq.s32 s10, $0x1;
	s10 =	sld [smem:$0x3FB1];
	_ =	sdelay $0x3  }
0x37: {  	[smem:$0x3FB1] =	sst s10  }
0x38: {  	s10 =	sld [smem:$0x3FB2]  }
0x39: {  	_ = 	snop;
	(pc) =	sbr.ind lr, $3  }
0x3a: {  	_ = 	snop  }
0x3b: {  	_ = 	snop  }
0x3c: {  	p2 =	seq.s32 s10, $0x1;
	s10 =	sld [smem:$0x3FB1]  }
0x3d: {  	_ =	shalt  }
0x3e: {  	_ =	shalt  }
0x3f: {  	_ =	shalt  }
0x40: {  	_ =	shalt  }
0x41: {  	_ =	shalt  }
0x42: {  	_ =	shalt  }
0x43: {  	_ =	shalt  }
0x44: {  	_ =	shalt  }
0x45: {  	_ =	shalt  }
0x46: {  	_ =	shalt  }
0x47: {  	_ =	shalt  }
0x48: {  	_ =	shalt  }
0x49: {  	_ =	shalt  }
0x4a: {  	_ =	shalt  }
0x4b: {  	_ =	shalt  }
0x4c: {  	_ =	shalt  }
0x4d: {  	_ =	shalt  }
0x4e: {  	_ =	shalt  }
0x4f: {  	_ =	shalt  }
0x50: {  	_ =	shalt  }
0x51: {  	_ =	shalt  }
0x52: {  	_ =	shalt  }
0x53: {  	_ =	shalt  }
0x54: {  	_ =	shalt  }
0x55: {  	_ =	shalt  }
0x56: {  	_ =	shalt  }
0x57: {  	_ =	shalt  }
0x58: {  	_ =	shalt  }
0x59: {  	_ =	shalt  }
0x5a: {  	_ =	shalt  }
0x5b: {  	_ =	shalt  }
0x5c: {  	_ =	shalt  }
0x5d: {  	_ =	shalt  }
0x5e: {  	_ =	shalt  }
0x5f: {  	_ =	shalt  }
0x60: {  	_ =	shalt  }
0x61: {  	_ =	shalt  }
0x62: {  	_ =	shalt  }
0x63: {  	_ =	shalt  }
0x64: {  	_ =	shalt  }
0x65: {  	_ =	shalt  }
0x66: {  	_ =	shalt  }
0x67: {  	_ =	shalt  }
0x68: {  	_ =	shalt  }
0x69: {  	_ =	shalt  }
0x6a: {  	_ =	shalt  }
0x6b: {  	_ =	shalt  }
0x6c: {  	_ =	shalt  }
0x6d: {  	_ =	shalt  }
0x6e: {  	_ =	shalt  }
0x6f: {  	_ =	shalt  }
0x70: {  	_ =	shalt  }
0x71: {  	_ =	shalt  }
0x72: {  	_ =	shalt  }
0x73: {  	_ =	shalt  }
0x74: {  	_ =	shalt  }
0x75: {  	_ =	shalt  }
0x76: {  	_ =	shalt  }
0x77: {  	_ =	shalt  }
0x78: {  	_ =	shalt  }
0x79: {  	_ =	shalt  }
0x7a: {  	_ =	shalt  }
0x7b: {  	_ =	shalt  }
0x7c: {  	_ =	shalt  }
0x7d: {  	_ =	shalt  }
0x7e: {  	_ =	shalt  }
0x7f: {  	_ =	shalt  }
0x80: {  	_ =	shalt  }
0x81: {  	_ =	shalt  }
0x82: {  	_ =	shalt  }
0x83: {  	_ =	shalt  }
0x84: {  	_ =	shalt  }
0x85: {  	_ =	shalt  }
0x86: {  	_ =	shalt  }
0x87: {  	_ =	shalt  }
.Lfunc_end0:
.L_simem_size_0:
called_computation.4_lowered:
.L_overlay_start_0:
0x88: {  	s2 =	sld [smem:$0x3FD9]  }
0x89: {  	s3 =	sld [smem:$0x3FFE];
	_ =	sdelay $0x1  }
0x8a: {  	s1 =	srdreg.scid  }
0x8b: {  	s0 =	sand.u32 $0x1, s1  }
0x8c: {  	s17 =	sshll.u32 s0, $0xA;
	s2 =	sadd.s32 s3, s2  }
0x8d: {  	s2 =	sadd.s32 s2, s17  }
0x8e: {  	[smem:$0x3FBD] =	sst s2  }
0x8f: {  	_ = 	snop  }
0x90: {  	(tm) =	ssettm $0x1  }
0x91: {  	s18 =	sld [smem:$0x3FFB];
	_ =	sdelay $0x3  }
0x92: {  	_ =	strace s18  }
0x93: {  	s2 =	sld [smem:$0x3FFC];
	_ =	sdelay $0x3  }
0x94: {  	_ =	strace s2  }
0x95: {  	s2 =	sld [smem:$0x3FFD];
	_ =	sdelay $0x3  }
0x96: {  	_ =	strace s2  }
0x97: {  	_ =	strace $0x8FFFFFFF  }
0x98: {  	s19 =	sld [smem:$0x3FDB];
	_ =	sdelay $0x1  }
0x99: {  	s20 =	simm.s32 $_scs_section_size  }
0x9a: {  	s4 =	simm.s32 $_size__tile_overlayer_lowered;
	s5 =	simm.s32 $_tile_overlayer_lowered  }
0x9b: {  	s6 =	simm.s32 $0x1BFF;
	s21 =	sshll.u32 s5, $0x1;
	s3 =	sadd.s32 s20, s19  }
0x9c: {  	s22 =	simm.s32 $0x0;
	s4 =	sshll.u32 s4, $0x1;
	s5 =	sadd.s32 s21, s3  }
0x9d: {  	[timem:s22], [sflag:s6] =	dma.local [hbm:s5], s4  }
0x9e: {  	_ =	swait.ge [sflag:s6], s4  }
0x9f: {  	s4 =	ssub.s32 $0x0, s4;
	[sflag:s6] =	ssyncset.done $0x0  }
0xa0: {  	[sflag:s6] =	ssyncadd.s32 s4;
	_ =	sdelay $0x1  }
0xa1: {  	s23 =	simm.s32 $0x1B8B  }
0xa2: {  	_ =	swait.ge [sflag:s23], $0x1  }
0xa3: {  	[sflag:s23] =	ssyncset.done $0x0  }
0xa4: {  	[sflag:s23] =	ssyncadd.s32 $0xFFFFFFFF  }
0xa5: {  	s4 =	sld [smem:$0x0]  }
0xa6: {  	s5 =	sand.u32 $0xFFFFFFFE, s1  }
0xa7: {  	p0 =	sne.s32 s1, s5  }
0xa8: {  	s5 =	sshll.u32 @p0 s5, $0xE  }
0xa9: {  	s5 =	sadd.s32 @p0 $0x11B8D, s5;
	s6 =	sshll.u32 @p0 s4, $0x11  }
0xaa: {  	s5 =	sor.u32 @p0 s6, s5  }
0xab: {  	[sflag:s5] =	ssyncadd.remote.s32 @p0 $0x1;
	_ =	sdelay $0x1  }
0xac: {  	s5 =	simm.s32 @p0 $0x1B8D  }
0xad: {  	_ =	swait.eq @p0 [sflag:s5], $0x1  }
0xae: {  	[sflag:s5] =	ssyncadd.s32 @p0 $0xFFFFFFFF  }
0xaf: {  	s6 =	sshll.u32 @!p0 s1, $0xE  }
0xb0: {  	s6 =	sor.u32 @!p0 $0x4000, s6;
	s5 =	simm.s32 @!p0 $0x1B8D  }
0xb1: {  	s4 =	sshll.u32 @!p0 s4, $0x11;
	s6 =	sadd.s32 @!p0 $0x11B8D, s6;
	_ =	swait.eq @!p0 [sflag:s5], $0x1  }
0xb2: {  	s4 =	sor.u32 @!p0 s4, s6;
	[sflag:s5] =	ssyncadd.s32 @!p0 $0xFFFFFFFF  }
0xb3: {  	s25 =	simm.s32 $0x1B8E;
	s24 =	sld [smem:$0x3FFE];
	[sflag:s4] =	ssyncadd.remote.s32 @!p0 $0x1  }
0xb4: {  	s26 =	simm.s32 $execute0_lowered;
	[smem:$0x3FD2] =	sst s25  }
0xb5: {  	s5 =	sshll.u32 s26, $0x1;
	_ =	strace $0x80000052;
	[dreg:$0x1] =	wrdreg $0xFFFFFFFF  }
0xb6: {  	s28 =	simm.s32 $_size_execute0_lowered;
	s3 =	sadd.s32 s3, s5;
	[dreg:$0x0] =	wrdreg $0x0  }
0xb7: {  	s5 =	sshll.u32 s28, $0x1;
	[dreg:$0x2] =	wrdreg s3  }
0xb8: {  	[dreg:$0x3] =	wrdreg s5  }
0xb9: {  	[dreg:$0x4] =	wrdreg $0xC0  }
0xba: {  	_ =	task [dreg:s22], $0x5FFFF  }
0xbb: {  	[dreg:$0x1] =	wrdreg $0xFFFFFFFF  }
0xbc: {  	[dreg:$0x0] =	wrdreg $0x60  }
0xbd: {  	[dreg:$0x2] =	wrdreg s24  }
0xbe: {  	[dreg:$0x3] =	wrdreg $0xD  }
0xbf: {  	_ =	task.clear_ibuf [dreg:s22], $0x4FFFF;
	_ =	strace $0x90000052  }
0xc0: {  	s29 =	simm.s32 $0xD;
	_ =	strace $0x80000054  }
0xc1: {  	_ =	swait.ge [sflag:s29], $0x1  }
0xc2: {  	[sflag:s29] =	ssyncadd.s32 $0xFFFFFFFF  }
0xc3: {  	_ =	strace $0x90000054  }
0xc4: {  	_ =	sfence  }
0xc5: {  	s30 =	sld [smem:$0x0];
	_ =	sdelay $0x2  }
0xc6: {  	s31 =	sshll.u32 s1, $0xD;
	s1 =	sshrl.u32 s1, $0x2  }
0xc7: {  	s4 =	sand.u32 $0x4000, s31;
	s1 =	sadd.s32 s1, s30  }
0xc8: {  	s0 =	sor.u32 s4, s0;
	s1 =	sshll.u32 s1, $0x11  }
0xc9: {  	s0 =	sor.u32 s1, s0  }
0xca: {  	s0 =	sadd.s32 $0x8F2B, s0  }
0xcb: {  	[sflag:s0] =	ssyncadd.remote.s32 $0x1  }
0xcc: {  	_ =	sfence.sel $0xFFFF  }
0xcd: {  	[dreg:$0x0] =	wrdreg $0xFFFFFFFF;
	(pc) =	sbr.abs _section_cstart, $3  }
0xce: {  	[dreg:$0x1] =	wrdreg $0xFFFFFFFF  }
0xcf: {  	_ =	task.clear_ibuf [dreg:s22], $0x2FFFF;
	_ =	strace $0x9FFFFFFF  }
0xd0: {  	(tm) =	ssettm $0x7FFFFFFF  }
0xd1: {  	_ =	shalt  }
tec
execute0_lowered:
.L_overlay_start_1:
0x0: {  	(tag) =	ssettag $0x1  }
0x1: {  	s1 =	srdreg.scid  }
0x2: {  	s0 =	stileid.u32;
	s5 =	rddreg [dreg:$0x0];
	s2 =	simm.s32 $0x0  }
0x3: {  	s10 =	simm.s32 $0x4600;
	s11 =	simm.s32 $0x100;
	s12 =	simm.s32 $0x8600  }
0x4: {  	s13 =	simm.s32 $0x180;
	s14 =	simm.s32 $0xC600;
	s15 =	simm.s32 $0x1  }
0x5: {  	s16 =	simm.s32 $0x5;
	s17 =	simm.s32 $0x2;
	s18 =	simm.s32 $0x6  }
0x6: {  	s19 =	simm.s32 $0x3;
	s20 =	simm.s32 $0x7;
	s21 =	simm.s32 $0x4  }
0x7: {  	s22 =	simm.s32 $0x8;
	s23 =	simm.s32 $0x0;
	s4 =	sand.u32 $0x1, s1  }
0x8: {  	s3 =	smul.u32 $0xC, s0;
	s26 =	sshll.u32 s0, $0x2;
	s1 =	rddreg [dreg:$0x1]  }
0x9: {  	[smem:$0x7FF] =	sst s2;
	p0 =	seq.s32 s4, $0x0;
	s6 =	sor.u32 $0xC0, s26  }
0xa: {  	_ =	strace $0x80000053;
	s8 =	ssub.s32 $0x2, s4;
	s4 =	simm.s32 $0xC  }
0xb: {  	s6 =	smov.u32 @p0 s3;
	s3 =	sadd.s32 $0x6400, s5;
	s28 =	sshrl.u32 s8, $0x1  }
0xc: {  	s4 =	simm.s32 @!p0 $0x4;
	s7 =	sshll.u32 s6, $0x4;
	s6 =	sshll.u32 s6, $0xB  }
0xd: {  	s29 =	ssub.s32 s8, s28;
	s30 =	sshll.u32 s4, $0xB;
	s8 =	simm.s32 $0x80  }
0xe: {  	s7 =	sadd.s32 s7, s5;
	s9 =	sadd.s32 s6, s5;
	s6 =	smax.u32 s29, $0x1  }
0xf: {  	[dreg:$0x2] =	wrdreg s30;
	s5 =	sadd.s32 $0x230C00, s7;
	s31 =	sadd.s32 $0x231E00, s9  }
0x10: {  	s7 =	simm.s32 $0x9;
	s9 =	simm.s32 $0x600;
	[dreg:$0x3] =	wrdreg s31  }
.LBB2_1:
0x11: {  	[tilespmem:s2], [sflag:$0x9] =	stream.linear.gather [hbm4b:s5+s2], $0x600, $0x38;
	[tilespmem:$0x10600] =	vst v63  }
0x12: {  	_ =	swait.ge [sflag:s7], $0x600  }
0x13: {  	[sflag:s7] =	ssyncset.done $0x0  }
0x14: {  	[sflag:s7] =	ssyncadd.s32 $0xFFFFFA00  }
0x15: {  	[tilespmem:s9], [sflag:$0x1] =	stream.indirect.gather [hbm4b:s3+s8], $0x80, s2, s8, $0xb8;
	[tilespmem:$0x10600] =	vst v63  }
0x16: {  	_ = 	snop  }
0x17: {  	[tilespmem:s10], [sflag:$0x2] =	stream.indirect.gather [hbm4b:s3+s8], $0x80, s8, s8, $0xb8;
	[tilespmem:$0x10600] =	vst v63  }
0x18: {  	_ = 	snop  }
0x19: {  	[tilespmem:s12], [sflag:$0x3] =	stream.indirect.gather [hbm4b:s3+s8], $0x80, s11, s8, $0xb8;
	[tilespmem:$0x10600] =	vst v63  }
0x1a: {  	s24 =	simm.s32 $0x200;
	s25 =	simm.s32 $0x4;
	s26 =	simm.s32 $0x0  }
0x1b: {  	[tilespmem:s14], [sflag:$0x4] =	stream.indirect.gather [hbm4b:s3+s8], $0x80, s13, s8, $0xb8;
	[tilespmem:$0x10600] =	vst v63  }
.LBB2_2:
0x1c: {  	_ =	swait.ge [sflag:s15], $0x4000  }
0x1d: {  	s28 =	rddreg [dreg:$0x3];
	[sflag:s15] =	ssyncset.done $0x0  }
0x1e: {  	[sflag:s15] =	ssyncadd.s32 $0xFFFFC000;
	s28 =	sadd.s32 s26, s28  }
0x1f: {  	[hbm4b:s28+s2] =	stream.linear.scatter [tilespmem:s9], [sflag:$0x5], $0x4000, $0x38;
	[tilespmem:$0x10600] =	vst v63  }
0x20: {  	_ =	swait.ge [sflag:s16], $0x4000  }
0x21: {  	p0 =	sge.u32 s25, s4;
	[sflag:s16] =	ssyncset.done $0x0  }
0x22: {  	s29 =	simm.s32 @!p0 $0x80;
	s30 =	simm.s32 @!p0 $0x600;
	[sflag:s16] =	ssyncadd.s32 $0xFFFFC000  }
0x23: {  	[tilespmem:s30], [sflag:$0x1] =	stream.indirect.gather @!p0 [hbm4b:s3+s29], $0x80, s24, s29, $0xb8;
	[tilespmem:$0x10600] =	vst v63  }
0x24: {  	_ =	swait.ge [sflag:s17], $0x4000  }
0x25: {  	[sflag:s17] =	ssyncset.done $0x0  }
0x26: {  	s31 =	sadd.s32 $0x800, s28;
	s30 =	sadd.s32 $0x1, s25;
	[sflag:s17] =	ssyncadd.s32 $0xFFFFC000  }
0x27: {  	[hbm4b:s31+s2] =	stream.linear.scatter [tilespmem:s10], [sflag:$0x6], $0x4000, $0x38;
	[tilespmem:$0x10600] =	vst v63  }
0x28: {  	p0 =	sge.u32 s30, s4;
	_ =	swait.ge [sflag:s18], $0x4000  }
0x29: {  	s29 =	sadd.s32 @!p0 $0x80, s24;
	[sflag:s18] =	ssyncset.done $0x0  }
0x2a: {  	s30 =	simm.s32 @!p0 $0x80;
	s31 =	simm.s32 @!p0 $0x4600;
	[sflag:s18] =	ssyncadd.s32 $0xFFFFC000  }
0x2b: {  	[tilespmem:s31], [sflag:$0x2] =	stream.indirect.gather @!p0 [hbm4b:s3+s30], $0x80, s29, s30, $0xb8;
	[tilespmem:$0x10600] =	vst v63  }
0x2c: {  	_ =	swait.ge [sflag:s19], $0x4000  }
0x2d: {  	[sflag:s19] =	ssyncset.done $0x0  }
0x2e: {  	s31 =	sadd.s32 $0x1000, s28;
	s30 =	sadd.s32 $0x2, s25;
	[sflag:s19] =	ssyncadd.s32 $0xFFFFC000  }
0x2f: {  	[hbm4b:s31+s2] =	stream.linear.scatter [tilespmem:s12], [sflag:$0x7], $0x4000, $0x38;
	[tilespmem:$0x10600] =	vst v63  }
0x30: {  	p0 =	sge.u32 s30, s4;
	_ =	swait.ge [sflag:s20], $0x4000  }
0x31: {  	s29 =	sadd.s32 @!p0 $0x100, s24;
	[sflag:s20] =	ssyncset.done $0x0  }
0x32: {  	s30 =	simm.s32 @!p0 $0x80;
	s31 =	simm.s32 @!p0 $0x8600;
	[sflag:s20] =	ssyncadd.s32 $0xFFFFC000  }
0x33: {  	[tilespmem:s31], [sflag:$0x3] =	stream.indirect.gather @!p0 [hbm4b:s3+s30], $0x80, s29, s30, $0xb8;
	[tilespmem:$0x10600] =	vst v63  }
0x34: {  	_ =	swait.ge [sflag:s21], $0x4000  }
0x35: {  	[sflag:s21] =	ssyncset.done $0x0  }
0x36: {  	s28 =	sadd.s32 $0x1800, s28;
	s31 =	sadd.s32 $0x3, s25;
	[sflag:s21] =	ssyncadd.s32 $0xFFFFC000  }
0x37: {  	[hbm4b:s28+s2] =	stream.linear.scatter [tilespmem:s14], [sflag:$0x8], $0x4000, $0x38;
	[tilespmem:$0x10600] =	vst v63  }
0x38: {  	s26 =	sadd.s32 $0x2000, s26;
	p0 =	sge.u32 s31, s4;
	_ =	swait.ge [sflag:s22], $0x4000  }
0x39: {  	s29 =	simm.s32 @!p0 $0x80;
	s30 =	simm.s32 @!p0 $0xC600;
	[sflag:s22] =	ssyncset.done $0x0  }
0x3a: {  	s28 =	sadd.s32 @!p0 $0x180, s24;
	s31 =	rddreg [dreg:$0x2];
	[sflag:s22] =	ssyncadd.s32 $0xFFFFC000  }
0x3b: {  	[tilespmem:s30], [sflag:$0x4] =	stream.indirect.gather @!p0 [hbm4b:s3+s29], $0x80, s28, s29, $0xb8;
	[tilespmem:$0x10600] =	vst v63  }
0x3c: {  	p0 =	sne.s32 s31, s26  }
.Ltmp0:
0x3d: {  	_ = 	snop;
	(pc) =	sbr.rel @p0 .LBB2_2-.Ltmp0, $2  }
0x3e: {  	_ =	sdelay $0x2  }
0x3f: {  	s25 =	sadd.s32 $0x4, s25;
	s24 =	sadd.s32 $0x200, s24  }
0x40: {  	s23 =	sadd.s32 $0x1, s23  }
0x41: {  	p0 =	sne.s32 s23, s6  }
.Ltmp1:
0x42: {  	_ = 	snop;
	(pc) =	sbr.rel @p0 .LBB2_1-.Ltmp1, $1  }
0x43: {  	_ =	sdelay $0x3  }
0x44: {  	_ =	sfence.sel $0x180000  }
0x45: {  	[bflag:$0x0] =	sbarrier.arrive $0xFFFF  }
0x46: {  	p0 =	sne.s32 s0, $0x0;
	_ =	strace $0x90000053  }
0x47: {  	s0 =	sadd.s32 @!p0 $0x100000, s1;
	[bflag:$0x2] =	sbarrier.arrive $0xFFFF  }
0x48: {  	[sflag:s0] =	ssyncadd.tile.s32 @!p0 $0x1;
	_ =	shalt  }
.Lfunc_end2:
_tile_overlayer_lowered:
.L_overlay_start_2:
0x49: {  	(tag) =	ssettag $0x2  }
0x4a: {  	s0 =	rddreg [dreg:$0x0];
	s2 =	stileid.u32  }
0x4b: {  	s1 =	rddreg [dreg:$0x1];
	p0 =	sne.s32 s2, $0x0  }
0x4c: {  	s3 =	rddreg [dreg:$0x2];
	[bflag:$0x3] =	sbarrier.arrive $0xFFFF;
	s2 =	simm.s32 @!p0 $0x1C09  }
0x4d: {  	[timem:s3], [sflag:s2] =	dma.local @!p0 [hbm:s0], s1  }
0x4e: {  	s0 =	simm.s32 @!p0 $0x9  }
0x4f: {  	_ =	swait.ge @!p0 [sflag:s0], s1  }
0x50: {  	s1 =	ssub.s32 @!p0 $0x0, s1;
	[sflag:s0] =	ssyncset.done @!p0 $0x0  }
0x51: {  	[sflag:s0] =	ssyncadd.s32 @!p0 s1  }
0x52: {  	[bflag:$0x3] =	sbarrier.arrive $0xFFFF  }
0x53: {  	_ =	shalt  }

</sc_bundles>
